<compile_context>
chip_gen: v7x
topology: tpu7x:2x2x1
jax: 0.10.2.dev20260603
libtpu: 0.0.44.dev20260713+nightly
codegen_flags: <defaults>
</compile_context>

<pallas_src>
import functools

import jax
import jax.numpy as jnp
from jax import lax
from jax.experimental import pallas as pl
from jax.experimental.pallas import tpu as pltpu
from jax.experimental.pallas import tpu_sc as plsc

VOCAB_N = 1000000
EMBED_N = 64
BATCH_N = 16384

_NC = 2
_NS = 16
_RT = 2048
_RTSH = 11
_NQ = (VOCAB_N + _RT - 1) // _RT
_TAIL_Q = _NQ - 1
_TAIL_ROWS = VOCAB_N - _TAIL_Q * _RT
_KH = 4
_COMP = _KH * 8
_QCAP = 128
_NBLK = _QCAP // 16 + 1
_IDXBLK = 2048
_OUT_R = BATCH_N + 16

_mesh = plsc.VectorSubcoreMesh(core_axis_name="c", subcore_axis_name="s")


@functools.partial(
    pl.kernel,
    mesh=_mesh,
    out_type=(
        jax.ShapeDtypeStruct((_OUT_R, 128), jnp.float32),
        jax.ShapeDtypeStruct((_OUT_R, 128), jnp.float32),
    ),
    scratch_types=[
        pltpu.VMEM((_COMP, _RT), jnp.float32),
        pltpu.VMEM((_IDXBLK,), jnp.int32),
        pltpu.VMEM((BATCH_N + 16,), jnp.int32),
        pltpu.VMEM((BATCH_N + 16,), jnp.int32),
        pltpu.VMEM((_QCAP + 16,), jnp.int32),
        pltpu.VMEM((_QCAP + 16,), jnp.int32),
        pltpu.VMEM((_NBLK * 16, 128), jnp.float32),
        pltpu.VMEM((_NBLK, 16), jnp.int32),
        pltpu.VMEM((16, 128), jnp.float32),
        pltpu.SemaphoreType.DMA,
        pltpu.SemaphoreType.DMA,
    ],
    compiler_params=pltpu.CompilerParams(
        use_tc_tiling_on_sc=True,
        needs_layout_passes=False,
        disable_bounds_checks=True,
        disable_semaphore_checks=True,
    ),
)
def _lookup(tT_hbm, tail_hbm, idx_hbm, out0_hbm, out1_hbm, buf_v, iblk_v,
            rlist_v, ilist_v, rq_v, iq_v, blk_v, widx_v, dummy_v, sem, ssem):
    cid = lax.axis_index("c")
    sid = lax.axis_index("s")
    lanes = lax.iota(jnp.int32, 16)
    one = jnp.ones((16,), jnp.int32)
    zero = jnp.zeros((16,), jnp.int32)

    def p1_inner(j, carry, blk):
        cnt = carry
        v = iblk_v[pl.ds(j * 16, 16)]
        ivec = blk * _IDXBLK + j * 16 + lanes
        m = ((v >> _RTSH) & 15) == sid
        mi = jnp.where(m, one, zero)
        cs = plsc.cumsum(mi)
        dst = jnp.where(m, cnt + cs - 1, BATCH_N + lanes)
        plsc.store_scatter(rlist_v, [dst], v)
        plsc.store_scatter(ilist_v, [dst], ivec)
        return cnt + jnp.sum(mi)

    def p1_outer(blk, cnt):
        pltpu.sync_copy(idx_hbm.at[pl.ds(blk * _IDXBLK, _IDXBLK)], iblk_v)
        return lax.fori_loop(
            0, _IDXBLK // 16, functools.partial(p1_inner, blk=blk), cnt
        )

    cnt = lax.fori_loop(0, BATCH_N // _IDXBLK, p1_outer, jnp.int32(0))

    sub0 = pl.multiple_of(cid * _COMP, 8)

    def fire_chunk(q):
        lane0 = pl.multiple_of(q * _RT, 128)

        @pl.when(q != _TAIL_Q)
        def _():
            for k in range(_KH):
                pltpu.async_copy(
                    tT_hbm.at[pl.ds(sub0 + k * 8, 8), pl.ds(lane0, _RT)],
                    buf_v.at[pl.ds(k * 8, 8), :],
                    sem,
                )

        @pl.when(q == _TAIL_Q)
        def _():
            for k in range(_KH):
                pltpu.async_copy(
                    tail_hbm.at[pl.ds(sub0 + k * 8, 8), :],
                    buf_v.at[pl.ds(k * 8, 8), :],
                    sem,
                )

    def wait_chunk(q):
        pltpu.make_async_copy(
            tT_hbm.at[pl.ds(0, _COMP), pl.ds(0, _RT)], buf_v, sem
        ).wait()

    def drain(n, q):
        def blkbody(b, carry):
            rq = rq_v[pl.ds(b * 16, 16)]
            iq = iq_v[pl.ds(b * 16, 16)]
            pos = b * 16 + lanes
            valid = pos < n
            rloc = jnp.clip(rq - q * _RT, 0, _RT - 1)
            rowid = jnp.where(valid, iq, BATCH_N + lanes)
            plsc.store_scatter(widx_v, [jnp.full((16,), b, jnp.int32),
                                        lanes], rowid)
            for comp in range(_COMP):
                crow = jnp.full((16,), comp, jnp.int32)
                vals = plsc.load_gather(buf_v, [crow, rloc])
                plsc.store_scatter(
                    blk_v, [b * 16 + lanes, crow], vals
                )

            @pl.when(cid == 0)
            def _():
                pltpu.async_copy(
                    blk_v.at[pl.ds(b * 16, 16), :],
                    out0_hbm.at[widx_v.at[b]],
                    ssem,
                )

            @pl.when(cid == 1)
            def _():
                pltpu.async_copy(
                    blk_v.at[pl.ds(b * 16, 16), :],
                    out1_hbm.at[widx_v.at[b]],
                    ssem,
                )

            return carry

        nblk = (n + 15) // 16
        lax.fori_loop(0, nblk, blkbody, 0)

        def waitbody(w, carry):
            pltpu.make_async_copy(
                tT_hbm.at[pl.ds(0, 16), pl.ds(0, 128)], dummy_v, ssem
            ).wait()
            return carry

        lax.fori_loop(0, nblk, waitbody, 0)

    my_nq = (_NQ - 1 - sid) // _NS + 1

    def round_body(g, carry):
        q = g * _NS + sid
        fire_chunk(q)
        wait_chunk(q)

        def scan_body(j, qcnt):
            rv = rlist_v[pl.ds(j * 16, 16)]
            iv = ilist_v[pl.ds(j * 16, 16)]
            pos = j * 16 + lanes
            m = ((rv >> _RTSH) == q) & (pos < cnt)
            mi = jnp.where(m, one, zero)
            cs = plsc.cumsum(mi)
            dst = jnp.where(m, qcnt + cs - 1, _QCAP + lanes)
            plsc.store_scatter(rq_v, [dst], rv)
            plsc.store_scatter(iq_v, [dst], iv)
            qcnt2 = qcnt + jnp.sum(mi)
            full = qcnt2 >= _QCAP - 16

            @pl.when(full)
            def _():
                drain(qcnt2, q)

            return jnp.where(full, jnp.int32(0), qcnt2)

        qleft = lax.fori_loop(0, (cnt + 15) // 16, scan_body, jnp.int32(0))
        drain(qleft, q)
        return carry

    lax.fori_loop(0, my_nq, round_body, 0)


def kernel(agent_index, table):
    t_t = table.T
    tail = jnp.pad(
        t_t[:, _TAIL_Q * _RT :], ((0, 0), (0, _RT - _TAIL_ROWS))
    )
    o0, o1 = _lookup(t_t, tail, agent_index.astype(jnp.int32))
    return jnp.concatenate(
        [o0[:BATCH_N, :_COMP], o1[:BATCH_N, :_COMP]], axis=1
    )

# --- scband reference (transcript-rebuilt; emitter-appended) ---
"""Pipeline reference for scband-look-up-1554778161551 (READ-ONLY COPY).

The authoritative reference and input builder live on the scoring server;
editing this copy changes nothing except your own understanding.
"""

import jax, jax.numpy as jnp
import numpy as np

VOCAB = 1000000
EMBED_DIM = 64
BATCH = 16384

def setup_inputs(seed: int = 0) -> dict:
    key = jax.random.key(seed)
    k_idx, k_tab = jax.random.split(key)
    agent_index = jax.random.randint(k_idx, (BATCH,), 0, VOCAB, dtype=jnp.int64 if jax.config.jax_enable_x64 else jnp.int32)
    # nn.Embedding default init: N(0, 1)
    table = jax.random.normal(k_tab, (VOCAB, EMBED_DIM), dtype=jnp.float32)
    return {"agent_index": agent_index, "table": table}

def reference(agent_index, table):
    # LookUp.forward: embedding lookup f(agent_index)
    return jnp.take(table, agent_index, axis=0)

if __name__ == "__main__":
    import jax
    _d = setup_inputs()
    print(jax.jit(kernel)(*tuple(_d.values())))

</pallas_src>

<mosaic_0001>
#map = affine_map<(d0, d1) -> (0, 0)>
#map1 = affine_map<(d0, d1) -> (0)>
module attributes {stable_mosaic.version = 14 : i64} {
  func.func @_lookup(%arg0: i32, %arg1: i32, %arg2: memref<64x1000000xf32, #tpu.memory_space<hbm>>, %arg3: memref<64x2048xf32, #tpu.memory_space<hbm>>, %arg4: memref<16384xi32, #tpu.memory_space<hbm>>, %arg5: memref<16400x128xf32, #tpu.memory_space<hbm>>, %arg6: memref<16400x128xf32, #tpu.memory_space<hbm>>, %arg7: memref<32x2048xf32, #tpu.memory_space<vmem>>, %arg8: memref<2048xi32, #tpu.memory_space<vmem>>, %arg9: memref<16400xi32, #tpu.memory_space<vmem>>, %arg10: memref<16400xi32, #tpu.memory_space<vmem>>, %arg11: memref<144xi32, #tpu.memory_space<vmem>>, %arg12: memref<144xi32, #tpu.memory_space<vmem>>, %arg13: memref<144x128xf32, #tpu.memory_space<vmem>>, %arg14: memref<9x16xi32, #tpu.memory_space<vmem>>, %arg15: memref<16x128xf32, #tpu.memory_space<vmem>>, %arg16: memref<!tpu.dma_semaphore, #tpu.memory_space<semaphore_mem>>, %arg17: memref<!tpu.dma_semaphore, #tpu.memory_space<semaphore_mem>>) attributes {dimension_semantics = [#tpu.dimension_semantics<core_parallel>, #tpu.dimension_semantics<subcore_parallel>], iteration_bounds = array<i64: 2, 16>, scalar_prefetch = 0 : i64, scratch_operands = 11 : i64, tpu.core_type = #tpu.core_type<sc_vector_subcore>, window_params = [{transform_indices = #map}, {transform_indices = #map}, {transform_indices = #map1}, {transform_indices = #map}, {transform_indices = #map}]} {
    %iota3A = tpu.iota {dimensions = array<i32: 0>} : vector<16xi32>
    %broadcast_in_dim3A = arith.constant 1 : i32
    %broadcast_in_dim3A_0 = vector.broadcast %broadcast_in_dim3A : i32 to vector<16xi32>
    %broadcast_in_dim3A_1 = arith.constant 0 : i32
    %broadcast_in_dim3A_2 = vector.broadcast %broadcast_in_dim3A_1 : i32 to vector<16xi32>
    %scan3A = arith.constant 0 : i32
    %scan3A_3 = arith.constant 0 : i32
    %scan3A_4 = arith.constant 8 : i32
    %scan3A_5 = arith.addi %scan3A_3, %scan3A_4 : i32
    %scan3A_6 = arith.constant 1 : i32
    %scan3A_7 = scf.for %scan3A_38 = %scan3A_3 to %scan3A_5 step %scan3A_6 iter_args(%scan3A_39 = %scan3A) -> (i32)  : i32 {
      %mul3A_40 = arith.constant 2048 : i32
      %mul3A_41 = arith.muli %scan3A_38, %mul3A_40 : i32
      "tpu.region"() ({
        %run_scoped3A = tpu.sem_alloc : memref<!tpu.dma_semaphore, #tpu.memory_space<semaphore_mem>>
        %dma_start3A = tpu.memref_slice %arg4[%mul3A_41] : memref<16384xi32, #tpu.memory_space<hbm>> -> memref<2048xi32, #tpu.memory_space<hbm>>
        %dma_start3A_48 = tpu.memref_slice %arg4[%mul3A_41] : memref<16384xi32, #tpu.memory_space<hbm>> -> memref<2048xi32, #tpu.memory_space<hbm>>
        tpu.enqueue_dma source(%dma_start3A_48 : memref<2048xi32, #tpu.memory_space<hbm>>) target(%arg8 : memref<2048xi32, #tpu.memory_space<vmem>>) target_semaphore(%run_scoped3A : memref<!tpu.dma_semaphore, #tpu.memory_space<semaphore_mem>>)
        %dma_wait3A = tpu.memref_slice %arg4[%mul3A_41] : memref<16384xi32, #tpu.memory_space<hbm>> -> memref<2048xi32, #tpu.memory_space<hbm>>
        %dma_wait3A_49 = tpu.memref_slice %arg4[%mul3A_41] : memref<16384xi32, #tpu.memory_space<hbm>> -> memref<2048xi32, #tpu.memory_space<hbm>>
        tpu.wait_dma2 semaphore(%run_scoped3A : memref<!tpu.dma_semaphore, #tpu.memory_space<semaphore_mem>>) src(%dma_wait3A_49 : memref<2048xi32, #tpu.memory_space<hbm>>) dst(%arg8 : memref<2048xi32, #tpu.memory_space<vmem>>)
        tpu.yield
      }) : () -> ()
      %scan3A_42 = arith.constant 0 : i32
      %scan3A_43 = arith.constant 128 : i32
      %scan3A_44 = arith.addi %scan3A_42, %scan3A_43 : i32
      %scan3A_45 = arith.constant 1 : i32
      %scan3A_46 = scf.for %scan3A_48 = %scan3A_42 to %scan3A_44 step %scan3A_45 iter_args(%scan3A_49 = %scan3A_39) -> (i32)  : i32 {
        %mul3A_50 = arith.constant 16 : i32
        %mul3A_51 = arith.muli %scan3A_48, %mul3A_50 : i32
        %get3A = arith.index_cast %mul3A_51 : i32 to index
        %get3A_52 = tpu.vector_load %arg8[%get3A] {strides = array<i32>} : memref<2048xi32, #tpu.memory_space<vmem>>, vector<16xi32>,
        %mul3A_53 = arith.constant 2048 : i32
        %mul3A_54 = arith.muli %scan3A_38, %mul3A_53 : i32
        %mul3A_55 = arith.constant 16 : i32
        %mul3A_56 = arith.muli %scan3A_48, %mul3A_55 : i32
        %add3A_57 = arith.addi %mul3A_54, %mul3A_56 : i32
        %add3A_58 = vector.broadcast %add3A_57 : i32 to vector<16xi32>
        %add3A_59 = arith.addi %add3A_58, %iota3A : vector<16xi32>
        %shift_right_arithmetic3A = arith.constant 11 : i32
        %shift_right_arithmetic3A_60 = vector.broadcast %shift_right_arithmetic3A : i32 to vector<16xi32>
        %shift_right_arithmetic3A_61 = arith.shrsi %get3A_52, %shift_right_arithmetic3A_60 : vector<16xi32>
        %and3A_62 = arith.constant 15 : i32
        %and3A_63 = vector.broadcast %and3A_62 : i32 to vector<16xi32>
        %and3A_64 = arith.andi %shift_right_arithmetic3A_61, %and3A_63 : vector<16xi32>
        %eq3A = vector.broadcast %arg1 : i32 to vector<16xi32>
        %eq3A_65 = arith.cmpi eq, %and3A_64, %eq3A : vector<16xi32>
        %select_n3A_66 = arith.select %eq3A_65, %broadcast_in_dim3A_0, %broadcast_in_dim3A_2 : vector<16xi1>, vector<16xi32>
        %broadcast_in_dim3A_67 = arith.constant true
        %broadcast_in_dim3A_68 = vector.broadcast %broadcast_in_dim3A_67 : i1 to vector<16xi1>
        %masked_cumsum3A = tpu.scan <sum>, %select_n3A_66 masked %broadcast_in_dim3A_68 : vector<16xi32>, vector<16xi1> -> vector<16xi32>
        %add3A_69 = vector.broadcast %scan3A_49 : i32 to vector<16xi32>
        %add3A_70 = arith.addi %add3A_69, %masked_cumsum3A : vector<16xi32>
        %sub3A_71 = arith.constant 1 : i32
        %sub3A_72 = vector.broadcast %sub3A_71 : i32 to vector<16xi32>
        %sub3A_73 = arith.subi %add3A_70, %sub3A_72 : vector<16xi32>
        %add3A_74 = arith.constant 16384 : i32
        %add3A_75 = vector.broadcast %add3A_74 : i32 to vector<16xi32>
        %add3A_76 = arith.addi %add3A_75, %iota3A : vector<16xi32>
        %select_n3A_77 = arith.select %eq3A_65, %sub3A_73, %add3A_76 : vector<16xi1>, vector<16xi32>
        tpu.vector_store_idx %arg9[%select_n3A_77], %get3A_52 : memref<16400xi32, #tpu.memory_space<vmem>>[vector<16xi32>], vector<16xi32>,
        tpu.vector_store_idx %arg10[%select_n3A_77], %add3A_59 : memref<16400xi32, #tpu.memory_space<vmem>>[vector<16xi32>], vector<16xi32>,
        %reduce_sum3A = arith.constant true
        %reduce_sum3A_78 = vector.broadcast %reduce_sum3A : i1 to vector<16xi1>
        %reduce_sum3A_79 = tpu.scan <sum>, %select_n3A_66 masked %reduce_sum3A_78 : vector<16xi32>, vector<16xi1> -> vector<16xi32>
        %reduce_sum3A_80 = vector.extract %reduce_sum3A_79[15] : i32 from vector<16xi32>
        %add3A_81 = arith.addi %scan3A_49, %reduce_sum3A_80 : i32
        scf.yield %add3A_81 : i32
      }
      %scan3A_47 = arith.constant 128 : i32
      scf.yield %scan3A_46 : i32
    }
    %scan3A_8 = arith.constant 8 : i32
    %mul3A = arith.constant 32 : i32
    %mul3A_9 = arith.muli %arg0, %mul3A : i32
    %multiple_of3A = tpu.assume_multiple %mul3A_9, 8 : i32
    %sub3A = arith.constant 488 : i32
    %sub3A_10 = arith.subi %sub3A, %arg1 : i32
    %jit3A = arith.constant 16 : i32
    %div3A = arith.divsi %sub3A_10, %jit3A : i32
    %sign3A = arith.constant 0 : i32
    %sign3A_11 = arith.cmpi sgt, %sub3A_10, %sign3A : i32
    %sign3A_12 = arith.extui %sign3A_11 : i1 to i32
    %sign3A_13 = arith.constant 0 : i32
    %sign3A_14 = arith.cmpi slt, %sub3A_10, %sign3A_13 : i32
    %sign3A_15 = arith.extui %sign3A_14 : i1 to i32
    %sign3A_16 = arith.subi %sign3A_12, %sign3A_15 : i32
    %sign3A_17 = arith.constant 0 : i32
    %sign3A_18 = arith.cmpi sgt, %jit3A, %sign3A_17 : i32
    %sign3A_19 = arith.extui %sign3A_18 : i1 to i32
    %sign3A_20 = arith.constant 0 : i32
    %sign3A_21 = arith.cmpi slt, %jit3A, %sign3A_20 : i32
    %sign3A_22 = arith.extui %sign3A_21 : i1 to i32
    %sign3A_23 = arith.subi %sign3A_19, %sign3A_22 : i32
    %ne3A = arith.cmpi ne, %sign3A_16, %sign3A_23 : i32
    %rem3A = arith.remsi %sub3A_10, %jit3A : i32
    %ne3A_24 = arith.constant 0 : i32
    %ne3A_25 = arith.cmpi ne, %rem3A, %ne3A_24 : i32
    %and3A = arith.andi %ne3A, %ne3A_25 : i1
    %sub3A_26 = arith.constant 1 : i32
    %sub3A_27 = arith.subi %div3A, %sub3A_26 : i32
    %select_n3A = arith.select %and3A, %sub3A_27, %div3A : i32
    %add3A = arith.constant 1 : i32
    %add3A_28 = arith.addi %select_n3A, %add3A : i32
    %while3A = arith.constant 0 : i32
    %while3A_29 = arith.constant 0 : i32
    %while3A_30 = arith.subi %add3A_28, %while3A_29 : i32
    %while3A_31 = arith.addi %while3A_29, %while3A_30 : i32
    %while3A_32 = arith.constant 1 : i32
    %while3A_33 = arith.divsi %while3A_30, %while3A_32 : i32
    %while3A_34 = arith.muli %while3A_33, %while3A_32 : i32
    %while3A_35 = arith.addi %while3A_29, %while3A_34 : i32
    %while3A_36 = arith.constant 1 : i32
    scf.for %while3A_38 = %while3A_29 to %while3A_35 step %while3A_36  : i32 {
      %mul3A_39 = arith.constant 16 : i32
      %mul3A_40 = arith.muli %while3A_38, %mul3A_39 : i32
      %add3A_41 = arith.addi %mul3A_40, %arg1 : i32
      %mul3A_42 = arith.constant 2048 : i32
      %mul3A_43 = arith.muli %add3A_41, %mul3A_42 : i32
      %multiple_of3A_44 = tpu.assume_multiple %mul3A_43, 128 : i32
      %ne3A_45 = arith.constant 488 : i32
      %ne3A_46 = arith.cmpi ne, %add3A_41, %ne3A_45 : i32
      %convert_element_type3A = arith.extui %ne3A_46 : i1 to i32
      %cond3A = arith.constant 0 : i32
      %cond3A_47 = arith.cmpi ne, %convert_element_type3A, %cond3A : i32
      scf.if %cond3A_47 {
        %add3A_141 = arith.constant 0 : i32
        %add3A_142 = arith.addi %multiple_of3A, %add3A_141 : i32
        %dma_start3A = arith.constant 0 : i32
        %dma_start3A_143 = arith.constant 0 : i32
        %dma_start3A_144 = tpu.memref_slice %arg7[%dma_start3A, %dma_start3A_143] : memref<32x2048xf32, #tpu.memory_space<vmem>> -> memref<8x2048xf32, #tpu.memory_space<vmem>>
        %dma_start3A_145 = tpu.memref_slice %arg2[%add3A_142, %multiple_of3A_44] : memref<64x1000000xf32, #tpu.memory_space<hbm>> -> memref<8x2048xf32, #tpu.memory_space<hbm>>
        %dma_start3A_146 = arith.constant 0 : i32
        %dma_start3A_147 = arith.constant 0 : i32
        %dma_start3A_148 = tpu.memref_slice %arg7[%dma_start3A_146, %dma_start3A_147] : memref<32x2048xf32, #tpu.memory_space<vmem>> -> memref<8x2048xf32, #tpu.memory_space<vmem>>
        %dma_start3A_149 = tpu.memref_slice %arg2[%add3A_142, %multiple_of3A_44] : memref<64x1000000xf32, #tpu.memory_space<hbm>> -> memref<8x2048xf32, #tpu.memory_space<hbm>>
        tpu.enqueue_dma source(%dma_start3A_149 : memref<8x2048xf32, #tpu.memory_space<hbm>>) target(%dma_start3A_148 : memref<8x2048xf32, #tpu.memory_space<vmem>>) target_semaphore(%arg16 : memref<!tpu.dma_semaphore, #tpu.memory_space<semaphore_mem>>)
        %add3A_150 = arith.constant 8 : i32
        %add3A_151 = arith.addi %multiple_of3A, %add3A_150 : i32
        %dma_start3A_152 = arith.constant 8 : i32
        %dma_start3A_153 = arith.constant 0 : i32
        %dma_start3A_154 = tpu.memref_slice %arg7[%dma_start3A_152, %dma_start3A_153] : memref<32x2048xf32, #tpu.memory_space<vmem>> -> memref<8x2048xf32, #tpu.memory_space<vmem>>
        %dma_start3A_155 = tpu.memref_slice %arg2[%add3A_151, %multiple_of3A_44] : memref<64x1000000xf32, #tpu.memory_space<hbm>> -> memref<8x2048xf32, #tpu.memory_space<hbm>>
        %dma_start3A_156 = arith.constant 8 : i32
        %dma_start3A_157 = arith.constant 0 : i32
        %dma_start3A_158 = tpu.memref_slice %arg7[%dma_start3A_156, %dma_start3A_157] : memref<32x2048xf32, #tpu.memory_space<vmem>> -> memref<8x2048xf32, #tpu.memory_space<vmem>>
        %dma_start3A_159 = tpu.memref_slice %arg2[%add3A_151, %multiple_of3A_44] : memref<64x1000000xf32, #tpu.memory_space<hbm>> -> memref<8x2048xf32, #tpu.memory_space<hbm>>
        tpu.enqueue_dma source(%dma_start3A_159 : memref<8x2048xf32, #tpu.memory_space<hbm>>) target(%dma_start3A_158 : memref<8x2048xf32, #tpu.memory_space<vmem>>) target_semaphore(%arg16 : memref<!tpu.dma_semaphore, #tpu.memory_space<semaphore_mem>>)
        %add3A_160 = arith.constant 16 : i32
        %add3A_161 = arith.addi %multiple_of3A, %add3A_160 : i32
        %dma_start3A_162 = arith.constant 16 : i32
        %dma_start3A_163 = arith.constant 0 : i32
        %dma_start3A_164 = tpu.memref_slice %arg7[%dma_start3A_162, %dma_start3A_163] : memref<32x2048xf32, #tpu.memory_space<vmem>> -> memref<8x2048xf32, #tpu.memory_space<vmem>>
        %dma_start3A_165 = tpu.memref_slice %arg2[%add3A_161, %multiple_of3A_44] : memref<64x1000000xf32, #tpu.memory_space<hbm>> -> memref<8x2048xf32, #tpu.memory_space<hbm>>
        %dma_start3A_166 = arith.constant 16 : i32
        %dma_start3A_167 = arith.constant 0 : i32
        %dma_start3A_168 = tpu.memref_slice %arg7[%dma_start3A_166, %dma_start3A_167] : memref<32x2048xf32, #tpu.memory_space<vmem>> -> memref<8x2048xf32, #tpu.memory_space<vmem>>
        %dma_start3A_169 = tpu.memref_slice %arg2[%add3A_161, %multiple_of3A_44] : memref<64x1000000xf32, #tpu.memory_space<hbm>> -> memref<8x2048xf32, #tpu.memory_space<hbm>>
        tpu.enqueue_dma source(%dma_start3A_169 : memref<8x2048xf32, #tpu.memory_space<hbm>>) target(%dma_start3A_168 : memref<8x2048xf32, #tpu.memory_space<vmem>>) target_semaphore(%arg16 : memref<!tpu.dma_semaphore, #tpu.memory_space<semaphore_mem>>)
        %add3A_170 = arith.constant 24 : i32
        %add3A_171 = arith.addi %multiple_of3A, %add3A_170 : i32
        %dma_start3A_172 = arith.constant 24 : i32
        %dma_start3A_173 = arith.constant 0 : i32
        %dma_start3A_174 = tpu.memref_slice %arg7[%dma_start3A_172, %dma_start3A_173] : memref<32x2048xf32, #tpu.memory_space<vmem>> -> memref<8x2048xf32, #tpu.memory_space<vmem>>
        %dma_start3A_175 = tpu.memref_slice %arg2[%add3A_171, %multiple_of3A_44] : memref<64x1000000xf32, #tpu.memory_space<hbm>> -> memref<8x2048xf32, #tpu.memory_space<hbm>>
        %dma_start3A_176 = arith.constant 24 : i32
        %dma_start3A_177 = arith.constant 0 : i32
        %dma_start3A_178 = tpu.memref_slice %arg7[%dma_start3A_176, %dma_start3A_177] : memref<32x2048xf32, #tpu.memory_space<vmem>> -> memref<8x2048xf32, #tpu.memory_space<vmem>>
        %dma_start3A_179 = tpu.memref_slice %arg2[%add3A_171, %multiple_of3A_44] : memref<64x1000000xf32, #tpu.memory_space<hbm>> -> memref<8x2048xf32, #tpu.memory_space<hbm>>
        tpu.enqueue_dma source(%dma_start3A_179 : memref<8x2048xf32, #tpu.memory_space<hbm>>) target(%dma_start3A_178 : memref<8x2048xf32, #tpu.memory_space<vmem>>) target_semaphore(%arg16 : memref<!tpu.dma_semaphore, #tpu.memory_space<semaphore_mem>>)
      } else {
      }
      %eq3A = arith.constant 488 : i32
      %eq3A_48 = arith.cmpi eq, %add3A_41, %eq3A : i32
      %convert_element_type3A_49 = arith.extui %eq3A_48 : i1 to i32
      %cond3A_50 = arith.constant 0 : i32
      %cond3A_51 = arith.cmpi ne, %convert_element_type3A_49, %cond3A_50 : i32
      scf.if %cond3A_51 {
        %add3A_141 = arith.constant 0 : i32
        %add3A_142 = arith.addi %multiple_of3A, %add3A_141 : i32
        %dma_start3A = arith.constant 0 : i32
        %dma_start3A_143 = arith.constant 0 : i32
        %dma_start3A_144 = tpu.memref_slice %arg7[%dma_start3A, %dma_start3A_143] : memref<32x2048xf32, #tpu.memory_space<vmem>> -> memref<8x2048xf32, #tpu.memory_space<vmem>>
        %dma_start3A_145 = arith.constant 0 : i32
        %dma_start3A_146 = tpu.memref_slice %arg3[%add3A_142, %dma_start3A_145] : memref<64x2048xf32, #tpu.memory_space<hbm>> -> memref<8x2048xf32, #tpu.memory_space<hbm>>
        %dma_start3A_147 = arith.constant 0 : i32
        %dma_start3A_148 = arith.constant 0 : i32
        %dma_start3A_149 = tpu.memref_slice %arg7[%dma_start3A_147, %dma_start3A_148] : memref<32x2048xf32, #tpu.memory_space<vmem>> -> memref<8x2048xf32, #tpu.memory_space<vmem>>
        %dma_start3A_150 = arith.constant 0 : i32
        %dma_start3A_151 = tpu.memref_slice %arg3[%add3A_142, %dma_start3A_150] : memref<64x2048xf32, #tpu.memory_space<hbm>> -> memref<8x2048xf32, #tpu.memory_space<hbm>>
        tpu.enqueue_dma source(%dma_start3A_151 : memref<8x2048xf32, #tpu.memory_space<hbm>>) target(%dma_start3A_149 : memref<8x2048xf32, #tpu.memory_space<vmem>>) target_semaphore(%arg16 : memref<!tpu.dma_semaphore, #tpu.memory_space<semaphore_mem>>)
        %add3A_152 = arith.constant 8 : i32
        %add3A_153 = arith.addi %multiple_of3A, %add3A_152 : i32
        %dma_start3A_154 = arith.constant 8 : i32
        %dma_start3A_155 = arith.constant 0 : i32
        %dma_start3A_156 = tpu.memref_slice %arg7[%dma_start3A_154, %dma_start3A_155] : memref<32x2048xf32, #tpu.memory_space<vmem>> -> memref<8x2048xf32, #tpu.memory_space<vmem>>
        %dma_start3A_157 = arith.constant 0 : i32
        %dma_start3A_158 = tpu.memref_slice %arg3[%add3A_153, %dma_start3A_157] : memref<64x2048xf32, #tpu.memory_space<hbm>> -> memref<8x2048xf32, #tpu.memory_space<hbm>>
        %dma_start3A_159 = arith.constant 8 : i32
        %dma_start3A_160 = arith.constant 0 : i32
        %dma_start3A_161 = tpu.memref_slice %arg7[%dma_start3A_159, %dma_start3A_160] : memref<32x2048xf32, #tpu.memory_space<vmem>> -> memref<8x2048xf32, #tpu.memory_space<vmem>>
        %dma_start3A_162 = arith.constant 0 : i32
        %dma_start3A_163 = tpu.memref_slice %arg3[%add3A_153, %dma_start3A_162] : memref<64x2048xf32, #tpu.memory_space<hbm>> -> memref<8x2048xf32, #tpu.memory_space<hbm>>
        tpu.enqueue_dma source(%dma_start3A_163 : memref<8x2048xf32, #tpu.memory_space<hbm>>) target(%dma_start3A_161 : memref<8x2048xf32, #tpu.memory_space<vmem>>) target_semaphore(%arg16 : memref<!tpu.dma_semaphore, #tpu.memory_space<semaphore_mem>>)
        %add3A_164 = arith.constant 16 : i32
        %add3A_165 = arith.addi %multiple_of3A, %add3A_164 : i32
        %dma_start3A_166 = arith.constant 16 : i32
        %dma_start3A_167 = arith.constant 0 : i32
        %dma_start3A_168 = tpu.memref_slice %arg7[%dma_start3A_166, %dma_start3A_167] : memref<32x2048xf32, #tpu.memory_space<vmem>> -> memref<8x2048xf32, #tpu.memory_space<vmem>>
        %dma_start3A_169 = arith.constant 0 : i32
        %dma_start3A_170 = tpu.memref_slice %arg3[%add3A_165, %dma_start3A_169] : memref<64x2048xf32, #tpu.memory_space<hbm>> -> memref<8x2048xf32, #tpu.memory_space<hbm>>
        %dma_start3A_171 = arith.constant 16 : i32
        %dma_start3A_172 = arith.constant 0 : i32
        %dma_start3A_173 = tpu.memref_slice %arg7[%dma_start3A_171, %dma_start3A_172] : memref<32x2048xf32, #tpu.memory_space<vmem>> -> memref<8x2048xf32, #tpu.memory_space<vmem>>
        %dma_start3A_174 = arith.constant 0 : i32
        %dma_start3A_175 = tpu.memref_slice %arg3[%add3A_165, %dma_start3A_174] : memref<64x2048xf32, #tpu.memory_space<hbm>> -> memref<8x2048xf32, #tpu.memory_space<hbm>>
        tpu.enqueue_dma source(%dma_start3A_175 : memref<8x2048xf32, #tpu.memory_space<hbm>>) target(%dma_start3A_173 : memref<8x2048xf32, #tpu.memory_space<vmem>>) target_semaphore(%arg16 : memref<!tpu.dma_semaphore, #tpu.memory_space<semaphore_mem>>)
        %add3A_176 = arith.constant 24 : i32
        %add3A_177 = arith.addi %multiple_of3A, %add3A_176 : i32
        %dma_start3A_178 = arith.constant 24 : i32
        %dma_start3A_179 = arith.constant 0 : i32
        %dma_start3A_180 = tpu.memref_slice %arg7[%dma_start3A_178, %dma_start3A_179] : memref<32x2048xf32, #tpu.memory_space<vmem>> -> memref<8x2048xf32, #tpu.memory_space<vmem>>
        %dma_start3A_181 = arith.constant 0 : i32
        %dma_start3A_182 = tpu.memref_slice %arg3[%add3A_177, %dma_start3A_181] : memref<64x2048xf32, #tpu.memory_space<hbm>> -> memref<8x2048xf32, #tpu.memory_space<hbm>>
        %dma_start3A_183 = arith.constant 24 : i32
        %dma_start3A_184 = arith.constant 0 : i32
        %dma_start3A_185 = tpu.memref_slice %arg7[%dma_start3A_183, %dma_start3A_184] : memref<32x2048xf32, #tpu.memory_space<vmem>> -> memref<8x2048xf32, #tpu.memory_space<vmem>>
        %dma_start3A_186 = arith.constant 0 : i32
        %dma_start3A_187 = tpu.memref_slice %arg3[%add3A_177, %dma_start3A_186] : memref<64x2048xf32, #tpu.memory_space<hbm>> -> memref<8x2048xf32, #tpu.memory_space<hbm>>
        tpu.enqueue_dma source(%dma_start3A_187 : memref<8x2048xf32, #tpu.memory_space<hbm>>) target(%dma_start3A_185 : memref<8x2048xf32, #tpu.memory_space<vmem>>) target_semaphore(%arg16 : memref<!tpu.dma_semaphore, #tpu.memory_space<semaphore_mem>>)
      } else {
      }
      %dma_wait3A = arith.constant 0 : i32
      %dma_wait3A_52 = arith.constant 0 : i32
      %dma_wait3A_53 = tpu.memref_slice %arg2[%dma_wait3A, %dma_wait3A_52] : memref<64x1000000xf32, #tpu.memory_space<hbm>> -> memref<32x2048xf32, #tpu.memory_space<hbm>>
      %dma_wait3A_54 = arith.constant 0 : i32
      %dma_wait3A_55 = arith.constant 0 : i32
      %dma_wait3A_56 = tpu.memref_slice %arg2[%dma_wait3A_54, %dma_wait3A_55] : memref<64x1000000xf32, #tpu.memory_space<hbm>> -> memref<32x2048xf32, #tpu.memory_space<hbm>>
      tpu.wait_dma2 semaphore(%arg16 : memref<!tpu.dma_semaphore, #tpu.memory_space<semaphore_mem>>) src(%dma_wait3A_56 : memref<32x2048xf32, #tpu.memory_space<hbm>>) dst(%arg7 : memref<32x2048xf32, #tpu.memory_space<vmem>>)
      %add3A_57 = arith.constant 15 : i32
      %add3A_58 = arith.addi %scan3A_7, %add3A_57 : i32
      %jit3A_59 = arith.constant 16 : i32
      %div3A_60 = arith.divsi %add3A_58, %jit3A_59 : i32
      %sign3A_61 = arith.constant 0 : i32
      %sign3A_62 = arith.cmpi sgt, %add3A_58, %sign3A_61 : i32
      %sign3A_63 = arith.extui %sign3A_62 : i1 to i32
      %sign3A_64 = arith.constant 0 : i32
      %sign3A_65 = arith.cmpi slt, %add3A_58, %sign3A_64 : i32
      %sign3A_66 = arith.extui %sign3A_65 : i1 to i32
      %sign3A_67 = arith.subi %sign3A_63, %sign3A_66 : i32
      %sign3A_68 = arith.constant 0 : i32
      %sign3A_69 = arith.cmpi sgt, %jit3A_59, %sign3A_68 : i32
      %sign3A_70 = arith.extui %sign3A_69 : i1 to i32
      %sign3A_71 = arith.constant 0 : i32
      %sign3A_72 = arith.cmpi slt, %jit3A_59, %sign3A_71 : i32
      %sign3A_73 = arith.extui %sign3A_72 : i1 to i32
      %sign3A_74 = arith.subi %sign3A_70, %sign3A_73 : i32
      %ne3A_75 = arith.cmpi ne, %sign3A_67, %sign3A_74 : i32
      %rem3A_76 = arith.remsi %add3A_58, %jit3A_59 : i32
      %ne3A_77 = arith.constant 0 : i32
      %ne3A_78 = arith.cmpi ne, %rem3A_76, %ne3A_77 : i32
      %and3A_79 = arith.andi %ne3A_75, %ne3A_78 : i1
      %sub3A_80 = arith.constant 1 : i32
      %sub3A_81 = arith.subi %div3A_60, %sub3A_80 : i32
      %select_n3A_82 = arith.select %and3A_79, %sub3A_81, %div3A_60 : i32
      %while3A_83 = arith.constant 0 : i32
      %while3A_84 = arith.constant 0 : i32
      %while3A_85 = arith.subi %select_n3A_82, %while3A_83 : i32
      %while3A_86 = arith.addi %while3A_83, %while3A_85 : i32
      %while3A_87 = arith.constant 1 : i32
      %while3A_88 = arith.divsi %while3A_85, %while3A_87 : i32
      %while3A_89 = arith.muli %while3A_88, %while3A_87 : i32
      %while3A_90 = arith.addi %while3A_83, %while3A_89 : i32
      %while3A_91 = arith.constant 1 : i32
      %while3A_92 = scf.for %while3A_141 = %while3A_83 to %while3A_90 step %while3A_91 iter_args(%while3A_142 = %while3A_84) -> (i32)  : i32 {
        %mul3A_143 = arith.constant 16 : i32
        %mul3A_144 = arith.muli %while3A_141, %mul3A_143 : i32
        %get3A = arith.index_cast %mul3A_144 : i32 to index
        %get3A_145 = tpu.vector_load %arg9[%get3A] {strides = array<i32>} : memref<16400xi32, #tpu.memory_space<vmem>>, vector<16xi32>,
        %mul3A_146 = arith.constant 16 : i32
        %mul3A_147 = arith.muli %while3A_141, %mul3A_146 : i32
        %get3A_148 = arith.index_cast %mul3A_147 : i32 to index
        %get3A_149 = tpu.vector_load %arg10[%get3A_148] {strides = array<i32>} : memref<16400xi32, #tpu.memory_space<vmem>>, vector<16xi32>,
        %mul3A_150 = arith.constant 16 : i32
        %mul3A_151 = arith.muli %while3A_141, %mul3A_150 : i32
        %add3A_152 = vector.broadcast %mul3A_151 : i32 to vector<16xi32>
        %add3A_153 = arith.addi %add3A_152, %iota3A : vector<16xi32>
        %shift_right_arithmetic3A = arith.constant 11 : i32
        %shift_right_arithmetic3A_154 = vector.broadcast %shift_right_arithmetic3A : i32 to vector<16xi32>
        %shift_right_arithmetic3A_155 = arith.shrsi %get3A_145, %shift_right_arithmetic3A_154 : vector<16xi32>
        %eq3A_156 = vector.broadcast %add3A_41 : i32 to vector<16xi32>
        %eq3A_157 = arith.cmpi eq, %shift_right_arithmetic3A_155, %eq3A_156 : vector<16xi32>
        %lt3A = vector.broadcast %scan3A_7 : i32 to vector<16xi32>
        %lt3A_158 = arith.cmpi slt, %add3A_153, %lt3A : vector<16xi32>
        %and3A_159 = arith.andi %eq3A_157, %lt3A_158 : vector<16xi1>
        %select_n3A_160 = arith.select %and3A_159, %broadcast_in_dim3A_0, %broadcast_in_dim3A_2 : vector<16xi1>, vector<16xi32>
        %broadcast_in_dim3A_161 = arith.constant true
        %broadcast_in_dim3A_162 = vector.broadcast %broadcast_in_dim3A_161 : i1 to vector<16xi1>
        %masked_cumsum3A = tpu.scan <sum>, %select_n3A_160 masked %broadcast_in_dim3A_162 : vector<16xi32>, vector<16xi1> -> vector<16xi32>
        %add3A_163 = vector.broadcast %while3A_142 : i32 to vector<16xi32>
        %add3A_164 = arith.addi %add3A_163, %masked_cumsum3A : vector<16xi32>
        %sub3A_165 = arith.constant 1 : i32
        %sub3A_166 = vector.broadcast %sub3A_165 : i32 to vector<16xi32>
        %sub3A_167 = arith.subi %add3A_164, %sub3A_166 : vector<16xi32>
        %add3A_168 = arith.constant 128 : i32
        %add3A_169 = vector.broadcast %add3A_168 : i32 to vector<16xi32>
        %add3A_170 = arith.addi %add3A_169, %iota3A : vector<16xi32>
        %select_n3A_171 = arith.select %and3A_159, %sub3A_167, %add3A_170 : vector<16xi1>, vector<16xi32>
        tpu.vector_store_idx %arg11[%select_n3A_171], %get3A_145 : memref<144xi32, #tpu.memory_space<vmem>>[vector<16xi32>], vector<16xi32>,
        tpu.vector_store_idx %arg12[%select_n3A_171], %get3A_149 : memref<144xi32, #tpu.memory_space<vmem>>[vector<16xi32>], vector<16xi32>,
        %reduce_sum3A = arith.constant true
        %reduce_sum3A_172 = vector.broadcast %reduce_sum3A : i1 to vector<16xi1>
        %reduce_sum3A_173 = tpu.scan <sum>, %select_n3A_160 masked %reduce_sum3A_172 : vector<16xi32>, vector<16xi1> -> vector<16xi32>
        %reduce_sum3A_174 = vector.extract %reduce_sum3A_173[15] : i32 from vector<16xi32>
        %add3A_175 = arith.addi %while3A_142, %reduce_sum3A_174 : i32
        %ge3A = arith.constant 112 : i32
        %ge3A_176 = arith.cmpi sge, %add3A_175, %ge3A : i32
        %convert_element_type3A_177 = arith.extui %ge3A_176 : i1 to i32
        %cond3A_178 = arith.constant 0 : i32
        %cond3A_179 = arith.cmpi ne, %convert_element_type3A_177, %cond3A_178 : i32
        scf.if %cond3A_179 {
          %add3A_182 = arith.constant 15 : i32
          %add3A_183 = arith.addi %add3A_175, %add3A_182 : i32
          %jit3A_184 = arith.constant 16 : i32
          %div3A_185 = arith.divsi %add3A_183, %jit3A_184 : i32
          %sign3A_186 = arith.constant 0 : i32
          %sign3A_187 = arith.cmpi sgt, %add3A_183, %sign3A_186 : i32
          %sign3A_188 = arith.extui %sign3A_187 : i1 to i32
          %sign3A_189 = arith.constant 0 : i32
          %sign3A_190 = arith.cmpi slt, %add3A_183, %sign3A_189 : i32
          %sign3A_191 = arith.extui %sign3A_190 : i1 to i32
          %sign3A_192 = arith.subi %sign3A_188, %sign3A_191 : i32
          %sign3A_193 = arith.constant 0 : i32
          %sign3A_194 = arith.cmpi sgt, %jit3A_184, %sign3A_193 : i32
          %sign3A_195 = arith.extui %sign3A_194 : i1 to i32
          %sign3A_196 = arith.constant 0 : i32
          %sign3A_197 = arith.cmpi slt, %jit3A_184, %sign3A_196 : i32
          %sign3A_198 = arith.extui %sign3A_197 : i1 to i32
          %sign3A_199 = arith.subi %sign3A_195, %sign3A_198 : i32
          %ne3A_200 = arith.cmpi ne, %sign3A_192, %sign3A_199 : i32
          %rem3A_201 = arith.remsi %add3A_183, %jit3A_184 : i32
          %ne3A_202 = arith.constant 0 : i32
          %ne3A_203 = arith.cmpi ne, %rem3A_201, %ne3A_202 : i32
          %and3A_204 = arith.andi %ne3A_200, %ne3A_203 : i1
          %sub3A_205 = arith.constant 1 : i32
          %sub3A_206 = arith.subi %div3A_185, %sub3A_205 : i32
          %select_n3A_207 = arith.select %and3A_204, %sub3A_206, %div3A_185 : i32
          %while3A_208 = arith.constant 0 : i32
          %while3A_209 = arith.constant 0 : i32
          %while3A_210 = arith.subi %select_n3A_207, %while3A_209 : i32
          %while3A_211 = arith.addi %while3A_209, %while3A_210 : i32
          %while3A_212 = arith.constant 1 : i32
          %while3A_213 = arith.divsi %while3A_210, %while3A_212 : i32
          %while3A_214 = arith.muli %while3A_213, %while3A_212 : i32
          %while3A_215 = arith.addi %while3A_209, %while3A_214 : i32
          %while3A_216 = arith.constant 1 : i32
          scf.for %while3A_228 = %while3A_209 to %while3A_215 step %while3A_216  : i32 {
            %mul3A_229 = arith.constant 16 : i32
            %mul3A_230 = arith.muli %while3A_228, %mul3A_229 : i32
            %get3A_231 = arith.index_cast %mul3A_230 : i32 to index
            %get3A_232 = tpu.vector_load %arg11[%get3A_231] {strides = array<i32>} : memref<144xi32, #tpu.memory_space<vmem>>, vector<16xi32>,
            %mul3A_233 = arith.constant 16 : i32
            %mul3A_234 = arith.muli %while3A_228, %mul3A_233 : i32
            %get3A_235 = arith.index_cast %mul3A_234 : i32 to index
            %get3A_236 = tpu.vector_load %arg12[%get3A_235] {strides = array<i32>} : memref<144xi32, #tpu.memory_space<vmem>>, vector<16xi32>,
            %mul3A_237 = arith.constant 16 : i32
            %mul3A_238 = arith.muli %while3A_228, %mul3A_237 : i32
            %add3A_239 = vector.broadcast %mul3A_238 : i32 to vector<16xi32>
            %add3A_240 = arith.addi %add3A_239, %iota3A : vector<16xi32>
            %lt3A_241 = vector.broadcast %add3A_175 : i32 to vector<16xi32>
            %lt3A_242 = arith.cmpi slt, %add3A_240, %lt3A_241 : vector<16xi32>
            %mul3A_243 = arith.constant 2048 : i32
            %mul3A_244 = arith.muli %add3A_41, %mul3A_243 : i32
            %sub3A_245 = vector.broadcast %mul3A_244 : i32 to vector<16xi32>
            %sub3A_246 = arith.subi %get3A_232, %sub3A_245 : vector<16xi32>
            %jit3A_247 = arith.constant 0 : i32
            %jit3A_248 = arith.constant 2047 : i32
            %max3A = vector.broadcast %jit3A_247 : i32 to vector<16xi32>
            %max3A_249 = arith.maxsi %max3A, %sub3A_246 : vector<16xi32>
            %min3A = vector.broadcast %jit3A_248 : i32 to vector<16xi32>
            %min3A_250 = arith.minsi %min3A, %max3A_249 : vector<16xi32>
            %add3A_251 = arith.constant 16384 : i32
            %add3A_252 = vector.broadcast %add3A_251 : i32 to vector<16xi32>
            %add3A_253 = arith.addi %add3A_252, %iota3A : vector<16xi32>
            %select_n3A_254 = arith.select %lt3A_242, %get3A_236, %add3A_253 : vector<16xi1>, vector<16xi32>
            %broadcast_in_dim3A_255 = vector.broadcast %while3A_228 : i32 to vector<16xi32>
            tpu.vector_store_idx %arg14[%broadcast_in_dim3A_255, %iota3A], %select_n3A_254 : memref<9x16xi32, #tpu.memory_space<vmem>>[vector<16xi32>, vector<16xi32>], vector<16xi32>,
            %broadcast_in_dim3A_256 = arith.constant 0 : i32
            %broadcast_in_dim3A_257 = vector.broadcast %broadcast_in_dim3A_256 : i32 to vector<16xi32>
            %gather3A = tpu.vector_load_idx %arg7[%broadcast_in_dim3A_257, %min3A_250] : memref<32x2048xf32, #tpu.memory_space<vmem>>[vector<16xi32>, vector<16xi32>], vector<16xf32>,
            %mul3A_258 = arith.constant 16 : i32
            %mul3A_259 = arith.muli %while3A_228, %mul3A_258 : i32
            %add3A_260 = vector.broadcast %mul3A_259 : i32 to vector<16xi32>
            %add3A_261 = arith.addi %add3A_260, %iota3A : vector<16xi32>
            tpu.vector_store_idx %arg13[%add3A_261, %broadcast_in_dim3A_257], %gather3A : memref<144x128xf32, #tpu.memory_space<vmem>>[vector<16xi32>, vector<16xi32>], vector<16xf32>,
            %broadcast_in_dim3A_262 = arith.constant 1 : i32
            %broadcast_in_dim3A_263 = vector.broadcast %broadcast_in_dim3A_262 : i32 to vector<16xi32>
            %gather3A_264 = tpu.vector_load_idx %arg7[%broadcast_in_dim3A_263, %min3A_250] : memref<32x2048xf32, #tpu.memory_space<vmem>>[vector<16xi32>, vector<16xi32>], vector<16xf32>,
            %mul3A_265 = arith.constant 16 : i32
            %mul3A_266 = arith.muli %while3A_228, %mul3A_265 : i32
            %add3A_267 = vector.broadcast %mul3A_266 : i32 to vector<16xi32>
            %add3A_268 = arith.addi %add3A_267, %iota3A : vector<16xi32>
            tpu.vector_store_idx %arg13[%add3A_268, %broadcast_in_dim3A_263], %gather3A_264 : memref<144x128xf32, #tpu.memory_space<vmem>>[vector<16xi32>, vector<16xi32>], vector<16xf32>,
            %broadcast_in_dim3A_269 = arith.constant 2 : i32
            %broadcast_in_dim3A_270 = vector.broadcast %broadcast_in_dim3A_269 : i32 to vector<16xi32>
            %gather3A_271 = tpu.vector_load_idx %arg7[%broadcast_in_dim3A_270, %min3A_250] : memref<32x2048xf32, #tpu.memory_space<vmem>>[vector<16xi32>, vector<16xi32>], vector<16xf32>,
            %mul3A_272 = arith.constant 16 : i32
            %mul3A_273 = arith.muli %while3A_228, %mul3A_272 : i32
            %add3A_274 = vector.broadcast %mul3A_273 : i32 to vector<16xi32>
            %add3A_275 = arith.addi %add3A_274, %iota3A : vector<16xi32>
            tpu.vector_store_idx %arg13[%add3A_275, %broadcast_in_dim3A_270], %gather3A_271 : memref<144x128xf32, #tpu.memory_space<vmem>>[vector<16xi32>, vector<16xi32>], vector<16xf32>,
            %broadcast_in_dim3A_276 = arith.constant 3 : i32
            %broadcast_in_dim3A_277 = vector.broadcast %broadcast_in_dim3A_276 : i32 to vector<16xi32>
            %gather3A_278 = tpu.vector_load_idx %arg7[%broadcast_in_dim3A_277, %min3A_250] : memref<32x2048xf32, #tpu.memory_space<vmem>>[vector<16xi32>, vector<16xi32>], vector<16xf32>,
            %mul3A_279 = arith.constant 16 : i32
            %mul3A_280 = arith.muli %while3A_228, %mul3A_279 : i32
            %add3A_281 = vector.broadcast %mul3A_280 : i32 to vector<16xi32>
            %add3A_282 = arith.addi %add3A_281, %iota3A : vector<16xi32>
            tpu.vector_store_idx %arg13[%add3A_282, %broadcast_in_dim3A_277], %gather3A_278 : memref<144x128xf32, #tpu.memory_space<vmem>>[vector<16xi32>, vector<16xi32>], vector<16xf32>,
            %broadcast_in_dim3A_283 = arith.constant 4 : i32
            %broadcast_in_dim3A_284 = vector.broadcast %broadcast_in_dim3A_283 : i32 to vector<16xi32>
            %gather3A_285 = tpu.vector_load_idx %arg7[%broadcast_in_dim3A_284, %min3A_250] : memref<32x2048xf32, #tpu.memory_space<vmem>>[vector<16xi32>, vector<16xi32>], vector<16xf32>,
            %mul3A_286 = arith.constant 16 : i32
            %mul3A_287 = arith.muli %while3A_228, %mul3A_286 : i32
            %add3A_288 = vector.broadcast %mul3A_287 : i32 to vector<16xi32>
            %add3A_289 = arith.addi %add3A_288, %iota3A : vector<16xi32>
            tpu.vector_store_idx %arg13[%add3A_289, %broadcast_in_dim3A_284], %gather3A_285 : memref<144x128xf32, #tpu.memory_space<vmem>>[vector<16xi32>, vector<16xi32>], vector<16xf32>,
            %broadcast_in_dim3A_290 = arith.constant 5 : i32
            %broadcast_in_dim3A_291 = vector.broadcast %broadcast_in_dim3A_290 : i32 to vector<16xi32>
            %gather3A_292 = tpu.vector_load_idx %arg7[%broadcast_in_dim3A_291, %min3A_250] : memref<32x2048xf32, #tpu.memory_space<vmem>>[vector<16xi32>, vector<16xi32>], vector<16xf32>,
            %mul3A_293 = arith.constant 16 : i32
            %mul3A_294 = arith.muli %while3A_228, %mul3A_293 : i32
            %add3A_295 = vector.broadcast %mul3A_294 : i32 to vector<16xi32>
            %add3A_296 = arith.addi %add3A_295, %iota3A : vector<16xi32>
            tpu.vector_store_idx %arg13[%add3A_296, %broadcast_in_dim3A_291], %gather3A_292 : memref<144x128xf32, #tpu.memory_space<vmem>>[vector<16xi32>, vector<16xi32>], vector<16xf32>,
            %broadcast_in_dim3A_297 = arith.constant 6 : i32
            %broadcast_in_dim3A_298 = vector.broadcast %broadcast_in_dim3A_297 : i32 to vector<16xi32>
            %gather3A_299 = tpu.vector_load_idx %arg7[%broadcast_in_dim3A_298, %min3A_250] : memref<32x2048xf32, #tpu.memory_space<vmem>>[vector<16xi32>, vector<16xi32>], vector<16xf32>,
            %mul3A_300 = arith.constant 16 : i32
            %mul3A_301 = arith.muli %while3A_228, %mul3A_300 : i32
            %add3A_302 = vector.broadcast %mul3A_301 : i32 to vector<16xi32>
            %add3A_303 = arith.addi %add3A_302, %iota3A : vector<16xi32>
            tpu.vector_store_idx %arg13[%add3A_303, %broadcast_in_dim3A_298], %gather3A_299 : memref<144x128xf32, #tpu.memory_space<vmem>>[vector<16xi32>, vector<16xi32>], vector<16xf32>,
            %broadcast_in_dim3A_304 = arith.constant 7 : i32
            %broadcast_in_dim3A_305 = vector.broadcast %broadcast_in_dim3A_304 : i32 to vector<16xi32>
            %gather3A_306 = tpu.vector_load_idx %arg7[%broadcast_in_dim3A_305, %min3A_250] : memref<32x2048xf32, #tpu.memory_space<vmem>>[vector<16xi32>, vector<16xi32>], vector<16xf32>,
            %mul3A_307 = arith.constant 16 : i32
            %mul3A_308 = arith.muli %while3A_228, %mul3A_307 : i32
            %add3A_309 = vector.broadcast %mul3A_308 : i32 to vector<16xi32>
            %add3A_310 = arith.addi %add3A_309, %iota3A : vector<16xi32>
            tpu.vector_store_idx %arg13[%add3A_310, %broadcast_in_dim3A_305], %gather3A_306 : memref<144x128xf32, #tpu.memory_space<vmem>>[vector<16xi32>, vector<16xi32>], vector<16xf32>,
            %broadcast_in_dim3A_311 = arith.constant 8 : i32
            %broadcast_in_dim3A_312 = vector.broadcast %broadcast_in_dim3A_311 : i32 to vector<16xi32>
            %gather3A_313 = tpu.vector_load_idx %arg7[%broadcast_in_dim3A_312, %min3A_250] : memref<32x2048xf32, #tpu.memory_space<vmem>>[vector<16xi32>, vector<16xi32>], vector<16xf32>,
            %mul3A_314 = arith.constant 16 : i32
            %mul3A_315 = arith.muli %while3A_228, %mul3A_314 : i32
            %add3A_316 = vector.broadcast %mul3A_315 : i32 to vector<16xi32>
            %add3A_317 = arith.addi %add3A_316, %iota3A : vector<16xi32>
            tpu.vector_store_idx %arg13[%add3A_317, %broadcast_in_dim3A_312], %gather3A_313 : memref<144x128xf32, #tpu.memory_space<vmem>>[vector<16xi32>, vector<16xi32>], vector<16xf32>,
            %broadcast_in_dim3A_318 = arith.constant 9 : i32
            %broadcast_in_dim3A_319 = vector.broadcast %broadcast_in_dim3A_318 : i32 to vector<16xi32>
            %gather3A_320 = tpu.vector_load_idx %arg7[%broadcast_in_dim3A_319, %min3A_250] : memref<32x2048xf32, #tpu.memory_space<vmem>>[vector<16xi32>, vector<16xi32>], vector<16xf32>,
            %mul3A_321 = arith.constant 16 : i32
            %mul3A_322 = arith.muli %while3A_228, %mul3A_321 : i32
            %add3A_323 = vector.broadcast %mul3A_322 : i32 to vector<16xi32>
            %add3A_324 = arith.addi %add3A_323, %iota3A : vector<16xi32>
            tpu.vector_store_idx %arg13[%add3A_324, %broadcast_in_dim3A_319], %gather3A_320 : memref<144x128xf32, #tpu.memory_space<vmem>>[vector<16xi32>, vector<16xi32>], vector<16xf32>,
            %broadcast_in_dim3A_325 = arith.constant 10 : i32
            %broadcast_in_dim3A_326 = vector.broadcast %broadcast_in_dim3A_325 : i32 to vector<16xi32>
            %gather3A_327 = tpu.vector_load_idx %arg7[%broadcast_in_dim3A_326, %min3A_250] : memref<32x2048xf32, #tpu.memory_space<vmem>>[vector<16xi32>, vector<16xi32>], vector<16xf32>,
            %mul3A_328 = arith.constant 16 : i32
            %mul3A_329 = arith.muli %while3A_228, %mul3A_328 : i32
            %add3A_330 = vector.broadcast %mul3A_329 : i32 to vector<16xi32>
            %add3A_331 = arith.addi %add3A_330, %iota3A : vector<16xi32>
            tpu.vector_store_idx %arg13[%add3A_331, %broadcast_in_dim3A_326], %gather3A_327 : memref<144x128xf32, #tpu.memory_space<vmem>>[vector<16xi32>, vector<16xi32>], vector<16xf32>,
            %broadcast_in_dim3A_332 = arith.constant 11 : i32
            %broadcast_in_dim3A_333 = vector.broadcast %broadcast_in_dim3A_332 : i32 to vector<16xi32>
            %gather3A_334 = tpu.vector_load_idx %arg7[%broadcast_in_dim3A_333, %min3A_250] : memref<32x2048xf32, #tpu.memory_space<vmem>>[vector<16xi32>, vector<16xi32>], vector<16xf32>,
            %mul3A_335 = arith.constant 16 : i32
            %mul3A_336 = arith.muli %while3A_228, %mul3A_335 : i32
            %add3A_337 = vector.broadcast %mul3A_336 : i32 to vector<16xi32>
            %add3A_338 = arith.addi %add3A_337, %iota3A : vector<16xi32>
            tpu.vector_store_idx %arg13[%add3A_338, %broadcast_in_dim3A_333], %gather3A_334 : memref<144x128xf32, #tpu.memory_space<vmem>>[vector<16xi32>, vector<16xi32>], vector<16xf32>,
            %broadcast_in_dim3A_339 = arith.constant 12 : i32
            %broadcast_in_dim3A_340 = vector.broadcast %broadcast_in_dim3A_339 : i32 to vector<16xi32>
            %gather3A_341 = tpu.vector_load_idx %arg7[%broadcast_in_dim3A_340, %min3A_250] : memref<32x2048xf32, #tpu.memory_space<vmem>>[vector<16xi32>, vector<16xi32>], vector<16xf32>,
            %mul3A_342 = arith.constant 16 : i32
            %mul3A_343 = arith.muli %while3A_228, %mul3A_342 : i32
            %add3A_344 = vector.broadcast %mul3A_343 : i32 to vector<16xi32>
            %add3A_345 = arith.addi %add3A_344, %iota3A : vector<16xi32>
            tpu.vector_store_idx %arg13[%add3A_345, %broadcast_in_dim3A_340], %gather3A_341 : memref<144x128xf32, #tpu.memory_space<vmem>>[vector<16xi32>, vector<16xi32>], vector<16xf32>,
            %broadcast_in_dim3A_346 = arith.constant 13 : i32
            %broadcast_in_dim3A_347 = vector.broadcast %broadcast_in_dim3A_346 : i32 to vector<16xi32>
            %gather3A_348 = tpu.vector_load_idx %arg7[%broadcast_in_dim3A_347, %min3A_250] : memref<32x2048xf32, #tpu.memory_space<vmem>>[vector<16xi32>, vector<16xi32>], vector<16xf32>,
            %mul3A_349 = arith.constant 16 : i32
            %mul3A_350 = arith.muli %while3A_228, %mul3A_349 : i32
            %add3A_351 = vector.broadcast %mul3A_350 : i32 to vector<16xi32>
            %add3A_352 = arith.addi %add3A_351, %iota3A : vector<16xi32>
            tpu.vector_store_idx %arg13[%add3A_352, %broadcast_in_dim3A_347], %gather3A_348 : memref<144x128xf32, #tpu.memory_space<vmem>>[vector<16xi32>, vector<16xi32>], vector<16xf32>,
            %broadcast_in_dim3A_353 = arith.constant 14 : i32
            %broadcast_in_dim3A_354 = vector.broadcast %broadcast_in_dim3A_353 : i32 to vector<16xi32>
            %gather3A_355 = tpu.vector_load_idx %arg7[%broadcast_in_dim3A_354, %min3A_250] : memref<32x2048xf32, #tpu.memory_space<vmem>>[vector<16xi32>, vector<16xi32>], vector<16xf32>,
            %mul3A_356 = arith.constant 16 : i32
            %mul3A_357 = arith.muli %while3A_228, %mul3A_356 : i32
            %add3A_358 = vector.broadcast %mul3A_357 : i32 to vector<16xi32>
            %add3A_359 = arith.addi %add3A_358, %iota3A : vector<16xi32>
            tpu.vector_store_idx %arg13[%add3A_359, %broadcast_in_dim3A_354], %gather3A_355 : memref<144x128xf32, #tpu.memory_space<vmem>>[vector<16xi32>, vector<16xi32>], vector<16xf32>,
            %broadcast_in_dim3A_360 = arith.constant 15 : i32
            %broadcast_in_dim3A_361 = vector.broadcast %broadcast_in_dim3A_360 : i32 to vector<16xi32>
            %gather3A_362 = tpu.vector_load_idx %arg7[%broadcast_in_dim3A_361, %min3A_250] : memref<32x2048xf32, #tpu.memory_space<vmem>>[vector<16xi32>, vector<16xi32>], vector<16xf32>,
            %mul3A_363 = arith.constant 16 : i32
            %mul3A_364 = arith.muli %while3A_228, %mul3A_363 : i32
            %add3A_365 = vector.broadcast %mul3A_364 : i32 to vector<16xi32>
            %add3A_366 = arith.addi %add3A_365, %iota3A : vector<16xi32>
            tpu.vector_store_idx %arg13[%add3A_366, %broadcast_in_dim3A_361], %gather3A_362 : memref<144x128xf32, #tpu.memory_space<vmem>>[vector<16xi32>, vector<16xi32>], vector<16xf32>,
            %broadcast_in_dim3A_367 = arith.constant 16 : i32
            %broadcast_in_dim3A_368 = vector.broadcast %broadcast_in_dim3A_367 : i32 to vector<16xi32>
            %gather3A_369 = tpu.vector_load_idx %arg7[%broadcast_in_dim3A_368, %min3A_250] : memref<32x2048xf32, #tpu.memory_space<vmem>>[vector<16xi32>, vector<16xi32>], vector<16xf32>,
            %mul3A_370 = arith.constant 16 : i32
            %mul3A_371 = arith.muli %while3A_228, %mul3A_370 : i32
            %add3A_372 = vector.broadcast %mul3A_371 : i32 to vector<16xi32>
            %add3A_373 = arith.addi %add3A_372, %iota3A : vector<16xi32>
            tpu.vector_store_idx %arg13[%add3A_373, %broadcast_in_dim3A_368], %gather3A_369 : memref<144x128xf32, #tpu.memory_space<vmem>>[vector<16xi32>, vector<16xi32>], vector<16xf32>,
            %broadcast_in_dim3A_374 = arith.constant 17 : i32
            %broadcast_in_dim3A_375 = vector.broadcast %broadcast_in_dim3A_374 : i32 to vector<16xi32>
            %gather3A_376 = tpu.vector_load_idx %arg7[%broadcast_in_dim3A_375, %min3A_250] : memref<32x2048xf32, #tpu.memory_space<vmem>>[vector<16xi32>, vector<16xi32>], vector<16xf32>,
            %mul3A_377 = arith.constant 16 : i32
            %mul3A_378 = arith.muli %while3A_228, %mul3A_377 : i32
            %add3A_379 = vector.broadcast %mul3A_378 : i32 to vector<16xi32>
            %add3A_380 = arith.addi %add3A_379, %iota3A : vector<16xi32>
            tpu.vector_store_idx %arg13[%add3A_380, %broadcast_in_dim3A_375], %gather3A_376 : memref<144x128xf32, #tpu.memory_space<vmem>>[vector<16xi32>, vector<16xi32>], vector<16xf32>,
            %broadcast_in_dim3A_381 = arith.constant 18 : i32
            %broadcast_in_dim3A_382 = vector.broadcast %broadcast_in_dim3A_381 : i32 to vector<16xi32>
            %gather3A_383 = tpu.vector_load_idx %arg7[%broadcast_in_dim3A_382, %min3A_250] : memref<32x2048xf32, #tpu.memory_space<vmem>>[vector<16xi32>, vector<16xi32>], vector<16xf32>,
            %mul3A_384 = arith.constant 16 : i32
            %mul3A_385 = arith.muli %while3A_228, %mul3A_384 : i32
            %add3A_386 = vector.broadcast %mul3A_385 : i32 to vector<16xi32>
            %add3A_387 = arith.addi %add3A_386, %iota3A : vector<16xi32>
            tpu.vector_store_idx %arg13[%add3A_387, %broadcast_in_dim3A_382], %gather3A_383 : memref<144x128xf32, #tpu.memory_space<vmem>>[vector<16xi32>, vector<16xi32>], vector<16xf32>,
            %broadcast_in_dim3A_388 = arith.constant 19 : i32
            %broadcast_in_dim3A_389 = vector.broadcast %broadcast_in_dim3A_388 : i32 to vector<16xi32>
            %gather3A_390 = tpu.vector_load_idx %arg7[%broadcast_in_dim3A_389, %min3A_250] : memref<32x2048xf32, #tpu.memory_space<vmem>>[vector<16xi32>, vector<16xi32>], vector<16xf32>,
            %mul3A_391 = arith.constant 16 : i32
            %mul3A_392 = arith.muli %while3A_228, %mul3A_391 : i32
            %add3A_393 = vector.broadcast %mul3A_392 : i32 to vector<16xi32>
            %add3A_394 = arith.addi %add3A_393, %iota3A : vector<16xi32>
            tpu.vector_store_idx %arg13[%add3A_394, %broadcast_in_dim3A_389], %gather3A_390 : memref<144x128xf32, #tpu.memory_space<vmem>>[vector<16xi32>, vector<16xi32>], vector<16xf32>,
            %broadcast_in_dim3A_395 = arith.constant 20 : i32
            %broadcast_in_dim3A_396 = vector.broadcast %broadcast_in_dim3A_395 : i32 to vector<16xi32>
            %gather3A_397 = tpu.vector_load_idx %arg7[%broadcast_in_dim3A_396, %min3A_250] : memref<32x2048xf32, #tpu.memory_space<vmem>>[vector<16xi32>, vector<16xi32>], vector<16xf32>,
            %mul3A_398 = arith.constant 16 : i32
            %mul3A_399 = arith.muli %while3A_228, %mul3A_398 : i32
            %add3A_400 = vector.broadcast %mul3A_399 : i32 to vector<16xi32>
            %add3A_401 = arith.addi %add3A_400, %iota3A : vector<16xi32>
            tpu.vector_store_idx %arg13[%add3A_401, %broadcast_in_dim3A_396], %gather3A_397 : memref<144x128xf32, #tpu.memory_space<vmem>>[vector<16xi32>, vector<16xi32>], vector<16xf32>,
            %broadcast_in_dim3A_402 = arith.constant 21 : i32
            %broadcast_in_dim3A_403 = vector.broadcast %broadcast_in_dim3A_402 : i32 to vector<16xi32>
            %gather3A_404 = tpu.vector_load_idx %arg7[%broadcast_in_dim3A_403, %min3A_250] : memref<32x2048xf32, #tpu.memory_space<vmem>>[vector<16xi32>, vector<16xi32>], vector<16xf32>,
            %mul3A_405 = arith.constant 16 : i32
            %mul3A_406 = arith.muli %while3A_228, %mul3A_405 : i32
            %add3A_407 = vector.broadcast %mul3A_406 : i32 to vector<16xi32>
            %add3A_408 = arith.addi %add3A_407, %iota3A : vector<16xi32>
            tpu.vector_store_idx %arg13[%add3A_408, %broadcast_in_dim3A_403], %gather3A_404 : memref<144x128xf32, #tpu.memory_space<vmem>>[vector<16xi32>, vector<16xi32>], vector<16xf32>,
            %broadcast_in_dim3A_409 = arith.constant 22 : i32
            %broadcast_in_dim3A_410 = vector.broadcast %broadcast_in_dim3A_409 : i32 to vector<16xi32>
            %gather3A_411 = tpu.vector_load_idx %arg7[%broadcast_in_dim3A_410, %min3A_250] : memref<32x2048xf32, #tpu.memory_space<vmem>>[vector<16xi32>, vector<16xi32>], vector<16xf32>,
            %mul3A_412 = arith.constant 16 : i32
            %mul3A_413 = arith.muli %while3A_228, %mul3A_412 : i32
            %add3A_414 = vector.broadcast %mul3A_413 : i32 to vector<16xi32>
            %add3A_415 = arith.addi %add3A_414, %iota3A : vector<16xi32>
            tpu.vector_store_idx %arg13[%add3A_415, %broadcast_in_dim3A_410], %gather3A_411 : memref<144x128xf32, #tpu.memory_space<vmem>>[vector<16xi32>, vector<16xi32>], vector<16xf32>,
            %broadcast_in_dim3A_416 = arith.constant 23 : i32
            %broadcast_in_dim3A_417 = vector.broadcast %broadcast_in_dim3A_416 : i32 to vector<16xi32>
            %gather3A_418 = tpu.vector_load_idx %arg7[%broadcast_in_dim3A_417, %min3A_250] : memref<32x2048xf32, #tpu.memory_space<vmem>>[vector<16xi32>, vector<16xi32>], vector<16xf32>,
            %mul3A_419 = arith.constant 16 : i32
            %mul3A_420 = arith.muli %while3A_228, %mul3A_419 : i32
            %add3A_421 = vector.broadcast %mul3A_420 : i32 to vector<16xi32>
            %add3A_422 = arith.addi %add3A_421, %iota3A : vector<16xi32>
            tpu.vector_store_idx %arg13[%add3A_422, %broadcast_in_dim3A_417], %gather3A_418 : memref<144x128xf32, #tpu.memory_space<vmem>>[vector<16xi32>, vector<16xi32>], vector<16xf32>,
            %broadcast_in_dim3A_423 = arith.constant 24 : i32
            %broadcast_in_dim3A_424 = vector.broadcast %broadcast_in_dim3A_423 : i32 to vector<16xi32>
            %gather3A_425 = tpu.vector_load_idx %arg7[%broadcast_in_dim3A_424, %min3A_250] : memref<32x2048xf32, #tpu.memory_space<vmem>>[vector<16xi32>, vector<16xi32>], vector<16xf32>,
            %mul3A_426 = arith.constant 16 : i32
            %mul3A_427 = arith.muli %while3A_228, %mul3A_426 : i32
            %add3A_428 = vector.broadcast %mul3A_427 : i32 to vector<16xi32>
            %add3A_429 = arith.addi %add3A_428, %iota3A : vector<16xi32>
            tpu.vector_store_idx %arg13[%add3A_429, %broadcast_in_dim3A_424], %gather3A_425 : memref<144x128xf32, #tpu.memory_space<vmem>>[vector<16xi32>, vector<16xi32>], vector<16xf32>,
            %broadcast_in_dim3A_430 = arith.constant 25 : i32
            %broadcast_in_dim3A_431 = vector.broadcast %broadcast_in_dim3A_430 : i32 to vector<16xi32>
            %gather3A_432 = tpu.vector_load_idx %arg7[%broadcast_in_dim3A_431, %min3A_250] : memref<32x2048xf32, #tpu.memory_space<vmem>>[vector<16xi32>, vector<16xi32>], vector<16xf32>,
            %mul3A_433 = arith.constant 16 : i32
            %mul3A_434 = arith.muli %while3A_228, %mul3A_433 : i32
            %add3A_435 = vector.broadcast %mul3A_434 : i32 to vector<16xi32>
            %add3A_436 = arith.addi %add3A_435, %iota3A : vector<16xi32>
            tpu.vector_store_idx %arg13[%add3A_436, %broadcast_in_dim3A_431], %gather3A_432 : memref<144x128xf32, #tpu.memory_space<vmem>>[vector<16xi32>, vector<16xi32>], vector<16xf32>,
            %broadcast_in_dim3A_437 = arith.constant 26 : i32
            %broadcast_in_dim3A_438 = vector.broadcast %broadcast_in_dim3A_437 : i32 to vector<16xi32>
            %gather3A_439 = tpu.vector_load_idx %arg7[%broadcast_in_dim3A_438, %min3A_250] : memref<32x2048xf32, #tpu.memory_space<vmem>>[vector<16xi32>, vector<16xi32>], vector<16xf32>,
            %mul3A_440 = arith.constant 16 : i32
            %mul3A_441 = arith.muli %while3A_228, %mul3A_440 : i32
            %add3A_442 = vector.broadcast %mul3A_441 : i32 to vector<16xi32>
            %add3A_443 = arith.addi %add3A_442, %iota3A : vector<16xi32>
            tpu.vector_store_idx %arg13[%add3A_443, %broadcast_in_dim3A_438], %gather3A_439 : memref<144x128xf32, #tpu.memory_space<vmem>>[vector<16xi32>, vector<16xi32>], vector<16xf32>,
            %broadcast_in_dim3A_444 = arith.constant 27 : i32
            %broadcast_in_dim3A_445 = vector.broadcast %broadcast_in_dim3A_444 : i32 to vector<16xi32>
            %gather3A_446 = tpu.vector_load_idx %arg7[%broadcast_in_dim3A_445, %min3A_250] : memref<32x2048xf32, #tpu.memory_space<vmem>>[vector<16xi32>, vector<16xi32>], vector<16xf32>,
            %mul3A_447 = arith.constant 16 : i32
            %mul3A_448 = arith.muli %while3A_228, %mul3A_447 : i32
            %add3A_449 = vector.broadcast %mul3A_448 : i32 to vector<16xi32>
            %add3A_450 = arith.addi %add3A_449, %iota3A : vector<16xi32>
            tpu.vector_store_idx %arg13[%add3A_450, %broadcast_in_dim3A_445], %gather3A_446 : memref<144x128xf32, #tpu.memory_space<vmem>>[vector<16xi32>, vector<16xi32>], vector<16xf32>,
            %broadcast_in_dim3A_451 = arith.constant 28 : i32
            %broadcast_in_dim3A_452 = vector.broadcast %broadcast_in_dim3A_451 : i32 to vector<16xi32>
            %gather3A_453 = tpu.vector_load_idx %arg7[%broadcast_in_dim3A_452, %min3A_250] : memref<32x2048xf32, #tpu.memory_space<vmem>>[vector<16xi32>, vector<16xi32>], vector<16xf32>,
            %mul3A_454 = arith.constant 16 : i32
            %mul3A_455 = arith.muli %while3A_228, %mul3A_454 : i32
            %add3A_456 = vector.broadcast %mul3A_455 : i32 to vector<16xi32>
            %add3A_457 = arith.addi %add3A_456, %iota3A : vector<16xi32>
            tpu.vector_store_idx %arg13[%add3A_457, %broadcast_in_dim3A_452], %gather3A_453 : memref<144x128xf32, #tpu.memory_space<vmem>>[vector<16xi32>, vector<16xi32>], vector<16xf32>,
            %broadcast_in_dim3A_458 = arith.constant 29 : i32
            %broadcast_in_dim3A_459 = vector.broadcast %broadcast_in_dim3A_458 : i32 to vector<16xi32>
            %gather3A_460 = tpu.vector_load_idx %arg7[%broadcast_in_dim3A_459, %min3A_250] : memref<32x2048xf32, #tpu.memory_space<vmem>>[vector<16xi32>, vector<16xi32>], vector<16xf32>,
            %mul3A_461 = arith.constant 16 : i32
            %mul3A_462 = arith.muli %while3A_228, %mul3A_461 : i32
            %add3A_463 = vector.broadcast %mul3A_462 : i32 to vector<16xi32>
            %add3A_464 = arith.addi %add3A_463, %iota3A : vector<16xi32>
            tpu.vector_store_idx %arg13[%add3A_464, %broadcast_in_dim3A_459], %gather3A_460 : memref<144x128xf32, #tpu.memory_space<vmem>>[vector<16xi32>, vector<16xi32>], vector<16xf32>,
            %broadcast_in_dim3A_465 = arith.constant 30 : i32
            %broadcast_in_dim3A_466 = vector.broadcast %broadcast_in_dim3A_465 : i32 to vector<16xi32>
            %gather3A_467 = tpu.vector_load_idx %arg7[%broadcast_in_dim3A_466, %min3A_250] : memref<32x2048xf32, #tpu.memory_space<vmem>>[vector<16xi32>, vector<16xi32>], vector<16xf32>,
            %mul3A_468 = arith.constant 16 : i32
            %mul3A_469 = arith.muli %while3A_228, %mul3A_468 : i32
            %add3A_470 = vector.broadcast %mul3A_469 : i32 to vector<16xi32>
            %add3A_471 = arith.addi %add3A_470, %iota3A : vector<16xi32>
            tpu.vector_store_idx %arg13[%add3A_471, %broadcast_in_dim3A_466], %gather3A_467 : memref<144x128xf32, #tpu.memory_space<vmem>>[vector<16xi32>, vector<16xi32>], vector<16xf32>,
            %broadcast_in_dim3A_472 = arith.constant 31 : i32
            %broadcast_in_dim3A_473 = vector.broadcast %broadcast_in_dim3A_472 : i32 to vector<16xi32>
            %gather3A_474 = tpu.vector_load_idx %arg7[%broadcast_in_dim3A_473, %min3A_250] : memref<32x2048xf32, #tpu.memory_space<vmem>>[vector<16xi32>, vector<16xi32>], vector<16xf32>,
            %mul3A_475 = arith.constant 16 : i32
            %mul3A_476 = arith.muli %while3A_228, %mul3A_475 : i32
            %add3A_477 = vector.broadcast %mul3A_476 : i32 to vector<16xi32>
            %add3A_478 = arith.addi %add3A_477, %iota3A : vector<16xi32>
            tpu.vector_store_idx %arg13[%add3A_478, %broadcast_in_dim3A_473], %gather3A_474 : memref<144x128xf32, #tpu.memory_space<vmem>>[vector<16xi32>, vector<16xi32>], vector<16xf32>,
            %eq3A_479 = arith.constant 0 : i32
            %eq3A_480 = arith.cmpi eq, %arg0, %eq3A_479 : i32
            %convert_element_type3A_481 = arith.extui %eq3A_480 : i1 to i32
            %cond3A_482 = arith.constant 0 : i32
            %cond3A_483 = arith.cmpi ne, %convert_element_type3A_481, %cond3A_482 : i32
            scf.if %cond3A_483 {
              %mul3A_489 = arith.constant 16 : i32
              %mul3A_490 = arith.muli %while3A_228, %mul3A_489 : i32
              %dma_start3A = arith.constant 0 : i32
              %dma_start3A_491 = tpu.memref_slice %arg13[%mul3A_490, %dma_start3A] : memref<144x128xf32, #tpu.memory_space<vmem>> -> memref<16x128xf32, #tpu.memory_space<vmem>>
              %dma_start3A_492 = arith.constant 0 : i32
              %dma_start3A_493 = tpu.memref_slice %arg14[%while3A_228, %dma_start3A_492] : memref<9x16xi32, #tpu.memory_space<vmem>> -> memref<1x16xi32, #tpu.memory_space<vmem>>
              %dma_start3A_494 = tpu.memref_squeeze %dma_start3A_493 : memref<1x16xi32, #tpu.memory_space<vmem>> -> memref<16xi32, #tpu.memory_space<vmem>>
              %dma_start3A_495 = arith.constant 0 : i32
              %dma_start3A_496 = arith.constant 0 : i32
              %dma_start3A_497 = tpu.memref_slice %arg5[%dma_start3A_495, %dma_start3A_496] : memref<16400x128xf32, #tpu.memory_space<hbm>> -> memref<16400x128xf32, #tpu.memory_space<hbm>>
              tpu.enqueue_indirect_dma source(%dma_start3A_491 : memref<16x128xf32, #tpu.memory_space<vmem>>) target(%dma_start3A_497 : memref<16400x128xf32, #tpu.memory_space<hbm>>) offsets(%dma_start3A_494 : memref<16xi32, #tpu.memory_space<vmem>>) semaphore(%arg17 : memref<!tpu.dma_semaphore, #tpu.memory_space<semaphore_mem>>)
            } else {
            }
            %eq3A_484 = arith.constant 1 : i32
            %eq3A_485 = arith.cmpi eq, %arg0, %eq3A_484 : i32
            %convert_element_type3A_486 = arith.extui %eq3A_485 : i1 to i32
            %cond3A_487 = arith.constant 0 : i32
            %cond3A_488 = arith.cmpi ne, %convert_element_type3A_486, %cond3A_487 : i32
            scf.if %cond3A_488 {
              %mul3A_489 = arith.constant 16 : i32
              %mul3A_490 = arith.muli %while3A_228, %mul3A_489 : i32
              %dma_start3A = arith.constant 0 : i32
              %dma_start3A_491 = tpu.memref_slice %arg13[%mul3A_490, %dma_start3A] : memref<144x128xf32, #tpu.memory_space<vmem>> -> memref<16x128xf32, #tpu.memory_space<vmem>>
              %dma_start3A_492 = arith.constant 0 : i32
              %dma_start3A_493 = tpu.memref_slice %arg14[%while3A_228, %dma_start3A_492] : memref<9x16xi32, #tpu.memory_space<vmem>> -> memref<1x16xi32, #tpu.memory_space<vmem>>
              %dma_start3A_494 = tpu.memref_squeeze %dma_start3A_493 : memref<1x16xi32, #tpu.memory_space<vmem>> -> memref<16xi32, #tpu.memory_space<vmem>>
              %dma_start3A_495 = arith.constant 0 : i32
              %dma_start3A_496 = arith.constant 0 : i32
              %dma_start3A_497 = tpu.memref_slice %arg6[%dma_start3A_495, %dma_start3A_496] : memref<16400x128xf32, #tpu.memory_space<hbm>> -> memref<16400x128xf32, #tpu.memory_space<hbm>>
              tpu.enqueue_indirect_dma source(%dma_start3A_491 : memref<16x128xf32, #tpu.memory_space<vmem>>) target(%dma_start3A_497 : memref<16400x128xf32, #tpu.memory_space<hbm>>) offsets(%dma_start3A_494 : memref<16xi32, #tpu.memory_space<vmem>>) semaphore(%arg17 : memref<!tpu.dma_semaphore, #tpu.memory_space<semaphore_mem>>)
            } else {
            }
          }
          %while3A_217 = arith.constant 1 : i32
          scf.for %while3A_228 = %while3A_215 to %while3A_211 step %while3A_217  : i32 {
            %mul3A_229 = arith.constant 16 : i32
            %mul3A_230 = arith.muli %while3A_228, %mul3A_229 : i32
            %get3A_231 = arith.index_cast %mul3A_230 : i32 to index
            %get3A_232 = tpu.vector_load %arg11[%get3A_231] {strides = array<i32>} : memref<144xi32, #tpu.memory_space<vmem>>, vector<16xi32>,
            %mul3A_233 = arith.constant 16 : i32
            %mul3A_234 = arith.muli %while3A_228, %mul3A_233 : i32
            %get3A_235 = arith.index_cast %mul3A_234 : i32 to index
            %get3A_236 = tpu.vector_load %arg12[%get3A_235] {strides = array<i32>} : memref<144xi32, #tpu.memory_space<vmem>>, vector<16xi32>,
            %mul3A_237 = arith.constant 16 : i32
            %mul3A_238 = arith.muli %while3A_228, %mul3A_237 : i32
            %add3A_239 = vector.broadcast %mul3A_238 : i32 to vector<16xi32>
            %add3A_240 = arith.addi %add3A_239, %iota3A : vector<16xi32>
            %lt3A_241 = vector.broadcast %add3A_175 : i32 to vector<16xi32>
            %lt3A_242 = arith.cmpi slt, %add3A_240, %lt3A_241 : vector<16xi32>
            %mul3A_243 = arith.constant 2048 : i32
            %mul3A_244 = arith.muli %add3A_41, %mul3A_243 : i32
            %sub3A_245 = vector.broadcast %mul3A_244 : i32 to vector<16xi32>
            %sub3A_246 = arith.subi %get3A_232, %sub3A_245 : vector<16xi32>
            %jit3A_247 = arith.constant 0 : i32
            %jit3A_248 = arith.constant 2047 : i32
            %max3A = vector.broadcast %jit3A_247 : i32 to vector<16xi32>
            %max3A_249 = arith.maxsi %max3A, %sub3A_246 : vector<16xi32>
            %min3A = vector.broadcast %jit3A_248 : i32 to vector<16xi32>
            %min3A_250 = arith.minsi %min3A, %max3A_249 : vector<16xi32>
            %add3A_251 = arith.constant 16384 : i32
            %add3A_252 = vector.broadcast %add3A_251 : i32 to vector<16xi32>
            %add3A_253 = arith.addi %add3A_252, %iota3A : vector<16xi32>
            %select_n3A_254 = arith.select %lt3A_242, %get3A_236, %add3A_253 : vector<16xi1>, vector<16xi32>
            %broadcast_in_dim3A_255 = vector.broadcast %while3A_228 : i32 to vector<16xi32>
            tpu.vector_store_idx %arg14[%broadcast_in_dim3A_255, %iota3A], %select_n3A_254 : memref<9x16xi32, #tpu.memory_space<vmem>>[vector<16xi32>, vector<16xi32>], vector<16xi32>,
            %broadcast_in_dim3A_256 = arith.constant 0 : i32
            %broadcast_in_dim3A_257 = vector.broadcast %broadcast_in_dim3A_256 : i32 to vector<16xi32>
            %gather3A = tpu.vector_load_idx %arg7[%broadcast_in_dim3A_257, %min3A_250] : memref<32x2048xf32, #tpu.memory_space<vmem>>[vector<16xi32>, vector<16xi32>], vector<16xf32>,
            %mul3A_258 = arith.constant 16 : i32
            %mul3A_259 = arith.muli %while3A_228, %mul3A_258 : i32
            %add3A_260 = vector.broadcast %mul3A_259 : i32 to vector<16xi32>
            %add3A_261 = arith.addi %add3A_260, %iota3A : vector<16xi32>
            tpu.vector_store_idx %arg13[%add3A_261, %broadcast_in_dim3A_257], %gather3A : memref<144x128xf32, #tpu.memory_space<vmem>>[vector<16xi32>, vector<16xi32>], vector<16xf32>,
            %broadcast_in_dim3A_262 = arith.constant 1 : i32
            %broadcast_in_dim3A_263 = vector.broadcast %broadcast_in_dim3A_262 : i32 to vector<16xi32>
            %gather3A_264 = tpu.vector_load_idx %arg7[%broadcast_in_dim3A_263, %min3A_250] : memref<32x2048xf32, #tpu.memory_space<vmem>>[vector<16xi32>, vector<16xi32>], vector<16xf32>,
            %mul3A_265 = arith.constant 16 : i32
            %mul3A_266 = arith.muli %while3A_228, %mul3A_265 : i32
            %add3A_267 = vector.broadcast %mul3A_266 : i32 to vector<16xi32>
            %add3A_268 = arith.addi %add3A_267, %iota3A : vector<16xi32>
            tpu.vector_store_idx %arg13[%add3A_268, %broadcast_in_dim3A_263], %gather3A_264 : memref<144x128xf32, #tpu.memory_space<vmem>>[vector<16xi32>, vector<16xi32>], vector<16xf32>,
            %broadcast_in_dim3A_269 = arith.constant 2 : i32
            %broadcast_in_dim3A_270 = vector.broadcast %broadcast_in_dim3A_269 : i32 to vector<16xi32>
            %gather3A_271 = tpu.vector_load_idx %arg7[%broadcast_in_dim3A_270, %min3A_250] : memref<32x2048xf32, #tpu.memory_space<vmem>>[vector<16xi32>, vector<16xi32>], vector<16xf32>,
            %mul3A_272 = arith.constant 16 : i32
            %mul3A_273 = arith.muli %while3A_228, %mul3A_272 : i32
            %add3A_274 = vector.broadcast %mul3A_273 : i32 to vector<16xi32>
            %add3A_275 = arith.addi %add3A_274, %iota3A : vector<16xi32>
            tpu.vector_store_idx %arg13[%add3A_275, %broadcast_in_dim3A_270], %gather3A_271 : memref<144x128xf32, #tpu.memory_space<vmem>>[vector<16xi32>, vector<16xi32>], vector<16xf32>,
            %broadcast_in_dim3A_276 = arith.constant 3 : i32
            %broadcast_in_dim3A_277 = vector.broadcast %broadcast_in_dim3A_276 : i32 to vector<16xi32>
            %gather3A_278 = tpu.vector_load_idx %arg7[%broadcast_in_dim3A_277, %min3A_250] : memref<32x2048xf32, #tpu.memory_space<vmem>>[vector<16xi32>, vector<16xi32>], vector<16xf32>,
            %mul3A_279 = arith.constant 16 : i32
            %mul3A_280 = arith.muli %while3A_228, %mul3A_279 : i32
            %add3A_281 = vector.broadcast %mul3A_280 : i32 to vector<16xi32>
            %add3A_282 = arith.addi %add3A_281, %iota3A : vector<16xi32>
            tpu.vector_store_idx %arg13[%add3A_282, %broadcast_in_dim3A_277], %gather3A_278 : memref<144x128xf32, #tpu.memory_space<vmem>>[vector<16xi32>, vector<16xi32>], vector<16xf32>,
            %broadcast_in_dim3A_283 = arith.constant 4 : i32
            %broadcast_in_dim3A_284 = vector.broadcast %broadcast_in_dim3A_283 : i32 to vector<16xi32>
            %gather3A_285 = tpu.vector_load_idx %arg7[%broadcast_in_dim3A_284, %min3A_250] : memref<32x2048xf32, #tpu.memory_space<vmem>>[vector<16xi32>, vector<16xi32>], vector<16xf32>,
            %mul3A_286 = arith.constant 16 : i32
            %mul3A_287 = arith.muli %while3A_228, %mul3A_286 : i32
            %add3A_288 = vector.broadcast %mul3A_287 : i32 to vector<16xi32>
            %add3A_289 = arith.addi %add3A_288, %iota3A : vector<16xi32>
            tpu.vector_store_idx %arg13[%add3A_289, %broadcast_in_dim3A_284], %gather3A_285 : memref<144x128xf32, #tpu.memory_space<vmem>>[vector<16xi32>, vector<16xi32>], vector<16xf32>,
            %broadcast_in_dim3A_290 = arith.constant 5 : i32
            %broadcast_in_dim3A_291 = vector.broadcast %broadcast_in_dim3A_290 : i32 to vector<16xi32>
            %gather3A_292 = tpu.vector_load_idx %arg7[%broadcast_in_dim3A_291, %min3A_250] : memref<32x2048xf32, #tpu.memory_space<vmem>>[vector<16xi32>, vector<16xi32>], vector<16xf32>,
            %mul3A_293 = arith.constant 16 : i32
            %mul3A_294 = arith.muli %while3A_228, %mul3A_293 : i32
            %add3A_295 = vector.broadcast %mul3A_294 : i32 to vector<16xi32>
            %add3A_296 = arith.addi %add3A_295, %iota3A : vector<16xi32>
            tpu.vector_store_idx %arg13[%add3A_296, %broadcast_in_dim3A_291], %gather3A_292 : memref<144x128xf32, #tpu.memory_space<vmem>>[vector<16xi32>, vector<16xi32>], vector<16xf32>,
            %broadcast_in_dim3A_297 = arith.constant 6 : i32
            %broadcast_in_dim3A_298 = vector.broadcast %broadcast_in_dim3A_297 : i32 to vector<16xi32>
            %gather3A_299 = tpu.vector_load_idx %arg7[%broadcast_in_dim3A_298, %min3A_250] : memref<32x2048xf32, #tpu.memory_space<vmem>>[vector<16xi32>, vector<16xi32>], vector<16xf32>,
            %mul3A_300 = arith.constant 16 : i32
            %mul3A_301 = arith.muli %while3A_228, %mul3A_300 : i32
            %add3A_302 = vector.broadcast %mul3A_301 : i32 to vector<16xi32>
            %add3A_303 = arith.addi %add3A_302, %iota3A : vector<16xi32>
            tpu.vector_store_idx %arg13[%add3A_303, %broadcast_in_dim3A_298], %gather3A_299 : memref<144x128xf32, #tpu.memory_space<vmem>>[vector<16xi32>, vector<16xi32>], vector<16xf32>,
            %broadcast_in_dim3A_304 = arith.constant 7 : i32
            %broadcast_in_dim3A_305 = vector.broadcast %broadcast_in_dim3A_304 : i32 to vector<16xi32>
            %gather3A_306 = tpu.vector_load_idx %arg7[%broadcast_in_dim3A_305, %min3A_250] : memref<32x2048xf32, #tpu.memory_space<vmem>>[vector<16xi32>, vector<16xi32>], vector<16xf32>,
            %mul3A_307 = arith.constant 16 : i32
            %mul3A_308 = arith.muli %while3A_228, %mul3A_307 : i32
            %add3A_309 = vector.broadcast %mul3A_308 : i32 to vector<16xi32>
            %add3A_310 = arith.addi %add3A_309, %iota3A : vector<16xi32>
            tpu.vector_store_idx %arg13[%add3A_310, %broadcast_in_dim3A_305], %gather3A_306 : memref<144x128xf32, #tpu.memory_space<vmem>>[vector<16xi32>, vector<16xi32>], vector<16xf32>,
            %broadcast_in_dim3A_311 = arith.constant 8 : i32
            %broadcast_in_dim3A_312 = vector.broadcast %broadcast_in_dim3A_311 : i32 to vector<16xi32>
            %gather3A_313 = tpu.vector_load_idx %arg7[%broadcast_in_dim3A_312, %min3A_250] : memref<32x2048xf32, #tpu.memory_space<vmem>>[vector<16xi32>, vector<16xi32>], vector<16xf32>,
            %mul3A_314 = arith.constant 16 : i32
            %mul3A_315 = arith.muli %while3A_228, %mul3A_314 : i32
            %add3A_316 = vector.broadcast %mul3A_315 : i32 to vector<16xi32>
            %add3A_317 = arith.addi %add3A_316, %iota3A : vector<16xi32>
            tpu.vector_store_idx %arg13[%add3A_317, %broadcast_in_dim3A_312], %gather3A_313 : memref<144x128xf32, #tpu.memory_space<vmem>>[vector<16xi32>, vector<16xi32>], vector<16xf32>,
            %broadcast_in_dim3A_318 = arith.constant 9 : i32
            %broadcast_in_dim3A_319 = vector.broadcast %broadcast_in_dim3A_318 : i32 to vector<16xi32>
            %gather3A_320 = tpu.vector_load_idx %arg7[%broadcast_in_dim3A_319, %min3A_250] : memref<32x2048xf32, #tpu.memory_space<vmem>>[vector<16xi32>, vector<16xi32>], vector<16xf32>,
            %mul3A_321 = arith.constant 16 : i32
            %mul3A_322 = arith.muli %while3A_228, %mul3A_321 : i32
            %add3A_323 = vector.broadcast %mul3A_322 : i32 to vector<16xi32>
            %add3A_324 = arith.addi %add3A_323, %iota3A : vector<16xi32>
            tpu.vector_store_idx %arg13[%add3A_324, %broadcast_in_dim3A_319], %gather3A_320 : memref<144x128xf32, #tpu.memory_space<vmem>>[vector<16xi32>, vector<16xi32>], vector<16xf32>,
            %broadcast_in_dim3A_325 = arith.constant 10 : i32
            %broadcast_in_dim3A_326 = vector.broadcast %broadcast_in_dim3A_325 : i32 to vector<16xi32>
            %gather3A_327 = tpu.vector_load_idx %arg7[%broadcast_in_dim3A_326, %min3A_250] : memref<32x2048xf32, #tpu.memory_space<vmem>>[vector<16xi32>, vector<16xi32>], vector<16xf32>,
            %mul3A_328 = arith.constant 16 : i32
            %mul3A_329 = arith.muli %while3A_228, %mul3A_328 : i32
            %add3A_330 = vector.broadcast %mul3A_329 : i32 to vector<16xi32>
            %add3A_331 = arith.addi %add3A_330, %iota3A : vector<16xi32>
            tpu.vector_store_idx %arg13[%add3A_331, %broadcast_in_dim3A_326], %gather3A_327 : memref<144x128xf32, #tpu.memory_space<vmem>>[vector<16xi32>, vector<16xi32>], vector<16xf32>,
            %broadcast_in_dim3A_332 = arith.constant 11 : i32
            %broadcast_in_dim3A_333 = vector.broadcast %broadcast_in_dim3A_332 : i32 to vector<16xi32>
            %gather3A_334 = tpu.vector_load_idx %arg7[%broadcast_in_dim3A_333, %min3A_250] : memref<32x2048xf32, #tpu.memory_space<vmem>>[vector<16xi32>, vector<16xi32>], vector<16xf32>,
            %mul3A_335 = arith.constant 16 : i32
            %mul3A_336 = arith.muli %while3A_228, %mul3A_335 : i32
            %add3A_337 = vector.broadcast %mul3A_336 : i32 to vector<16xi32>
            %add3A_338 = arith.addi %add3A_337, %iota3A : vector<16xi32>
            tpu.vector_store_idx %arg13[%add3A_338, %broadcast_in_dim3A_333], %gather3A_334 : memref<144x128xf32, #tpu.memory_space<vmem>>[vector<16xi32>, vector<16xi32>], vector<16xf32>,
            %broadcast_in_dim3A_339 = arith.constant 12 : i32
            %broadcast_in_dim3A_340 = vector.broadcast %broadcast_in_dim3A_339 : i32 to vector<16xi32>
            %gather3A_341 = tpu.vector_load_idx %arg7[%broadcast_in_dim3A_340, %min3A_250] : memref<32x2048xf32, #tpu.memory_space<vmem>>[vector<16xi32>, vector<16xi32>], vector<16xf32>,
            %mul3A_342 = arith.constant 16 : i32
            %mul3A_343 = arith.muli %while3A_228, %mul3A_342 : i32
            %add3A_344 = vector.broadcast %mul3A_343 : i32 to vector<16xi32>
            %add3A_345 = arith.addi %add3A_344, %iota3A : vector<16xi32>
            tpu.vector_store_idx %arg13[%add3A_345, %broadcast_in_dim3A_340], %gather3A_341 : memref<144x128xf32, #tpu.memory_space<vmem>>[vector<16xi32>, vector<16xi32>], vector<16xf32>,
            %broadcast_in_dim3A_346 = arith.constant 13 : i32
            %broadcast_in_dim3A_347 = vector.broadcast %broadcast_in_dim3A_346 : i32 to vector<16xi32>
            %gather3A_348 = tpu.vector_load_idx %arg7[%broadcast_in_dim3A_347, %min3A_250] : memref<32x2048xf32, #tpu.memory_space<vmem>>[vector<16xi32>, vector<16xi32>], vector<16xf32>,
            %mul3A_349 = arith.constant 16 : i32
            %mul3A_350 = arith.muli %while3A_228, %mul3A_349 : i32
            %add3A_351 = vector.broadcast %mul3A_350 : i32 to vector<16xi32>
            %add3A_352 = arith.addi %add3A_351, %iota3A : vector<16xi32>
            tpu.vector_store_idx %arg13[%add3A_352, %broadcast_in_dim3A_347], %gather3A_348 : memref<144x128xf32, #tpu.memory_space<vmem>>[vector<16xi32>, vector<16xi32>], vector<16xf32>,
            %broadcast_in_dim3A_353 = arith.constant 14 : i32
            %broadcast_in_dim3A_354 = vector.broadcast %broadcast_in_dim3A_353 : i32 to vector<16xi32>
            %gather3A_355 = tpu.vector_load_idx %arg7[%broadcast_in_dim3A_354, %min3A_250] : memref<32x2048xf32, #tpu.memory_space<vmem>>[vector<16xi32>, vector<16xi32>], vector<16xf32>,
            %mul3A_356 = arith.constant 16 : i32
            %mul3A_357 = arith.muli %while3A_228, %mul3A_356 : i32
            %add3A_358 = vector.broadcast %mul3A_357 : i32 to vector<16xi32>
            %add3A_359 = arith.addi %add3A_358, %iota3A : vector<16xi32>
            tpu.vector_store_idx %arg13[%add3A_359, %broadcast_in_dim3A_354], %gather3A_355 : memref<144x128xf32, #tpu.memory_space<vmem>>[vector<16xi32>, vector<16xi32>], vector<16xf32>,
            %broadcast_in_dim3A_360 = arith.constant 15 : i32
            %broadcast_in_dim3A_361 = vector.broadcast %broadcast_in_dim3A_360 : i32 to vector<16xi32>
            %gather3A_362 = tpu.vector_load_idx %arg7[%broadcast_in_dim3A_361, %min3A_250] : memref<32x2048xf32, #tpu.memory_space<vmem>>[vector<16xi32>, vector<16xi32>], vector<16xf32>,
            %mul3A_363 = arith.constant 16 : i32
            %mul3A_364 = arith.muli %while3A_228, %mul3A_363 : i32
            %add3A_365 = vector.broadcast %mul3A_364 : i32 to vector<16xi32>
            %add3A_366 = arith.addi %add3A_365, %iota3A : vector<16xi32>
            tpu.vector_store_idx %arg13[%add3A_366, %broadcast_in_dim3A_361], %gather3A_362 : memref<144x128xf32, #tpu.memory_space<vmem>>[vector<16xi32>, vector<16xi32>], vector<16xf32>,
            %broadcast_in_dim3A_367 = arith.constant 16 : i32
            %broadcast_in_dim3A_368 = vector.broadcast %broadcast_in_dim3A_367 : i32 to vector<16xi32>
            %gather3A_369 = tpu.vector_load_idx %arg7[%broadcast_in_dim3A_368, %min3A_250] : memref<32x2048xf32, #tpu.memory_space<vmem>>[vector<16xi32>, vector<16xi32>], vector<16xf32>,
            %mul3A_370 = arith.constant 16 : i32
            %mul3A_371 = arith.muli %while3A_228, %mul3A_370 : i32
            %add3A_372 = vector.broadcast %mul3A_371 : i32 to vector<16xi32>
            %add3A_373 = arith.addi %add3A_372, %iota3A : vector<16xi32>
            tpu.vector_store_idx %arg13[%add3A_373, %broadcast_in_dim3A_368], %gather3A_369 : memref<144x128xf32, #tpu.memory_space<vmem>>[vector<16xi32>, vector<16xi32>], vector<16xf32>,
            %broadcast_in_dim3A_374 = arith.constant 17 : i32
            %broadcast_in_dim3A_375 = vector.broadcast %broadcast_in_dim3A_374 : i32 to vector<16xi32>
            %gather3A_376 = tpu.vector_load_idx %arg7[%broadcast_in_dim3A_375, %min3A_250] : memref<32x2048xf32, #tpu.memory_space<vmem>>[vector<16xi32>, vector<16xi32>], vector<16xf32>,
            %mul3A_377 = arith.constant 16 : i32
            %mul3A_378 = arith.muli %while3A_228, %mul3A_377 : i32
            %add3A_379 = vector.broadcast %mul3A_378 : i32 to vector<16xi32>
            %add3A_380 = arith.addi %add3A_379, %iota3A : vector<16xi32>
            tpu.vector_store_idx %arg13[%add3A_380, %broadcast_in_dim3A_375], %gather3A_376 : memref<144x128xf32, #tpu.memory_space<vmem>>[vector<16xi32>, vector<16xi32>], vector<16xf32>,
            %broadcast_in_dim3A_381 = arith.constant 18 : i32
            %broadcast_in_dim3A_382 = vector.broadcast %broadcast_in_dim3A_381 : i32 to vector<16xi32>
            %gather3A_383 = tpu.vector_load_idx %arg7[%broadcast_in_dim3A_382, %min3A_250] : memref<32x2048xf32, #tpu.memory_space<vmem>>[vector<16xi32>, vector<16xi32>], vector<16xf32>,
            %mul3A_384 = arith.constant 16 : i32
            %mul3A_385 = arith.muli %while3A_228, %mul3A_384 : i32
            %add3A_386 = vector.broadcast %mul3A_385 : i32 to vector<16xi32>
            %add3A_387 = arith.addi %add3A_386, %iota3A : vector<16xi32>
            tpu.vector_store_idx %arg13[%add3A_387, %broadcast_in_dim3A_382], %gather3A_383 : memref<144x128xf32, #tpu.memory_space<vmem>>[vector<16xi32>, vector<16xi32>], vector<16xf32>,
            %broadcast_in_dim3A_388 = arith.constant 19 : i32
            %broadcast_in_dim3A_389 = vector.broadcast %broadcast_in_dim3A_388 : i32 to vector<16xi32>
            %gather3A_390 = tpu.vector_load_idx %arg7[%broadcast_in_dim3A_389, %min3A_250] : memref<32x2048xf32, #tpu.memory_space<vmem>>[vector<16xi32>, vector<16xi32>], vector<16xf32>,
            %mul3A_391 = arith.constant 16 : i32
            %mul3A_392 = arith.muli %while3A_228, %mul3A_391 : i32
            %add3A_393 = vector.broadcast %mul3A_392 : i32 to vector<16xi32>
            %add3A_394 = arith.addi %add3A_393, %iota3A : vector<16xi32>
            tpu.vector_store_idx %arg13[%add3A_394, %broadcast_in_dim3A_389], %gather3A_390 : memref<144x128xf32, #tpu.memory_space<vmem>>[vector<16xi32>, vector<16xi32>], vector<16xf32>,
            %broadcast_in_dim3A_395 = arith.constant 20 : i32
            %broadcast_in_dim3A_396 = vector.broadcast %broadcast_in_dim3A_395 : i32 to vector<16xi32>
            %gather3A_397 = tpu.vector_load_idx %arg7[%broadcast_in_dim3A_396, %min3A_250] : memref<32x2048xf32, #tpu.memory_space<vmem>>[vector<16xi32>, vector<16xi32>], vector<16xf32>,
            %mul3A_398 = arith.constant 16 : i32
            %mul3A_399 = arith.muli %while3A_228, %mul3A_398 : i32
            %add3A_400 = vector.broadcast %mul3A_399 : i32 to vector<16xi32>
            %add3A_401 = arith.addi %add3A_400, %iota3A : vector<16xi32>
            tpu.vector_store_idx %arg13[%add3A_401, %broadcast_in_dim3A_396], %gather3A_397 : memref<144x128xf32, #tpu.memory_space<vmem>>[vector<16xi32>, vector<16xi32>], vector<16xf32>,
            %broadcast_in_dim3A_402 = arith.constant 21 : i32
            %broadcast_in_dim3A_403 = vector.broadcast %broadcast_in_dim3A_402 : i32 to vector<16xi32>
            %gather3A_404 = tpu.vector_load_idx %arg7[%broadcast_in_dim3A_403, %min3A_250] : memref<32x2048xf32, #tpu.memory_space<vmem>>[vector<16xi32>, vector<16xi32>], vector<16xf32>,
            %mul3A_405 = arith.constant 16 : i32
            %mul3A_406 = arith.muli %while3A_228, %mul3A_405 : i32
            %add3A_407 = vector.broadcast %mul3A_406 : i32 to vector<16xi32>
            %add3A_408 = arith.addi %add3A_407, %iota3A : vector<16xi32>
            tpu.vector_store_idx %arg13[%add3A_408, %broadcast_in_dim3A_403], %gather3A_404 : memref<144x128xf32, #tpu.memory_space<vmem>>[vector<16xi32>, vector<16xi32>], vector<16xf32>,
            %broadcast_in_dim3A_409 = arith.constant 22 : i32
            %broadcast_in_dim3A_410 = vector.broadcast %broadcast_in_dim3A_409 : i32 to vector<16xi32>
            %gather3A_411 = tpu.vector_load_idx %arg7[%broadcast_in_dim3A_410, %min3A_250] : memref<32x2048xf32, #tpu.memory_space<vmem>>[vector<16xi32>, vector<16xi32>], vector<16xf32>,
            %mul3A_412 = arith.constant 16 : i32
            %mul3A_413 = arith.muli %while3A_228, %mul3A_412 : i32
            %add3A_414 = vector.broadcast %mul3A_413 : i32 to vector<16xi32>
            %add3A_415 = arith.addi %add3A_414, %iota3A : vector<16xi32>
            tpu.vector_store_idx %arg13[%add3A_415, %broadcast_in_dim3A_410], %gather3A_411 : memref<144x128xf32, #tpu.memory_space<vmem>>[vector<16xi32>, vector<16xi32>], vector<16xf32>,
            %broadcast_in_dim3A_416 = arith.constant 23 : i32
            %broadcast_in_dim3A_417 = vector.broadcast %broadcast_in_dim3A_416 : i32 to vector<16xi32>
            %gather3A_418 = tpu.vector_load_idx %arg7[%broadcast_in_dim3A_417, %min3A_250] : memref<32x2048xf32, #tpu.memory_space<vmem>>[vector<16xi32>, vector<16xi32>], vector<16xf32>,
            %mul3A_419 = arith.constant 16 : i32
            %mul3A_420 = arith.muli %while3A_228, %mul3A_419 : i32
            %add3A_421 = vector.broadcast %mul3A_420 : i32 to vector<16xi32>
            %add3A_422 = arith.addi %add3A_421, %iota3A : vector<16xi32>
            tpu.vector_store_idx %arg13[%add3A_422, %broadcast_in_dim3A_417], %gather3A_418 : memref<144x128xf32, #tpu.memory_space<vmem>>[vector<16xi32>, vector<16xi32>], vector<16xf32>,
            %broadcast_in_dim3A_423 = arith.constant 24 : i32
            %broadcast_in_dim3A_424 = vector.broadcast %broadcast_in_dim3A_423 : i32 to vector<16xi32>
            %gather3A_425 = tpu.vector_load_idx %arg7[%broadcast_in_dim3A_424, %min3A_250] : memref<32x2048xf32, #tpu.memory_space<vmem>>[vector<16xi32>, vector<16xi32>], vector<16xf32>,
            %mul3A_426 = arith.constant 16 : i32
            %mul3A_427 = arith.muli %while3A_228, %mul3A_426 : i32
            %add3A_428 = vector.broadcast %mul3A_427 : i32 to vector<16xi32>
            %add3A_429 = arith.addi %add3A_428, %iota3A : vector<16xi32>
            tpu.vector_store_idx %arg13[%add3A_429, %broadcast_in_dim3A_424], %gather3A_425 : memref<144x128xf32, #tpu.memory_space<vmem>>[vector<16xi32>, vector<16xi32>], vector<16xf32>,
            %broadcast_in_dim3A_430 = arith.constant 25 : i32
            %broadcast_in_dim3A_431 = vector.broadcast %broadcast_in_dim3A_430 : i32 to vector<16xi32>
            %gather3A_432 = tpu.vector_load_idx %arg7[%broadcast_in_dim3A_431, %min3A_250] : memref<32x2048xf32, #tpu.memory_space<vmem>>[vector<16xi32>, vector<16xi32>], vector<16xf32>,
            %mul3A_433 = arith.constant 16 : i32
            %mul3A_434 = arith.muli %while3A_228, %mul3A_433 : i32
            %add3A_435 = vector.broadcast %mul3A_434 : i32 to vector<16xi32>
            %add3A_436 = arith.addi %add3A_435, %iota3A : vector<16xi32>
            tpu.vector_store_idx %arg13[%add3A_436, %broadcast_in_dim3A_431], %gather3A_432 : memref<144x128xf32, #tpu.memory_space<vmem>>[vector<16xi32>, vector<16xi32>], vector<16xf32>,
            %broadcast_in_dim3A_437 = arith.constant 26 : i32
            %broadcast_in_dim3A_438 = vector.broadcast %broadcast_in_dim3A_437 : i32 to vector<16xi32>
            %gather3A_439 = tpu.vector_load_idx %arg7[%broadcast_in_dim3A_438, %min3A_250] : memref<32x2048xf32, #tpu.memory_space<vmem>>[vector<16xi32>, vector<16xi32>], vector<16xf32>,
            %mul3A_440 = arith.constant 16 : i32
            %mul3A_441 = arith.muli %while3A_228, %mul3A_440 : i32
            %add3A_442 = vector.broadcast %mul3A_441 : i32 to vector<16xi32>
            %add3A_443 = arith.addi %add3A_442, %iota3A : vector<16xi32>
            tpu.vector_store_idx %arg13[%add3A_443, %broadcast_in_dim3A_438], %gather3A_439 : memref<144x128xf32, #tpu.memory_space<vmem>>[vector<16xi32>, vector<16xi32>], vector<16xf32>,
            %broadcast_in_dim3A_444 = arith.constant 27 : i32
            %broadcast_in_dim3A_445 = vector.broadcast %broadcast_in_dim3A_444 : i32 to vector<16xi32>
            %gather3A_446 = tpu.vector_load_idx %arg7[%broadcast_in_dim3A_445, %min3A_250] : memref<32x2048xf32, #tpu.memory_space<vmem>>[vector<16xi32>, vector<16xi32>], vector<16xf32>,
            %mul3A_447 = arith.constant 16 : i32
            %mul3A_448 = arith.muli %while3A_228, %mul3A_447 : i32
            %add3A_449 = vector.broadcast %mul3A_448 : i32 to vector<16xi32>
            %add3A_450 = arith.addi %add3A_449, %iota3A : vector<16xi32>
            tpu.vector_store_idx %arg13[%add3A_450, %broadcast_in_dim3A_445], %gather3A_446 : memref<144x128xf32, #tpu.memory_space<vmem>>[vector<16xi32>, vector<16xi32>], vector<16xf32>,
            %broadcast_in_dim3A_451 = arith.constant 28 : i32
            %broadcast_in_dim3A_452 = vector.broadcast %broadcast_in_dim3A_451 : i32 to vector<16xi32>
            %gather3A_453 = tpu.vector_load_idx %arg7[%broadcast_in_dim3A_452, %min3A_250] : memref<32x2048xf32, #tpu.memory_space<vmem>>[vector<16xi32>, vector<16xi32>], vector<16xf32>,
            %mul3A_454 = arith.constant 16 : i32
            %mul3A_455 = arith.muli %while3A_228, %mul3A_454 : i32
            %add3A_456 = vector.broadcast %mul3A_455 : i32 to vector<16xi32>
            %add3A_457 = arith.addi %add3A_456, %iota3A : vector<16xi32>
            tpu.vector_store_idx %arg13[%add3A_457, %broadcast_in_dim3A_452], %gather3A_453 : memref<144x128xf32, #tpu.memory_space<vmem>>[vector<16xi32>, vector<16xi32>], vector<16xf32>,
            %broadcast_in_dim3A_458 = arith.constant 29 : i32
            %broadcast_in_dim3A_459 = vector.broadcast %broadcast_in_dim3A_458 : i32 to vector<16xi32>
            %gather3A_460 = tpu.vector_load_idx %arg7[%broadcast_in_dim3A_459, %min3A_250] : memref<32x2048xf32, #tpu.memory_space<vmem>>[vector<16xi32>, vector<16xi32>], vector<16xf32>,
            %mul3A_461 = arith.constant 16 : i32
            %mul3A_462 = arith.muli %while3A_228, %mul3A_461 : i32
            %add3A_463 = vector.broadcast %mul3A_462 : i32 to vector<16xi32>
            %add3A_464 = arith.addi %add3A_463, %iota3A : vector<16xi32>
            tpu.vector_store_idx %arg13[%add3A_464, %broadcast_in_dim3A_459], %gather3A_460 : memref<144x128xf32, #tpu.memory_space<vmem>>[vector<16xi32>, vector<16xi32>], vector<16xf32>,
            %broadcast_in_dim3A_465 = arith.constant 30 : i32
            %broadcast_in_dim3A_466 = vector.broadcast %broadcast_in_dim3A_465 : i32 to vector<16xi32>
            %gather3A_467 = tpu.vector_load_idx %arg7[%broadcast_in_dim3A_466, %min3A_250] : memref<32x2048xf32, #tpu.memory_space<vmem>>[vector<16xi32>, vector<16xi32>], vector<16xf32>,
            %mul3A_468 = arith.constant 16 : i32
            %mul3A_469 = arith.muli %while3A_228, %mul3A_468 : i32
            %add3A_470 = vector.broadcast %mul3A_469 : i32 to vector<16xi32>
            %add3A_471 = arith.addi %add3A_470, %iota3A : vector<16xi32>
            tpu.vector_store_idx %arg13[%add3A_471, %broadcast_in_dim3A_466], %gather3A_467 : memref<144x128xf32, #tpu.memory_space<vmem>>[vector<16xi32>, vector<16xi32>], vector<16xf32>,
            %broadcast_in_dim3A_472 = arith.constant 31 : i32
            %broadcast_in_dim3A_473 = vector.broadcast %broadcast_in_dim3A_472 : i32 to vector<16xi32>
            %gather3A_474 = tpu.vector_load_idx %arg7[%broadcast_in_dim3A_473, %min3A_250] : memref<32x2048xf32, #tpu.memory_space<vmem>>[vector<16xi32>, vector<16xi32>], vector<16xf32>,
            %mul3A_475 = arith.constant 16 : i32
            %mul3A_476 = arith.muli %while3A_228, %mul3A_475 : i32
            %add3A_477 = vector.broadcast %mul3A_476 : i32 to vector<16xi32>
            %add3A_478 = arith.addi %add3A_477, %iota3A : vector<16xi32>
            tpu.vector_store_idx %arg13[%add3A_478, %broadcast_in_dim3A_473], %gather3A_474 : memref<144x128xf32, #tpu.memory_space<vmem>>[vector<16xi32>, vector<16xi32>], vector<16xf32>,
            %eq3A_479 = arith.constant 0 : i32
            %eq3A_480 = arith.cmpi eq, %arg0, %eq3A_479 : i32
            %convert_element_type3A_481 = arith.extui %eq3A_480 : i1 to i32
            %cond3A_482 = arith.constant 0 : i32
            %cond3A_483 = arith.cmpi ne, %convert_element_type3A_481, %cond3A_482 : i32
            scf.if %cond3A_483 {
              %mul3A_489 = arith.constant 16 : i32
              %mul3A_490 = arith.muli %while3A_228, %mul3A_489 : i32
              %dma_start3A = arith.constant 0 : i32
              %dma_start3A_491 = tpu.memref_slice %arg13[%mul3A_490, %dma_start3A] : memref<144x128xf32, #tpu.memory_space<vmem>> -> memref<16x128xf32, #tpu.memory_space<vmem>>
              %dma_start3A_492 = arith.constant 0 : i32
              %dma_start3A_493 = tpu.memref_slice %arg14[%while3A_228, %dma_start3A_492] : memref<9x16xi32, #tpu.memory_space<vmem>> -> memref<1x16xi32, #tpu.memory_space<vmem>>
              %dma_start3A_494 = tpu.memref_squeeze %dma_start3A_493 : memref<1x16xi32, #tpu.memory_space<vmem>> -> memref<16xi32, #tpu.memory_space<vmem>>
              %dma_start3A_495 = arith.constant 0 : i32
              %dma_start3A_496 = arith.constant 0 : i32
              %dma_start3A_497 = tpu.memref_slice %arg5[%dma_start3A_495, %dma_start3A_496] : memref<16400x128xf32, #tpu.memory_space<hbm>> -> memref<16400x128xf32, #tpu.memory_space<hbm>>
              tpu.enqueue_indirect_dma source(%dma_start3A_491 : memref<16x128xf32, #tpu.memory_space<vmem>>) target(%dma_start3A_497 : memref<16400x128xf32, #tpu.memory_space<hbm>>) offsets(%dma_start3A_494 : memref<16xi32, #tpu.memory_space<vmem>>) semaphore(%arg17 : memref<!tpu.dma_semaphore, #tpu.memory_space<semaphore_mem>>)
            } else {
            }
            %eq3A_484 = arith.constant 1 : i32
            %eq3A_485 = arith.cmpi eq, %arg0, %eq3A_484 : i32
            %convert_element_type3A_486 = arith.extui %eq3A_485 : i1 to i32
            %cond3A_487 = arith.constant 0 : i32
            %cond3A_488 = arith.cmpi ne, %convert_element_type3A_486, %cond3A_487 : i32
            scf.if %cond3A_488 {
              %mul3A_489 = arith.constant 16 : i32
              %mul3A_490 = arith.muli %while3A_228, %mul3A_489 : i32
              %dma_start3A = arith.constant 0 : i32
              %dma_start3A_491 = tpu.memref_slice %arg13[%mul3A_490, %dma_start3A] : memref<144x128xf32, #tpu.memory_space<vmem>> -> memref<16x128xf32, #tpu.memory_space<vmem>>
              %dma_start3A_492 = arith.constant 0 : i32
              %dma_start3A_493 = tpu.memref_slice %arg14[%while3A_228, %dma_start3A_492] : memref<9x16xi32, #tpu.memory_space<vmem>> -> memref<1x16xi32, #tpu.memory_space<vmem>>
              %dma_start3A_494 = tpu.memref_squeeze %dma_start3A_493 : memref<1x16xi32, #tpu.memory_space<vmem>> -> memref<16xi32, #tpu.memory_space<vmem>>
              %dma_start3A_495 = arith.constant 0 : i32
              %dma_start3A_496 = arith.constant 0 : i32
              %dma_start3A_497 = tpu.memref_slice %arg6[%dma_start3A_495, %dma_start3A_496] : memref<16400x128xf32, #tpu.memory_space<hbm>> -> memref<16400x128xf32, #tpu.memory_space<hbm>>
              tpu.enqueue_indirect_dma source(%dma_start3A_491 : memref<16x128xf32, #tpu.memory_space<vmem>>) target(%dma_start3A_497 : memref<16400x128xf32, #tpu.memory_space<hbm>>) offsets(%dma_start3A_494 : memref<16xi32, #tpu.memory_space<vmem>>) semaphore(%arg17 : memref<!tpu.dma_semaphore, #tpu.memory_space<semaphore_mem>>)
            } else {
            }
          }
          %while3A_218 = arith.constant 0 : i32
          %while3A_219 = arith.constant 0 : i32
          %while3A_220 = arith.subi %select_n3A_207, %while3A_219 : i32
          %while3A_221 = arith.addi %while3A_219, %while3A_220 : i32
          %while3A_222 = arith.constant 1 : i32
          %while3A_223 = arith.divsi %while3A_220, %while3A_222 : i32
          %while3A_224 = arith.muli %while3A_223, %while3A_222 : i32
          %while3A_225 = arith.addi %while3A_219, %while3A_224 : i32
          %while3A_226 = arith.constant 1 : i32
          scf.for %while3A_228 = %while3A_219 to %while3A_225 step %while3A_226  : i32 {
            %dma_wait3A_229 = arith.constant 0 : i32
            %dma_wait3A_230 = arith.constant 0 : i32
            %dma_wait3A_231 = tpu.memref_slice %arg2[%dma_wait3A_229, %dma_wait3A_230] : memref<64x1000000xf32, #tpu.memory_space<hbm>> -> memref<16x128xf32, #tpu.memory_space<hbm>>
            %dma_wait3A_232 = arith.constant 0 : i32
            %dma_wait3A_233 = arith.constant 0 : i32
            %dma_wait3A_234 = tpu.memref_slice %arg2[%dma_wait3A_232, %dma_wait3A_233] : memref<64x1000000xf32, #tpu.memory_space<hbm>> -> memref<16x128xf32, #tpu.memory_space<hbm>>
            tpu.wait_dma2 semaphore(%arg17 : memref<!tpu.dma_semaphore, #tpu.memory_space<semaphore_mem>>) src(%dma_wait3A_234 : memref<16x128xf32, #tpu.memory_space<hbm>>) dst(%arg15 : memref<16x128xf32, #tpu.memory_space<vmem>>)
          }
          %while3A_227 = arith.constant 1 : i32
          scf.for %while3A_228 = %while3A_225 to %while3A_221 step %while3A_227  : i32 {
            %dma_wait3A_229 = arith.constant 0 : i32
            %dma_wait3A_230 = arith.constant 0 : i32
            %dma_wait3A_231 = tpu.memref_slice %arg2[%dma_wait3A_229, %dma_wait3A_230] : memref<64x1000000xf32, #tpu.memory_space<hbm>> -> memref<16x128xf32, #tpu.memory_space<hbm>>
            %dma_wait3A_232 = arith.constant 0 : i32
            %dma_wait3A_233 = arith.constant 0 : i32
            %dma_wait3A_234 = tpu.memref_slice %arg2[%dma_wait3A_232, %dma_wait3A_233] : memref<64x1000000xf32, #tpu.memory_space<hbm>> -> memref<16x128xf32, #tpu.memory_space<hbm>>
            tpu.wait_dma2 semaphore(%arg17 : memref<!tpu.dma_semaphore, #tpu.memory_space<semaphore_mem>>) src(%dma_wait3A_234 : memref<16x128xf32, #tpu.memory_space<hbm>>) dst(%arg15 : memref<16x128xf32, #tpu.memory_space<vmem>>)
          }
        } else {
        }
        %jit3A_180 = arith.constant 0 : i32
        %select_n3A_181 = arith.select %ge3A_176, %jit3A_180, %add3A_175 : i32
        scf.yield %select_n3A_181 : i32
      }
      %while3A_93 = arith.constant 1 : i32
      %while3A_94 = scf.for %while3A_141 = %while3A_90 to %while3A_86 step %while3A_93 iter_args(%while3A_142 = %while3A_92) -> (i32)  : i32 {
        %mul3A_143 = arith.constant 16 : i32
        %mul3A_144 = arith.muli %while3A_141, %mul3A_143 : i32
        %get3A = arith.index_cast %mul3A_144 : i32 to index
        %get3A_145 = tpu.vector_load %arg9[%get3A] {strides = array<i32>} : memref<16400xi32, #tpu.memory_space<vmem>>, vector<16xi32>,
        %mul3A_146 = arith.constant 16 : i32
        %mul3A_147 = arith.muli %while3A_141, %mul3A_146 : i32
        %get3A_148 = arith.index_cast %mul3A_147 : i32 to index
        %get3A_149 = tpu.vector_load %arg10[%get3A_148] {strides = array<i32>} : memref<16400xi32, #tpu.memory_space<vmem>>, vector<16xi32>,
        %mul3A_150 = arith.constant 16 : i32
        %mul3A_151 = arith.muli %while3A_141, %mul3A_150 : i32
        %add3A_152 = vector.broadcast %mul3A_151 : i32 to vector<16xi32>
        %add3A_153 = arith.addi %add3A_152, %iota3A : vector<16xi32>
        %shift_right_arithmetic3A = arith.constant 11 : i32
        %shift_right_arithmetic3A_154 = vector.broadcast %shift_right_arithmetic3A : i32 to vector<16xi32>
        %shift_right_arithmetic3A_155 = arith.shrsi %get3A_145, %shift_right_arithmetic3A_154 : vector<16xi32>
        %eq3A_156 = vector.broadcast %add3A_41 : i32 to vector<16xi32>
        %eq3A_157 = arith.cmpi eq, %shift_right_arithmetic3A_155, %eq3A_156 : vector<16xi32>
        %lt3A = vector.broadcast %scan3A_7 : i32 to vector<16xi32>
        %lt3A_158 = arith.cmpi slt, %add3A_153, %lt3A : vector<16xi32>
        %and3A_159 = arith.andi %eq3A_157, %lt3A_158 : vector<16xi1>
        %select_n3A_160 = arith.select %and3A_159, %broadcast_in_dim3A_0, %broadcast_in_dim3A_2 : vector<16xi1>, vector<16xi32>
        %broadcast_in_dim3A_161 = arith.constant true
        %broadcast_in_dim3A_162 = vector.broadcast %broadcast_in_dim3A_161 : i1 to vector<16xi1>
        %masked_cumsum3A = tpu.scan <sum>, %select_n3A_160 masked %broadcast_in_dim3A_162 : vector<16xi32>, vector<16xi1> -> vector<16xi32>
        %add3A_163 = vector.broadcast %while3A_142 : i32 to vector<16xi32>
        %add3A_164 = arith.addi %add3A_163, %masked_cumsum3A : vector<16xi32>
        %sub3A_165 = arith.constant 1 : i32
        %sub3A_166 = vector.broadcast %sub3A_165 : i32 to vector<16xi32>
        %sub3A_167 = arith.subi %add3A_164, %sub3A_166 : vector<16xi32>
        %add3A_168 = arith.constant 128 : i32
        %add3A_169 = vector.broadcast %add3A_168 : i32 to vector<16xi32>
        %add3A_170 = arith.addi %add3A_169, %iota3A : vector<16xi32>
        %select_n3A_171 = arith.select %and3A_159, %sub3A_167, %add3A_170 : vector<16xi1>, vector<16xi32>
        tpu.vector_store_idx %arg11[%select_n3A_171], %get3A_145 : memref<144xi32, #tpu.memory_space<vmem>>[vector<16xi32>], vector<16xi32>,
        tpu.vector_store_idx %arg12[%select_n3A_171], %get3A_149 : memref<144xi32, #tpu.memory_space<vmem>>[vector<16xi32>], vector<16xi32>,
        %reduce_sum3A = arith.constant true
        %reduce_sum3A_172 = vector.broadcast %reduce_sum3A : i1 to vector<16xi1>
        %reduce_sum3A_173 = tpu.scan <sum>, %select_n3A_160 masked %reduce_sum3A_172 : vector<16xi32>, vector<16xi1> -> vector<16xi32>
        %reduce_sum3A_174 = vector.extract %reduce_sum3A_173[15] : i32 from vector<16xi32>
        %add3A_175 = arith.addi %while3A_142, %reduce_sum3A_174 : i32
        %ge3A = arith.constant 112 : i32
        %ge3A_176 = arith.cmpi sge, %add3A_175, %ge3A : i32
        %convert_element_type3A_177 = arith.extui %ge3A_176 : i1 to i32
        %cond3A_178 = arith.constant 0 : i32
        %cond3A_179 = arith.cmpi ne, %convert_element_type3A_177, %cond3A_178 : i32
        scf.if %cond3A_179 {
          %add3A_182 = arith.constant 15 : i32
          %add3A_183 = arith.addi %add3A_175, %add3A_182 : i32
          %jit3A_184 = arith.constant 16 : i32
          %div3A_185 = arith.divsi %add3A_183, %jit3A_184 : i32
          %sign3A_186 = arith.constant 0 : i32
          %sign3A_187 = arith.cmpi sgt, %add3A_183, %sign3A_186 : i32
          %sign3A_188 = arith.extui %sign3A_187 : i1 to i32
          %sign3A_189 = arith.constant 0 : i32
          %sign3A_190 = arith.cmpi slt, %add3A_183, %sign3A_189 : i32
          %sign3A_191 = arith.extui %sign3A_190 : i1 to i32
          %sign3A_192 = arith.subi %sign3A_188, %sign3A_191 : i32
          %sign3A_193 = arith.constant 0 : i32
          %sign3A_194 = arith.cmpi sgt, %jit3A_184, %sign3A_193 : i32
          %sign3A_195 = arith.extui %sign3A_194 : i1 to i32
          %sign3A_196 = arith.constant 0 : i32
          %sign3A_197 = arith.cmpi slt, %jit3A_184, %sign3A_196 : i32
          %sign3A_198 = arith.extui %sign3A_197 : i1 to i32
          %sign3A_199 = arith.subi %sign3A_195, %sign3A_198 : i32
          %ne3A_200 = arith.cmpi ne, %sign3A_192, %sign3A_199 : i32
          %rem3A_201 = arith.remsi %add3A_183, %jit3A_184 : i32
          %ne3A_202 = arith.constant 0 : i32
          %ne3A_203 = arith.cmpi ne, %rem3A_201, %ne3A_202 : i32
          %and3A_204 = arith.andi %ne3A_200, %ne3A_203 : i1
          %sub3A_205 = arith.constant 1 : i32
          %sub3A_206 = arith.subi %div3A_185, %sub3A_205 : i32
          %select_n3A_207 = arith.select %and3A_204, %sub3A_206, %div3A_185 : i32
          %while3A_208 = arith.constant 0 : i32
          %while3A_209 = arith.constant 0 : i32
          %while3A_210 = arith.subi %select_n3A_207, %while3A_209 : i32
          %while3A_211 = arith.addi %while3A_209, %while3A_210 : i32
          %while3A_212 = arith.constant 1 : i32
          %while3A_213 = arith.divsi %while3A_210, %while3A_212 : i32
          %while3A_214 = arith.muli %while3A_213, %while3A_212 : i32
          %while3A_215 = arith.addi %while3A_209, %while3A_214 : i32
          %while3A_216 = arith.constant 1 : i32
          scf.for %while3A_228 = %while3A_209 to %while3A_215 step %while3A_216  : i32 {
            %mul3A_229 = arith.constant 16 : i32
            %mul3A_230 = arith.muli %while3A_228, %mul3A_229 : i32
            %get3A_231 = arith.index_cast %mul3A_230 : i32 to index
            %get3A_232 = tpu.vector_load %arg11[%get3A_231] {strides = array<i32>} : memref<144xi32, #tpu.memory_space<vmem>>, vector<16xi32>,
            %mul3A_233 = arith.constant 16 : i32
            %mul3A_234 = arith.muli %while3A_228, %mul3A_233 : i32
            %get3A_235 = arith.index_cast %mul3A_234 : i32 to index
            %get3A_236 = tpu.vector_load %arg12[%get3A_235] {strides = array<i32>} : memref<144xi32, #tpu.memory_space<vmem>>, vector<16xi32>,
            %mul3A_237 = arith.constant 16 : i32
            %mul3A_238 = arith.muli %while3A_228, %mul3A_237 : i32
            %add3A_239 = vector.broadcast %mul3A_238 : i32 to vector<16xi32>
            %add3A_240 = arith.addi %add3A_239, %iota3A : vector<16xi32>
            %lt3A_241 = vector.broadcast %add3A_175 : i32 to vector<16xi32>
            %lt3A_242 = arith.cmpi slt, %add3A_240, %lt3A_241 : vector<16xi32>
            %mul3A_243 = arith.constant 2048 : i32
            %mul3A_244 = arith.muli %add3A_41, %mul3A_243 : i32
            %sub3A_245 = vector.broadcast %mul3A_244 : i32 to vector<16xi32>
            %sub3A_246 = arith.subi %get3A_232, %sub3A_245 : vector<16xi32>
            %jit3A_247 = arith.constant 0 : i32
            %jit3A_248 = arith.constant 2047 : i32
            %max3A = vector.broadcast %jit3A_247 : i32 to vector<16xi32>
            %max3A_249 = arith.maxsi %max3A, %sub3A_246 : vector<16xi32>
            %min3A = vector.broadcast %jit3A_248 : i32 to vector<16xi32>
            %min3A_250 = arith.minsi %min3A, %max3A_249 : vector<16xi32>
            %add3A_251 = arith.constant 16384 : i32
            %add3A_252 = vector.broadcast %add3A_251 : i32 to vector<16xi32>
            %add3A_253 = arith.addi %add3A_252, %iota3A : vector<16xi32>
            %select_n3A_254 = arith.select %lt3A_242, %get3A_236, %add3A_253 : vector<16xi1>, vector<16xi32>
            %broadcast_in_dim3A_255 = vector.broadcast %while3A_228 : i32 to vector<16xi32>
            tpu.vector_store_idx %arg14[%broadcast_in_dim3A_255, %iota3A], %select_n3A_254 : memref<9x16xi32, #tpu.memory_space<vmem>>[vector<16xi32>, vector<16xi32>], vector<16xi32>,
            %broadcast_in_dim3A_256 = arith.constant 0 : i32
            %broadcast_in_dim3A_257 = vector.broadcast %broadcast_in_dim3A_256 : i32 to vector<16xi32>
            %gather3A = tpu.vector_load_idx %arg7[%broadcast_in_dim3A_257, %min3A_250] : memref<32x2048xf32, #tpu.memory_space<vmem>>[vector<16xi32>, vector<16xi32>], vector<16xf32>,
            %mul3A_258 = arith.constant 16 : i32
            %mul3A_259 = arith.muli %while3A_228, %mul3A_258 : i32
            %add3A_260 = vector.broadcast %mul3A_259 : i32 to vector<16xi32>
            %add3A_261 = arith.addi %add3A_260, %iota3A : vector<16xi32>
            tpu.vector_store_idx %arg13[%add3A_261, %broadcast_in_dim3A_257], %gather3A : memref<144x128xf32, #tpu.memory_space<vmem>>[vector<16xi32>, vector<16xi32>], vector<16xf32>,
            %broadcast_in_dim3A_262 = arith.constant 1 : i32
            %broadcast_in_dim3A_263 = vector.broadcast %broadcast_in_dim3A_262 : i32 to vector<16xi32>
            %gather3A_264 = tpu.vector_load_idx %arg7[%broadcast_in_dim3A_263, %min3A_250] : memref<32x2048xf32, #tpu.memory_space<vmem>>[vector<16xi32>, vector<16xi32>], vector<16xf32>,
            %mul3A_265 = arith.constant 16 : i32
            %mul3A_266 = arith.muli %while3A_228, %mul3A_265 : i32
            %add3A_267 = vector.broadcast %mul3A_266 : i32 to vector<16xi32>
            %add3A_268 = arith.addi %add3A_267, %iota3A : vector<16xi32>
            tpu.vector_store_idx %arg13[%add3A_268, %broadcast_in_dim3A_263], %gather3A_264 : memref<144x128xf32, #tpu.memory_space<vmem>>[vector<16xi32>, vector<16xi32>], vector<16xf32>,
            %broadcast_in_dim3A_269 = arith.constant 2 : i32
            %broadcast_in_dim3A_270 = vector.broadcast %broadcast_in_dim3A_269 : i32 to vector<16xi32>
            %gather3A_271 = tpu.vector_load_idx %arg7[%broadcast_in_dim3A_270, %min3A_250] : memref<32x2048xf32, #tpu.memory_space<vmem>>[vector<16xi32>, vector<16xi32>], vector<16xf32>,
            %mul3A_272 = arith.constant 16 : i32
            %mul3A_273 = arith.muli %while3A_228, %mul3A_272 : i32
            %add3A_274 = vector.broadcast %mul3A_273 : i32 to vector<16xi32>
            %add3A_275 = arith.addi %add3A_274, %iota3A : vector<16xi32>
            tpu.vector_store_idx %arg13[%add3A_275, %broadcast_in_dim3A_270], %gather3A_271 : memref<144x128xf32, #tpu.memory_space<vmem>>[vector<16xi32>, vector<16xi32>], vector<16xf32>,
            %broadcast_in_dim3A_276 = arith.constant 3 : i32
            %broadcast_in_dim3A_277 = vector.broadcast %broadcast_in_dim3A_276 : i32 to vector<16xi32>
            %gather3A_278 = tpu.vector_load_idx %arg7[%broadcast_in_dim3A_277, %min3A_250] : memref<32x2048xf32, #tpu.memory_space<vmem>>[vector<16xi32>, vector<16xi32>], vector<16xf32>,
            %mul3A_279 = arith.constant 16 : i32
            %mul3A_280 = arith.muli %while3A_228, %mul3A_279 : i32
            %add3A_281 = vector.broadcast %mul3A_280 : i32 to vector<16xi32>
            %add3A_282 = arith.addi %add3A_281, %iota3A : vector<16xi32>
            tpu.vector_store_idx %arg13[%add3A_282, %broadcast_in_dim3A_277], %gather3A_278 : memref<144x128xf32, #tpu.memory_space<vmem>>[vector<16xi32>, vector<16xi32>], vector<16xf32>,
            %broadcast_in_dim3A_283 = arith.constant 4 : i32
            %broadcast_in_dim3A_284 = vector.broadcast %broadcast_in_dim3A_283 : i32 to vector<16xi32>
            %gather3A_285 = tpu.vector_load_idx %arg7[%broadcast_in_dim3A_284, %min3A_250] : memref<32x2048xf32, #tpu.memory_space<vmem>>[vector<16xi32>, vector<16xi32>], vector<16xf32>,
            %mul3A_286 = arith.constant 16 : i32
            %mul3A_287 = arith.muli %while3A_228, %mul3A_286 : i32
            %add3A_288 = vector.broadcast %mul3A_287 : i32 to vector<16xi32>
            %add3A_289 = arith.addi %add3A_288, %iota3A : vector<16xi32>
            tpu.vector_store_idx %arg13[%add3A_289, %broadcast_in_dim3A_284], %gather3A_285 : memref<144x128xf32, #tpu.memory_space<vmem>>[vector<16xi32>, vector<16xi32>], vector<16xf32>,
            %broadcast_in_dim3A_290 = arith.constant 5 : i32
            %broadcast_in_dim3A_291 = vector.broadcast %broadcast_in_dim3A_290 : i32 to vector<16xi32>
            %gather3A_292 = tpu.vector_load_idx %arg7[%broadcast_in_dim3A_291, %min3A_250] : memref<32x2048xf32, #tpu.memory_space<vmem>>[vector<16xi32>, vector<16xi32>], vector<16xf32>,
            %mul3A_293 = arith.constant 16 : i32
            %mul3A_294 = arith.muli %while3A_228, %mul3A_293 : i32
            %add3A_295 = vector.broadcast %mul3A_294 : i32 to vector<16xi32>
            %add3A_296 = arith.addi %add3A_295, %iota3A : vector<16xi32>
            tpu.vector_store_idx %arg13[%add3A_296, %broadcast_in_dim3A_291], %gather3A_292 : memref<144x128xf32, #tpu.memory_space<vmem>>[vector<16xi32>, vector<16xi32>], vector<16xf32>,
            %broadcast_in_dim3A_297 = arith.constant 6 : i32
            %broadcast_in_dim3A_298 = vector.broadcast %broadcast_in_dim3A_297 : i32 to vector<16xi32>
            %gather3A_299 = tpu.vector_load_idx %arg7[%broadcast_in_dim3A_298, %min3A_250] : memref<32x2048xf32, #tpu.memory_space<vmem>>[vector<16xi32>, vector<16xi32>], vector<16xf32>,
            %mul3A_300 = arith.constant 16 : i32
            %mul3A_301 = arith.muli %while3A_228, %mul3A_300 : i32
            %add3A_302 = vector.broadcast %mul3A_301 : i32 to vector<16xi32>
            %add3A_303 = arith.addi %add3A_302, %iota3A : vector<16xi32>
            tpu.vector_store_idx %arg13[%add3A_303, %broadcast_in_dim3A_298], %gather3A_299 : memref<144x128xf32, #tpu.memory_space<vmem>>[vector<16xi32>, vector<16xi32>], vector<16xf32>,
            %broadcast_in_dim3A_304 = arith.constant 7 : i32
            %broadcast_in_dim3A_305 = vector.broadcast %broadcast_in_dim3A_304 : i32 to vector<16xi32>
            %gather3A_306 = tpu.vector_load_idx %arg7[%broadcast_in_dim3A_305, %min3A_250] : memref<32x2048xf32, #tpu.memory_space<vmem>>[vector<16xi32>, vector<16xi32>], vector<16xf32>,
            %mul3A_307 = arith.constant 16 : i32
            %mul3A_308 = arith.muli %while3A_228, %mul3A_307 : i32
            %add3A_309 = vector.broadcast %mul3A_308 : i32 to vector<16xi32>
            %add3A_310 = arith.addi %add3A_309, %iota3A : vector<16xi32>
            tpu.vector_store_idx %arg13[%add3A_310, %broadcast_in_dim3A_305], %gather3A_306 : memref<144x128xf32, #tpu.memory_space<vmem>>[vector<16xi32>, vector<16xi32>], vector<16xf32>,
            %broadcast_in_dim3A_311 = arith.constant 8 : i32
            %broadcast_in_dim3A_312 = vector.broadcast %broadcast_in_dim3A_311 : i32 to vector<16xi32>
            %gather3A_313 = tpu.vector_load_idx %arg7[%broadcast_in_dim3A_312, %min3A_250] : memref<32x2048xf32, #tpu.memory_space<vmem>>[vector<16xi32>, vector<16xi32>], vector<16xf32>,
            %mul3A_314 = arith.constant 16 : i32
            %mul3A_315 = arith.muli %while3A_228, %mul3A_314 : i32
            %add3A_316 = vector.broadcast %mul3A_315 : i32 to vector<16xi32>
            %add3A_317 = arith.addi %add3A_316, %iota3A : vector<16xi32>
            tpu.vector_store_idx %arg13[%add3A_317, %broadcast_in_dim3A_312], %gather3A_313 : memref<144x128xf32, #tpu.memory_space<vmem>>[vector<16xi32>, vector<16xi32>], vector<16xf32>,
            %broadcast_in_dim3A_318 = arith.constant 9 : i32
            %broadcast_in_dim3A_319 = vector.broadcast %broadcast_in_dim3A_318 : i32 to vector<16xi32>
            %gather3A_320 = tpu.vector_load_idx %arg7[%broadcast_in_dim3A_319, %min3A_250] : memref<32x2048xf32, #tpu.memory_space<vmem>>[vector<16xi32>, vector<16xi32>], vector<16xf32>,
            %mul3A_321 = arith.constant 16 : i32
            %mul3A_322 = arith.muli %while3A_228, %mul3A_321 : i32
            %add3A_323 = vector.broadcast %mul3A_322 : i32 to vector<16xi32>
            %add3A_324 = arith.addi %add3A_323, %iota3A : vector<16xi32>
            tpu.vector_store_idx %arg13[%add3A_324, %broadcast_in_dim3A_319], %gather3A_320 : memref<144x128xf32, #tpu.memory_space<vmem>>[vector<16xi32>, vector<16xi32>], vector<16xf32>,
            %broadcast_in_dim3A_325 = arith.constant 10 : i32
            %broadcast_in_dim3A_326 = vector.broadcast %broadcast_in_dim3A_325 : i32 to vector<16xi32>
            %gather3A_327 = tpu.vector_load_idx %arg7[%broadcast_in_dim3A_326, %min3A_250] : memref<32x2048xf32, #tpu.memory_space<vmem>>[vector<16xi32>, vector<16xi32>], vector<16xf32>,
            %mul3A_328 = arith.constant 16 : i32
            %mul3A_329 = arith.muli %while3A_228, %mul3A_328 : i32
            %add3A_330 = vector.broadcast %mul3A_329 : i32 to vector<16xi32>
            %add3A_331 = arith.addi %add3A_330, %iota3A : vector<16xi32>
            tpu.vector_store_idx %arg13[%add3A_331, %broadcast_in_dim3A_326], %gather3A_327 : memref<144x128xf32, #tpu.memory_space<vmem>>[vector<16xi32>, vector<16xi32>], vector<16xf32>,
            %broadcast_in_dim3A_332 = arith.constant 11 : i32
            %broadcast_in_dim3A_333 = vector.broadcast %broadcast_in_dim3A_332 : i32 to vector<16xi32>
            %gather3A_334 = tpu.vector_load_idx %arg7[%broadcast_in_dim3A_333, %min3A_250] : memref<32x2048xf32, #tpu.memory_space<vmem>>[vector<16xi32>, vector<16xi32>], vector<16xf32>,
            %mul3A_335 = arith.constant 16 : i32
            %mul3A_336 = arith.muli %while3A_228, %mul3A_335 : i32
            %add3A_337 = vector.broadcast %mul3A_336 : i32 to vector<16xi32>
            %add3A_338 = arith.addi %add3A_337, %iota3A : vector<16xi32>
            tpu.vector_store_idx %arg13[%add3A_338, %broadcast_in_dim3A_333], %gather3A_334 : memref<144x128xf32, #tpu.memory_space<vmem>>[vector<16xi32>, vector<16xi32>], vector<16xf32>,
            %broadcast_in_dim3A_339 = arith.constant 12 : i32
            %broadcast_in_dim3A_340 = vector.broadcast %broadcast_in_dim3A_339 : i32 to vector<16xi32>
            %gather3A_341 = tpu.vector_load_idx %arg7[%broadcast_in_dim3A_340, %min3A_250] : memref<32x2048xf32, #tpu.memory_space<vmem>>[vector<16xi32>, vector<16xi32>], vector<16xf32>,
            %mul3A_342 = arith.constant 16 : i32
            %mul3A_343 = arith.muli %while3A_228, %mul3A_342 : i32
            %add3A_344 = vector.broadcast %mul3A_343 : i32 to vector<16xi32>
            %add3A_345 = arith.addi %add3A_344, %iota3A : vector<16xi32>
            tpu.vector_store_idx %arg13[%add3A_345, %broadcast_in_dim3A_340], %gather3A_341 : memref<144x128xf32, #tpu.memory_space<vmem>>[vector<16xi32>, vector<16xi32>], vector<16xf32>,
            %broadcast_in_dim3A_346 = arith.constant 13 : i32
            %broadcast_in_dim3A_347 = vector.broadcast %broadcast_in_dim3A_346 : i32 to vector<16xi32>
            %gather3A_348 = tpu.vector_load_idx %arg7[%broadcast_in_dim3A_347, %min3A_250] : memref<32x2048xf32, #tpu.memory_space<vmem>>[vector<16xi32>, vector<16xi32>], vector<16xf32>,
            %mul3A_349 = arith.constant 16 : i32
            %mul3A_350 = arith.muli %while3A_228, %mul3A_349 : i32
            %add3A_351 = vector.broadcast %mul3A_350 : i32 to vector<16xi32>
            %add3A_352 = arith.addi %add3A_351, %iota3A : vector<16xi32>
            tpu.vector_store_idx %arg13[%add3A_352, %broadcast_in_dim3A_347], %gather3A_348 : memref<144x128xf32, #tpu.memory_space<vmem>>[vector<16xi32>, vector<16xi32>], vector<16xf32>,
            %broadcast_in_dim3A_353 = arith.constant 14 : i32
            %broadcast_in_dim3A_354 = vector.broadcast %broadcast_in_dim3A_353 : i32 to vector<16xi32>
            %gather3A_355 = tpu.vector_load_idx %arg7[%broadcast_in_dim3A_354, %min3A_250] : memref<32x2048xf32, #tpu.memory_space<vmem>>[vector<16xi32>, vector<16xi32>], vector<16xf32>,
            %mul3A_356 = arith.constant 16 : i32
            %mul3A_357 = arith.muli %while3A_228, %mul3A_356 : i32
            %add3A_358 = vector.broadcast %mul3A_357 : i32 to vector<16xi32>
            %add3A_359 = arith.addi %add3A_358, %iota3A : vector<16xi32>
            tpu.vector_store_idx %arg13[%add3A_359, %broadcast_in_dim3A_354], %gather3A_355 : memref<144x128xf32, #tpu.memory_space<vmem>>[vector<16xi32>, vector<16xi32>], vector<16xf32>,
            %broadcast_in_dim3A_360 = arith.constant 15 : i32
            %broadcast_in_dim3A_361 = vector.broadcast %broadcast_in_dim3A_360 : i32 to vector<16xi32>
            %gather3A_362 = tpu.vector_load_idx %arg7[%broadcast_in_dim3A_361, %min3A_250] : memref<32x2048xf32, #tpu.memory_space<vmem>>[vector<16xi32>, vector<16xi32>], vector<16xf32>,
            %mul3A_363 = arith.constant 16 : i32
            %mul3A_364 = arith.muli %while3A_228, %mul3A_363 : i32
            %add3A_365 = vector.broadcast %mul3A_364 : i32 to vector<16xi32>
            %add3A_366 = arith.addi %add3A_365, %iota3A : vector<16xi32>
            tpu.vector_store_idx %arg13[%add3A_366, %broadcast_in_dim3A_361], %gather3A_362 : memref<144x128xf32, #tpu.memory_space<vmem>>[vector<16xi32>, vector<16xi32>], vector<16xf32>,
            %broadcast_in_dim3A_367 = arith.constant 16 : i32
            %broadcast_in_dim3A_368 = vector.broadcast %broadcast_in_dim3A_367 : i32 to vector<16xi32>
            %gather3A_369 = tpu.vector_load_idx %arg7[%broadcast_in_dim3A_368, %min3A_250] : memref<32x2048xf32, #tpu.memory_space<vmem>>[vector<16xi32>, vector<16xi32>], vector<16xf32>,
            %mul3A_370 = arith.constant 16 : i32
            %mul3A_371 = arith.muli %while3A_228, %mul3A_370 : i32
            %add3A_372 = vector.broadcast %mul3A_371 : i32 to vector<16xi32>
            %add3A_373 = arith.addi %add3A_372, %iota3A : vector<16xi32>
            tpu.vector_store_idx %arg13[%add3A_373, %broadcast_in_dim3A_368], %gather3A_369 : memref<144x128xf32, #tpu.memory_space<vmem>>[vector<16xi32>, vector<16xi32>], vector<16xf32>,
            %broadcast_in_dim3A_374 = arith.constant 17 : i32
            %broadcast_in_dim3A_375 = vector.broadcast %broadcast_in_dim3A_374 : i32 to vector<16xi32>
            %gather3A_376 = tpu.vector_load_idx %arg7[%broadcast_in_dim3A_375, %min3A_250] : memref<32x2048xf32, #tpu.memory_space<vmem>>[vector<16xi32>, vector<16xi32>], vector<16xf32>,
            %mul3A_377 = arith.constant 16 : i32
            %mul3A_378 = arith.muli %while3A_228, %mul3A_377 : i32
            %add3A_379 = vector.broadcast %mul3A_378 : i32 to vector<16xi32>
            %add3A_380 = arith.addi %add3A_379, %iota3A : vector<16xi32>
            tpu.vector_store_idx %arg13[%add3A_380, %broadcast_in_dim3A_375], %gather3A_376 : memref<144x128xf32, #tpu.memory_space<vmem>>[vector<16xi32>, vector<16xi32>], vector<16xf32>,
            %broadcast_in_dim3A_381 = arith.constant 18 : i32
            %broadcast_in_dim3A_382 = vector.broadcast %broadcast_in_dim3A_381 : i32 to vector<16xi32>
            %gather3A_383 = tpu.vector_load_idx %arg7[%broadcast_in_dim3A_382, %min3A_250] : memref<32x2048xf32, #tpu.memory_space<vmem>>[vector<16xi32>, vector<16xi32>], vector<16xf32>,
            %mul3A_384 = arith.constant 16 : i32
            %mul3A_385 = arith.muli %while3A_228, %mul3A_384 : i32
            %add3A_386 = vector.broadcast %mul3A_385 : i32 to vector<16xi32>
            %add3A_387 = arith.addi %add3A_386, %iota3A : vector<16xi32>
            tpu.vector_store_idx %arg13[%add3A_387, %broadcast_in_dim3A_382], %gather3A_383 : memref<144x128xf32, #tpu.memory_space<vmem>>[vector<16xi32>, vector<16xi32>], vector<16xf32>,
            %broadcast_in_dim3A_388 = arith.constant 19 : i32
            %broadcast_in_dim3A_389 = vector.broadcast %broadcast_in_dim3A_388 : i32 to vector<16xi32>
            %gather3A_390 = tpu.vector_load_idx %arg7[%broadcast_in_dim3A_389, %min3A_250] : memref<32x2048xf32, #tpu.memory_space<vmem>>[vector<16xi32>, vector<16xi32>], vector<16xf32>,
            %mul3A_391 = arith.constant 16 : i32
            %mul3A_392 = arith.muli %while3A_228, %mul3A_391 : i32
            %add3A_393 = vector.broadcast %mul3A_392 : i32 to vector<16xi32>
            %add3A_394 = arith.addi %add3A_393, %iota3A : vector<16xi32>
            tpu.vector_store_idx %arg13[%add3A_394, %broadcast_in_dim3A_389], %gather3A_390 : memref<144x128xf32, #tpu.memory_space<vmem>>[vector<16xi32>, vector<16xi32>], vector<16xf32>,
            %broadcast_in_dim3A_395 = arith.constant 20 : i32
            %broadcast_in_dim3A_396 = vector.broadcast %broadcast_in_dim3A_395 : i32 to vector<16xi32>
            %gather3A_397 = tpu.vector_load_idx %arg7[%broadcast_in_dim3A_396, %min3A_250] : memref<32x2048xf32, #tpu.memory_space<vmem>>[vector<16xi32>, vector<16xi32>], vector<16xf32>,
            %mul3A_398 = arith.constant 16 : i32
            %mul3A_399 = arith.muli %while3A_228, %mul3A_398 : i32
            %add3A_400 = vector.broadcast %mul3A_399 : i32 to vector<16xi32>
            %add3A_401 = arith.addi %add3A_400, %iota3A : vector<16xi32>
            tpu.vector_store_idx %arg13[%add3A_401, %broadcast_in_dim3A_396], %gather3A_397 : memref<144x128xf32, #tpu.memory_space<vmem>>[vector<16xi32>, vector<16xi32>], vector<16xf32>,
            %broadcast_in_dim3A_402 = arith.constant 21 : i32
            %broadcast_in_dim3A_403 = vector.broadcast %broadcast_in_dim3A_402 : i32 to vector<16xi32>
            %gather3A_404 = tpu.vector_load_idx %arg7[%broadcast_in_dim3A_403, %min3A_250] : memref<32x2048xf32, #tpu.memory_space<vmem>>[vector<16xi32>, vector<16xi32>], vector<16xf32>,
            %mul3A_405 = arith.constant 16 : i32
            %mul3A_406 = arith.muli %while3A_228, %mul3A_405 : i32
            %add3A_407 = vector.broadcast %mul3A_406 : i32 to vector<16xi32>
            %add3A_408 = arith.addi %add3A_407, %iota3A : vector<16xi32>
            tpu.vector_store_idx %arg13[%add3A_408, %broadcast_in_dim3A_403], %gather3A_404 : memref<144x128xf32, #tpu.memory_space<vmem>>[vector<16xi32>, vector<16xi32>], vector<16xf32>,
            %broadcast_in_dim3A_409 = arith.constant 22 : i32
            %broadcast_in_dim3A_410 = vector.broadcast %broadcast_in_dim3A_409 : i32 to vector<16xi32>
            %gather3A_411 = tpu.vector_load_idx %arg7[%broadcast_in_dim3A_410, %min3A_250] : memref<32x2048xf32, #tpu.memory_space<vmem>>[vector<16xi32>, vector<16xi32>], vector<16xf32>,
            %mul3A_412 = arith.constant 16 : i32
            %mul3A_413 = arith.muli %while3A_228, %mul3A_412 : i32
            %add3A_414 = vector.broadcast %mul3A_413 : i32 to vector<16xi32>
            %add3A_415 = arith.addi %add3A_414, %iota3A : vector<16xi32>
            tpu.vector_store_idx %arg13[%add3A_415, %broadcast_in_dim3A_410], %gather3A_411 : memref<144x128xf32, #tpu.memory_space<vmem>>[vector<16xi32>, vector<16xi32>], vector<16xf32>,
            %broadcast_in_dim3A_416 = arith.constant 23 : i32
            %broadcast_in_dim3A_417 = vector.broadcast %broadcast_in_dim3A_416 : i32 to vector<16xi32>
            %gather3A_418 = tpu.vector_load_idx %arg7[%broadcast_in_dim3A_417, %min3A_250] : memref<32x2048xf32, #tpu.memory_space<vmem>>[vector<16xi32>, vector<16xi32>], vector<16xf32>,
            %mul3A_419 = arith.constant 16 : i32
            %mul3A_420 = arith.muli %while3A_228, %mul3A_419 : i32
            %add3A_421 = vector.broadcast %mul3A_420 : i32 to vector<16xi32>
            %add3A_422 = arith.addi %add3A_421, %iota3A : vector<16xi32>
            tpu.vector_store_idx %arg13[%add3A_422, %broadcast_in_dim3A_417], %gather3A_418 : memref<144x128xf32, #tpu.memory_space<vmem>>[vector<16xi32>, vector<16xi32>], vector<16xf32>,
            %broadcast_in_dim3A_423 = arith.constant 24 : i32
            %broadcast_in_dim3A_424 = vector.broadcast %broadcast_in_dim3A_423 : i32 to vector<16xi32>
            %gather3A_425 = tpu.vector_load_idx %arg7[%broadcast_in_dim3A_424, %min3A_250] : memref<32x2048xf32, #tpu.memory_space<vmem>>[vector<16xi32>, vector<16xi32>], vector<16xf32>,
            %mul3A_426 = arith.constant 16 : i32
            %mul3A_427 = arith.muli %while3A_228, %mul3A_426 : i32
            %add3A_428 = vector.broadcast %mul3A_427 : i32 to vector<16xi32>
            %add3A_429 = arith.addi %add3A_428, %iota3A : vector<16xi32>
            tpu.vector_store_idx %arg13[%add3A_429, %broadcast_in_dim3A_424], %gather3A_425 : memref<144x128xf32, #tpu.memory_space<vmem>>[vector<16xi32>, vector<16xi32>], vector<16xf32>,
            %broadcast_in_dim3A_430 = arith.constant 25 : i32
            %broadcast_in_dim3A_431 = vector.broadcast %broadcast_in_dim3A_430 : i32 to vector<16xi32>
            %gather3A_432 = tpu.vector_load_idx %arg7[%broadcast_in_dim3A_431, %min3A_250] : memref<32x2048xf32, #tpu.memory_space<vmem>>[vector<16xi32>, vector<16xi32>], vector<16xf32>,
            %mul3A_433 = arith.constant 16 : i32
            %mul3A_434 = arith.muli %while3A_228, %mul3A_433 : i32
            %add3A_435 = vector.broadcast %mul3A_434 : i32 to vector<16xi32>
            %add3A_436 = arith.addi %add3A_435, %iota3A : vector<16xi32>
            tpu.vector_store_idx %arg13[%add3A_436, %broadcast_in_dim3A_431], %gather3A_432 : memref<144x128xf32, #tpu.memory_space<vmem>>[vector<16xi32>, vector<16xi32>], vector<16xf32>,
            %broadcast_in_dim3A_437 = arith.constant 26 : i32
            %broadcast_in_dim3A_438 = vector.broadcast %broadcast_in_dim3A_437 : i32 to vector<16xi32>
            %gather3A_439 = tpu.vector_load_idx %arg7[%broadcast_in_dim3A_438, %min3A_250] : memref<32x2048xf32, #tpu.memory_space<vmem>>[vector<16xi32>, vector<16xi32>], vector<16xf32>,
            %mul3A_440 = arith.constant 16 : i32
            %mul3A_441 = arith.muli %while3A_228, %mul3A_440 : i32
            %add3A_442 = vector.broadcast %mul3A_441 : i32 to vector<16xi32>
            %add3A_443 = arith.addi %add3A_442, %iota3A : vector<16xi32>
            tpu.vector_store_idx %arg13[%add3A_443, %broadcast_in_dim3A_438], %gather3A_439 : memref<144x128xf32, #tpu.memory_space<vmem>>[vector<16xi32>, vector<16xi32>], vector<16xf32>,
            %broadcast_in_dim3A_444 = arith.constant 27 : i32
            %broadcast_in_dim3A_445 = vector.broadcast %broadcast_in_dim3A_444 : i32 to vector<16xi32>
            %gather3A_446 = tpu.vector_load_idx %arg7[%broadcast_in_dim3A_445, %min3A_250] : memref<32x2048xf32, #tpu.memory_space<vmem>>[vector<16xi32>, vector<16xi32>], vector<16xf32>,
            %mul3A_447 = arith.constant 16 : i32
            %mul3A_448 = arith.muli %while3A_228, %mul3A_447 : i32
            %add3A_449 = vector.broadcast %mul3A_448 : i32 to vector<16xi32>
            %add3A_450 = arith.addi %add3A_449, %iota3A : vector<16xi32>
            tpu.vector_store_idx %arg13[%add3A_450, %broadcast_in_dim3A_445], %gather3A_446 : memref<144x128xf32, #tpu.memory_space<vmem>>[vector<16xi32>, vector<16xi32>], vector<16xf32>,
            %broadcast_in_dim3A_451 = arith.constant 28 : i32
            %broadcast_in_dim3A_452 = vector.broadcast %broadcast_in_dim3A_451 : i32 to vector<16xi32>
            %gather3A_453 = tpu.vector_load_idx %arg7[%broadcast_in_dim3A_452, %min3A_250] : memref<32x2048xf32, #tpu.memory_space<vmem>>[vector<16xi32>, vector<16xi32>], vector<16xf32>,
            %mul3A_454 = arith.constant 16 : i32
            %mul3A_455 = arith.muli %while3A_228, %mul3A_454 : i32
            %add3A_456 = vector.broadcast %mul3A_455 : i32 to vector<16xi32>
            %add3A_457 = arith.addi %add3A_456, %iota3A : vector<16xi32>
            tpu.vector_store_idx %arg13[%add3A_457, %broadcast_in_dim3A_452], %gather3A_453 : memref<144x128xf32, #tpu.memory_space<vmem>>[vector<16xi32>, vector<16xi32>], vector<16xf32>,
            %broadcast_in_dim3A_458 = arith.constant 29 : i32
            %broadcast_in_dim3A_459 = vector.broadcast %broadcast_in_dim3A_458 : i32 to vector<16xi32>
            %gather3A_460 = tpu.vector_load_idx %arg7[%broadcast_in_dim3A_459, %min3A_250] : memref<32x2048xf32, #tpu.memory_space<vmem>>[vector<16xi32>, vector<16xi32>], vector<16xf32>,
            %mul3A_461 = arith.constant 16 : i32
            %mul3A_462 = arith.muli %while3A_228, %mul3A_461 : i32
            %add3A_463 = vector.broadcast %mul3A_462 : i32 to vector<16xi32>
            %add3A_464 = arith.addi %add3A_463, %iota3A : vector<16xi32>
            tpu.vector_store_idx %arg13[%add3A_464, %broadcast_in_dim3A_459], %gather3A_460 : memref<144x128xf32, #tpu.memory_space<vmem>>[vector<16xi32>, vector<16xi32>], vector<16xf32>,
            %broadcast_in_dim3A_465 = arith.constant 30 : i32
            %broadcast_in_dim3A_466 = vector.broadcast %broadcast_in_dim3A_465 : i32 to vector<16xi32>
            %gather3A_467 = tpu.vector_load_idx %arg7[%broadcast_in_dim3A_466, %min3A_250] : memref<32x2048xf32, #tpu.memory_space<vmem>>[vector<16xi32>, vector<16xi32>], vector<16xf32>,
            %mul3A_468 = arith.constant 16 : i32
            %mul3A_469 = arith.muli %while3A_228, %mul3A_468 : i32
            %add3A_470 = vector.broadcast %mul3A_469 : i32 to vector<16xi32>
            %add3A_471 = arith.addi %add3A_470, %iota3A : vector<16xi32>
            tpu.vector_store_idx %arg13[%add3A_471, %broadcast_in_dim3A_466], %gather3A_467 : memref<144x128xf32, #tpu.memory_space<vmem>>[vector<16xi32>, vector<16xi32>], vector<16xf32>,
            %broadcast_in_dim3A_472 = arith.constant 31 : i32
            %broadcast_in_dim3A_473 = vector.broadcast %broadcast_in_dim3A_472 : i32 to vector<16xi32>
            %gather3A_474 = tpu.vector_load_idx %arg7[%broadcast_in_dim3A_473, %min3A_250] : memref<32x2048xf32, #tpu.memory_space<vmem>>[vector<16xi32>, vector<16xi32>], vector<16xf32>,
            %mul3A_475 = arith.constant 16 : i32
            %mul3A_476 = arith.muli %while3A_228, %mul3A_475 : i32
            %add3A_477 = vector.broadcast %mul3A_476 : i32 to vector<16xi32>
            %add3A_478 = arith.addi %add3A_477, %iota3A : vector<16xi32>
            tpu.vector_store_idx %arg13[%add3A_478, %broadcast_in_dim3A_473], %gather3A_474 : memref<144x128xf32, #tpu.memory_space<vmem>>[vector<16xi32>, vector<16xi32>], vector<16xf32>,
            %eq3A_479 = arith.constant 0 : i32
            %eq3A_480 = arith.cmpi eq, %arg0, %eq3A_479 : i32
            %convert_element_type3A_481 = arith.extui %eq3A_480 : i1 to i32
            %cond3A_482 = arith.constant 0 : i32
            %cond3A_483 = arith.cmpi ne, %convert_element_type3A_481, %cond3A_482 : i32
            scf.if %cond3A_483 {
              %mul3A_489 = arith.constant 16 : i32
              %mul3A_490 = arith.muli %while3A_228, %mul3A_489 : i32
              %dma_start3A = arith.constant 0 : i32
              %dma_start3A_491 = tpu.memref_slice %arg13[%mul3A_490, %dma_start3A] : memref<144x128xf32, #tpu.memory_space<vmem>> -> memref<16x128xf32, #tpu.memory_space<vmem>>
              %dma_start3A_492 = arith.constant 0 : i32
              %dma_start3A_493 = tpu.memref_slice %arg14[%while3A_228, %dma_start3A_492] : memref<9x16xi32, #tpu.memory_space<vmem>> -> memref<1x16xi32, #tpu.memory_space<vmem>>
              %dma_start3A_494 = tpu.memref_squeeze %dma_start3A_493 : memref<1x16xi32, #tpu.memory_space<vmem>> -> memref<16xi32, #tpu.memory_space<vmem>>
              %dma_start3A_495 = arith.constant 0 : i32
              %dma_start3A_496 = arith.constant 0 : i32
              %dma_start3A_497 = tpu.memref_slice %arg5[%dma_start3A_495, %dma_start3A_496] : memref<16400x128xf32, #tpu.memory_space<hbm>> -> memref<16400x128xf32, #tpu.memory_space<hbm>>
              tpu.enqueue_indirect_dma source(%dma_start3A_491 : memref<16x128xf32, #tpu.memory_space<vmem>>) target(%dma_start3A_497 : memref<16400x128xf32, #tpu.memory_space<hbm>>) offsets(%dma_start3A_494 : memref<16xi32, #tpu.memory_space<vmem>>) semaphore(%arg17 : memref<!tpu.dma_semaphore, #tpu.memory_space<semaphore_mem>>)
            } else {
            }
            %eq3A_484 = arith.constant 1 : i32
            %eq3A_485 = arith.cmpi eq, %arg0, %eq3A_484 : i32
            %convert_element_type3A_486 = arith.extui %eq3A_485 : i1 to i32
            %cond3A_487 = arith.constant 0 : i32
            %cond3A_488 = arith.cmpi ne, %convert_element_type3A_486, %cond3A_487 : i32
            scf.if %cond3A_488 {
              %mul3A_489 = arith.constant 16 : i32
              %mul3A_490 = arith.muli %while3A_228, %mul3A_489 : i32
              %dma_start3A = arith.constant 0 : i32
              %dma_start3A_491 = tpu.memref_slice %arg13[%mul3A_490, %dma_start3A] : memref<144x128xf32, #tpu.memory_space<vmem>> -> memref<16x128xf32, #tpu.memory_space<vmem>>
              %dma_start3A_492 = arith.constant 0 : i32
              %dma_start3A_493 = tpu.memref_slice %arg14[%while3A_228, %dma_start3A_492] : memref<9x16xi32, #tpu.memory_space<vmem>> -> memref<1x16xi32, #tpu.memory_space<vmem>>
              %dma_start3A_494 = tpu.memref_squeeze %dma_start3A_493 : memref<1x16xi32, #tpu.memory_space<vmem>> -> memref<16xi32, #tpu.memory_space<vmem>>
              %dma_start3A_495 = arith.constant 0 : i32
              %dma_start3A_496 = arith.constant 0 : i32
              %dma_start3A_497 = tpu.memref_slice %arg6[%dma_start3A_495, %dma_start3A_496] : memref<16400x128xf32, #tpu.memory_space<hbm>> -> memref<16400x128xf32, #tpu.memory_space<hbm>>
              tpu.enqueue_indirect_dma source(%dma_start3A_491 : memref<16x128xf32, #tpu.memory_space<vmem>>) target(%dma_start3A_497 : memref<16400x128xf32, #tpu.memory_space<hbm>>) offsets(%dma_start3A_494 : memref<16xi32, #tpu.memory_space<vmem>>) semaphore(%arg17 : memref<!tpu.dma_semaphore, #tpu.memory_space<semaphore_mem>>)
            } else {
            }
          }
          %while3A_217 = arith.constant 1 : i32
          scf.for %while3A_228 = %while3A_215 to %while3A_211 step %while3A_217  : i32 {
            %mul3A_229 = arith.constant 16 : i32
            %mul3A_230 = arith.muli %while3A_228, %mul3A_229 : i32
            %get3A_231 = arith.index_cast %mul3A_230 : i32 to index
            %get3A_232 = tpu.vector_load %arg11[%get3A_231] {strides = array<i32>} : memref<144xi32, #tpu.memory_space<vmem>>, vector<16xi32>,
            %mul3A_233 = arith.constant 16 : i32
            %mul3A_234 = arith.muli %while3A_228, %mul3A_233 : i32
            %get3A_235 = arith.index_cast %mul3A_234 : i32 to index
            %get3A_236 = tpu.vector_load %arg12[%get3A_235] {strides = array<i32>} : memref<144xi32, #tpu.memory_space<vmem>>, vector<16xi32>,
            %mul3A_237 = arith.constant 16 : i32
            %mul3A_238 = arith.muli %while3A_228, %mul3A_237 : i32
            %add3A_239 = vector.broadcast %mul3A_238 : i32 to vector<16xi32>
            %add3A_240 = arith.addi %add3A_239, %iota3A : vector<16xi32>
            %lt3A_241 = vector.broadcast %add3A_175 : i32 to vector<16xi32>
            %lt3A_242 = arith.cmpi slt, %add3A_240, %lt3A_241 : vector<16xi32>
            %mul3A_243 = arith.constant 2048 : i32
            %mul3A_244 = arith.muli %add3A_41, %mul3A_243 : i32
            %sub3A_245 = vector.broadcast %mul3A_244 : i32 to vector<16xi32>
            %sub3A_246 = arith.subi %get3A_232, %sub3A_245 : vector<16xi32>
            %jit3A_247 = arith.constant 0 : i32
            %jit3A_248 = arith.constant 2047 : i32
            %max3A = vector.broadcast %jit3A_247 : i32 to vector<16xi32>
            %max3A_249 = arith.maxsi %max3A, %sub3A_246 : vector<16xi32>
            %min3A = vector.broadcast %jit3A_248 : i32 to vector<16xi32>
            %min3A_250 = arith.minsi %min3A, %max3A_249 : vector<16xi32>
            %add3A_251 = arith.constant 16384 : i32
            %add3A_252 = vector.broadcast %add3A_251 : i32 to vector<16xi32>
            %add3A_253 = arith.addi %add3A_252, %iota3A : vector<16xi32>
            %select_n3A_254 = arith.select %lt3A_242, %get3A_236, %add3A_253 : vector<16xi1>, vector<16xi32>
            %broadcast_in_dim3A_255 = vector.broadcast %while3A_228 : i32 to vector<16xi32>
            tpu.vector_store_idx %arg14[%broadcast_in_dim3A_255, %iota3A], %select_n3A_254 : memref<9x16xi32, #tpu.memory_space<vmem>>[vector<16xi32>, vector<16xi32>], vector<16xi32>,
            %broadcast_in_dim3A_256 = arith.constant 0 : i32
            %broadcast_in_dim3A_257 = vector.broadcast %broadcast_in_dim3A_256 : i32 to vector<16xi32>
            %gather3A = tpu.vector_load_idx %arg7[%broadcast_in_dim3A_257, %min3A_250] : memref<32x2048xf32, #tpu.memory_space<vmem>>[vector<16xi32>, vector<16xi32>], vector<16xf32>,
            %mul3A_258 = arith.constant 16 : i32
            %mul3A_259 = arith.muli %while3A_228, %mul3A_258 : i32
            %add3A_260 = vector.broadcast %mul3A_259 : i32 to vector<16xi32>
            %add3A_261 = arith.addi %add3A_260, %iota3A : vector<16xi32>
            tpu.vector_store_idx %arg13[%add3A_261, %broadcast_in_dim3A_257], %gather3A : memref<144x128xf32, #tpu.memory_space<vmem>>[vector<16xi32>, vector<16xi32>], vector<16xf32>,
            %broadcast_in_dim3A_262 = arith.constant 1 : i32
            %broadcast_in_dim3A_263 = vector.broadcast %broadcast_in_dim3A_262 : i32 to vector<16xi32>
            %gather3A_264 = tpu.vector_load_idx %arg7[%broadcast_in_dim3A_263, %min3A_250] : memref<32x2048xf32, #tpu.memory_space<vmem>>[vector<16xi32>, vector<16xi32>], vector<16xf32>,
            %mul3A_265 = arith.constant 16 : i32
            %mul3A_266 = arith.muli %while3A_228, %mul3A_265 : i32
            %add3A_267 = vector.broadcast %mul3A_266 : i32 to vector<16xi32>
            %add3A_268 = arith.addi %add3A_267, %iota3A : vector<16xi32>
            tpu.vector_store_idx %arg13[%add3A_268, %broadcast_in_dim3A_263], %gather3A_264 : memref<144x128xf32, #tpu.memory_space<vmem>>[vector<16xi32>, vector<16xi32>], vector<16xf32>,
            %broadcast_in_dim3A_269 = arith.constant 2 : i32
            %broadcast_in_dim3A_270 = vector.broadcast %broadcast_in_dim3A_269 : i32 to vector<16xi32>
            %gather3A_271 = tpu.vector_load_idx %arg7[%broadcast_in_dim3A_270, %min3A_250] : memref<32x2048xf32, #tpu.memory_space<vmem>>[vector<16xi32>, vector<16xi32>], vector<16xf32>,
            %mul3A_272 = arith.constant 16 : i32
            %mul3A_273 = arith.muli %while3A_228, %mul3A_272 : i32
            %add3A_274 = vector.broadcast %mul3A_273 : i32 to vector<16xi32>
            %add3A_275 = arith.addi %add3A_274, %iota3A : vector<16xi32>
            tpu.vector_store_idx %arg13[%add3A_275, %broadcast_in_dim3A_270], %gather3A_271 : memref<144x128xf32, #tpu.memory_space<vmem>>[vector<16xi32>, vector<16xi32>], vector<16xf32>,
            %broadcast_in_dim3A_276 = arith.constant 3 : i32
            %broadcast_in_dim3A_277 = vector.broadcast %broadcast_in_dim3A_276 : i32 to vector<16xi32>
            %gather3A_278 = tpu.vector_load_idx %arg7[%broadcast_in_dim3A_277, %min3A_250] : memref<32x2048xf32, #tpu.memory_space<vmem>>[vector<16xi32>, vector<16xi32>], vector<16xf32>,
            %mul3A_279 = arith.constant 16 : i32
            %mul3A_280 = arith.muli %while3A_228, %mul3A_279 : i32
            %add3A_281 = vector.broadcast %mul3A_280 : i32 to vector<16xi32>
            %add3A_282 = arith.addi %add3A_281, %iota3A : vector<16xi32>
            tpu.vector_store_idx %arg13[%add3A_282, %broadcast_in_dim3A_277], %gather3A_278 : memref<144x128xf32, #tpu.memory_space<vmem>>[vector<16xi32>, vector<16xi32>], vector<16xf32>,
            %broadcast_in_dim3A_283 = arith.constant 4 : i32
            %broadcast_in_dim3A_284 = vector.broadcast %broadcast_in_dim3A_283 : i32 to vector<16xi32>
            %gather3A_285 = tpu.vector_load_idx %arg7[%broadcast_in_dim3A_284, %min3A_250] : memref<32x2048xf32, #tpu.memory_space<vmem>>[vector<16xi32>, vector<16xi32>], vector<16xf32>,
            %mul3A_286 = arith.constant 16 : i32
            %mul3A_287 = arith.muli %while3A_228, %mul3A_286 : i32
            %add3A_288 = vector.broadcast %mul3A_287 : i32 to vector<16xi32>
            %add3A_289 = arith.addi %add3A_288, %iota3A : vector<16xi32>
            tpu.vector_store_idx %arg13[%add3A_289, %broadcast_in_dim3A_284], %gather3A_285 : memref<144x128xf32, #tpu.memory_space<vmem>>[vector<16xi32>, vector<16xi32>], vector<16xf32>,
            %broadcast_in_dim3A_290 = arith.constant 5 : i32
            %broadcast_in_dim3A_291 = vector.broadcast %broadcast_in_dim3A_290 : i32 to vector<16xi32>
            %gather3A_292 = tpu.vector_load_idx %arg7[%broadcast_in_dim3A_291, %min3A_250] : memref<32x2048xf32, #tpu.memory_space<vmem>>[vector<16xi32>, vector<16xi32>], vector<16xf32>,
            %mul3A_293 = arith.constant 16 : i32
            %mul3A_294 = arith.muli %while3A_228, %mul3A_293 : i32
            %add3A_295 = vector.broadcast %mul3A_294 : i32 to vector<16xi32>
            %add3A_296 = arith.addi %add3A_295, %iota3A : vector<16xi32>
            tpu.vector_store_idx %arg13[%add3A_296, %broadcast_in_dim3A_291], %gather3A_292 : memref<144x128xf32, #tpu.memory_space<vmem>>[vector<16xi32>, vector<16xi32>], vector<16xf32>,
            %broadcast_in_dim3A_297 = arith.constant 6 : i32
            %broadcast_in_dim3A_298 = vector.broadcast %broadcast_in_dim3A_297 : i32 to vector<16xi32>
            %gather3A_299 = tpu.vector_load_idx %arg7[%broadcast_in_dim3A_298, %min3A_250] : memref<32x2048xf32, #tpu.memory_space<vmem>>[vector<16xi32>, vector<16xi32>], vector<16xf32>,
            %mul3A_300 = arith.constant 16 : i32
            %mul3A_301 = arith.muli %while3A_228, %mul3A_300 : i32
            %add3A_302 = vector.broadcast %mul3A_301 : i32 to vector<16xi32>
            %add3A_303 = arith.addi %add3A_302, %iota3A : vector<16xi32>
            tpu.vector_store_idx %arg13[%add3A_303, %broadcast_in_dim3A_298], %gather3A_299 : memref<144x128xf32, #tpu.memory_space<vmem>>[vector<16xi32>, vector<16xi32>], vector<16xf32>,
            %broadcast_in_dim3A_304 = arith.constant 7 : i32
            %broadcast_in_dim3A_305 = vector.broadcast %broadcast_in_dim3A_304 : i32 to vector<16xi32>
            %gather3A_306 = tpu.vector_load_idx %arg7[%broadcast_in_dim3A_305, %min3A_250] : memref<32x2048xf32, #tpu.memory_space<vmem>>[vector<16xi32>, vector<16xi32>], vector<16xf32>,
            %mul3A_307 = arith.constant 16 : i32
            %mul3A_308 = arith.muli %while3A_228, %mul3A_307 : i32
            %add3A_309 = vector.broadcast %mul3A_308 : i32 to vector<16xi32>
            %add3A_310 = arith.addi %add3A_309, %iota3A : vector<16xi32>
            tpu.vector_store_idx %arg13[%add3A_310, %broadcast_in_dim3A_305], %gather3A_306 : memref<144x128xf32, #tpu.memory_space<vmem>>[vector<16xi32>, vector<16xi32>], vector<16xf32>,
            %broadcast_in_dim3A_311 = arith.constant 8 : i32
            %broadcast_in_dim3A_312 = vector.broadcast %broadcast_in_dim3A_311 : i32 to vector<16xi32>
            %gather3A_313 = tpu.vector_load_idx %arg7[%broadcast_in_dim3A_312, %min3A_250] : memref<32x2048xf32, #tpu.memory_space<vmem>>[vector<16xi32>, vector<16xi32>], vector<16xf32>,
            %mul3A_314 = arith.constant 16 : i32
            %mul3A_315 = arith.muli %while3A_228, %mul3A_314 : i32
            %add3A_316 = vector.broadcast %mul3A_315 : i32 to vector<16xi32>
            %add3A_317 = arith.addi %add3A_316, %iota3A : vector<16xi32>
            tpu.vector_store_idx %arg13[%add3A_317, %broadcast_in_dim3A_312], %gather3A_313 : memref<144x128xf32, #tpu.memory_space<vmem>>[vector<16xi32>, vector<16xi32>], vector<16xf32>,
            %broadcast_in_dim3A_318 = arith.constant 9 : i32
            %broadcast_in_dim3A_319 = vector.broadcast %broadcast_in_dim3A_318 : i32 to vector<16xi32>
            %gather3A_320 = tpu.vector_load_idx %arg7[%broadcast_in_dim3A_319, %min3A_250] : memref<32x2048xf32, #tpu.memory_space<vmem>>[vector<16xi32>, vector<16xi32>], vector<16xf32>,
            %mul3A_321 = arith.constant 16 : i32
            %mul3A_322 = arith.muli %while3A_228, %mul3A_321 : i32
            %add3A_323 = vector.broadcast %mul3A_322 : i32 to vector<16xi32>
            %add3A_324 = arith.addi %add3A_323, %iota3A : vector<16xi32>
            tpu.vector_store_idx %arg13[%add3A_324, %broadcast_in_dim3A_319], %gather3A_320 : memref<144x128xf32, #tpu.memory_space<vmem>>[vector<16xi32>, vector<16xi32>], vector<16xf32>,
            %broadcast_in_dim3A_325 = arith.constant 10 : i32
            %broadcast_in_dim3A_326 = vector.broadcast %broadcast_in_dim3A_325 : i32 to vector<16xi32>
            %gather3A_327 = tpu.vector_load_idx %arg7[%broadcast_in_dim3A_326, %min3A_250] : memref<32x2048xf32, #tpu.memory_space<vmem>>[vector<16xi32>, vector<16xi32>], vector<16xf32>,
            %mul3A_328 = arith.constant 16 : i32
            %mul3A_329 = arith.muli %while3A_228, %mul3A_328 : i32
            %add3A_330 = vector.broadcast %mul3A_329 : i32 to vector<16xi32>
            %add3A_331 = arith.addi %add3A_330, %iota3A : vector<16xi32>
            tpu.vector_store_idx %arg13[%add3A_331, %broadcast_in_dim3A_326], %gather3A_327 : memref<144x128xf32, #tpu.memory_space<vmem>>[vector<16xi32>, vector<16xi32>], vector<16xf32>,
            %broadcast_in_dim3A_332 = arith.constant 11 : i32
            %broadcast_in_dim3A_333 = vector.broadcast %broadcast_in_dim3A_332 : i32 to vector<16xi32>
            %gather3A_334 = tpu.vector_load_idx %arg7[%broadcast_in_dim3A_333, %min3A_250] : memref<32x2048xf32, #tpu.memory_space<vmem>>[vector<16xi32>, vector<16xi32>], vector<16xf32>,
            %mul3A_335 = arith.constant 16 : i32
            %mul3A_336 = arith.muli %while3A_228, %mul3A_335 : i32
            %add3A_337 = vector.broadcast %mul3A_336 : i32 to vector<16xi32>
            %add3A_338 = arith.addi %add3A_337, %iota3A : vector<16xi32>
            tpu.vector_store_idx %arg13[%add3A_338, %broadcast_in_dim3A_333], %gather3A_334 : memref<144x128xf32, #tpu.memory_space<vmem>>[vector<16xi32>, vector<16xi32>], vector<16xf32>,
            %broadcast_in_dim3A_339 = arith.constant 12 : i32
            %broadcast_in_dim3A_340 = vector.broadcast %broadcast_in_dim3A_339 : i32 to vector<16xi32>
            %gather3A_341 = tpu.vector_load_idx %arg7[%broadcast_in_dim3A_340, %min3A_250] : memref<32x2048xf32, #tpu.memory_space<vmem>>[vector<16xi32>, vector<16xi32>], vector<16xf32>,
            %mul3A_342 = arith.constant 16 : i32
            %mul3A_343 = arith.muli %while3A_228, %mul3A_342 : i32
            %add3A_344 = vector.broadcast %mul3A_343 : i32 to vector<16xi32>
            %add3A_345 = arith.addi %add3A_344, %iota3A : vector<16xi32>
            tpu.vector_store_idx %arg13[%add3A_345, %broadcast_in_dim3A_340], %gather3A_341 : memref<144x128xf32, #tpu.memory_space<vmem>>[vector<16xi32>, vector<16xi32>], vector<16xf32>,
            %broadcast_in_dim3A_346 = arith.constant 13 : i32
            %broadcast_in_dim3A_347 = vector.broadcast %broadcast_in_dim3A_346 : i32 to vector<16xi32>
            %gather3A_348 = tpu.vector_load_idx %arg7[%broadcast_in_dim3A_347, %min3A_250] : memref<32x2048xf32, #tpu.memory_space<vmem>>[vector<16xi32>, vector<16xi32>], vector<16xf32>,
            %mul3A_349 = arith.constant 16 : i32
            %mul3A_350 = arith.muli %while3A_228, %mul3A_349 : i32
            %add3A_351 = vector.broadcast %mul3A_350 : i32 to vector<16xi32>
            %add3A_352 = arith.addi %add3A_351, %iota3A : vector<16xi32>
            tpu.vector_store_idx %arg13[%add3A_352, %broadcast_in_dim3A_347], %gather3A_348 : memref<144x128xf32, #tpu.memory_space<vmem>>[vector<16xi32>, vector<16xi32>], vector<16xf32>,
            %broadcast_in_dim3A_353 = arith.constant 14 : i32
            %broadcast_in_dim3A_354 = vector.broadcast %broadcast_in_dim3A_353 : i32 to vector<16xi32>
            %gather3A_355 = tpu.vector_load_idx %arg7[%broadcast_in_dim3A_354, %min3A_250] : memref<32x2048xf32, #tpu.memory_space<vmem>>[vector<16xi32>, vector<16xi32>], vector<16xf32>,
            %mul3A_356 = arith.constant 16 : i32
            %mul3A_357 = arith.muli %while3A_228, %mul3A_356 : i32
            %add3A_358 = vector.broadcast %mul3A_357 : i32 to vector<16xi32>
            %add3A_359 = arith.addi %add3A_358, %iota3A : vector<16xi32>
            tpu.vector_store_idx %arg13[%add3A_359, %broadcast_in_dim3A_354], %gather3A_355 : memref<144x128xf32, #tpu.memory_space<vmem>>[vector<16xi32>, vector<16xi32>], vector<16xf32>,
            %broadcast_in_dim3A_360 = arith.constant 15 : i32
            %broadcast_in_dim3A_361 = vector.broadcast %broadcast_in_dim3A_360 : i32 to vector<16xi32>
            %gather3A_362 = tpu.vector_load_idx %arg7[%broadcast_in_dim3A_361, %min3A_250] : memref<32x2048xf32, #tpu.memory_space<vmem>>[vector<16xi32>, vector<16xi32>], vector<16xf32>,
            %mul3A_363 = arith.constant 16 : i32
            %mul3A_364 = arith.muli %while3A_228, %mul3A_363 : i32
            %add3A_365 = vector.broadcast %mul3A_364 : i32 to vector<16xi32>
            %add3A_366 = arith.addi %add3A_365, %iota3A : vector<16xi32>
            tpu.vector_store_idx %arg13[%add3A_366, %broadcast_in_dim3A_361], %gather3A_362 : memref<144x128xf32, #tpu.memory_space<vmem>>[vector<16xi32>, vector<16xi32>], vector<16xf32>,
            %broadcast_in_dim3A_367 = arith.constant 16 : i32
            %broadcast_in_dim3A_368 = vector.broadcast %broadcast_in_dim3A_367 : i32 to vector<16xi32>
            %gather3A_369 = tpu.vector_load_idx %arg7[%broadcast_in_dim3A_368, %min3A_250] : memref<32x2048xf32, #tpu.memory_space<vmem>>[vector<16xi32>, vector<16xi32>], vector<16xf32>,
            %mul3A_370 = arith.constant 16 : i32
            %mul3A_371 = arith.muli %while3A_228, %mul3A_370 : i32
            %add3A_372 = vector.broadcast %mul3A_371 : i32 to vector<16xi32>
            %add3A_373 = arith.addi %add3A_372, %iota3A : vector<16xi32>
            tpu.vector_store_idx %arg13[%add3A_373, %broadcast_in_dim3A_368], %gather3A_369 : memref<144x128xf32, #tpu.memory_space<vmem>>[vector<16xi32>, vector<16xi32>], vector<16xf32>,
            %broadcast_in_dim3A_374 = arith.constant 17 : i32
            %broadcast_in_dim3A_375 = vector.broadcast %broadcast_in_dim3A_374 : i32 to vector<16xi32>
            %gather3A_376 = tpu.vector_load_idx %arg7[%broadcast_in_dim3A_375, %min3A_250] : memref<32x2048xf32, #tpu.memory_space<vmem>>[vector<16xi32>, vector<16xi32>], vector<16xf32>,
            %mul3A_377 = arith.constant 16 : i32
            %mul3A_378 = arith.muli %while3A_228, %mul3A_377 : i32
            %add3A_379 = vector.broadcast %mul3A_378 : i32 to vector<16xi32>
            %add3A_380 = arith.addi %add3A_379, %iota3A : vector<16xi32>
            tpu.vector_store_idx %arg13[%add3A_380, %broadcast_in_dim3A_375], %gather3A_376 : memref<144x128xf32, #tpu.memory_space<vmem>>[vector<16xi32>, vector<16xi32>], vector<16xf32>,
            %broadcast_in_dim3A_381 = arith.constant 18 : i32
            %broadcast_in_dim3A_382 = vector.broadcast %broadcast_in_dim3A_381 : i32 to vector<16xi32>
            %gather3A_383 = tpu.vector_load_idx %arg7[%broadcast_in_dim3A_382, %min3A_250] : memref<32x2048xf32, #tpu.memory_space<vmem>>[vector<16xi32>, vector<16xi32>], vector<16xf32>,
            %mul3A_384 = arith.constant 16 : i32
            %mul3A_385 = arith.muli %while3A_228, %mul3A_384 : i32
            %add3A_386 = vector.broadcast %mul3A_385 : i32 to vector<16xi32>
            %add3A_387 = arith.addi %add3A_386, %iota3A : vector<16xi32>
            tpu.vector_store_idx %arg13[%add3A_387, %broadcast_in_dim3A_382], %gather3A_383 : memref<144x128xf32, #tpu.memory_space<vmem>>[vector<16xi32>, vector<16xi32>], vector<16xf32>,
            %broadcast_in_dim3A_388 = arith.constant 19 : i32
            %broadcast_in_dim3A_389 = vector.broadcast %broadcast_in_dim3A_388 : i32 to vector<16xi32>
            %gather3A_390 = tpu.vector_load_idx %arg7[%broadcast_in_dim3A_389, %min3A_250] : memref<32x2048xf32, #tpu.memory_space<vmem>>[vector<16xi32>, vector<16xi32>], vector<16xf32>,
            %mul3A_391 = arith.constant 16 : i32
            %mul3A_392 = arith.muli %while3A_228, %mul3A_391 : i32
            %add3A_393 = vector.broadcast %mul3A_392 : i32 to vector<16xi32>
            %add3A_394 = arith.addi %add3A_393, %iota3A : vector<16xi32>
            tpu.vector_store_idx %arg13[%add3A_394, %broadcast_in_dim3A_389], %gather3A_390 : memref<144x128xf32, #tpu.memory_space<vmem>>[vector<16xi32>, vector<16xi32>], vector<16xf32>,
            %broadcast_in_dim3A_395 = arith.constant 20 : i32
            %broadcast_in_dim3A_396 = vector.broadcast %broadcast_in_dim3A_395 : i32 to vector<16xi32>
            %gather3A_397 = tpu.vector_load_idx %arg7[%broadcast_in_dim3A_396, %min3A_250] : memref<32x2048xf32, #tpu.memory_space<vmem>>[vector<16xi32>, vector<16xi32>], vector<16xf32>,
            %mul3A_398 = arith.constant 16 : i32
            %mul3A_399 = arith.muli %while3A_228, %mul3A_398 : i32
            %add3A_400 = vector.broadcast %mul3A_399 : i32 to vector<16xi32>
            %add3A_401 = arith.addi %add3A_400, %iota3A : vector<16xi32>
            tpu.vector_store_idx %arg13[%add3A_401, %broadcast_in_dim3A_396], %gather3A_397 : memref<144x128xf32, #tpu.memory_space<vmem>>[vector<16xi32>, vector<16xi32>], vector<16xf32>,
            %broadcast_in_dim3A_402 = arith.constant 21 : i32
            %broadcast_in_dim3A_403 = vector.broadcast %broadcast_in_dim3A_402 : i32 to vector<16xi32>
            %gather3A_404 = tpu.vector_load_idx %arg7[%broadcast_in_dim3A_403, %min3A_250] : memref<32x2048xf32, #tpu.memory_space<vmem>>[vector<16xi32>, vector<16xi32>], vector<16xf32>,
            %mul3A_405 = arith.constant 16 : i32
            %mul3A_406 = arith.muli %while3A_228, %mul3A_405 : i32
            %add3A_407 = vector.broadcast %mul3A_406 : i32 to vector<16xi32>
            %add3A_408 = arith.addi %add3A_407, %iota3A : vector<16xi32>
            tpu.vector_store_idx %arg13[%add3A_408, %broadcast_in_dim3A_403], %gather3A_404 : memref<144x128xf32, #tpu.memory_space<vmem>>[vector<16xi32>, vector<16xi32>], vector<16xf32>,
            %broadcast_in_dim3A_409 = arith.constant 22 : i32
            %broadcast_in_dim3A_410 = vector.broadcast %broadcast_in_dim3A_409 : i32 to vector<16xi32>
            %gather3A_411 = tpu.vector_load_idx %arg7[%broadcast_in_dim3A_410, %min3A_250] : memref<32x2048xf32, #tpu.memory_space<vmem>>[vector<16xi32>, vector<16xi32>], vector<16xf32>,
            %mul3A_412 = arith.constant 16 : i32
            %mul3A_413 = arith.muli %while3A_228, %mul3A_412 : i32
            %add3A_414 = vector.broadcast %mul3A_413 : i32 to vector<16xi32>
            %add3A_415 = arith.addi %add3A_414, %iota3A : vector<16xi32>
            tpu.vector_store_idx %arg13[%add3A_415, %broadcast_in_dim3A_410], %gather3A_411 : memref<144x128xf32, #tpu.memory_space<vmem>>[vector<16xi32>, vector<16xi32>], vector<16xf32>,
            %broadcast_in_dim3A_416 = arith.constant 23 : i32
            %broadcast_in_dim3A_417 = vector.broadcast %broadcast_in_dim3A_416 : i32 to vector<16xi32>
            %gather3A_418 = tpu.vector_load_idx %arg7[%broadcast_in_dim3A_417, %min3A_250] : memref<32x2048xf32, #tpu.memory_space<vmem>>[vector<16xi32>, vector<16xi32>], vector<16xf32>,
            %mul3A_419 = arith.constant 16 : i32
            %mul3A_420 = arith.muli %while3A_228, %mul3A_419 : i32
            %add3A_421 = vector.broadcast %mul3A_420 : i32 to vector<16xi32>
            %add3A_422 = arith.addi %add3A_421, %iota3A : vector<16xi32>
            tpu.vector_store_idx %arg13[%add3A_422, %broadcast_in_dim3A_417], %gather3A_418 : memref<144x128xf32, #tpu.memory_space<vmem>>[vector<16xi32>, vector<16xi32>], vector<16xf32>,
            %broadcast_in_dim3A_423 = arith.constant 24 : i32
            %broadcast_in_dim3A_424 = vector.broadcast %broadcast_in_dim3A_423 : i32 to vector<16xi32>
            %gather3A_425 = tpu.vector_load_idx %arg7[%broadcast_in_dim3A_424, %min3A_250] : memref<32x2048xf32, #tpu.memory_space<vmem>>[vector<16xi32>, vector<16xi32>], vector<16xf32>,
            %mul3A_426 = arith.constant 16 : i32
            %mul3A_427 = arith.muli %while3A_228, %mul3A_426 : i32
            %add3A_428 = vector.broadcast %mul3A_427 : i32 to vector<16xi32>
            %add3A_429 = arith.addi %add3A_428, %iota3A : vector<16xi32>
            tpu.vector_store_idx %arg13[%add3A_429, %broadcast_in_dim3A_424], %gather3A_425 : memref<144x128xf32, #tpu.memory_space<vmem>>[vector<16xi32>, vector<16xi32>], vector<16xf32>,
            %broadcast_in_dim3A_430 = arith.constant 25 : i32
            %broadcast_in_dim3A_431 = vector.broadcast %broadcast_in_dim3A_430 : i32 to vector<16xi32>
            %gather3A_432 = tpu.vector_load_idx %arg7[%broadcast_in_dim3A_431, %min3A_250] : memref<32x2048xf32, #tpu.memory_space<vmem>>[vector<16xi32>, vector<16xi32>], vector<16xf32>,
            %mul3A_433 = arith.constant 16 : i32
            %mul3A_434 = arith.muli %while3A_228, %mul3A_433 : i32
            %add3A_435 = vector.broadcast %mul3A_434 : i32 to vector<16xi32>
            %add3A_436 = arith.addi %add3A_435, %iota3A : vector<16xi32>
            tpu.vector_store_idx %arg13[%add3A_436, %broadcast_in_dim3A_431], %gather3A_432 : memref<144x128xf32, #tpu.memory_space<vmem>>[vector<16xi32>, vector<16xi32>], vector<16xf32>,
            %broadcast_in_dim3A_437 = arith.constant 26 : i32
            %broadcast_in_dim3A_438 = vector.broadcast %broadcast_in_dim3A_437 : i32 to vector<16xi32>
            %gather3A_439 = tpu.vector_load_idx %arg7[%broadcast_in_dim3A_438, %min3A_250] : memref<32x2048xf32, #tpu.memory_space<vmem>>[vector<16xi32>, vector<16xi32>], vector<16xf32>,
            %mul3A_440 = arith.constant 16 : i32
            %mul3A_441 = arith.muli %while3A_228, %mul3A_440 : i32
            %add3A_442 = vector.broadcast %mul3A_441 : i32 to vector<16xi32>
            %add3A_443 = arith.addi %add3A_442, %iota3A : vector<16xi32>
            tpu.vector_store_idx %arg13[%add3A_443, %broadcast_in_dim3A_438], %gather3A_439 : memref<144x128xf32, #tpu.memory_space<vmem>>[vector<16xi32>, vector<16xi32>], vector<16xf32>,
            %broadcast_in_dim3A_444 = arith.constant 27 : i32
            %broadcast_in_dim3A_445 = vector.broadcast %broadcast_in_dim3A_444 : i32 to vector<16xi32>
            %gather3A_446 = tpu.vector_load_idx %arg7[%broadcast_in_dim3A_445, %min3A_250] : memref<32x2048xf32, #tpu.memory_space<vmem>>[vector<16xi32>, vector<16xi32>], vector<16xf32>,
            %mul3A_447 = arith.constant 16 : i32
            %mul3A_448 = arith.muli %while3A_228, %mul3A_447 : i32
            %add3A_449 = vector.broadcast %mul3A_448 : i32 to vector<16xi32>
            %add3A_450 = arith.addi %add3A_449, %iota3A : vector<16xi32>
            tpu.vector_store_idx %arg13[%add3A_450, %broadcast_in_dim3A_445], %gather3A_446 : memref<144x128xf32, #tpu.memory_space<vmem>>[vector<16xi32>, vector<16xi32>], vector<16xf32>,
            %broadcast_in_dim3A_451 = arith.constant 28 : i32
            %broadcast_in_dim3A_452 = vector.broadcast %broadcast_in_dim3A_451 : i32 to vector<16xi32>
            %gather3A_453 = tpu.vector_load_idx %arg7[%broadcast_in_dim3A_452, %min3A_250] : memref<32x2048xf32, #tpu.memory_space<vmem>>[vector<16xi32>, vector<16xi32>], vector<16xf32>,
            %mul3A_454 = arith.constant 16 : i32
            %mul3A_455 = arith.muli %while3A_228, %mul3A_454 : i32
            %add3A_456 = vector.broadcast %mul3A_455 : i32 to vector<16xi32>
            %add3A_457 = arith.addi %add3A_456, %iota3A : vector<16xi32>
            tpu.vector_store_idx %arg13[%add3A_457, %broadcast_in_dim3A_452], %gather3A_453 : memref<144x128xf32, #tpu.memory_space<vmem>>[vector<16xi32>, vector<16xi32>], vector<16xf32>,
            %broadcast_in_dim3A_458 = arith.constant 29 : i32
            %broadcast_in_dim3A_459 = vector.broadcast %broadcast_in_dim3A_458 : i32 to vector<16xi32>
            %gather3A_460 = tpu.vector_load_idx %arg7[%broadcast_in_dim3A_459, %min3A_250] : memref<32x2048xf32, #tpu.memory_space<vmem>>[vector<16xi32>, vector<16xi32>], vector<16xf32>,
            %mul3A_461 = arith.constant 16 : i32
            %mul3A_462 = arith.muli %while3A_228, %mul3A_461 : i32
            %add3A_463 = vector.broadcast %mul3A_462 : i32 to vector<16xi32>
            %add3A_464 = arith.addi %add3A_463, %iota3A : vector<16xi32>
            tpu.vector_store_idx %arg13[%add3A_464, %broadcast_in_dim3A_459], %gather3A_460 : memref<144x128xf32, #tpu.memory_space<vmem>>[vector<16xi32>, vector<16xi32>], vector<16xf32>,
            %broadcast_in_dim3A_465 = arith.constant 30 : i32
            %broadcast_in_dim3A_466 = vector.broadcast %broadcast_in_dim3A_465 : i32 to vector<16xi32>
            %gather3A_467 = tpu.vector_load_idx %arg7[%broadcast_in_dim3A_466, %min3A_250] : memref<32x2048xf32, #tpu.memory_space<vmem>>[vector<16xi32>, vector<16xi32>], vector<16xf32>,
            %mul3A_468 = arith.constant 16 : i32
            %mul3A_469 = arith.muli %while3A_228, %mul3A_468 : i32
            %add3A_470 = vector.broadcast %mul3A_469 : i32 to vector<16xi32>
            %add3A_471 = arith.addi %add3A_470, %iota3A : vector<16xi32>
            tpu.vector_store_idx %arg13[%add3A_471, %broadcast_in_dim3A_466], %gather3A_467 : memref<144x128xf32, #tpu.memory_space<vmem>>[vector<16xi32>, vector<16xi32>], vector<16xf32>,
            %broadcast_in_dim3A_472 = arith.constant 31 : i32
            %broadcast_in_dim3A_473 = vector.broadcast %broadcast_in_dim3A_472 : i32 to vector<16xi32>
            %gather3A_474 = tpu.vector_load_idx %arg7[%broadcast_in_dim3A_473, %min3A_250] : memref<32x2048xf32, #tpu.memory_space<vmem>>[vector<16xi32>, vector<16xi32>], vector<16xf32>,
            %mul3A_475 = arith.constant 16 : i32
            %mul3A_476 = arith.muli %while3A_228, %mul3A_475 : i32
            %add3A_477 = vector.broadcast %mul3A_476 : i32 to vector<16xi32>
            %add3A_478 = arith.addi %add3A_477, %iota3A : vector<16xi32>
            tpu.vector_store_idx %arg13[%add3A_478, %broadcast_in_dim3A_473], %gather3A_474 : memref<144x128xf32, #tpu.memory_space<vmem>>[vector<16xi32>, vector<16xi32>], vector<16xf32>,
            %eq3A_479 = arith.constant 0 : i32
            %eq3A_480 = arith.cmpi eq, %arg0, %eq3A_479 : i32
            %convert_element_type3A_481 = arith.extui %eq3A_480 : i1 to i32
            %cond3A_482 = arith.constant 0 : i32
            %cond3A_483 = arith.cmpi ne, %convert_element_type3A_481, %cond3A_482 : i32
            scf.if %cond3A_483 {
              %mul3A_489 = arith.constant 16 : i32
              %mul3A_490 = arith.muli %while3A_228, %mul3A_489 : i32
              %dma_start3A = arith.constant 0 : i32
              %dma_start3A_491 = tpu.memref_slice %arg13[%mul3A_490, %dma_start3A] : memref<144x128xf32, #tpu.memory_space<vmem>> -> memref<16x128xf32, #tpu.memory_space<vmem>>
              %dma_start3A_492 = arith.constant 0 : i32
              %dma_start3A_493 = tpu.memref_slice %arg14[%while3A_228, %dma_start3A_492] : memref<9x16xi32, #tpu.memory_space<vmem>> -> memref<1x16xi32, #tpu.memory_space<vmem>>
              %dma_start3A_494 = tpu.memref_squeeze %dma_start3A_493 : memref<1x16xi32, #tpu.memory_space<vmem>> -> memref<16xi32, #tpu.memory_space<vmem>>
              %dma_start3A_495 = arith.constant 0 : i32
              %dma_start3A_496 = arith.constant 0 : i32
              %dma_start3A_497 = tpu.memref_slice %arg5[%dma_start3A_495, %dma_start3A_496] : memref<16400x128xf32, #tpu.memory_space<hbm>> -> memref<16400x128xf32, #tpu.memory_space<hbm>>
              tpu.enqueue_indirect_dma source(%dma_start3A_491 : memref<16x128xf32, #tpu.memory_space<vmem>>) target(%dma_start3A_497 : memref<16400x128xf32, #tpu.memory_space<hbm>>) offsets(%dma_start3A_494 : memref<16xi32, #tpu.memory_space<vmem>>) semaphore(%arg17 : memref<!tpu.dma_semaphore, #tpu.memory_space<semaphore_mem>>)
            } else {
            }
            %eq3A_484 = arith.constant 1 : i32
            %eq3A_485 = arith.cmpi eq, %arg0, %eq3A_484 : i32
            %convert_element_type3A_486 = arith.extui %eq3A_485 : i1 to i32
            %cond3A_487 = arith.constant 0 : i32
            %cond3A_488 = arith.cmpi ne, %convert_element_type3A_486, %cond3A_487 : i32
            scf.if %cond3A_488 {
              %mul3A_489 = arith.constant 16 : i32
              %mul3A_490 = arith.muli %while3A_228, %mul3A_489 : i32
              %dma_start3A = arith.constant 0 : i32
              %dma_start3A_491 = tpu.memref_slice %arg13[%mul3A_490, %dma_start3A] : memref<144x128xf32, #tpu.memory_space<vmem>> -> memref<16x128xf32, #tpu.memory_space<vmem>>
              %dma_start3A_492 = arith.constant 0 : i32
              %dma_start3A_493 = tpu.memref_slice %arg14[%while3A_228, %dma_start3A_492] : memref<9x16xi32, #tpu.memory_space<vmem>> -> memref<1x16xi32, #tpu.memory_space<vmem>>
              %dma_start3A_494 = tpu.memref_squeeze %dma_start3A_493 : memref<1x16xi32, #tpu.memory_space<vmem>> -> memref<16xi32, #tpu.memory_space<vmem>>
              %dma_start3A_495 = arith.constant 0 : i32
              %dma_start3A_496 = arith.constant 0 : i32
              %dma_start3A_497 = tpu.memref_slice %arg6[%dma_start3A_495, %dma_start3A_496] : memref<16400x128xf32, #tpu.memory_space<hbm>> -> memref<16400x128xf32, #tpu.memory_space<hbm>>
              tpu.enqueue_indirect_dma source(%dma_start3A_491 : memref<16x128xf32, #tpu.memory_space<vmem>>) target(%dma_start3A_497 : memref<16400x128xf32, #tpu.memory_space<hbm>>) offsets(%dma_start3A_494 : memref<16xi32, #tpu.memory_space<vmem>>) semaphore(%arg17 : memref<!tpu.dma_semaphore, #tpu.memory_space<semaphore_mem>>)
            } else {
            }
          }
          %while3A_218 = arith.constant 0 : i32
          %while3A_219 = arith.constant 0 : i32
          %while3A_220 = arith.subi %select_n3A_207, %while3A_219 : i32
          %while3A_221 = arith.addi %while3A_219, %while3A_220 : i32
          %while3A_222 = arith.constant 1 : i32
          %while3A_223 = arith.divsi %while3A_220, %while3A_222 : i32
          %while3A_224 = arith.muli %while3A_223, %while3A_222 : i32
          %while3A_225 = arith.addi %while3A_219, %while3A_224 : i32
          %while3A_226 = arith.constant 1 : i32
          scf.for %while3A_228 = %while3A_219 to %while3A_225 step %while3A_226  : i32 {
            %dma_wait3A_229 = arith.constant 0 : i32
            %dma_wait3A_230 = arith.constant 0 : i32
            %dma_wait3A_231 = tpu.memref_slice %arg2[%dma_wait3A_229, %dma_wait3A_230] : memref<64x1000000xf32, #tpu.memory_space<hbm>> -> memref<16x128xf32, #tpu.memory_space<hbm>>
            %dma_wait3A_232 = arith.constant 0 : i32
            %dma_wait3A_233 = arith.constant 0 : i32
            %dma_wait3A_234 = tpu.memref_slice %arg2[%dma_wait3A_232, %dma_wait3A_233] : memref<64x1000000xf32, #tpu.memory_space<hbm>> -> memref<16x128xf32, #tpu.memory_space<hbm>>
            tpu.wait_dma2 semaphore(%arg17 : memref<!tpu.dma_semaphore, #tpu.memory_space<semaphore_mem>>) src(%dma_wait3A_234 : memref<16x128xf32, #tpu.memory_space<hbm>>) dst(%arg15 : memref<16x128xf32, #tpu.memory_space<vmem>>)
          }
          %while3A_227 = arith.constant 1 : i32
          scf.for %while3A_228 = %while3A_225 to %while3A_221 step %while3A_227  : i32 {
            %dma_wait3A_229 = arith.constant 0 : i32
            %dma_wait3A_230 = arith.constant 0 : i32
            %dma_wait3A_231 = tpu.memref_slice %arg2[%dma_wait3A_229, %dma_wait3A_230] : memref<64x1000000xf32, #tpu.memory_space<hbm>> -> memref<16x128xf32, #tpu.memory_space<hbm>>
            %dma_wait3A_232 = arith.constant 0 : i32
            %dma_wait3A_233 = arith.constant 0 : i32
            %dma_wait3A_234 = tpu.memref_slice %arg2[%dma_wait3A_232, %dma_wait3A_233] : memref<64x1000000xf32, #tpu.memory_space<hbm>> -> memref<16x128xf32, #tpu.memory_space<hbm>>
            tpu.wait_dma2 semaphore(%arg17 : memref<!tpu.dma_semaphore, #tpu.memory_space<semaphore_mem>>) src(%dma_wait3A_234 : memref<16x128xf32, #tpu.memory_space<hbm>>) dst(%arg15 : memref<16x128xf32, #tpu.memory_space<vmem>>)
          }
        } else {
        }
        %jit3A_180 = arith.constant 0 : i32
        %select_n3A_181 = arith.select %ge3A_176, %jit3A_180, %add3A_175 : i32
        scf.yield %select_n3A_181 : i32
      }
      %add3A_95 = arith.constant 15 : i32
      %add3A_96 = arith.addi %while3A_94, %add3A_95 : i32
      %jit3A_97 = arith.constant 16 : i32
      %div3A_98 = arith.divsi %add3A_96, %jit3A_97 : i32
      %sign3A_99 = arith.constant 0 : i32
      %sign3A_100 = arith.cmpi sgt, %add3A_96, %sign3A_99 : i32
      %sign3A_101 = arith.extui %sign3A_100 : i1 to i32
      %sign3A_102 = arith.constant 0 : i32
      %sign3A_103 = arith.cmpi slt, %add3A_96, %sign3A_102 : i32
      %sign3A_104 = arith.extui %sign3A_103 : i1 to i32
      %sign3A_105 = arith.subi %sign3A_101, %sign3A_104 : i32
      %sign3A_106 = arith.constant 0 : i32
      %sign3A_107 = arith.cmpi sgt, %jit3A_97, %sign3A_106 : i32
      %sign3A_108 = arith.extui %sign3A_107 : i1 to i32
      %sign3A_109 = arith.constant 0 : i32
      %sign3A_110 = arith.cmpi slt, %jit3A_97, %sign3A_109 : i32
      %sign3A_111 = arith.extui %sign3A_110 : i1 to i32
      %sign3A_112 = arith.subi %sign3A_108, %sign3A_111 : i32
      %ne3A_113 = arith.cmpi ne, %sign3A_105, %sign3A_112 : i32
      %rem3A_114 = arith.remsi %add3A_96, %jit3A_97 : i32
      %ne3A_115 = arith.constant 0 : i32
      %ne3A_116 = arith.cmpi ne, %rem3A_114, %ne3A_115 : i32
      %and3A_117 = arith.andi %ne3A_113, %ne3A_116 : i1
      %sub3A_118 = arith.constant 1 : i32
      %sub3A_119 = arith.subi %div3A_98, %sub3A_118 : i32
      %select_n3A_120 = arith.select %and3A_117, %sub3A_119, %div3A_98 : i32
      %while3A_121 = arith.constant 0 : i32
      %while3A_122 = arith.constant 0 : i32
      %while3A_123 = arith.subi %select_n3A_120, %while3A_122 : i32
      %while3A_124 = arith.addi %while3A_122, %while3A_123 : i32
      %while3A_125 = arith.constant 1 : i32
      %while3A_126 = arith.divsi %while3A_123, %while3A_125 : i32
      %while3A_127 = arith.muli %while3A_126, %while3A_125 : i32
      %while3A_128 = arith.addi %while3A_122, %while3A_127 : i32
      %while3A_129 = arith.constant 1 : i32
      scf.for %while3A_141 = %while3A_122 to %while3A_128 step %while3A_129  : i32 {
        %mul3A_142 = arith.constant 16 : i32
        %mul3A_143 = arith.muli %while3A_141, %mul3A_142 : i32
        %get3A = arith.index_cast %mul3A_143 : i32 to index
        %get3A_144 = tpu.vector_load %arg11[%get3A] {strides = array<i32>} : memref<144xi32, #tpu.memory_space<vmem>>, vector<16xi32>,
        %mul3A_145 = arith.constant 16 : i32
        %mul3A_146 = arith.muli %while3A_141, %mul3A_145 : i32
        %get3A_147 = arith.index_cast %mul3A_146 : i32 to index
        %get3A_148 = tpu.vector_load %arg12[%get3A_147] {strides = array<i32>} : memref<144xi32, #tpu.memory_space<vmem>>, vector<16xi32>,
        %mul3A_149 = arith.constant 16 : i32
        %mul3A_150 = arith.muli %while3A_141, %mul3A_149 : i32
        %add3A_151 = vector.broadcast %mul3A_150 : i32 to vector<16xi32>
        %add3A_152 = arith.addi %add3A_151, %iota3A : vector<16xi32>
        %lt3A = vector.broadcast %while3A_94 : i32 to vector<16xi32>
        %lt3A_153 = arith.cmpi slt, %add3A_152, %lt3A : vector<16xi32>
        %mul3A_154 = arith.constant 2048 : i32
        %mul3A_155 = arith.muli %add3A_41, %mul3A_154 : i32
        %sub3A_156 = vector.broadcast %mul3A_155 : i32 to vector<16xi32>
        %sub3A_157 = arith.subi %get3A_144, %sub3A_156 : vector<16xi32>
        %jit3A_158 = arith.constant 0 : i32
        %jit3A_159 = arith.constant 2047 : i32
        %max3A = vector.broadcast %jit3A_158 : i32 to vector<16xi32>
        %max3A_160 = arith.maxsi %max3A, %sub3A_157 : vector<16xi32>
        %min3A = vector.broadcast %jit3A_159 : i32 to vector<16xi32>
        %min3A_161 = arith.minsi %min3A, %max3A_160 : vector<16xi32>
        %add3A_162 = arith.constant 16384 : i32
        %add3A_163 = vector.broadcast %add3A_162 : i32 to vector<16xi32>
        %add3A_164 = arith.addi %add3A_163, %iota3A : vector<16xi32>
        %select_n3A_165 = arith.select %lt3A_153, %get3A_148, %add3A_164 : vector<16xi1>, vector<16xi32>
        %broadcast_in_dim3A_166 = vector.broadcast %while3A_141 : i32 to vector<16xi32>
        tpu.vector_store_idx %arg14[%broadcast_in_dim3A_166, %iota3A], %select_n3A_165 : memref<9x16xi32, #tpu.memory_space<vmem>>[vector<16xi32>, vector<16xi32>], vector<16xi32>,
        %broadcast_in_dim3A_167 = arith.constant 0 : i32
        %broadcast_in_dim3A_168 = vector.broadcast %broadcast_in_dim3A_167 : i32 to vector<16xi32>
        %gather3A = tpu.vector_load_idx %arg7[%broadcast_in_dim3A_168, %min3A_161] : memref<32x2048xf32, #tpu.memory_space<vmem>>[vector<16xi32>, vector<16xi32>], vector<16xf32>,
        %mul3A_169 = arith.constant 16 : i32
        %mul3A_170 = arith.muli %while3A_141, %mul3A_169 : i32
        %add3A_171 = vector.broadcast %mul3A_170 : i32 to vector<16xi32>
        %add3A_172 = arith.addi %add3A_171, %iota3A : vector<16xi32>
        tpu.vector_store_idx %arg13[%add3A_172, %broadcast_in_dim3A_168], %gather3A : memref<144x128xf32, #tpu.memory_space<vmem>>[vector<16xi32>, vector<16xi32>], vector<16xf32>,
        %broadcast_in_dim3A_173 = arith.constant 1 : i32
        %broadcast_in_dim3A_174 = vector.broadcast %broadcast_in_dim3A_173 : i32 to vector<16xi32>
        %gather3A_175 = tpu.vector_load_idx %arg7[%broadcast_in_dim3A_174, %min3A_161] : memref<32x2048xf32, #tpu.memory_space<vmem>>[vector<16xi32>, vector<16xi32>], vector<16xf32>,
        %mul3A_176 = arith.constant 16 : i32
        %mul3A_177 = arith.muli %while3A_141, %mul3A_176 : i32
        %add3A_178 = vector.broadcast %mul3A_177 : i32 to vector<16xi32>
        %add3A_179 = arith.addi %add3A_178, %iota3A : vector<16xi32>
        tpu.vector_store_idx %arg13[%add3A_179, %broadcast_in_dim3A_174], %gather3A_175 : memref<144x128xf32, #tpu.memory_space<vmem>>[vector<16xi32>, vector<16xi32>], vector<16xf32>,
        %broadcast_in_dim3A_180 = arith.constant 2 : i32
        %broadcast_in_dim3A_181 = vector.broadcast %broadcast_in_dim3A_180 : i32 to vector<16xi32>
        %gather3A_182 = tpu.vector_load_idx %arg7[%broadcast_in_dim3A_181, %min3A_161] : memref<32x2048xf32, #tpu.memory_space<vmem>>[vector<16xi32>, vector<16xi32>], vector<16xf32>,
        %mul3A_183 = arith.constant 16 : i32
        %mul3A_184 = arith.muli %while3A_141, %mul3A_183 : i32
        %add3A_185 = vector.broadcast %mul3A_184 : i32 to vector<16xi32>
        %add3A_186 = arith.addi %add3A_185, %iota3A : vector<16xi32>
        tpu.vector_store_idx %arg13[%add3A_186, %broadcast_in_dim3A_181], %gather3A_182 : memref<144x128xf32, #tpu.memory_space<vmem>>[vector<16xi32>, vector<16xi32>], vector<16xf32>,
        %broadcast_in_dim3A_187 = arith.constant 3 : i32
        %broadcast_in_dim3A_188 = vector.broadcast %broadcast_in_dim3A_187 : i32 to vector<16xi32>
        %gather3A_189 = tpu.vector_load_idx %arg7[%broadcast_in_dim3A_188, %min3A_161] : memref<32x2048xf32, #tpu.memory_space<vmem>>[vector<16xi32>, vector<16xi32>], vector<16xf32>,
        %mul3A_190 = arith.constant 16 : i32
        %mul3A_191 = arith.muli %while3A_141, %mul3A_190 : i32
        %add3A_192 = vector.broadcast %mul3A_191 : i32 to vector<16xi32>
        %add3A_193 = arith.addi %add3A_192, %iota3A : vector<16xi32>
        tpu.vector_store_idx %arg13[%add3A_193, %broadcast_in_dim3A_188], %gather3A_189 : memref<144x128xf32, #tpu.memory_space<vmem>>[vector<16xi32>, vector<16xi32>], vector<16xf32>,
        %broadcast_in_dim3A_194 = arith.constant 4 : i32
        %broadcast_in_dim3A_195 = vector.broadcast %broadcast_in_dim3A_194 : i32 to vector<16xi32>
        %gather3A_196 = tpu.vector_load_idx %arg7[%broadcast_in_dim3A_195, %min3A_161] : memref<32x2048xf32, #tpu.memory_space<vmem>>[vector<16xi32>, vector<16xi32>], vector<16xf32>,
        %mul3A_197 = arith.constant 16 : i32
        %mul3A_198 = arith.muli %while3A_141, %mul3A_197 : i32
        %add3A_199 = vector.broadcast %mul3A_198 : i32 to vector<16xi32>
        %add3A_200 = arith.addi %add3A_199, %iota3A : vector<16xi32>
        tpu.vector_store_idx %arg13[%add3A_200, %broadcast_in_dim3A_195], %gather3A_196 : memref<144x128xf32, #tpu.memory_space<vmem>>[vector<16xi32>, vector<16xi32>], vector<16xf32>,
        %broadcast_in_dim3A_201 = arith.constant 5 : i32
        %broadcast_in_dim3A_202 = vector.broadcast %broadcast_in_dim3A_201 : i32 to vector<16xi32>
        %gather3A_203 = tpu.vector_load_idx %arg7[%broadcast_in_dim3A_202, %min3A_161] : memref<32x2048xf32, #tpu.memory_space<vmem>>[vector<16xi32>, vector<16xi32>], vector<16xf32>,
        %mul3A_204 = arith.constant 16 : i32
        %mul3A_205 = arith.muli %while3A_141, %mul3A_204 : i32
        %add3A_206 = vector.broadcast %mul3A_205 : i32 to vector<16xi32>
        %add3A_207 = arith.addi %add3A_206, %iota3A : vector<16xi32>
        tpu.vector_store_idx %arg13[%add3A_207, %broadcast_in_dim3A_202], %gather3A_203 : memref<144x128xf32, #tpu.memory_space<vmem>>[vector<16xi32>, vector<16xi32>], vector<16xf32>,
        %broadcast_in_dim3A_208 = arith.constant 6 : i32
        %broadcast_in_dim3A_209 = vector.broadcast %broadcast_in_dim3A_208 : i32 to vector<16xi32>
        %gather3A_210 = tpu.vector_load_idx %arg7[%broadcast_in_dim3A_209, %min3A_161] : memref<32x2048xf32, #tpu.memory_space<vmem>>[vector<16xi32>, vector<16xi32>], vector<16xf32>,
        %mul3A_211 = arith.constant 16 : i32
        %mul3A_212 = arith.muli %while3A_141, %mul3A_211 : i32
        %add3A_213 = vector.broadcast %mul3A_212 : i32 to vector<16xi32>
        %add3A_214 = arith.addi %add3A_213, %iota3A : vector<16xi32>
        tpu.vector_store_idx %arg13[%add3A_214, %broadcast_in_dim3A_209], %gather3A_210 : memref<144x128xf32, #tpu.memory_space<vmem>>[vector<16xi32>, vector<16xi32>], vector<16xf32>,
        %broadcast_in_dim3A_215 = arith.constant 7 : i32
        %broadcast_in_dim3A_216 = vector.broadcast %broadcast_in_dim3A_215 : i32 to vector<16xi32>
        %gather3A_217 = tpu.vector_load_idx %arg7[%broadcast_in_dim3A_216, %min3A_161] : memref<32x2048xf32, #tpu.memory_space<vmem>>[vector<16xi32>, vector<16xi32>], vector<16xf32>,
        %mul3A_218 = arith.constant 16 : i32
        %mul3A_219 = arith.muli %while3A_141, %mul3A_218 : i32
        %add3A_220 = vector.broadcast %mul3A_219 : i32 to vector<16xi32>
        %add3A_221 = arith.addi %add3A_220, %iota3A : vector<16xi32>
        tpu.vector_store_idx %arg13[%add3A_221, %broadcast_in_dim3A_216], %gather3A_217 : memref<144x128xf32, #tpu.memory_space<vmem>>[vector<16xi32>, vector<16xi32>], vector<16xf32>,
        %broadcast_in_dim3A_222 = arith.constant 8 : i32
        %broadcast_in_dim3A_223 = vector.broadcast %broadcast_in_dim3A_222 : i32 to vector<16xi32>
        %gather3A_224 = tpu.vector_load_idx %arg7[%broadcast_in_dim3A_223, %min3A_161] : memref<32x2048xf32, #tpu.memory_space<vmem>>[vector<16xi32>, vector<16xi32>], vector<16xf32>,
        %mul3A_225 = arith.constant 16 : i32
        %mul3A_226 = arith.muli %while3A_141, %mul3A_225 : i32
        %add3A_227 = vector.broadcast %mul3A_226 : i32 to vector<16xi32>
        %add3A_228 = arith.addi %add3A_227, %iota3A : vector<16xi32>
        tpu.vector_store_idx %arg13[%add3A_228, %broadcast_in_dim3A_223], %gather3A_224 : memref<144x128xf32, #tpu.memory_space<vmem>>[vector<16xi32>, vector<16xi32>], vector<16xf32>,
        %broadcast_in_dim3A_229 = arith.constant 9 : i32
        %broadcast_in_dim3A_230 = vector.broadcast %broadcast_in_dim3A_229 : i32 to vector<16xi32>
        %gather3A_231 = tpu.vector_load_idx %arg7[%broadcast_in_dim3A_230, %min3A_161] : memref<32x2048xf32, #tpu.memory_space<vmem>>[vector<16xi32>, vector<16xi32>], vector<16xf32>,
        %mul3A_232 = arith.constant 16 : i32
        %mul3A_233 = arith.muli %while3A_141, %mul3A_232 : i32
        %add3A_234 = vector.broadcast %mul3A_233 : i32 to vector<16xi32>
        %add3A_235 = arith.addi %add3A_234, %iota3A : vector<16xi32>
        tpu.vector_store_idx %arg13[%add3A_235, %broadcast_in_dim3A_230], %gather3A_231 : memref<144x128xf32, #tpu.memory_space<vmem>>[vector<16xi32>, vector<16xi32>], vector<16xf32>,
        %broadcast_in_dim3A_236 = arith.constant 10 : i32
        %broadcast_in_dim3A_237 = vector.broadcast %broadcast_in_dim3A_236 : i32 to vector<16xi32>
        %gather3A_238 = tpu.vector_load_idx %arg7[%broadcast_in_dim3A_237, %min3A_161] : memref<32x2048xf32, #tpu.memory_space<vmem>>[vector<16xi32>, vector<16xi32>], vector<16xf32>,
        %mul3A_239 = arith.constant 16 : i32
        %mul3A_240 = arith.muli %while3A_141, %mul3A_239 : i32
        %add3A_241 = vector.broadcast %mul3A_240 : i32 to vector<16xi32>
        %add3A_242 = arith.addi %add3A_241, %iota3A : vector<16xi32>
        tpu.vector_store_idx %arg13[%add3A_242, %broadcast_in_dim3A_237], %gather3A_238 : memref<144x128xf32, #tpu.memory_space<vmem>>[vector<16xi32>, vector<16xi32>], vector<16xf32>,
        %broadcast_in_dim3A_243 = arith.constant 11 : i32
        %broadcast_in_dim3A_244 = vector.broadcast %broadcast_in_dim3A_243 : i32 to vector<16xi32>
        %gather3A_245 = tpu.vector_load_idx %arg7[%broadcast_in_dim3A_244, %min3A_161] : memref<32x2048xf32, #tpu.memory_space<vmem>>[vector<16xi32>, vector<16xi32>], vector<16xf32>,
        %mul3A_246 = arith.constant 16 : i32
        %mul3A_247 = arith.muli %while3A_141, %mul3A_246 : i32
        %add3A_248 = vector.broadcast %mul3A_247 : i32 to vector<16xi32>
        %add3A_249 = arith.addi %add3A_248, %iota3A : vector<16xi32>
        tpu.vector_store_idx %arg13[%add3A_249, %broadcast_in_dim3A_244], %gather3A_245 : memref<144x128xf32, #tpu.memory_space<vmem>>[vector<16xi32>, vector<16xi32>], vector<16xf32>,
        %broadcast_in_dim3A_250 = arith.constant 12 : i32
        %broadcast_in_dim3A_251 = vector.broadcast %broadcast_in_dim3A_250 : i32 to vector<16xi32>
        %gather3A_252 = tpu.vector_load_idx %arg7[%broadcast_in_dim3A_251, %min3A_161] : memref<32x2048xf32, #tpu.memory_space<vmem>>[vector<16xi32>, vector<16xi32>], vector<16xf32>,
        %mul3A_253 = arith.constant 16 : i32
        %mul3A_254 = arith.muli %while3A_141, %mul3A_253 : i32
        %add3A_255 = vector.broadcast %mul3A_254 : i32 to vector<16xi32>
        %add3A_256 = arith.addi %add3A_255, %iota3A : vector<16xi32>
        tpu.vector_store_idx %arg13[%add3A_256, %broadcast_in_dim3A_251], %gather3A_252 : memref<144x128xf32, #tpu.memory_space<vmem>>[vector<16xi32>, vector<16xi32>], vector<16xf32>,
        %broadcast_in_dim3A_257 = arith.constant 13 : i32
        %broadcast_in_dim3A_258 = vector.broadcast %broadcast_in_dim3A_257 : i32 to vector<16xi32>
        %gather3A_259 = tpu.vector_load_idx %arg7[%broadcast_in_dim3A_258, %min3A_161] : memref<32x2048xf32, #tpu.memory_space<vmem>>[vector<16xi32>, vector<16xi32>], vector<16xf32>,
        %mul3A_260 = arith.constant 16 : i32
        %mul3A_261 = arith.muli %while3A_141, %mul3A_260 : i32
        %add3A_262 = vector.broadcast %mul3A_261 : i32 to vector<16xi32>
        %add3A_263 = arith.addi %add3A_262, %iota3A : vector<16xi32>
        tpu.vector_store_idx %arg13[%add3A_263, %broadcast_in_dim3A_258], %gather3A_259 : memref<144x128xf32, #tpu.memory_space<vmem>>[vector<16xi32>, vector<16xi32>], vector<16xf32>,
        %broadcast_in_dim3A_264 = arith.constant 14 : i32
        %broadcast_in_dim3A_265 = vector.broadcast %broadcast_in_dim3A_264 : i32 to vector<16xi32>
        %gather3A_266 = tpu.vector_load_idx %arg7[%broadcast_in_dim3A_265, %min3A_161] : memref<32x2048xf32, #tpu.memory_space<vmem>>[vector<16xi32>, vector<16xi32>], vector<16xf32>,
        %mul3A_267 = arith.constant 16 : i32
        %mul3A_268 = arith.muli %while3A_141, %mul3A_267 : i32
        %add3A_269 = vector.broadcast %mul3A_268 : i32 to vector<16xi32>
        %add3A_270 = arith.addi %add3A_269, %iota3A : vector<16xi32>
        tpu.vector_store_idx %arg13[%add3A_270, %broadcast_in_dim3A_265], %gather3A_266 : memref<144x128xf32, #tpu.memory_space<vmem>>[vector<16xi32>, vector<16xi32>], vector<16xf32>,
        %broadcast_in_dim3A_271 = arith.constant 15 : i32
        %broadcast_in_dim3A_272 = vector.broadcast %broadcast_in_dim3A_271 : i32 to vector<16xi32>
        %gather3A_273 = tpu.vector_load_idx %arg7[%broadcast_in_dim3A_272, %min3A_161] : memref<32x2048xf32, #tpu.memory_space<vmem>>[vector<16xi32>, vector<16xi32>], vector<16xf32>,
        %mul3A_274 = arith.constant 16 : i32
        %mul3A_275 = arith.muli %while3A_141, %mul3A_274 : i32
        %add3A_276 = vector.broadcast %mul3A_275 : i32 to vector<16xi32>
        %add3A_277 = arith.addi %add3A_276, %iota3A : vector<16xi32>
        tpu.vector_store_idx %arg13[%add3A_277, %broadcast_in_dim3A_272], %gather3A_273 : memref<144x128xf32, #tpu.memory_space<vmem>>[vector<16xi32>, vector<16xi32>], vector<16xf32>,
        %broadcast_in_dim3A_278 = arith.constant 16 : i32
        %broadcast_in_dim3A_279 = vector.broadcast %broadcast_in_dim3A_278 : i32 to vector<16xi32>
        %gather3A_280 = tpu.vector_load_idx %arg7[%broadcast_in_dim3A_279, %min3A_161] : memref<32x2048xf32, #tpu.memory_space<vmem>>[vector<16xi32>, vector<16xi32>], vector<16xf32>,
        %mul3A_281 = arith.constant 16 : i32
        %mul3A_282 = arith.muli %while3A_141, %mul3A_281 : i32
        %add3A_283 = vector.broadcast %mul3A_282 : i32 to vector<16xi32>
        %add3A_284 = arith.addi %add3A_283, %iota3A : vector<16xi32>
        tpu.vector_store_idx %arg13[%add3A_284, %broadcast_in_dim3A_279], %gather3A_280 : memref<144x128xf32, #tpu.memory_space<vmem>>[vector<16xi32>, vector<16xi32>], vector<16xf32>,
        %broadcast_in_dim3A_285 = arith.constant 17 : i32
        %broadcast_in_dim3A_286 = vector.broadcast %broadcast_in_dim3A_285 : i32 to vector<16xi32>
        %gather3A_287 = tpu.vector_load_idx %arg7[%broadcast_in_dim3A_286, %min3A_161] : memref<32x2048xf32, #tpu.memory_space<vmem>>[vector<16xi32>, vector<16xi32>], vector<16xf32>,
        %mul3A_288 = arith.constant 16 : i32
        %mul3A_289 = arith.muli %while3A_141, %mul3A_288 : i32
        %add3A_290 = vector.broadcast %mul3A_289 : i32 to vector<16xi32>
        %add3A_291 = arith.addi %add3A_290, %iota3A : vector<16xi32>
        tpu.vector_store_idx %arg13[%add3A_291, %broadcast_in_dim3A_286], %gather3A_287 : memref<144x128xf32, #tpu.memory_space<vmem>>[vector<16xi32>, vector<16xi32>], vector<16xf32>,
        %broadcast_in_dim3A_292 = arith.constant 18 : i32
        %broadcast_in_dim3A_293 = vector.broadcast %broadcast_in_dim3A_292 : i32 to vector<16xi32>
        %gather3A_294 = tpu.vector_load_idx %arg7[%broadcast_in_dim3A_293, %min3A_161] : memref<32x2048xf32, #tpu.memory_space<vmem>>[vector<16xi32>, vector<16xi32>], vector<16xf32>,
        %mul3A_295 = arith.constant 16 : i32
        %mul3A_296 = arith.muli %while3A_141, %mul3A_295 : i32
        %add3A_297 = vector.broadcast %mul3A_296 : i32 to vector<16xi32>
        %add3A_298 = arith.addi %add3A_297, %iota3A : vector<16xi32>
        tpu.vector_store_idx %arg13[%add3A_298, %broadcast_in_dim3A_293], %gather3A_294 : memref<144x128xf32, #tpu.memory_space<vmem>>[vector<16xi32>, vector<16xi32>], vector<16xf32>,
        %broadcast_in_dim3A_299 = arith.constant 19 : i32
        %broadcast_in_dim3A_300 = vector.broadcast %broadcast_in_dim3A_299 : i32 to vector<16xi32>
        %gather3A_301 = tpu.vector_load_idx %arg7[%broadcast_in_dim3A_300, %min3A_161] : memref<32x2048xf32, #tpu.memory_space<vmem>>[vector<16xi32>, vector<16xi32>], vector<16xf32>,
        %mul3A_302 = arith.constant 16 : i32
        %mul3A_303 = arith.muli %while3A_141, %mul3A_302 : i32
        %add3A_304 = vector.broadcast %mul3A_303 : i32 to vector<16xi32>
        %add3A_305 = arith.addi %add3A_304, %iota3A : vector<16xi32>
        tpu.vector_store_idx %arg13[%add3A_305, %broadcast_in_dim3A_300], %gather3A_301 : memref<144x128xf32, #tpu.memory_space<vmem>>[vector<16xi32>, vector<16xi32>], vector<16xf32>,
        %broadcast_in_dim3A_306 = arith.constant 20 : i32
        %broadcast_in_dim3A_307 = vector.broadcast %broadcast_in_dim3A_306 : i32 to vector<16xi32>
        %gather3A_308 = tpu.vector_load_idx %arg7[%broadcast_in_dim3A_307, %min3A_161] : memref<32x2048xf32, #tpu.memory_space<vmem>>[vector<16xi32>, vector<16xi32>], vector<16xf32>,
        %mul3A_309 = arith.constant 16 : i32
        %mul3A_310 = arith.muli %while3A_141, %mul3A_309 : i32
        %add3A_311 = vector.broadcast %mul3A_310 : i32 to vector<16xi32>
        %add3A_312 = arith.addi %add3A_311, %iota3A : vector<16xi32>
        tpu.vector_store_idx %arg13[%add3A_312, %broadcast_in_dim3A_307], %gather3A_308 : memref<144x128xf32, #tpu.memory_space<vmem>>[vector<16xi32>, vector<16xi32>], vector<16xf32>,
        %broadcast_in_dim3A_313 = arith.constant 21 : i32
        %broadcast_in_dim3A_314 = vector.broadcast %broadcast_in_dim3A_313 : i32 to vector<16xi32>
        %gather3A_315 = tpu.vector_load_idx %arg7[%broadcast_in_dim3A_314, %min3A_161] : memref<32x2048xf32, #tpu.memory_space<vmem>>[vector<16xi32>, vector<16xi32>], vector<16xf32>,
        %mul3A_316 = arith.constant 16 : i32
        %mul3A_317 = arith.muli %while3A_141, %mul3A_316 : i32
        %add3A_318 = vector.broadcast %mul3A_317 : i32 to vector<16xi32>
        %add3A_319 = arith.addi %add3A_318, %iota3A : vector<16xi32>
        tpu.vector_store_idx %arg13[%add3A_319, %broadcast_in_dim3A_314], %gather3A_315 : memref<144x128xf32, #tpu.memory_space<vmem>>[vector<16xi32>, vector<16xi32>], vector<16xf32>,
        %broadcast_in_dim3A_320 = arith.constant 22 : i32
        %broadcast_in_dim3A_321 = vector.broadcast %broadcast_in_dim3A_320 : i32 to vector<16xi32>
        %gather3A_322 = tpu.vector_load_idx %arg7[%broadcast_in_dim3A_321, %min3A_161] : memref<32x2048xf32, #tpu.memory_space<vmem>>[vector<16xi32>, vector<16xi32>], vector<16xf32>,
        %mul3A_323 = arith.constant 16 : i32
        %mul3A_324 = arith.muli %while3A_141, %mul3A_323 : i32
        %add3A_325 = vector.broadcast %mul3A_324 : i32 to vector<16xi32>
        %add3A_326 = arith.addi %add3A_325, %iota3A : vector<16xi32>
        tpu.vector_store_idx %arg13[%add3A_326, %broadcast_in_dim3A_321], %gather3A_322 : memref<144x128xf32, #tpu.memory_space<vmem>>[vector<16xi32>, vector<16xi32>], vector<16xf32>,
        %broadcast_in_dim3A_327 = arith.constant 23 : i32
        %broadcast_in_dim3A_328 = vector.broadcast %broadcast_in_dim3A_327 : i32 to vector<16xi32>
        %gather3A_329 = tpu.vector_load_idx %arg7[%broadcast_in_dim3A_328, %min3A_161] : memref<32x2048xf32, #tpu.memory_space<vmem>>[vector<16xi32>, vector<16xi32>], vector<16xf32>,
        %mul3A_330 = arith.constant 16 : i32
        %mul3A_331 = arith.muli %while3A_141, %mul3A_330 : i32
        %add3A_332 = vector.broadcast %mul3A_331 : i32 to vector<16xi32>
        %add3A_333 = arith.addi %add3A_332, %iota3A : vector<16xi32>
        tpu.vector_store_idx %arg13[%add3A_333, %broadcast_in_dim3A_328], %gather3A_329 : memref<144x128xf32, #tpu.memory_space<vmem>>[vector<16xi32>, vector<16xi32>], vector<16xf32>,
        %broadcast_in_dim3A_334 = arith.constant 24 : i32
        %broadcast_in_dim3A_335 = vector.broadcast %broadcast_in_dim3A_334 : i32 to vector<16xi32>
        %gather3A_336 = tpu.vector_load_idx %arg7[%broadcast_in_dim3A_335, %min3A_161] : memref<32x2048xf32, #tpu.memory_space<vmem>>[vector<16xi32>, vector<16xi32>], vector<16xf32>,
        %mul3A_337 = arith.constant 16 : i32
        %mul3A_338 = arith.muli %while3A_141, %mul3A_337 : i32
        %add3A_339 = vector.broadcast %mul3A_338 : i32 to vector<16xi32>
        %add3A_340 = arith.addi %add3A_339, %iota3A : vector<16xi32>
        tpu.vector_store_idx %arg13[%add3A_340, %broadcast_in_dim3A_335], %gather3A_336 : memref<144x128xf32, #tpu.memory_space<vmem>>[vector<16xi32>, vector<16xi32>], vector<16xf32>,
        %broadcast_in_dim3A_341 = arith.constant 25 : i32
        %broadcast_in_dim3A_342 = vector.broadcast %broadcast_in_dim3A_341 : i32 to vector<16xi32>
        %gather3A_343 = tpu.vector_load_idx %arg7[%broadcast_in_dim3A_342, %min3A_161] : memref<32x2048xf32, #tpu.memory_space<vmem>>[vector<16xi32>, vector<16xi32>], vector<16xf32>,
        %mul3A_344 = arith.constant 16 : i32
        %mul3A_345 = arith.muli %while3A_141, %mul3A_344 : i32
        %add3A_346 = vector.broadcast %mul3A_345 : i32 to vector<16xi32>
        %add3A_347 = arith.addi %add3A_346, %iota3A : vector<16xi32>
        tpu.vector_store_idx %arg13[%add3A_347, %broadcast_in_dim3A_342], %gather3A_343 : memref<144x128xf32, #tpu.memory_space<vmem>>[vector<16xi32>, vector<16xi32>], vector<16xf32>,
        %broadcast_in_dim3A_348 = arith.constant 26 : i32
        %broadcast_in_dim3A_349 = vector.broadcast %broadcast_in_dim3A_348 : i32 to vector<16xi32>
        %gather3A_350 = tpu.vector_load_idx %arg7[%broadcast_in_dim3A_349, %min3A_161] : memref<32x2048xf32, #tpu.memory_space<vmem>>[vector<16xi32>, vector<16xi32>], vector<16xf32>,
        %mul3A_351 = arith.constant 16 : i32
        %mul3A_352 = arith.muli %while3A_141, %mul3A_351 : i32
        %add3A_353 = vector.broadcast %mul3A_352 : i32 to vector<16xi32>
        %add3A_354 = arith.addi %add3A_353, %iota3A : vector<16xi32>
        tpu.vector_store_idx %arg13[%add3A_354, %broadcast_in_dim3A_349], %gather3A_350 : memref<144x128xf32, #tpu.memory_space<vmem>>[vector<16xi32>, vector<16xi32>], vector<16xf32>,
        %broadcast_in_dim3A_355 = arith.constant 27 : i32
        %broadcast_in_dim3A_356 = vector.broadcast %broadcast_in_dim3A_355 : i32 to vector<16xi32>
        %gather3A_357 = tpu.vector_load_idx %arg7[%broadcast_in_dim3A_356, %min3A_161] : memref<32x2048xf32, #tpu.memory_space<vmem>>[vector<16xi32>, vector<16xi32>], vector<16xf32>,
        %mul3A_358 = arith.constant 16 : i32
        %mul3A_359 = arith.muli %while3A_141, %mul3A_358 : i32
        %add3A_360 = vector.broadcast %mul3A_359 : i32 to vector<16xi32>
        %add3A_361 = arith.addi %add3A_360, %iota3A : vector<16xi32>
        tpu.vector_store_idx %arg13[%add3A_361, %broadcast_in_dim3A_356], %gather3A_357 : memref<144x128xf32, #tpu.memory_space<vmem>>[vector<16xi32>, vector<16xi32>], vector<16xf32>,
        %broadcast_in_dim3A_362 = arith.constant 28 : i32
        %broadcast_in_dim3A_363 = vector.broadcast %broadcast_in_dim3A_362 : i32 to vector<16xi32>
        %gather3A_364 = tpu.vector_load_idx %arg7[%broadcast_in_dim3A_363, %min3A_161] : memref<32x2048xf32, #tpu.memory_space<vmem>>[vector<16xi32>, vector<16xi32>], vector<16xf32>,
        %mul3A_365 = arith.constant 16 : i32
        %mul3A_366 = arith.muli %while3A_141, %mul3A_365 : i32
        %add3A_367 = vector.broadcast %mul3A_366 : i32 to vector<16xi32>
        %add3A_368 = arith.addi %add3A_367, %iota3A : vector<16xi32>
        tpu.vector_store_idx %arg13[%add3A_368, %broadcast_in_dim3A_363], %gather3A_364 : memref<144x128xf32, #tpu.memory_space<vmem>>[vector<16xi32>, vector<16xi32>], vector<16xf32>,
        %broadcast_in_dim3A_369 = arith.constant 29 : i32
        %broadcast_in_dim3A_370 = vector.broadcast %broadcast_in_dim3A_369 : i32 to vector<16xi32>
        %gather3A_371 = tpu.vector_load_idx %arg7[%broadcast_in_dim3A_370, %min3A_161] : memref<32x2048xf32, #tpu.memory_space<vmem>>[vector<16xi32>, vector<16xi32>], vector<16xf32>,
        %mul3A_372 = arith.constant 16 : i32
        %mul3A_373 = arith.muli %while3A_141, %mul3A_372 : i32
        %add3A_374 = vector.broadcast %mul3A_373 : i32 to vector<16xi32>
        %add3A_375 = arith.addi %add3A_374, %iota3A : vector<16xi32>
        tpu.vector_store_idx %arg13[%add3A_375, %broadcast_in_dim3A_370], %gather3A_371 : memref<144x128xf32, #tpu.memory_space<vmem>>[vector<16xi32>, vector<16xi32>], vector<16xf32>,
        %broadcast_in_dim3A_376 = arith.constant 30 : i32
        %broadcast_in_dim3A_377 = vector.broadcast %broadcast_in_dim3A_376 : i32 to vector<16xi32>
        %gather3A_378 = tpu.vector_load_idx %arg7[%broadcast_in_dim3A_377, %min3A_161] : memref<32x2048xf32, #tpu.memory_space<vmem>>[vector<16xi32>, vector<16xi32>], vector<16xf32>,
        %mul3A_379 = arith.constant 16 : i32
        %mul3A_380 = arith.muli %while3A_141, %mul3A_379 : i32
        %add3A_381 = vector.broadcast %mul3A_380 : i32 to vector<16xi32>
        %add3A_382 = arith.addi %add3A_381, %iota3A : vector<16xi32>
        tpu.vector_store_idx %arg13[%add3A_382, %broadcast_in_dim3A_377], %gather3A_378 : memref<144x128xf32, #tpu.memory_space<vmem>>[vector<16xi32>, vector<16xi32>], vector<16xf32>,
        %broadcast_in_dim3A_383 = arith.constant 31 : i32
        %broadcast_in_dim3A_384 = vector.broadcast %broadcast_in_dim3A_383 : i32 to vector<16xi32>
        %gather3A_385 = tpu.vector_load_idx %arg7[%broadcast_in_dim3A_384, %min3A_161] : memref<32x2048xf32, #tpu.memory_space<vmem>>[vector<16xi32>, vector<16xi32>], vector<16xf32>,
        %mul3A_386 = arith.constant 16 : i32
        %mul3A_387 = arith.muli %while3A_141, %mul3A_386 : i32
        %add3A_388 = vector.broadcast %mul3A_387 : i32 to vector<16xi32>
        %add3A_389 = arith.addi %add3A_388, %iota3A : vector<16xi32>
        tpu.vector_store_idx %arg13[%add3A_389, %broadcast_in_dim3A_384], %gather3A_385 : memref<144x128xf32, #tpu.memory_space<vmem>>[vector<16xi32>, vector<16xi32>], vector<16xf32>,
        %eq3A_390 = arith.constant 0 : i32
        %eq3A_391 = arith.cmpi eq, %arg0, %eq3A_390 : i32
        %convert_element_type3A_392 = arith.extui %eq3A_391 : i1 to i32
        %cond3A_393 = arith.constant 0 : i32
        %cond3A_394 = arith.cmpi ne, %convert_element_type3A_392, %cond3A_393 : i32
        scf.if %cond3A_394 {
          %mul3A_400 = arith.constant 16 : i32
          %mul3A_401 = arith.muli %while3A_141, %mul3A_400 : i32
          %dma_start3A = arith.constant 0 : i32
          %dma_start3A_402 = tpu.memref_slice %arg13[%mul3A_401, %dma_start3A] : memref<144x128xf32, #tpu.memory_space<vmem>> -> memref<16x128xf32, #tpu.memory_space<vmem>>
          %dma_start3A_403 = arith.constant 0 : i32
          %dma_start3A_404 = tpu.memref_slice %arg14[%while3A_141, %dma_start3A_403] : memref<9x16xi32, #tpu.memory_space<vmem>> -> memref<1x16xi32, #tpu.memory_space<vmem>>
          %dma_start3A_405 = tpu.memref_squeeze %dma_start3A_404 : memref<1x16xi32, #tpu.memory_space<vmem>> -> memref<16xi32, #tpu.memory_space<vmem>>
          %dma_start3A_406 = arith.constant 0 : i32
          %dma_start3A_407 = arith.constant 0 : i32
          %dma_start3A_408 = tpu.memref_slice %arg5[%dma_start3A_406, %dma_start3A_407] : memref<16400x128xf32, #tpu.memory_space<hbm>> -> memref<16400x128xf32, #tpu.memory_space<hbm>>
          tpu.enqueue_indirect_dma source(%dma_start3A_402 : memref<16x128xf32, #tpu.memory_space<vmem>>) target(%dma_start3A_408 : memref<16400x128xf32, #tpu.memory_space<hbm>>) offsets(%dma_start3A_405 : memref<16xi32, #tpu.memory_space<vmem>>) semaphore(%arg17 : memref<!tpu.dma_semaphore, #tpu.memory_space<semaphore_mem>>)
        } else {
        }
        %eq3A_395 = arith.constant 1 : i32
        %eq3A_396 = arith.cmpi eq, %arg0, %eq3A_395 : i32
        %convert_element_type3A_397 = arith.extui %eq3A_396 : i1 to i32
        %cond3A_398 = arith.constant 0 : i32
        %cond3A_399 = arith.cmpi ne, %convert_element_type3A_397, %cond3A_398 : i32
        scf.if %cond3A_399 {
          %mul3A_400 = arith.constant 16 : i32
          %mul3A_401 = arith.muli %while3A_141, %mul3A_400 : i32
          %dma_start3A = arith.constant 0 : i32
          %dma_start3A_402 = tpu.memref_slice %arg13[%mul3A_401, %dma_start3A] : memref<144x128xf32, #tpu.memory_space<vmem>> -> memref<16x128xf32, #tpu.memory_space<vmem>>
          %dma_start3A_403 = arith.constant 0 : i32
          %dma_start3A_404 = tpu.memref_slice %arg14[%while3A_141, %dma_start3A_403] : memref<9x16xi32, #tpu.memory_space<vmem>> -> memref<1x16xi32, #tpu.memory_space<vmem>>
          %dma_start3A_405 = tpu.memref_squeeze %dma_start3A_404 : memref<1x16xi32, #tpu.memory_space<vmem>> -> memref<16xi32, #tpu.memory_space<vmem>>
          %dma_start3A_406 = arith.constant 0 : i32
          %dma_start3A_407 = arith.constant 0 : i32
          %dma_start3A_408 = tpu.memref_slice %arg6[%dma_start3A_406, %dma_start3A_407] : memref<16400x128xf32, #tpu.memory_space<hbm>> -> memref<16400x128xf32, #tpu.memory_space<hbm>>
          tpu.enqueue_indirect_dma source(%dma_start3A_402 : memref<16x128xf32, #tpu.memory_space<vmem>>) target(%dma_start3A_408 : memref<16400x128xf32, #tpu.memory_space<hbm>>) offsets(%dma_start3A_405 : memref<16xi32, #tpu.memory_space<vmem>>) semaphore(%arg17 : memref<!tpu.dma_semaphore, #tpu.memory_space<semaphore_mem>>)
        } else {
        }
      }
      %while3A_130 = arith.constant 1 : i32
      scf.for %while3A_141 = %while3A_128 to %while3A_124 step %while3A_130  : i32 {
        %mul3A_142 = arith.constant 16 : i32
        %mul3A_143 = arith.muli %while3A_141, %mul3A_142 : i32
        %get3A = arith.index_cast %mul3A_143 : i32 to index
        %get3A_144 = tpu.vector_load %arg11[%get3A] {strides = array<i32>} : memref<144xi32, #tpu.memory_space<vmem>>, vector<16xi32>,
        %mul3A_145 = arith.constant 16 : i32
        %mul3A_146 = arith.muli %while3A_141, %mul3A_145 : i32
        %get3A_147 = arith.index_cast %mul3A_146 : i32 to index
        %get3A_148 = tpu.vector_load %arg12[%get3A_147] {strides = array<i32>} : memref<144xi32, #tpu.memory_space<vmem>>, vector<16xi32>,
        %mul3A_149 = arith.constant 16 : i32
        %mul3A_150 = arith.muli %while3A_141, %mul3A_149 : i32
        %add3A_151 = vector.broadcast %mul3A_150 : i32 to vector<16xi32>
        %add3A_152 = arith.addi %add3A_151, %iota3A : vector<16xi32>
        %lt3A = vector.broadcast %while3A_94 : i32 to vector<16xi32>
        %lt3A_153 = arith.cmpi slt, %add3A_152, %lt3A : vector<16xi32>
        %mul3A_154 = arith.constant 2048 : i32
        %mul3A_155 = arith.muli %add3A_41, %mul3A_154 : i32
        %sub3A_156 = vector.broadcast %mul3A_155 : i32 to vector<16xi32>
        %sub3A_157 = arith.subi %get3A_144, %sub3A_156 : vector<16xi32>
        %jit3A_158 = arith.constant 0 : i32
        %jit3A_159 = arith.constant 2047 : i32
        %max3A = vector.broadcast %jit3A_158 : i32 to vector<16xi32>
        %max3A_160 = arith.maxsi %max3A, %sub3A_157 : vector<16xi32>
        %min3A = vector.broadcast %jit3A_159 : i32 to vector<16xi32>
        %min3A_161 = arith.minsi %min3A, %max3A_160 : vector<16xi32>
        %add3A_162 = arith.constant 16384 : i32
        %add3A_163 = vector.broadcast %add3A_162 : i32 to vector<16xi32>
        %add3A_164 = arith.addi %add3A_163, %iota3A : vector<16xi32>
        %select_n3A_165 = arith.select %lt3A_153, %get3A_148, %add3A_164 : vector<16xi1>, vector<16xi32>
        %broadcast_in_dim3A_166 = vector.broadcast %while3A_141 : i32 to vector<16xi32>
        tpu.vector_store_idx %arg14[%broadcast_in_dim3A_166, %iota3A], %select_n3A_165 : memref<9x16xi32, #tpu.memory_space<vmem>>[vector<16xi32>, vector<16xi32>], vector<16xi32>,
        %broadcast_in_dim3A_167 = arith.constant 0 : i32
        %broadcast_in_dim3A_168 = vector.broadcast %broadcast_in_dim3A_167 : i32 to vector<16xi32>
        %gather3A = tpu.vector_load_idx %arg7[%broadcast_in_dim3A_168, %min3A_161] : memref<32x2048xf32, #tpu.memory_space<vmem>>[vector<16xi32>, vector<16xi32>], vector<16xf32>,
        %mul3A_169 = arith.constant 16 : i32
        %mul3A_170 = arith.muli %while3A_141, %mul3A_169 : i32
        %add3A_171 = vector.broadcast %mul3A_170 : i32 to vector<16xi32>
        %add3A_172 = arith.addi %add3A_171, %iota3A : vector<16xi32>
        tpu.vector_store_idx %arg13[%add3A_172, %broadcast_in_dim3A_168], %gather3A : memref<144x128xf32, #tpu.memory_space<vmem>>[vector<16xi32>, vector<16xi32>], vector<16xf32>,
        %broadcast_in_dim3A_173 = arith.constant 1 : i32
        %broadcast_in_dim3A_174 = vector.broadcast %broadcast_in_dim3A_173 : i32 to vector<16xi32>
        %gather3A_175 = tpu.vector_load_idx %arg7[%broadcast_in_dim3A_174, %min3A_161] : memref<32x2048xf32, #tpu.memory_space<vmem>>[vector<16xi32>, vector<16xi32>], vector<16xf32>,
        %mul3A_176 = arith.constant 16 : i32
        %mul3A_177 = arith.muli %while3A_141, %mul3A_176 : i32
        %add3A_178 = vector.broadcast %mul3A_177 : i32 to vector<16xi32>
        %add3A_179 = arith.addi %add3A_178, %iota3A : vector<16xi32>
        tpu.vector_store_idx %arg13[%add3A_179, %broadcast_in_dim3A_174], %gather3A_175 : memref<144x128xf32, #tpu.memory_space<vmem>>[vector<16xi32>, vector<16xi32>], vector<16xf32>,
        %broadcast_in_dim3A_180 = arith.constant 2 : i32
        %broadcast_in_dim3A_181 = vector.broadcast %broadcast_in_dim3A_180 : i32 to vector<16xi32>
        %gather3A_182 = tpu.vector_load_idx %arg7[%broadcast_in_dim3A_181, %min3A_161] : memref<32x2048xf32, #tpu.memory_space<vmem>>[vector<16xi32>, vector<16xi32>], vector<16xf32>,
        %mul3A_183 = arith.constant 16 : i32
        %mul3A_184 = arith.muli %while3A_141, %mul3A_183 : i32
        %add3A_185 = vector.broadcast %mul3A_184 : i32 to vector<16xi32>
        %add3A_186 = arith.addi %add3A_185, %iota3A : vector<16xi32>
        tpu.vector_store_idx %arg13[%add3A_186, %broadcast_in_dim3A_181], %gather3A_182 : memref<144x128xf32, #tpu.memory_space<vmem>>[vector<16xi32>, vector<16xi32>], vector<16xf32>,
        %broadcast_in_dim3A_187 = arith.constant 3 : i32
        %broadcast_in_dim3A_188 = vector.broadcast %broadcast_in_dim3A_187 : i32 to vector<16xi32>
        %gather3A_189 = tpu.vector_load_idx %arg7[%broadcast_in_dim3A_188, %min3A_161] : memref<32x2048xf32, #tpu.memory_space<vmem>>[vector<16xi32>, vector<16xi32>], vector<16xf32>,
        %mul3A_190 = arith.constant 16 : i32
        %mul3A_191 = arith.muli %while3A_141, %mul3A_190 : i32
        %add3A_192 = vector.broadcast %mul3A_191 : i32 to vector<16xi32>
        %add3A_193 = arith.addi %add3A_192, %iota3A : vector<16xi32>
        tpu.vector_store_idx %arg13[%add3A_193, %broadcast_in_dim3A_188], %gather3A_189 : memref<144x128xf32, #tpu.memory_space<vmem>>[vector<16xi32>, vector<16xi32>], vector<16xf32>,
        %broadcast_in_dim3A_194 = arith.constant 4 : i32
        %broadcast_in_dim3A_195 = vector.broadcast %broadcast_in_dim3A_194 : i32 to vector<16xi32>
        %gather3A_196 = tpu.vector_load_idx %arg7[%broadcast_in_dim3A_195, %min3A_161] : memref<32x2048xf32, #tpu.memory_space<vmem>>[vector<16xi32>, vector<16xi32>], vector<16xf32>,
        %mul3A_197 = arith.constant 16 : i32
        %mul3A_198 = arith.muli %while3A_141, %mul3A_197 : i32
        %add3A_199 = vector.broadcast %mul3A_198 : i32 to vector<16xi32>
        %add3A_200 = arith.addi %add3A_199, %iota3A : vector<16xi32>
        tpu.vector_store_idx %arg13[%add3A_200, %broadcast_in_dim3A_195], %gather3A_196 : memref<144x128xf32, #tpu.memory_space<vmem>>[vector<16xi32>, vector<16xi32>], vector<16xf32>,
        %broadcast_in_dim3A_201 = arith.constant 5 : i32
        %broadcast_in_dim3A_202 = vector.broadcast %broadcast_in_dim3A_201 : i32 to vector<16xi32>
        %gather3A_203 = tpu.vector_load_idx %arg7[%broadcast_in_dim3A_202, %min3A_161] : memref<32x2048xf32, #tpu.memory_space<vmem>>[vector<16xi32>, vector<16xi32>], vector<16xf32>,
        %mul3A_204 = arith.constant 16 : i32
        %mul3A_205 = arith.muli %while3A_141, %mul3A_204 : i32
        %add3A_206 = vector.broadcast %mul3A_205 : i32 to vector<16xi32>
        %add3A_207 = arith.addi %add3A_206, %iota3A : vector<16xi32>
        tpu.vector_store_idx %arg13[%add3A_207, %broadcast_in_dim3A_202], %gather3A_203 : memref<144x128xf32, #tpu.memory_space<vmem>>[vector<16xi32>, vector<16xi32>], vector<16xf32>,
        %broadcast_in_dim3A_208 = arith.constant 6 : i32
        %broadcast_in_dim3A_209 = vector.broadcast %broadcast_in_dim3A_208 : i32 to vector<16xi32>
        %gather3A_210 = tpu.vector_load_idx %arg7[%broadcast_in_dim3A_209, %min3A_161] : memref<32x2048xf32, #tpu.memory_space<vmem>>[vector<16xi32>, vector<16xi32>], vector<16xf32>,
        %mul3A_211 = arith.constant 16 : i32
        %mul3A_212 = arith.muli %while3A_141, %mul3A_211 : i32
        %add3A_213 = vector.broadcast %mul3A_212 : i32 to vector<16xi32>
        %add3A_214 = arith.addi %add3A_213, %iota3A : vector<16xi32>
        tpu.vector_store_idx %arg13[%add3A_214, %broadcast_in_dim3A_209], %gather3A_210 : memref<144x128xf32, #tpu.memory_space<vmem>>[vector<16xi32>, vector<16xi32>], vector<16xf32>,
        %broadcast_in_dim3A_215 = arith.constant 7 : i32
        %broadcast_in_dim3A_216 = vector.broadcast %broadcast_in_dim3A_215 : i32 to vector<16xi32>
        %gather3A_217 = tpu.vector_load_idx %arg7[%broadcast_in_dim3A_216, %min3A_161] : memref<32x2048xf32, #tpu.memory_space<vmem>>[vector<16xi32>, vector<16xi32>], vector<16xf32>,
        %mul3A_218 = arith.constant 16 : i32
        %mul3A_219 = arith.muli %while3A_141, %mul3A_218 : i32
        %add3A_220 = vector.broadcast %mul3A_219 : i32 to vector<16xi32>
        %add3A_221 = arith.addi %add3A_220, %iota3A : vector<16xi32>
        tpu.vector_store_idx %arg13[%add3A_221, %broadcast_in_dim3A_216], %gather3A_217 : memref<144x128xf32, #tpu.memory_space<vmem>>[vector<16xi32>, vector<16xi32>], vector<16xf32>,
        %broadcast_in_dim3A_222 = arith.constant 8 : i32
        %broadcast_in_dim3A_223 = vector.broadcast %broadcast_in_dim3A_222 : i32 to vector<16xi32>
        %gather3A_224 = tpu.vector_load_idx %arg7[%broadcast_in_dim3A_223, %min3A_161] : memref<32x2048xf32, #tpu.memory_space<vmem>>[vector<16xi32>, vector<16xi32>], vector<16xf32>,
        %mul3A_225 = arith.constant 16 : i32
        %mul3A_226 = arith.muli %while3A_141, %mul3A_225 : i32
        %add3A_227 = vector.broadcast %mul3A_226 : i32 to vector<16xi32>
        %add3A_228 = arith.addi %add3A_227, %iota3A : vector<16xi32>
        tpu.vector_store_idx %arg13[%add3A_228, %broadcast_in_dim3A_223], %gather3A_224 : memref<144x128xf32, #tpu.memory_space<vmem>>[vector<16xi32>, vector<16xi32>], vector<16xf32>,
        %broadcast_in_dim3A_229 = arith.constant 9 : i32
        %broadcast_in_dim3A_230 = vector.broadcast %broadcast_in_dim3A_229 : i32 to vector<16xi32>
        %gather3A_231 = tpu.vector_load_idx %arg7[%broadcast_in_dim3A_230, %min3A_161] : memref<32x2048xf32, #tpu.memory_space<vmem>>[vector<16xi32>, vector<16xi32>], vector<16xf32>,
        %mul3A_232 = arith.constant 16 : i32
        %mul3A_233 = arith.muli %while3A_141, %mul3A_232 : i32
        %add3A_234 = vector.broadcast %mul3A_233 : i32 to vector<16xi32>
        %add3A_235 = arith.addi %add3A_234, %iota3A : vector<16xi32>
        tpu.vector_store_idx %arg13[%add3A_235, %broadcast_in_dim3A_230], %gather3A_231 : memref<144x128xf32, #tpu.memory_space<vmem>>[vector<16xi32>, vector<16xi32>], vector<16xf32>,
        %broadcast_in_dim3A_236 = arith.constant 10 : i32
        %broadcast_in_dim3A_237 = vector.broadcast %broadcast_in_dim3A_236 : i32 to vector<16xi32>
        %gather3A_238 = tpu.vector_load_idx %arg7[%broadcast_in_dim3A_237, %min3A_161] : memref<32x2048xf32, #tpu.memory_space<vmem>>[vector<16xi32>, vector<16xi32>], vector<16xf32>,
        %mul3A_239 = arith.constant 16 : i32
        %mul3A_240 = arith.muli %while3A_141, %mul3A_239 : i32
        %add3A_241 = vector.broadcast %mul3A_240 : i32 to vector<16xi32>
        %add3A_242 = arith.addi %add3A_241, %iota3A : vector<16xi32>
        tpu.vector_store_idx %arg13[%add3A_242, %broadcast_in_dim3A_237], %gather3A_238 : memref<144x128xf32, #tpu.memory_space<vmem>>[vector<16xi32>, vector<16xi32>], vector<16xf32>,
        %broadcast_in_dim3A_243 = arith.constant 11 : i32
        %broadcast_in_dim3A_244 = vector.broadcast %broadcast_in_dim3A_243 : i32 to vector<16xi32>
        %gather3A_245 = tpu.vector_load_idx %arg7[%broadcast_in_dim3A_244, %min3A_161] : memref<32x2048xf32, #tpu.memory_space<vmem>>[vector<16xi32>, vector<16xi32>], vector<16xf32>,
        %mul3A_246 = arith.constant 16 : i32
        %mul3A_247 = arith.muli %while3A_141, %mul3A_246 : i32
        %add3A_248 = vector.broadcast %mul3A_247 : i32 to vector<16xi32>
        %add3A_249 = arith.addi %add3A_248, %iota3A : vector<16xi32>
        tpu.vector_store_idx %arg13[%add3A_249, %broadcast_in_dim3A_244], %gather3A_245 : memref<144x128xf32, #tpu.memory_space<vmem>>[vector<16xi32>, vector<16xi32>], vector<16xf32>,
        %broadcast_in_dim3A_250 = arith.constant 12 : i32
        %broadcast_in_dim3A_251 = vector.broadcast %broadcast_in_dim3A_250 : i32 to vector<16xi32>
        %gather3A_252 = tpu.vector_load_idx %arg7[%broadcast_in_dim3A_251, %min3A_161] : memref<32x2048xf32, #tpu.memory_space<vmem>>[vector<16xi32>, vector<16xi32>], vector<16xf32>,
        %mul3A_253 = arith.constant 16 : i32
        %mul3A_254 = arith.muli %while3A_141, %mul3A_253 : i32
        %add3A_255 = vector.broadcast %mul3A_254 : i32 to vector<16xi32>
        %add3A_256 = arith.addi %add3A_255, %iota3A : vector<16xi32>
        tpu.vector_store_idx %arg13[%add3A_256, %broadcast_in_dim3A_251], %gather3A_252 : memref<144x128xf32, #tpu.memory_space<vmem>>[vector<16xi32>, vector<16xi32>], vector<16xf32>,
        %broadcast_in_dim3A_257 = arith.constant 13 : i32
        %broadcast_in_dim3A_258 = vector.broadcast %broadcast_in_dim3A_257 : i32 to vector<16xi32>
        %gather3A_259 = tpu.vector_load_idx %arg7[%broadcast_in_dim3A_258, %min3A_161] : memref<32x2048xf32, #tpu.memory_space<vmem>>[vector<16xi32>, vector<16xi32>], vector<16xf32>,
        %mul3A_260 = arith.constant 16 : i32
        %mul3A_261 = arith.muli %while3A_141, %mul3A_260 : i32
        %add3A_262 = vector.broadcast %mul3A_261 : i32 to vector<16xi32>
        %add3A_263 = arith.addi %add3A_262, %iota3A : vector<16xi32>
        tpu.vector_store_idx %arg13[%add3A_263, %broadcast_in_dim3A_258], %gather3A_259 : memref<144x128xf32, #tpu.memory_space<vmem>>[vector<16xi32>, vector<16xi32>], vector<16xf32>,
        %broadcast_in_dim3A_264 = arith.constant 14 : i32
        %broadcast_in_dim3A_265 = vector.broadcast %broadcast_in_dim3A_264 : i32 to vector<16xi32>
        %gather3A_266 = tpu.vector_load_idx %arg7[%broadcast_in_dim3A_265, %min3A_161] : memref<32x2048xf32, #tpu.memory_space<vmem>>[vector<16xi32>, vector<16xi32>], vector<16xf32>,
        %mul3A_267 = arith.constant 16 : i32
        %mul3A_268 = arith.muli %while3A_141, %mul3A_267 : i32
        %add3A_269 = vector.broadcast %mul3A_268 : i32 to vector<16xi32>
        %add3A_270 = arith.addi %add3A_269, %iota3A : vector<16xi32>
        tpu.vector_store_idx %arg13[%add3A_270, %broadcast_in_dim3A_265], %gather3A_266 : memref<144x128xf32, #tpu.memory_space<vmem>>[vector<16xi32>, vector<16xi32>], vector<16xf32>,
        %broadcast_in_dim3A_271 = arith.constant 15 : i32
        %broadcast_in_dim3A_272 = vector.broadcast %broadcast_in_dim3A_271 : i32 to vector<16xi32>
        %gather3A_273 = tpu.vector_load_idx %arg7[%broadcast_in_dim3A_272, %min3A_161] : memref<32x2048xf32, #tpu.memory_space<vmem>>[vector<16xi32>, vector<16xi32>], vector<16xf32>,
        %mul3A_274 = arith.constant 16 : i32
        %mul3A_275 = arith.muli %while3A_141, %mul3A_274 : i32
        %add3A_276 = vector.broadcast %mul3A_275 : i32 to vector<16xi32>
        %add3A_277 = arith.addi %add3A_276, %iota3A : vector<16xi32>
        tpu.vector_store_idx %arg13[%add3A_277, %broadcast_in_dim3A_272], %gather3A_273 : memref<144x128xf32, #tpu.memory_space<vmem>>[vector<16xi32>, vector<16xi32>], vector<16xf32>,
        %broadcast_in_dim3A_278 = arith.constant 16 : i32
        %broadcast_in_dim3A_279 = vector.broadcast %broadcast_in_dim3A_278 : i32 to vector<16xi32>
        %gather3A_280 = tpu.vector_load_idx %arg7[%broadcast_in_dim3A_279, %min3A_161] : memref<32x2048xf32, #tpu.memory_space<vmem>>[vector<16xi32>, vector<16xi32>], vector<16xf32>,
        %mul3A_281 = arith.constant 16 : i32
        %mul3A_282 = arith.muli %while3A_141, %mul3A_281 : i32
        %add3A_283 = vector.broadcast %mul3A_282 : i32 to vector<16xi32>
        %add3A_284 = arith.addi %add3A_283, %iota3A : vector<16xi32>
        tpu.vector_store_idx %arg13[%add3A_284, %broadcast_in_dim3A_279], %gather3A_280 : memref<144x128xf32, #tpu.memory_space<vmem>>[vector<16xi32>, vector<16xi32>], vector<16xf32>,
        %broadcast_in_dim3A_285 = arith.constant 17 : i32
        %broadcast_in_dim3A_286 = vector.broadcast %broadcast_in_dim3A_285 : i32 to vector<16xi32>
        %gather3A_287 = tpu.vector_load_idx %arg7[%broadcast_in_dim3A_286, %min3A_161] : memref<32x2048xf32, #tpu.memory_space<vmem>>[vector<16xi32>, vector<16xi32>], vector<16xf32>,
        %mul3A_288 = arith.constant 16 : i32
        %mul3A_289 = arith.muli %while3A_141, %mul3A_288 : i32
        %add3A_290 = vector.broadcast %mul3A_289 : i32 to vector<16xi32>
        %add3A_291 = arith.addi %add3A_290, %iota3A : vector<16xi32>
        tpu.vector_store_idx %arg13[%add3A_291, %broadcast_in_dim3A_286], %gather3A_287 : memref<144x128xf32, #tpu.memory_space<vmem>>[vector<16xi32>, vector<16xi32>], vector<16xf32>,
        %broadcast_in_dim3A_292 = arith.constant 18 : i32
        %broadcast_in_dim3A_293 = vector.broadcast %broadcast_in_dim3A_292 : i32 to vector<16xi32>
        %gather3A_294 = tpu.vector_load_idx %arg7[%broadcast_in_dim3A_293, %min3A_161] : memref<32x2048xf32, #tpu.memory_space<vmem>>[vector<16xi32>, vector<16xi32>], vector<16xf32>,
        %mul3A_295 = arith.constant 16 : i32
        %mul3A_296 = arith.muli %while3A_141, %mul3A_295 : i32
        %add3A_297 = vector.broadcast %mul3A_296 : i32 to vector<16xi32>
        %add3A_298 = arith.addi %add3A_297, %iota3A : vector<16xi32>
        tpu.vector_store_idx %arg13[%add3A_298, %broadcast_in_dim3A_293], %gather3A_294 : memref<144x128xf32, #tpu.memory_space<vmem>>[vector<16xi32>, vector<16xi32>], vector<16xf32>,
        %broadcast_in_dim3A_299 = arith.constant 19 : i32
        %broadcast_in_dim3A_300 = vector.broadcast %broadcast_in_dim3A_299 : i32 to vector<16xi32>
        %gather3A_301 = tpu.vector_load_idx %arg7[%broadcast_in_dim3A_300, %min3A_161] : memref<32x2048xf32, #tpu.memory_space<vmem>>[vector<16xi32>, vector<16xi32>], vector<16xf32>,
        %mul3A_302 = arith.constant 16 : i32
        %mul3A_303 = arith.muli %while3A_141, %mul3A_302 : i32
        %add3A_304 = vector.broadcast %mul3A_303 : i32 to vector<16xi32>
        %add3A_305 = arith.addi %add3A_304, %iota3A : vector<16xi32>
        tpu.vector_store_idx %arg13[%add3A_305, %broadcast_in_dim3A_300], %gather3A_301 : memref<144x128xf32, #tpu.memory_space<vmem>>[vector<16xi32>, vector<16xi32>], vector<16xf32>,
        %broadcast_in_dim3A_306 = arith.constant 20 : i32
        %broadcast_in_dim3A_307 = vector.broadcast %broadcast_in_dim3A_306 : i32 to vector<16xi32>
        %gather3A_308 = tpu.vector_load_idx %arg7[%broadcast_in_dim3A_307, %min3A_161] : memref<32x2048xf32, #tpu.memory_space<vmem>>[vector<16xi32>, vector<16xi32>], vector<16xf32>,
        %mul3A_309 = arith.constant 16 : i32
        %mul3A_310 = arith.muli %while3A_141, %mul3A_309 : i32
        %add3A_311 = vector.broadcast %mul3A_310 : i32 to vector<16xi32>
        %add3A_312 = arith.addi %add3A_311, %iota3A : vector<16xi32>
        tpu.vector_store_idx %arg13[%add3A_312, %broadcast_in_dim3A_307], %gather3A_308 : memref<144x128xf32, #tpu.memory_space<vmem>>[vector<16xi32>, vector<16xi32>], vector<16xf32>,
        %broadcast_in_dim3A_313 = arith.constant 21 : i32
        %broadcast_in_dim3A_314 = vector.broadcast %broadcast_in_dim3A_313 : i32 to vector<16xi32>
        %gather3A_315 = tpu.vector_load_idx %arg7[%broadcast_in_dim3A_314, %min3A_161] : memref<32x2048xf32, #tpu.memory_space<vmem>>[vector<16xi32>, vector<16xi32>], vector<16xf32>,
        %mul3A_316 = arith.constant 16 : i32
        %mul3A_317 = arith.muli %while3A_141, %mul3A_316 : i32
        %add3A_318 = vector.broadcast %mul3A_317 : i32 to vector<16xi32>
        %add3A_319 = arith.addi %add3A_318, %iota3A : vector<16xi32>
        tpu.vector_store_idx %arg13[%add3A_319, %broadcast_in_dim3A_314], %gather3A_315 : memref<144x128xf32, #tpu.memory_space<vmem>>[vector<16xi32>, vector<16xi32>], vector<16xf32>,
        %broadcast_in_dim3A_320 = arith.constant 22 : i32
        %broadcast_in_dim3A_321 = vector.broadcast %broadcast_in_dim3A_320 : i32 to vector<16xi32>
        %gather3A_322 = tpu.vector_load_idx %arg7[%broadcast_in_dim3A_321, %min3A_161] : memref<32x2048xf32, #tpu.memory_space<vmem>>[vector<16xi32>, vector<16xi32>], vector<16xf32>,
        %mul3A_323 = arith.constant 16 : i32
        %mul3A_324 = arith.muli %while3A_141, %mul3A_323 : i32
        %add3A_325 = vector.broadcast %mul3A_324 : i32 to vector<16xi32>
        %add3A_326 = arith.addi %add3A_325, %iota3A : vector<16xi32>
        tpu.vector_store_idx %arg13[%add3A_326, %broadcast_in_dim3A_321], %gather3A_322 : memref<144x128xf32, #tpu.memory_space<vmem>>[vector<16xi32>, vector<16xi32>], vector<16xf32>,
        %broadcast_in_dim3A_327 = arith.constant 23 : i32
        %broadcast_in_dim3A_328 = vector.broadcast %broadcast_in_dim3A_327 : i32 to vector<16xi32>
        %gather3A_329 = tpu.vector_load_idx %arg7[%broadcast_in_dim3A_328, %min3A_161] : memref<32x2048xf32, #tpu.memory_space<vmem>>[vector<16xi32>, vector<16xi32>], vector<16xf32>,
        %mul3A_330 = arith.constant 16 : i32
        %mul3A_331 = arith.muli %while3A_141, %mul3A_330 : i32
        %add3A_332 = vector.broadcast %mul3A_331 : i32 to vector<16xi32>
        %add3A_333 = arith.addi %add3A_332, %iota3A : vector<16xi32>
        tpu.vector_store_idx %arg13[%add3A_333, %broadcast_in_dim3A_328], %gather3A_329 : memref<144x128xf32, #tpu.memory_space<vmem>>[vector<16xi32>, vector<16xi32>], vector<16xf32>,
        %broadcast_in_dim3A_334 = arith.constant 24 : i32
        %broadcast_in_dim3A_335 = vector.broadcast %broadcast_in_dim3A_334 : i32 to vector<16xi32>
        %gather3A_336 = tpu.vector_load_idx %arg7[%broadcast_in_dim3A_335, %min3A_161] : memref<32x2048xf32, #tpu.memory_space<vmem>>[vector<16xi32>, vector<16xi32>], vector<16xf32>,
        %mul3A_337 = arith.constant 16 : i32
        %mul3A_338 = arith.muli %while3A_141, %mul3A_337 : i32
        %add3A_339 = vector.broadcast %mul3A_338 : i32 to vector<16xi32>
        %add3A_340 = arith.addi %add3A_339, %iota3A : vector<16xi32>
        tpu.vector_store_idx %arg13[%add3A_340, %broadcast_in_dim3A_335], %gather3A_336 : memref<144x128xf32, #tpu.memory_space<vmem>>[vector<16xi32>, vector<16xi32>], vector<16xf32>,
        %broadcast_in_dim3A_341 = arith.constant 25 : i32
        %broadcast_in_dim3A_342 = vector.broadcast %broadcast_in_dim3A_341 : i32 to vector<16xi32>
        %gather3A_343 = tpu.vector_load_idx %arg7[%broadcast_in_dim3A_342, %min3A_161] : memref<32x2048xf32, #tpu.memory_space<vmem>>[vector<16xi32>, vector<16xi32>], vector<16xf32>,
        %mul3A_344 = arith.constant 16 : i32
        %mul3A_345 = arith.muli %while3A_141, %mul3A_344 : i32
        %add3A_346 = vector.broadcast %mul3A_345 : i32 to vector<16xi32>
        %add3A_347 = arith.addi %add3A_346, %iota3A : vector<16xi32>
        tpu.vector_store_idx %arg13[%add3A_347, %broadcast_in_dim3A_342], %gather3A_343 : memref<144x128xf32, #tpu.memory_space<vmem>>[vector<16xi32>, vector<16xi32>], vector<16xf32>,
        %broadcast_in_dim3A_348 = arith.constant 26 : i32
        %broadcast_in_dim3A_349 = vector.broadcast %broadcast_in_dim3A_348 : i32 to vector<16xi32>
        %gather3A_350 = tpu.vector_load_idx %arg7[%broadcast_in_dim3A_349, %min3A_161] : memref<32x2048xf32, #tpu.memory_space<vmem>>[vector<16xi32>, vector<16xi32>], vector<16xf32>,
        %mul3A_351 = arith.constant 16 : i32
        %mul3A_352 = arith.muli %while3A_141, %mul3A_351 : i32
        %add3A_353 = vector.broadcast %mul3A_352 : i32 to vector<16xi32>
        %add3A_354 = arith.addi %add3A_353, %iota3A : vector<16xi32>
        tpu.vector_store_idx %arg13[%add3A_354, %broadcast_in_dim3A_349], %gather3A_350 : memref<144x128xf32, #tpu.memory_space<vmem>>[vector<16xi32>, vector<16xi32>], vector<16xf32>,
        %broadcast_in_dim3A_355 = arith.constant 27 : i32
        %broadcast_in_dim3A_356 = vector.broadcast %broadcast_in_dim3A_355 : i32 to vector<16xi32>
        %gather3A_357 = tpu.vector_load_idx %arg7[%broadcast_in_dim3A_356, %min3A_161] : memref<32x2048xf32, #tpu.memory_space<vmem>>[vector<16xi32>, vector<16xi32>], vector<16xf32>,
        %mul3A_358 = arith.constant 16 : i32
        %mul3A_359 = arith.muli %while3A_141, %mul3A_358 : i32
        %add3A_360 = vector.broadcast %mul3A_359 : i32 to vector<16xi32>
        %add3A_361 = arith.addi %add3A_360, %iota3A : vector<16xi32>
        tpu.vector_store_idx %arg13[%add3A_361, %broadcast_in_dim3A_356], %gather3A_357 : memref<144x128xf32, #tpu.memory_space<vmem>>[vector<16xi32>, vector<16xi32>], vector<16xf32>,
        %broadcast_in_dim3A_362 = arith.constant 28 : i32
        %broadcast_in_dim3A_363 = vector.broadcast %broadcast_in_dim3A_362 : i32 to vector<16xi32>
        %gather3A_364 = tpu.vector_load_idx %arg7[%broadcast_in_dim3A_363, %min3A_161] : memref<32x2048xf32, #tpu.memory_space<vmem>>[vector<16xi32>, vector<16xi32>], vector<16xf32>,
        %mul3A_365 = arith.constant 16 : i32
        %mul3A_366 = arith.muli %while3A_141, %mul3A_365 : i32
        %add3A_367 = vector.broadcast %mul3A_366 : i32 to vector<16xi32>
        %add3A_368 = arith.addi %add3A_367, %iota3A : vector<16xi32>
        tpu.vector_store_idx %arg13[%add3A_368, %broadcast_in_dim3A_363], %gather3A_364 : memref<144x128xf32, #tpu.memory_space<vmem>>[vector<16xi32>, vector<16xi32>], vector<16xf32>,
        %broadcast_in_dim3A_369 = arith.constant 29 : i32
        %broadcast_in_dim3A_370 = vector.broadcast %broadcast_in_dim3A_369 : i32 to vector<16xi32>
        %gather3A_371 = tpu.vector_load_idx %arg7[%broadcast_in_dim3A_370, %min3A_161] : memref<32x2048xf32, #tpu.memory_space<vmem>>[vector<16xi32>, vector<16xi32>], vector<16xf32>,
        %mul3A_372 = arith.constant 16 : i32
        %mul3A_373 = arith.muli %while3A_141, %mul3A_372 : i32
        %add3A_374 = vector.broadcast %mul3A_373 : i32 to vector<16xi32>
        %add3A_375 = arith.addi %add3A_374, %iota3A : vector<16xi32>
        tpu.vector_store_idx %arg13[%add3A_375, %broadcast_in_dim3A_370], %gather3A_371 : memref<144x128xf32, #tpu.memory_space<vmem>>[vector<16xi32>, vector<16xi32>], vector<16xf32>,
        %broadcast_in_dim3A_376 = arith.constant 30 : i32
        %broadcast_in_dim3A_377 = vector.broadcast %broadcast_in_dim3A_376 : i32 to vector<16xi32>
        %gather3A_378 = tpu.vector_load_idx %arg7[%broadcast_in_dim3A_377, %min3A_161] : memref<32x2048xf32, #tpu.memory_space<vmem>>[vector<16xi32>, vector<16xi32>], vector<16xf32>,
        %mul3A_379 = arith.constant 16 : i32
        %mul3A_380 = arith.muli %while3A_141, %mul3A_379 : i32
        %add3A_381 = vector.broadcast %mul3A_380 : i32 to vector<16xi32>
        %add3A_382 = arith.addi %add3A_381, %iota3A : vector<16xi32>
        tpu.vector_store_idx %arg13[%add3A_382, %broadcast_in_dim3A_377], %gather3A_378 : memref<144x128xf32, #tpu.memory_space<vmem>>[vector<16xi32>, vector<16xi32>], vector<16xf32>,
        %broadcast_in_dim3A_383 = arith.constant 31 : i32
        %broadcast_in_dim3A_384 = vector.broadcast %broadcast_in_dim3A_383 : i32 to vector<16xi32>
        %gather3A_385 = tpu.vector_load_idx %arg7[%broadcast_in_dim3A_384, %min3A_161] : memref<32x2048xf32, #tpu.memory_space<vmem>>[vector<16xi32>, vector<16xi32>], vector<16xf32>,
        %mul3A_386 = arith.constant 16 : i32
        %mul3A_387 = arith.muli %while3A_141, %mul3A_386 : i32
        %add3A_388 = vector.broadcast %mul3A_387 : i32 to vector<16xi32>
        %add3A_389 = arith.addi %add3A_388, %iota3A : vector<16xi32>
        tpu.vector_store_idx %arg13[%add3A_389, %broadcast_in_dim3A_384], %gather3A_385 : memref<144x128xf32, #tpu.memory_space<vmem>>[vector<16xi32>, vector<16xi32>], vector<16xf32>,
        %eq3A_390 = arith.constant 0 : i32
        %eq3A_391 = arith.cmpi eq, %arg0, %eq3A_390 : i32
        %convert_element_type3A_392 = arith.extui %eq3A_391 : i1 to i32
        %cond3A_393 = arith.constant 0 : i32
        %cond3A_394 = arith.cmpi ne, %convert_element_type3A_392, %cond3A_393 : i32
        scf.if %cond3A_394 {
          %mul3A_400 = arith.constant 16 : i32
          %mul3A_401 = arith.muli %while3A_141, %mul3A_400 : i32
          %dma_start3A = arith.constant 0 : i32
          %dma_start3A_402 = tpu.memref_slice %arg13[%mul3A_401, %dma_start3A] : memref<144x128xf32, #tpu.memory_space<vmem>> -> memref<16x128xf32, #tpu.memory_space<vmem>>
          %dma_start3A_403 = arith.constant 0 : i32
          %dma_start3A_404 = tpu.memref_slice %arg14[%while3A_141, %dma_start3A_403] : memref<9x16xi32, #tpu.memory_space<vmem>> -> memref<1x16xi32, #tpu.memory_space<vmem>>
          %dma_start3A_405 = tpu.memref_squeeze %dma_start3A_404 : memref<1x16xi32, #tpu.memory_space<vmem>> -> memref<16xi32, #tpu.memory_space<vmem>>
          %dma_start3A_406 = arith.constant 0 : i32
          %dma_start3A_407 = arith.constant 0 : i32
          %dma_start3A_408 = tpu.memref_slice %arg5[%dma_start3A_406, %dma_start3A_407] : memref<16400x128xf32, #tpu.memory_space<hbm>> -> memref<16400x128xf32, #tpu.memory_space<hbm>>
          tpu.enqueue_indirect_dma source(%dma_start3A_402 : memref<16x128xf32, #tpu.memory_space<vmem>>) target(%dma_start3A_408 : memref<16400x128xf32, #tpu.memory_space<hbm>>) offsets(%dma_start3A_405 : memref<16xi32, #tpu.memory_space<vmem>>) semaphore(%arg17 : memref<!tpu.dma_semaphore, #tpu.memory_space<semaphore_mem>>)
        } else {
        }
        %eq3A_395 = arith.constant 1 : i32
        %eq3A_396 = arith.cmpi eq, %arg0, %eq3A_395 : i32
        %convert_element_type3A_397 = arith.extui %eq3A_396 : i1 to i32
        %cond3A_398 = arith.constant 0 : i32
        %cond3A_399 = arith.cmpi ne, %convert_element_type3A_397, %cond3A_398 : i32
        scf.if %cond3A_399 {
          %mul3A_400 = arith.constant 16 : i32
          %mul3A_401 = arith.muli %while3A_141, %mul3A_400 : i32
          %dma_start3A = arith.constant 0 : i32
          %dma_start3A_402 = tpu.memref_slice %arg13[%mul3A_401, %dma_start3A] : memref<144x128xf32, #tpu.memory_space<vmem>> -> memref<16x128xf32, #tpu.memory_space<vmem>>
          %dma_start3A_403 = arith.constant 0 : i32
          %dma_start3A_404 = tpu.memref_slice %arg14[%while3A_141, %dma_start3A_403] : memref<9x16xi32, #tpu.memory_space<vmem>> -> memref<1x16xi32, #tpu.memory_space<vmem>>
          %dma_start3A_405 = tpu.memref_squeeze %dma_start3A_404 : memref<1x16xi32, #tpu.memory_space<vmem>> -> memref<16xi32, #tpu.memory_space<vmem>>
          %dma_start3A_406 = arith.constant 0 : i32
          %dma_start3A_407 = arith.constant 0 : i32
          %dma_start3A_408 = tpu.memref_slice %arg6[%dma_start3A_406, %dma_start3A_407] : memref<16400x128xf32, #tpu.memory_space<hbm>> -> memref<16400x128xf32, #tpu.memory_space<hbm>>
          tpu.enqueue_indirect_dma source(%dma_start3A_402 : memref<16x128xf32, #tpu.memory_space<vmem>>) target(%dma_start3A_408 : memref<16400x128xf32, #tpu.memory_space<hbm>>) offsets(%dma_start3A_405 : memref<16xi32, #tpu.memory_space<vmem>>) semaphore(%arg17 : memref<!tpu.dma_semaphore, #tpu.memory_space<semaphore_mem>>)
        } else {
        }
      }
      %while3A_131 = arith.constant 0 : i32
      %while3A_132 = arith.constant 0 : i32
      %while3A_133 = arith.subi %select_n3A_120, %while3A_132 : i32
      %while3A_134 = arith.addi %while3A_132, %while3A_133 : i32
      %while3A_135 = arith.constant 1 : i32
      %while3A_136 = arith.divsi %while3A_133, %while3A_135 : i32
      %while3A_137 = arith.muli %while3A_136, %while3A_135 : i32
      %while3A_138 = arith.addi %while3A_132, %while3A_137 : i32
      %while3A_139 = arith.constant 1 : i32
      scf.for %while3A_141 = %while3A_132 to %while3A_138 step %while3A_139  : i32 {
        %dma_wait3A_142 = arith.constant 0 : i32
        %dma_wait3A_143 = arith.constant 0 : i32
        %dma_wait3A_144 = tpu.memref_slice %arg2[%dma_wait3A_142, %dma_wait3A_143] : memref<64x1000000xf32, #tpu.memory_space<hbm>> -> memref<16x128xf32, #tpu.memory_space<hbm>>
        %dma_wait3A_145 = arith.constant 0 : i32
        %dma_wait3A_146 = arith.constant 0 : i32
        %dma_wait3A_147 = tpu.memref_slice %arg2[%dma_wait3A_145, %dma_wait3A_146] : memref<64x1000000xf32, #tpu.memory_space<hbm>> -> memref<16x128xf32, #tpu.memory_space<hbm>>
        tpu.wait_dma2 semaphore(%arg17 : memref<!tpu.dma_semaphore, #tpu.memory_space<semaphore_mem>>) src(%dma_wait3A_147 : memref<16x128xf32, #tpu.memory_space<hbm>>) dst(%arg15 : memref<16x128xf32, #tpu.memory_space<vmem>>)
      }
      %while3A_140 = arith.constant 1 : i32
      scf.for %while3A_141 = %while3A_138 to %while3A_134 step %while3A_140  : i32 {
        %dma_wait3A_142 = arith.constant 0 : i32
        %dma_wait3A_143 = arith.constant 0 : i32
        %dma_wait3A_144 = tpu.memref_slice %arg2[%dma_wait3A_142, %dma_wait3A_143] : memref<64x1000000xf32, #tpu.memory_space<hbm>> -> memref<16x128xf32, #tpu.memory_space<hbm>>
        %dma_wait3A_145 = arith.constant 0 : i32
        %dma_wait3A_146 = arith.constant 0 : i32
        %dma_wait3A_147 = tpu.memref_slice %arg2[%dma_wait3A_145, %dma_wait3A_146] : memref<64x1000000xf32, #tpu.memory_space<hbm>> -> memref<16x128xf32, #tpu.memory_space<hbm>>
        tpu.wait_dma2 semaphore(%arg17 : memref<!tpu.dma_semaphore, #tpu.memory_space<semaphore_mem>>) src(%dma_wait3A_147 : memref<16x128xf32, #tpu.memory_space<hbm>>) dst(%arg15 : memref<16x128xf32, #tpu.memory_space<vmem>>)
      }
    }
    %while3A_37 = arith.constant 1 : i32
    scf.for %while3A_38 = %while3A_35 to %while3A_31 step %while3A_37  : i32 {
      %mul3A_39 = arith.constant 16 : i32
      %mul3A_40 = arith.muli %while3A_38, %mul3A_39 : i32
      %add3A_41 = arith.addi %mul3A_40, %arg1 : i32
      %mul3A_42 = arith.constant 2048 : i32
      %mul3A_43 = arith.muli %add3A_41, %mul3A_42 : i32
      %multiple_of3A_44 = tpu.assume_multiple %mul3A_43, 128 : i32
      %ne3A_45 = arith.constant 488 : i32
      %ne3A_46 = arith.cmpi ne, %add3A_41, %ne3A_45 : i32
      %convert_element_type3A = arith.extui %ne3A_46 : i1 to i32
      %cond3A = arith.constant 0 : i32
      %cond3A_47 = arith.cmpi ne, %convert_element_type3A, %cond3A : i32
      scf.if %cond3A_47 {
        %add3A_141 = arith.constant 0 : i32
        %add3A_142 = arith.addi %multiple_of3A, %add3A_141 : i32
        %dma_start3A = arith.constant 0 : i32
        %dma_start3A_143 = arith.constant 0 : i32
        %dma_start3A_144 = tpu.memref_slice %arg7[%dma_start3A, %dma_start3A_143] : memref<32x2048xf32, #tpu.memory_space<vmem>> -> memref<8x2048xf32, #tpu.memory_space<vmem>>
        %dma_start3A_145 = tpu.memref_slice %arg2[%add3A_142, %multiple_of3A_44] : memref<64x1000000xf32, #tpu.memory_space<hbm>> -> memref<8x2048xf32, #tpu.memory_space<hbm>>
        %dma_start3A_146 = arith.constant 0 : i32
        %dma_start3A_147 = arith.constant 0 : i32
        %dma_start3A_148 = tpu.memref_slice %arg7[%dma_start3A_146, %dma_start3A_147] : memref<32x2048xf32, #tpu.memory_space<vmem>> -> memref<8x2048xf32, #tpu.memory_space<vmem>>
        %dma_start3A_149 = tpu.memref_slice %arg2[%add3A_142, %multiple_of3A_44] : memref<64x1000000xf32, #tpu.memory_space<hbm>> -> memref<8x2048xf32, #tpu.memory_space<hbm>>
        tpu.enqueue_dma source(%dma_start3A_149 : memref<8x2048xf32, #tpu.memory_space<hbm>>) target(%dma_start3A_148 : memref<8x2048xf32, #tpu.memory_space<vmem>>) target_semaphore(%arg16 : memref<!tpu.dma_semaphore, #tpu.memory_space<semaphore_mem>>)
        %add3A_150 = arith.constant 8 : i32
        %add3A_151 = arith.addi %multiple_of3A, %add3A_150 : i32
        %dma_start3A_152 = arith.constant 8 : i32
        %dma_start3A_153 = arith.constant 0 : i32
        %dma_start3A_154 = tpu.memref_slice %arg7[%dma_start3A_152, %dma_start3A_153] : memref<32x2048xf32, #tpu.memory_space<vmem>> -> memref<8x2048xf32, #tpu.memory_space<vmem>>
        %dma_start3A_155 = tpu.memref_slice %arg2[%add3A_151, %multiple_of3A_44] : memref<64x1000000xf32, #tpu.memory_space<hbm>> -> memref<8x2048xf32, #tpu.memory_space<hbm>>
        %dma_start3A_156 = arith.constant 8 : i32
        %dma_start3A_157 = arith.constant 0 : i32
        %dma_start3A_158 = tpu.memref_slice %arg7[%dma_start3A_156, %dma_start3A_157] : memref<32x2048xf32, #tpu.memory_space<vmem>> -> memref<8x2048xf32, #tpu.memory_space<vmem>>
        %dma_start3A_159 = tpu.memref_slice %arg2[%add3A_151, %multiple_of3A_44] : memref<64x1000000xf32, #tpu.memory_space<hbm>> -> memref<8x2048xf32, #tpu.memory_space<hbm>>
        tpu.enqueue_dma source(%dma_start3A_159 : memref<8x2048xf32, #tpu.memory_space<hbm>>) target(%dma_start3A_158 : memref<8x2048xf32, #tpu.memory_space<vmem>>) target_semaphore(%arg16 : memref<!tpu.dma_semaphore, #tpu.memory_space<semaphore_mem>>)
        %add3A_160 = arith.constant 16 : i32
        %add3A_161 = arith.addi %multiple_of3A, %add3A_160 : i32
        %dma_start3A_162 = arith.constant 16 : i32
        %dma_start3A_163 = arith.constant 0 : i32
        %dma_start3A_164 = tpu.memref_slice %arg7[%dma_start3A_162, %dma_start3A_163] : memref<32x2048xf32, #tpu.memory_space<vmem>> -> memref<8x2048xf32, #tpu.memory_space<vmem>>
        %dma_start3A_165 = tpu.memref_slice %arg2[%add3A_161, %multiple_of3A_44] : memref<64x1000000xf32, #tpu.memory_space<hbm>> -> memref<8x2048xf32, #tpu.memory_space<hbm>>
        %dma_start3A_166 = arith.constant 16 : i32
        %dma_start3A_167 = arith.constant 0 : i32
        %dma_start3A_168 = tpu.memref_slice %arg7[%dma_start3A_166, %dma_start3A_167] : memref<32x2048xf32, #tpu.memory_space<vmem>> -> memref<8x2048xf32, #tpu.memory_space<vmem>>
        %dma_start3A_169 = tpu.memref_slice %arg2[%add3A_161, %multiple_of3A_44] : memref<64x1000000xf32, #tpu.memory_space<hbm>> -> memref<8x2048xf32, #tpu.memory_space<hbm>>
        tpu.enqueue_dma source(%dma_start3A_169 : memref<8x2048xf32, #tpu.memory_space<hbm>>) target(%dma_start3A_168 : memref<8x2048xf32, #tpu.memory_space<vmem>>) target_semaphore(%arg16 : memref<!tpu.dma_semaphore, #tpu.memory_space<semaphore_mem>>)
        %add3A_170 = arith.constant 24 : i32
        %add3A_171 = arith.addi %multiple_of3A, %add3A_170 : i32
        %dma_start3A_172 = arith.constant 24 : i32
        %dma_start3A_173 = arith.constant 0 : i32
        %dma_start3A_174 = tpu.memref_slice %arg7[%dma_start3A_172, %dma_start3A_173] : memref<32x2048xf32, #tpu.memory_space<vmem>> -> memref<8x2048xf32, #tpu.memory_space<vmem>>
        %dma_start3A_175 = tpu.memref_slice %arg2[%add3A_171, %multiple_of3A_44] : memref<64x1000000xf32, #tpu.memory_space<hbm>> -> memref<8x2048xf32, #tpu.memory_space<hbm>>
        %dma_start3A_176 = arith.constant 24 : i32
        %dma_start3A_177 = arith.constant 0 : i32
        %dma_start3A_178 = tpu.memref_slice %arg7[%dma_start3A_176, %dma_start3A_177] : memref<32x2048xf32, #tpu.memory_space<vmem>> -> memref<8x2048xf32, #tpu.memory_space<vmem>>
        %dma_start3A_179 = tpu.memref_slice %arg2[%add3A_171, %multiple_of3A_44] : memref<64x1000000xf32, #tpu.memory_space<hbm>> -> memref<8x2048xf32, #tpu.memory_space<hbm>>
        tpu.enqueue_dma source(%dma_start3A_179 : memref<8x2048xf32, #tpu.memory_space<hbm>>) target(%dma_start3A_178 : memref<8x2048xf32, #tpu.memory_space<vmem>>) target_semaphore(%arg16 : memref<!tpu.dma_semaphore, #tpu.memory_space<semaphore_mem>>)
      } else {
      }
      %eq3A = arith.constant 488 : i32
      %eq3A_48 = arith.cmpi eq, %add3A_41, %eq3A : i32
      %convert_element_type3A_49 = arith.extui %eq3A_48 : i1 to i32
      %cond3A_50 = arith.constant 0 : i32
      %cond3A_51 = arith.cmpi ne, %convert_element_type3A_49, %cond3A_50 : i32
      scf.if %cond3A_51 {
        %add3A_141 = arith.constant 0 : i32
        %add3A_142 = arith.addi %multiple_of3A, %add3A_141 : i32
        %dma_start3A = arith.constant 0 : i32
        %dma_start3A_143 = arith.constant 0 : i32
        %dma_start3A_144 = tpu.memref_slice %arg7[%dma_start3A, %dma_start3A_143] : memref<32x2048xf32, #tpu.memory_space<vmem>> -> memref<8x2048xf32, #tpu.memory_space<vmem>>
        %dma_start3A_145 = arith.constant 0 : i32
        %dma_start3A_146 = tpu.memref_slice %arg3[%add3A_142, %dma_start3A_145] : memref<64x2048xf32, #tpu.memory_space<hbm>> -> memref<8x2048xf32, #tpu.memory_space<hbm>>
        %dma_start3A_147 = arith.constant 0 : i32
        %dma_start3A_148 = arith.constant 0 : i32
        %dma_start3A_149 = tpu.memref_slice %arg7[%dma_start3A_147, %dma_start3A_148] : memref<32x2048xf32, #tpu.memory_space<vmem>> -> memref<8x2048xf32, #tpu.memory_space<vmem>>
        %dma_start3A_150 = arith.constant 0 : i32
        %dma_start3A_151 = tpu.memref_slice %arg3[%add3A_142, %dma_start3A_150] : memref<64x2048xf32, #tpu.memory_space<hbm>> -> memref<8x2048xf32, #tpu.memory_space<hbm>>
        tpu.enqueue_dma source(%dma_start3A_151 : memref<8x2048xf32, #tpu.memory_space<hbm>>) target(%dma_start3A_149 : memref<8x2048xf32, #tpu.memory_space<vmem>>) target_semaphore(%arg16 : memref<!tpu.dma_semaphore, #tpu.memory_space<semaphore_mem>>)
        %add3A_152 = arith.constant 8 : i32
        %add3A_153 = arith.addi %multiple_of3A, %add3A_152 : i32
        %dma_start3A_154 = arith.constant 8 : i32
        %dma_start3A_155 = arith.constant 0 : i32
        %dma_start3A_156 = tpu.memref_slice %arg7[%dma_start3A_154, %dma_start3A_155] : memref<32x2048xf32, #tpu.memory_space<vmem>> -> memref<8x2048xf32, #tpu.memory_space<vmem>>
        %dma_start3A_157 = arith.constant 0 : i32
        %dma_start3A_158 = tpu.memref_slice %arg3[%add3A_153, %dma_start3A_157] : memref<64x2048xf32, #tpu.memory_space<hbm>> -> memref<8x2048xf32, #tpu.memory_space<hbm>>
        %dma_start3A_159 = arith.constant 8 : i32
        %dma_start3A_160 = arith.constant 0 : i32
        %dma_start3A_161 = tpu.memref_slice %arg7[%dma_start3A_159, %dma_start3A_160] : memref<32x2048xf32, #tpu.memory_space<vmem>> -> memref<8x2048xf32, #tpu.memory_space<vmem>>
        %dma_start3A_162 = arith.constant 0 : i32
        %dma_start3A_163 = tpu.memref_slice %arg3[%add3A_153, %dma_start3A_162] : memref<64x2048xf32, #tpu.memory_space<hbm>> -> memref<8x2048xf32, #tpu.memory_space<hbm>>
        tpu.enqueue_dma source(%dma_start3A_163 : memref<8x2048xf32, #tpu.memory_space<hbm>>) target(%dma_start3A_161 : memref<8x2048xf32, #tpu.memory_space<vmem>>) target_semaphore(%arg16 : memref<!tpu.dma_semaphore, #tpu.memory_space<semaphore_mem>>)
        %add3A_164 = arith.constant 16 : i32
        %add3A_165 = arith.addi %multiple_of3A, %add3A_164 : i32
        %dma_start3A_166 = arith.constant 16 : i32
        %dma_start3A_167 = arith.constant 0 : i32
        %dma_start3A_168 = tpu.memref_slice %arg7[%dma_start3A_166, %dma_start3A_167] : memref<32x2048xf32, #tpu.memory_space<vmem>> -> memref<8x2048xf32, #tpu.memory_space<vmem>>
        %dma_start3A_169 = arith.constant 0 : i32
        %dma_start3A_170 = tpu.memref_slice %arg3[%add3A_165, %dma_start3A_169] : memref<64x2048xf32, #tpu.memory_space<hbm>> -> memref<8x2048xf32, #tpu.memory_space<hbm>>
        %dma_start3A_171 = arith.constant 16 : i32
        %dma_start3A_172 = arith.constant 0 : i32
        %dma_start3A_173 = tpu.memref_slice %arg7[%dma_start3A_171, %dma_start3A_172] : memref<32x2048xf32, #tpu.memory_space<vmem>> -> memref<8x2048xf32, #tpu.memory_space<vmem>>
        %dma_start3A_174 = arith.constant 0 : i32
        %dma_start3A_175 = tpu.memref_slice %arg3[%add3A_165, %dma_start3A_174] : memref<64x2048xf32, #tpu.memory_space<hbm>> -> memref<8x2048xf32, #tpu.memory_space<hbm>>
        tpu.enqueue_dma source(%dma_start3A_175 : memref<8x2048xf32, #tpu.memory_space<hbm>>) target(%dma_start3A_173 : memref<8x2048xf32, #tpu.memory_space<vmem>>) target_semaphore(%arg16 : memref<!tpu.dma_semaphore, #tpu.memory_space<semaphore_mem>>)
        %add3A_176 = arith.constant 24 : i32
        %add3A_177 = arith.addi %multiple_of3A, %add3A_176 : i32
        %dma_start3A_178 = arith.constant 24 : i32
        %dma_start3A_179 = arith.constant 0 : i32
        %dma_start3A_180 = tpu.memref_slice %arg7[%dma_start3A_178, %dma_start3A_179] : memref<32x2048xf32, #tpu.memory_space<vmem>> -> memref<8x2048xf32, #tpu.memory_space<vmem>>
        %dma_start3A_181 = arith.constant 0 : i32
        %dma_start3A_182 = tpu.memref_slice %arg3[%add3A_177, %dma_start3A_181] : memref<64x2048xf32, #tpu.memory_space<hbm>> -> memref<8x2048xf32, #tpu.memory_space<hbm>>
        %dma_start3A_183 = arith.constant 24 : i32
        %dma_start3A_184 = arith.constant 0 : i32
        %dma_start3A_185 = tpu.memref_slice %arg7[%dma_start3A_183, %dma_start3A_184] : memref<32x2048xf32, #tpu.memory_space<vmem>> -> memref<8x2048xf32, #tpu.memory_space<vmem>>
        %dma_start3A_186 = arith.constant 0 : i32
        %dma_start3A_187 = tpu.memref_slice %arg3[%add3A_177, %dma_start3A_186] : memref<64x2048xf32, #tpu.memory_space<hbm>> -> memref<8x2048xf32, #tpu.memory_space<hbm>>
        tpu.enqueue_dma source(%dma_start3A_187 : memref<8x2048xf32, #tpu.memory_space<hbm>>) target(%dma_start3A_185 : memref<8x2048xf32, #tpu.memory_space<vmem>>) target_semaphore(%arg16 : memref<!tpu.dma_semaphore, #tpu.memory_space<semaphore_mem>>)
      } else {
      }
      %dma_wait3A = arith.constant 0 : i32
      %dma_wait3A_52 = arith.constant 0 : i32
      %dma_wait3A_53 = tpu.memref_slice %arg2[%dma_wait3A, %dma_wait3A_52] : memref<64x1000000xf32, #tpu.memory_space<hbm>> -> memref<32x2048xf32, #tpu.memory_space<hbm>>
      %dma_wait3A_54 = arith.constant 0 : i32
      %dma_wait3A_55 = arith.constant 0 : i32
      %dma_wait3A_56 = tpu.memref_slice %arg2[%dma_wait3A_54, %dma_wait3A_55] : memref<64x1000000xf32, #tpu.memory_space<hbm>> -> memref<32x2048xf32, #tpu.memory_space<hbm>>
      tpu.wait_dma2 semaphore(%arg16 : memref<!tpu.dma_semaphore, #tpu.memory_space<semaphore_mem>>) src(%dma_wait3A_56 : memref<32x2048xf32, #tpu.memory_space<hbm>>) dst(%arg7 : memref<32x2048xf32, #tpu.memory_space<vmem>>)
      %add3A_57 = arith.constant 15 : i32
      %add3A_58 = arith.addi %scan3A_7, %add3A_57 : i32
      %jit3A_59 = arith.constant 16 : i32
      %div3A_60 = arith.divsi %add3A_58, %jit3A_59 : i32
      %sign3A_61 = arith.constant 0 : i32
      %sign3A_62 = arith.cmpi sgt, %add3A_58, %sign3A_61 : i32
      %sign3A_63 = arith.extui %sign3A_62 : i1 to i32
      %sign3A_64 = arith.constant 0 : i32
      %sign3A_65 = arith.cmpi slt, %add3A_58, %sign3A_64 : i32
      %sign3A_66 = arith.extui %sign3A_65 : i1 to i32
      %sign3A_67 = arith.subi %sign3A_63, %sign3A_66 : i32
      %sign3A_68 = arith.constant 0 : i32
      %sign3A_69 = arith.cmpi sgt, %jit3A_59, %sign3A_68 : i32
      %sign3A_70 = arith.extui %sign3A_69 : i1 to i32
      %sign3A_71 = arith.constant 0 : i32
      %sign3A_72 = arith.cmpi slt, %jit3A_59, %sign3A_71 : i32
      %sign3A_73 = arith.extui %sign3A_72 : i1 to i32
      %sign3A_74 = arith.subi %sign3A_70, %sign3A_73 : i32
      %ne3A_75 = arith.cmpi ne, %sign3A_67, %sign3A_74 : i32
      %rem3A_76 = arith.remsi %add3A_58, %jit3A_59 : i32
      %ne3A_77 = arith.constant 0 : i32
      %ne3A_78 = arith.cmpi ne, %rem3A_76, %ne3A_77 : i32
      %and3A_79 = arith.andi %ne3A_75, %ne3A_78 : i1
      %sub3A_80 = arith.constant 1 : i32
      %sub3A_81 = arith.subi %div3A_60, %sub3A_80 : i32
      %select_n3A_82 = arith.select %and3A_79, %sub3A_81, %div3A_60 : i32
      %while3A_83 = arith.constant 0 : i32
      %while3A_84 = arith.constant 0 : i32
      %while3A_85 = arith.subi %select_n3A_82, %while3A_83 : i32
      %while3A_86 = arith.addi %while3A_83, %while3A_85 : i32
      %while3A_87 = arith.constant 1 : i32
      %while3A_88 = arith.divsi %while3A_85, %while3A_87 : i32
      %while3A_89 = arith.muli %while3A_88, %while3A_87 : i32
      %while3A_90 = arith.addi %while3A_83, %while3A_89 : i32
      %while3A_91 = arith.constant 1 : i32
      %while3A_92 = scf.for %while3A_141 = %while3A_83 to %while3A_90 step %while3A_91 iter_args(%while3A_142 = %while3A_84) -> (i32)  : i32 {
        %mul3A_143 = arith.constant 16 : i32
        %mul3A_144 = arith.muli %while3A_141, %mul3A_143 : i32
        %get3A = arith.index_cast %mul3A_144 : i32 to index
        %get3A_145 = tpu.vector_load %arg9[%get3A] {strides = array<i32>} : memref<16400xi32, #tpu.memory_space<vmem>>, vector<16xi32>,
        %mul3A_146 = arith.constant 16 : i32
        %mul3A_147 = arith.muli %while3A_141, %mul3A_146 : i32
        %get3A_148 = arith.index_cast %mul3A_147 : i32 to index
        %get3A_149 = tpu.vector_load %arg10[%get3A_148] {strides = array<i32>} : memref<16400xi32, #tpu.memory_space<vmem>>, vector<16xi32>,
        %mul3A_150 = arith.constant 16 : i32
        %mul3A_151 = arith.muli %while3A_141, %mul3A_150 : i32
        %add3A_152 = vector.broadcast %mul3A_151 : i32 to vector<16xi32>
        %add3A_153 = arith.addi %add3A_152, %iota3A : vector<16xi32>
        %shift_right_arithmetic3A = arith.constant 11 : i32
        %shift_right_arithmetic3A_154 = vector.broadcast %shift_right_arithmetic3A : i32 to vector<16xi32>
        %shift_right_arithmetic3A_155 = arith.shrsi %get3A_145, %shift_right_arithmetic3A_154 : vector<16xi32>
        %eq3A_156 = vector.broadcast %add3A_41 : i32 to vector<16xi32>
        %eq3A_157 = arith.cmpi eq, %shift_right_arithmetic3A_155, %eq3A_156 : vector<16xi32>
        %lt3A = vector.broadcast %scan3A_7 : i32 to vector<16xi32>
        %lt3A_158 = arith.cmpi slt, %add3A_153, %lt3A : vector<16xi32>
        %and3A_159 = arith.andi %eq3A_157, %lt3A_158 : vector<16xi1>
        %select_n3A_160 = arith.select %and3A_159, %broadcast_in_dim3A_0, %broadcast_in_dim3A_2 : vector<16xi1>, vector<16xi32>
        %broadcast_in_dim3A_161 = arith.constant true
        %broadcast_in_dim3A_162 = vector.broadcast %broadcast_in_dim3A_161 : i1 to vector<16xi1>
        %masked_cumsum3A = tpu.scan <sum>, %select_n3A_160 masked %broadcast_in_dim3A_162 : vector<16xi32>, vector<16xi1> -> vector<16xi32>
        %add3A_163 = vector.broadcast %while3A_142 : i32 to vector<16xi32>
        %add3A_164 = arith.addi %add3A_163, %masked_cumsum3A : vector<16xi32>
        %sub3A_165 = arith.constant 1 : i32
        %sub3A_166 = vector.broadcast %sub3A_165 : i32 to vector<16xi32>
        %sub3A_167 = arith.subi %add3A_164, %sub3A_166 : vector<16xi32>
        %add3A_168 = arith.constant 128 : i32
        %add3A_169 = vector.broadcast %add3A_168 : i32 to vector<16xi32>
        %add3A_170 = arith.addi %add3A_169, %iota3A : vector<16xi32>
        %select_n3A_171 = arith.select %and3A_159, %sub3A_167, %add3A_170 : vector<16xi1>, vector<16xi32>
        tpu.vector_store_idx %arg11[%select_n3A_171], %get3A_145 : memref<144xi32, #tpu.memory_space<vmem>>[vector<16xi32>], vector<16xi32>,
        tpu.vector_store_idx %arg12[%select_n3A_171], %get3A_149 : memref<144xi32, #tpu.memory_space<vmem>>[vector<16xi32>], vector<16xi32>,
        %reduce_sum3A = arith.constant true
        %reduce_sum3A_172 = vector.broadcast %reduce_sum3A : i1 to vector<16xi1>
        %reduce_sum3A_173 = tpu.scan <sum>, %select_n3A_160 masked %reduce_sum3A_172 : vector<16xi32>, vector<16xi1> -> vector<16xi32>
        %reduce_sum3A_174 = vector.extract %reduce_sum3A_173[15] : i32 from vector<16xi32>
        %add3A_175 = arith.addi %while3A_142, %reduce_sum3A_174 : i32
        %ge3A = arith.constant 112 : i32
        %ge3A_176 = arith.cmpi sge, %add3A_175, %ge3A : i32
        %convert_element_type3A_177 = arith.extui %ge3A_176 : i1 to i32
        %cond3A_178 = arith.constant 0 : i32
        %cond3A_179 = arith.cmpi ne, %convert_element_type3A_177, %cond3A_178 : i32
        scf.if %cond3A_179 {
          %add3A_182 = arith.constant 15 : i32
          %add3A_183 = arith.addi %add3A_175, %add3A_182 : i32
          %jit3A_184 = arith.constant 16 : i32
          %div3A_185 = arith.divsi %add3A_183, %jit3A_184 : i32
          %sign3A_186 = arith.constant 0 : i32
          %sign3A_187 = arith.cmpi sgt, %add3A_183, %sign3A_186 : i32
          %sign3A_188 = arith.extui %sign3A_187 : i1 to i32
          %sign3A_189 = arith.constant 0 : i32
          %sign3A_190 = arith.cmpi slt, %add3A_183, %sign3A_189 : i32
          %sign3A_191 = arith.extui %sign3A_190 : i1 to i32
          %sign3A_192 = arith.subi %sign3A_188, %sign3A_191 : i32
          %sign3A_193 = arith.constant 0 : i32
          %sign3A_194 = arith.cmpi sgt, %jit3A_184, %sign3A_193 : i32
          %sign3A_195 = arith.extui %sign3A_194 : i1 to i32
          %sign3A_196 = arith.constant 0 : i32
          %sign3A_197 = arith.cmpi slt, %jit3A_184, %sign3A_196 : i32
          %sign3A_198 = arith.extui %sign3A_197 : i1 to i32
          %sign3A_199 = arith.subi %sign3A_195, %sign3A_198 : i32
          %ne3A_200 = arith.cmpi ne, %sign3A_192, %sign3A_199 : i32
          %rem3A_201 = arith.remsi %add3A_183, %jit3A_184 : i32
          %ne3A_202 = arith.constant 0 : i32
          %ne3A_203 = arith.cmpi ne, %rem3A_201, %ne3A_202 : i32
          %and3A_204 = arith.andi %ne3A_200, %ne3A_203 : i1
          %sub3A_205 = arith.constant 1 : i32
          %sub3A_206 = arith.subi %div3A_185, %sub3A_205 : i32
          %select_n3A_207 = arith.select %and3A_204, %sub3A_206, %div3A_185 : i32
          %while3A_208 = arith.constant 0 : i32
          %while3A_209 = arith.constant 0 : i32
          %while3A_210 = arith.subi %select_n3A_207, %while3A_209 : i32
          %while3A_211 = arith.addi %while3A_209, %while3A_210 : i32
          %while3A_212 = arith.constant 1 : i32
          %while3A_213 = arith.divsi %while3A_210, %while3A_212 : i32
          %while3A_214 = arith.muli %while3A_213, %while3A_212 : i32
          %while3A_215 = arith.addi %while3A_209, %while3A_214 : i32
          %while3A_216 = arith.constant 1 : i32
          scf.for %while3A_228 = %while3A_209 to %while3A_215 step %while3A_216  : i32 {
            %mul3A_229 = arith.constant 16 : i32
            %mul3A_230 = arith.muli %while3A_228, %mul3A_229 : i32
            %get3A_231 = arith.index_cast %mul3A_230 : i32 to index
            %get3A_232 = tpu.vector_load %arg11[%get3A_231] {strides = array<i32>} : memref<144xi32, #tpu.memory_space<vmem>>, vector<16xi32>,
            %mul3A_233 = arith.constant 16 : i32
            %mul3A_234 = arith.muli %while3A_228, %mul3A_233 : i32
            %get3A_235 = arith.index_cast %mul3A_234 : i32 to index
            %get3A_236 = tpu.vector_load %arg12[%get3A_235] {strides = array<i32>} : memref<144xi32, #tpu.memory_space<vmem>>, vector<16xi32>,
            %mul3A_237 = arith.constant 16 : i32
            %mul3A_238 = arith.muli %while3A_228, %mul3A_237 : i32
            %add3A_239 = vector.broadcast %mul3A_238 : i32 to vector<16xi32>
            %add3A_240 = arith.addi %add3A_239, %iota3A : vector<16xi32>
            %lt3A_241 = vector.broadcast %add3A_175 : i32 to vector<16xi32>
            %lt3A_242 = arith.cmpi slt, %add3A_240, %lt3A_241 : vector<16xi32>
            %mul3A_243 = arith.constant 2048 : i32
            %mul3A_244 = arith.muli %add3A_41, %mul3A_243 : i32
            %sub3A_245 = vector.broadcast %mul3A_244 : i32 to vector<16xi32>
            %sub3A_246 = arith.subi %get3A_232, %sub3A_245 : vector<16xi32>
            %jit3A_247 = arith.constant 0 : i32
            %jit3A_248 = arith.constant 2047 : i32
            %max3A = vector.broadcast %jit3A_247 : i32 to vector<16xi32>
            %max3A_249 = arith.maxsi %max3A, %sub3A_246 : vector<16xi32>
            %min3A = vector.broadcast %jit3A_248 : i32 to vector<16xi32>
            %min3A_250 = arith.minsi %min3A, %max3A_249 : vector<16xi32>
            %add3A_251 = arith.constant 16384 : i32
            %add3A_252 = vector.broadcast %add3A_251 : i32 to vector<16xi32>
            %add3A_253 = arith.addi %add3A_252, %iota3A : vector<16xi32>
            %select_n3A_254 = arith.select %lt3A_242, %get3A_236, %add3A_253 : vector<16xi1>, vector<16xi32>
            %broadcast_in_dim3A_255 = vector.broadcast %while3A_228 : i32 to vector<16xi32>
            tpu.vector_store_idx %arg14[%broadcast_in_dim3A_255, %iota3A], %select_n3A_254 : memref<9x16xi32, #tpu.memory_space<vmem>>[vector<16xi32>, vector<16xi32>], vector<16xi32>,
            %broadcast_in_dim3A_256 = arith.constant 0 : i32
            %broadcast_in_dim3A_257 = vector.broadcast %broadcast_in_dim3A_256 : i32 to vector<16xi32>
            %gather3A = tpu.vector_load_idx %arg7[%broadcast_in_dim3A_257, %min3A_250] : memref<32x2048xf32, #tpu.memory_space<vmem>>[vector<16xi32>, vector<16xi32>], vector<16xf32>,
            %mul3A_258 = arith.constant 16 : i32
            %mul3A_259 = arith.muli %while3A_228, %mul3A_258 : i32
            %add3A_260 = vector.broadcast %mul3A_259 : i32 to vector<16xi32>
            %add3A_261 = arith.addi %add3A_260, %iota3A : vector<16xi32>
            tpu.vector_store_idx %arg13[%add3A_261, %broadcast_in_dim3A_257], %gather3A : memref<144x128xf32, #tpu.memory_space<vmem>>[vector<16xi32>, vector<16xi32>], vector<16xf32>,
            %broadcast_in_dim3A_262 = arith.constant 1 : i32
            %broadcast_in_dim3A_263 = vector.broadcast %broadcast_in_dim3A_262 : i32 to vector<16xi32>
            %gather3A_264 = tpu.vector_load_idx %arg7[%broadcast_in_dim3A_263, %min3A_250] : memref<32x2048xf32, #tpu.memory_space<vmem>>[vector<16xi32>, vector<16xi32>], vector<16xf32>,
            %mul3A_265 = arith.constant 16 : i32
            %mul3A_266 = arith.muli %while3A_228, %mul3A_265 : i32
            %add3A_267 = vector.broadcast %mul3A_266 : i32 to vector<16xi32>
            %add3A_268 = arith.addi %add3A_267, %iota3A : vector<16xi32>
            tpu.vector_store_idx %arg13[%add3A_268, %broadcast_in_dim3A_263], %gather3A_264 : memref<144x128xf32, #tpu.memory_space<vmem>>[vector<16xi32>, vector<16xi32>], vector<16xf32>,
            %broadcast_in_dim3A_269 = arith.constant 2 : i32
            %broadcast_in_dim3A_270 = vector.broadcast %broadcast_in_dim3A_269 : i32 to vector<16xi32>
            %gather3A_271 = tpu.vector_load_idx %arg7[%broadcast_in_dim3A_270, %min3A_250] : memref<32x2048xf32, #tpu.memory_space<vmem>>[vector<16xi32>, vector<16xi32>], vector<16xf32>,
            %mul3A_272 = arith.constant 16 : i32
            %mul3A_273 = arith.muli %while3A_228, %mul3A_272 : i32
            %add3A_274 = vector.broadcast %mul3A_273 : i32 to vector<16xi32>
            %add3A_275 = arith.addi %add3A_274, %iota3A : vector<16xi32>
            tpu.vector_store_idx %arg13[%add3A_275, %broadcast_in_dim3A_270], %gather3A_271 : memref<144x128xf32, #tpu.memory_space<vmem>>[vector<16xi32>, vector<16xi32>], vector<16xf32>,
            %broadcast_in_dim3A_276 = arith.constant 3 : i32
            %broadcast_in_dim3A_277 = vector.broadcast %broadcast_in_dim3A_276 : i32 to vector<16xi32>
            %gather3A_278 = tpu.vector_load_idx %arg7[%broadcast_in_dim3A_277, %min3A_250] : memref<32x2048xf32, #tpu.memory_space<vmem>>[vector<16xi32>, vector<16xi32>], vector<16xf32>,
            %mul3A_279 = arith.constant 16 : i32
            %mul3A_280 = arith.muli %while3A_228, %mul3A_279 : i32
            %add3A_281 = vector.broadcast %mul3A_280 : i32 to vector<16xi32>
            %add3A_282 = arith.addi %add3A_281, %iota3A : vector<16xi32>
            tpu.vector_store_idx %arg13[%add3A_282, %broadcast_in_dim3A_277], %gather3A_278 : memref<144x128xf32, #tpu.memory_space<vmem>>[vector<16xi32>, vector<16xi32>], vector<16xf32>,
            %broadcast_in_dim3A_283 = arith.constant 4 : i32
            %broadcast_in_dim3A_284 = vector.broadcast %broadcast_in_dim3A_283 : i32 to vector<16xi32>
            %gather3A_285 = tpu.vector_load_idx %arg7[%broadcast_in_dim3A_284, %min3A_250] : memref<32x2048xf32, #tpu.memory_space<vmem>>[vector<16xi32>, vector<16xi32>], vector<16xf32>,
            %mul3A_286 = arith.constant 16 : i32
            %mul3A_287 = arith.muli %while3A_228, %mul3A_286 : i32
            %add3A_288 = vector.broadcast %mul3A_287 : i32 to vector<16xi32>
            %add3A_289 = arith.addi %add3A_288, %iota3A : vector<16xi32>
            tpu.vector_store_idx %arg13[%add3A_289, %broadcast_in_dim3A_284], %gather3A_285 : memref<144x128xf32, #tpu.memory_space<vmem>>[vector<16xi32>, vector<16xi32>], vector<16xf32>,
            %broadcast_in_dim3A_290 = arith.constant 5 : i32
            %broadcast_in_dim3A_291 = vector.broadcast %broadcast_in_dim3A_290 : i32 to vector<16xi32>
            %gather3A_292 = tpu.vector_load_idx %arg7[%broadcast_in_dim3A_291, %min3A_250] : memref<32x2048xf32, #tpu.memory_space<vmem>>[vector<16xi32>, vector<16xi32>], vector<16xf32>,
            %mul3A_293 = arith.constant 16 : i32
            %mul3A_294 = arith.muli %while3A_228, %mul3A_293 : i32
            %add3A_295 = vector.broadcast %mul3A_294 : i32 to vector<16xi32>
            %add3A_296 = arith.addi %add3A_295, %iota3A : vector<16xi32>
            tpu.vector_store_idx %arg13[%add3A_296, %broadcast_in_dim3A_291], %gather3A_292 : memref<144x128xf32, #tpu.memory_space<vmem>>[vector<16xi32>, vector<16xi32>], vector<16xf32>,
            %broadcast_in_dim3A_297 = arith.constant 6 : i32
            %broadcast_in_dim3A_298 = vector.broadcast %broadcast_in_dim3A_297 : i32 to vector<16xi32>
            %gather3A_299 = tpu.vector_load_idx %arg7[%broadcast_in_dim3A_298, %min3A_250] : memref<32x2048xf32, #tpu.memory_space<vmem>>[vector<16xi32>, vector<16xi32>], vector<16xf32>,
            %mul3A_300 = arith.constant 16 : i32
            %mul3A_301 = arith.muli %while3A_228, %mul3A_300 : i32
            %add3A_302 = vector.broadcast %mul3A_301 : i32 to vector<16xi32>
            %add3A_303 = arith.addi %add3A_302, %iota3A : vector<16xi32>
            tpu.vector_store_idx %arg13[%add3A_303, %broadcast_in_dim3A_298], %gather3A_299 : memref<144x128xf32, #tpu.memory_space<vmem>>[vector<16xi32>, vector<16xi32>], vector<16xf32>,
            %broadcast_in_dim3A_304 = arith.constant 7 : i32
            %broadcast_in_dim3A_305 = vector.broadcast %broadcast_in_dim3A_304 : i32 to vector<16xi32>
            %gather3A_306 = tpu.vector_load_idx %arg7[%broadcast_in_dim3A_305, %min3A_250] : memref<32x2048xf32, #tpu.memory_space<vmem>>[vector<16xi32>, vector<16xi32>], vector<16xf32>,
            %mul3A_307 = arith.constant 16 : i32
            %mul3A_308 = arith.muli %while3A_228, %mul3A_307 : i32
            %add3A_309 = vector.broadcast %mul3A_308 : i32 to vector<16xi32>
            %add3A_310 = arith.addi %add3A_309, %iota3A : vector<16xi32>
            tpu.vector_store_idx %arg13[%add3A_310, %broadcast_in_dim3A_305], %gather3A_306 : memref<144x128xf32, #tpu.memory_space<vmem>>[vector<16xi32>, vector<16xi32>], vector<16xf32>,
            %broadcast_in_dim3A_311 = arith.constant 8 : i32
            %broadcast_in_dim3A_312 = vector.broadcast %broadcast_in_dim3A_311 : i32 to vector<16xi32>
            %gather3A_313 = tpu.vector_load_idx %arg7[%broadcast_in_dim3A_312, %min3A_250] : memref<32x2048xf32, #tpu.memory_space<vmem>>[vector<16xi32>, vector<16xi32>], vector<16xf32>,
            %mul3A_314 = arith.constant 16 : i32
            %mul3A_315 = arith.muli %while3A_228, %mul3A_314 : i32
            %add3A_316 = vector.broadcast %mul3A_315 : i32 to vector<16xi32>
            %add3A_317 = arith.addi %add3A_316, %iota3A : vector<16xi32>
            tpu.vector_store_idx %arg13[%add3A_317, %broadcast_in_dim3A_312], %gather3A_313 : memref<144x128xf32, #tpu.memory_space<vmem>>[vector<16xi32>, vector<16xi32>], vector<16xf32>,
            %broadcast_in_dim3A_318 = arith.constant 9 : i32
            %broadcast_in_dim3A_319 = vector.broadcast %broadcast_in_dim3A_318 : i32 to vector<16xi32>
            %gather3A_320 = tpu.vector_load_idx %arg7[%broadcast_in_dim3A_319, %min3A_250] : memref<32x2048xf32, #tpu.memory_space<vmem>>[vector<16xi32>, vector<16xi32>], vector<16xf32>,
            %mul3A_321 = arith.constant 16 : i32
            %mul3A_322 = arith.muli %while3A_228, %mul3A_321 : i32
            %add3A_323 = vector.broadcast %mul3A_322 : i32 to vector<16xi32>
            %add3A_324 = arith.addi %add3A_323, %iota3A : vector<16xi32>
            tpu.vector_store_idx %arg13[%add3A_324, %broadcast_in_dim3A_319], %gather3A_320 : memref<144x128xf32, #tpu.memory_space<vmem>>[vector<16xi32>, vector<16xi32>], vector<16xf32>,
            %broadcast_in_dim3A_325 = arith.constant 10 : i32
            %broadcast_in_dim3A_326 = vector.broadcast %broadcast_in_dim3A_325 : i32 to vector<16xi32>
            %gather3A_327 = tpu.vector_load_idx %arg7[%broadcast_in_dim3A_326, %min3A_250] : memref<32x2048xf32, #tpu.memory_space<vmem>>[vector<16xi32>, vector<16xi32>], vector<16xf32>,
            %mul3A_328 = arith.constant 16 : i32
            %mul3A_329 = arith.muli %while3A_228, %mul3A_328 : i32
            %add3A_330 = vector.broadcast %mul3A_329 : i32 to vector<16xi32>
            %add3A_331 = arith.addi %add3A_330, %iota3A : vector<16xi32>
            tpu.vector_store_idx %arg13[%add3A_331, %broadcast_in_dim3A_326], %gather3A_327 : memref<144x128xf32, #tpu.memory_space<vmem>>[vector<16xi32>, vector<16xi32>], vector<16xf32>,
            %broadcast_in_dim3A_332 = arith.constant 11 : i32
            %broadcast_in_dim3A_333 = vector.broadcast %broadcast_in_dim3A_332 : i32 to vector<16xi32>
            %gather3A_334 = tpu.vector_load_idx %arg7[%broadcast_in_dim3A_333, %min3A_250] : memref<32x2048xf32, #tpu.memory_space<vmem>>[vector<16xi32>, vector<16xi32>], vector<16xf32>,
            %mul3A_335 = arith.constant 16 : i32
            %mul3A_336 = arith.muli %while3A_228, %mul3A_335 : i32
            %add3A_337 = vector.broadcast %mul3A_336 : i32 to vector<16xi32>
            %add3A_338 = arith.addi %add3A_337, %iota3A : vector<16xi32>
            tpu.vector_store_idx %arg13[%add3A_338, %broadcast_in_dim3A_333], %gather3A_334 : memref<144x128xf32, #tpu.memory_space<vmem>>[vector<16xi32>, vector<16xi32>], vector<16xf32>,
            %broadcast_in_dim3A_339 = arith.constant 12 : i32
            %broadcast_in_dim3A_340 = vector.broadcast %broadcast_in_dim3A_339 : i32 to vector<16xi32>
            %gather3A_341 = tpu.vector_load_idx %arg7[%broadcast_in_dim3A_340, %min3A_250] : memref<32x2048xf32, #tpu.memory_space<vmem>>[vector<16xi32>, vector<16xi32>], vector<16xf32>,
            %mul3A_342 = arith.constant 16 : i32
            %mul3A_343 = arith.muli %while3A_228, %mul3A_342 : i32
            %add3A_344 = vector.broadcast %mul3A_343 : i32 to vector<16xi32>
            %add3A_345 = arith.addi %add3A_344, %iota3A : vector<16xi32>
            tpu.vector_store_idx %arg13[%add3A_345, %broadcast_in_dim3A_340], %gather3A_341 : memref<144x128xf32, #tpu.memory_space<vmem>>[vector<16xi32>, vector<16xi32>], vector<16xf32>,
            %broadcast_in_dim3A_346 = arith.constant 13 : i32
            %broadcast_in_dim3A_347 = vector.broadcast %broadcast_in_dim3A_346 : i32 to vector<16xi32>
            %gather3A_348 = tpu.vector_load_idx %arg7[%broadcast_in_dim3A_347, %min3A_250] : memref<32x2048xf32, #tpu.memory_space<vmem>>[vector<16xi32>, vector<16xi32>], vector<16xf32>,
            %mul3A_349 = arith.constant 16 : i32
            %mul3A_350 = arith.muli %while3A_228, %mul3A_349 : i32
            %add3A_351 = vector.broadcast %mul3A_350 : i32 to vector<16xi32>
            %add3A_352 = arith.addi %add3A_351, %iota3A : vector<16xi32>
            tpu.vector_store_idx %arg13[%add3A_352, %broadcast_in_dim3A_347], %gather3A_348 : memref<144x128xf32, #tpu.memory_space<vmem>>[vector<16xi32>, vector<16xi32>], vector<16xf32>,
            %broadcast_in_dim3A_353 = arith.constant 14 : i32
            %broadcast_in_dim3A_354 = vector.broadcast %broadcast_in_dim3A_353 : i32 to vector<16xi32>
            %gather3A_355 = tpu.vector_load_idx %arg7[%broadcast_in_dim3A_354, %min3A_250] : memref<32x2048xf32, #tpu.memory_space<vmem>>[vector<16xi32>, vector<16xi32>], vector<16xf32>,
            %mul3A_356 = arith.constant 16 : i32
            %mul3A_357 = arith.muli %while3A_228, %mul3A_356 : i32
            %add3A_358 = vector.broadcast %mul3A_357 : i32 to vector<16xi32>
            %add3A_359 = arith.addi %add3A_358, %iota3A : vector<16xi32>
            tpu.vector_store_idx %arg13[%add3A_359, %broadcast_in_dim3A_354], %gather3A_355 : memref<144x128xf32, #tpu.memory_space<vmem>>[vector<16xi32>, vector<16xi32>], vector<16xf32>,
            %broadcast_in_dim3A_360 = arith.constant 15 : i32
            %broadcast_in_dim3A_361 = vector.broadcast %broadcast_in_dim3A_360 : i32 to vector<16xi32>
            %gather3A_362 = tpu.vector_load_idx %arg7[%broadcast_in_dim3A_361, %min3A_250] : memref<32x2048xf32, #tpu.memory_space<vmem>>[vector<16xi32>, vector<16xi32>], vector<16xf32>,
            %mul3A_363 = arith.constant 16 : i32
            %mul3A_364 = arith.muli %while3A_228, %mul3A_363 : i32
            %add3A_365 = vector.broadcast %mul3A_364 : i32 to vector<16xi32>
            %add3A_366 = arith.addi %add3A_365, %iota3A : vector<16xi32>
            tpu.vector_store_idx %arg13[%add3A_366, %broadcast_in_dim3A_361], %gather3A_362 : memref<144x128xf32, #tpu.memory_space<vmem>>[vector<16xi32>, vector<16xi32>], vector<16xf32>,
            %broadcast_in_dim3A_367 = arith.constant 16 : i32
            %broadcast_in_dim3A_368 = vector.broadcast %broadcast_in_dim3A_367 : i32 to vector<16xi32>
            %gather3A_369 = tpu.vector_load_idx %arg7[%broadcast_in_dim3A_368, %min3A_250] : memref<32x2048xf32, #tpu.memory_space<vmem>>[vector<16xi32>, vector<16xi32>], vector<16xf32>,
            %mul3A_370 = arith.constant 16 : i32
            %mul3A_371 = arith.muli %while3A_228, %mul3A_370 : i32
            %add3A_372 = vector.broadcast %mul3A_371 : i32 to vector<16xi32>
            %add3A_373 = arith.addi %add3A_372, %iota3A : vector<16xi32>
            tpu.vector_store_idx %arg13[%add3A_373, %broadcast_in_dim3A_368], %gather3A_369 : memref<144x128xf32, #tpu.memory_space<vmem>>[vector<16xi32>, vector<16xi32>], vector<16xf32>,
            %broadcast_in_dim3A_374 = arith.constant 17 : i32
            %broadcast_in_dim3A_375 = vector.broadcast %broadcast_in_dim3A_374 : i32 to vector<16xi32>
            %gather3A_376 = tpu.vector_load_idx %arg7[%broadcast_in_dim3A_375, %min3A_250] : memref<32x2048xf32, #tpu.memory_space<vmem>>[vector<16xi32>, vector<16xi32>], vector<16xf32>,
            %mul3A_377 = arith.constant 16 : i32
            %mul3A_378 = arith.muli %while3A_228, %mul3A_377 : i32
            %add3A_379 = vector.broadcast %mul3A_378 : i32 to vector<16xi32>
            %add3A_380 = arith.addi %add3A_379, %iota3A : vector<16xi32>
            tpu.vector_store_idx %arg13[%add3A_380, %broadcast_in_dim3A_375], %gather3A_376 : memref<144x128xf32, #tpu.memory_space<vmem>>[vector<16xi32>, vector<16xi32>], vector<16xf32>,
            %broadcast_in_dim3A_381 = arith.constant 18 : i32
            %broadcast_in_dim3A_382 = vector.broadcast %broadcast_in_dim3A_381 : i32 to vector<16xi32>
            %gather3A_383 = tpu.vector_load_idx %arg7[%broadcast_in_dim3A_382, %min3A_250] : memref<32x2048xf32, #tpu.memory_space<vmem>>[vector<16xi32>, vector<16xi32>], vector<16xf32>,
            %mul3A_384 = arith.constant 16 : i32
            %mul3A_385 = arith.muli %while3A_228, %mul3A_384 : i32
            %add3A_386 = vector.broadcast %mul3A_385 : i32 to vector<16xi32>
            %add3A_387 = arith.addi %add3A_386, %iota3A : vector<16xi32>
            tpu.vector_store_idx %arg13[%add3A_387, %broadcast_in_dim3A_382], %gather3A_383 : memref<144x128xf32, #tpu.memory_space<vmem>>[vector<16xi32>, vector<16xi32>], vector<16xf32>,
            %broadcast_in_dim3A_388 = arith.constant 19 : i32
            %broadcast_in_dim3A_389 = vector.broadcast %broadcast_in_dim3A_388 : i32 to vector<16xi32>
            %gather3A_390 = tpu.vector_load_idx %arg7[%broadcast_in_dim3A_389, %min3A_250] : memref<32x2048xf32, #tpu.memory_space<vmem>>[vector<16xi32>, vector<16xi32>], vector<16xf32>,
            %mul3A_391 = arith.constant 16 : i32
            %mul3A_392 = arith.muli %while3A_228, %mul3A_391 : i32
            %add3A_393 = vector.broadcast %mul3A_392 : i32 to vector<16xi32>
            %add3A_394 = arith.addi %add3A_393, %iota3A : vector<16xi32>
            tpu.vector_store_idx %arg13[%add3A_394, %broadcast_in_dim3A_389], %gather3A_390 : memref<144x128xf32, #tpu.memory_space<vmem>>[vector<16xi32>, vector<16xi32>], vector<16xf32>,
            %broadcast_in_dim3A_395 = arith.constant 20 : i32
            %broadcast_in_dim3A_396 = vector.broadcast %broadcast_in_dim3A_395 : i32 to vector<16xi32>
            %gather3A_397 = tpu.vector_load_idx %arg7[%broadcast_in_dim3A_396, %min3A_250] : memref<32x2048xf32, #tpu.memory_space<vmem>>[vector<16xi32>, vector<16xi32>], vector<16xf32>,
            %mul3A_398 = arith.constant 16 : i32
            %mul3A_399 = arith.muli %while3A_228, %mul3A_398 : i32
            %add3A_400 = vector.broadcast %mul3A_399 : i32 to vector<16xi32>
            %add3A_401 = arith.addi %add3A_400, %iota3A : vector<16xi32>
            tpu.vector_store_idx %arg13[%add3A_401, %broadcast_in_dim3A_396], %gather3A_397 : memref<144x128xf32, #tpu.memory_space<vmem>>[vector<16xi32>, vector<16xi32>], vector<16xf32>,
            %broadcast_in_dim3A_402 = arith.constant 21 : i32
            %broadcast_in_dim3A_403 = vector.broadcast %broadcast_in_dim3A_402 : i32 to vector<16xi32>
            %gather3A_404 = tpu.vector_load_idx %arg7[%broadcast_in_dim3A_403, %min3A_250] : memref<32x2048xf32, #tpu.memory_space<vmem>>[vector<16xi32>, vector<16xi32>], vector<16xf32>,
            %mul3A_405 = arith.constant 16 : i32
            %mul3A_406 = arith.muli %while3A_228, %mul3A_405 : i32
            %add3A_407 = vector.broadcast %mul3A_406 : i32 to vector<16xi32>
            %add3A_408 = arith.addi %add3A_407, %iota3A : vector<16xi32>
            tpu.vector_store_idx %arg13[%add3A_408, %broadcast_in_dim3A_403], %gather3A_404 : memref<144x128xf32, #tpu.memory_space<vmem>>[vector<16xi32>, vector<16xi32>], vector<16xf32>,
            %broadcast_in_dim3A_409 = arith.constant 22 : i32
            %broadcast_in_dim3A_410 = vector.broadcast %broadcast_in_dim3A_409 : i32 to vector<16xi32>
            %gather3A_411 = tpu.vector_load_idx %arg7[%broadcast_in_dim3A_410, %min3A_250] : memref<32x2048xf32, #tpu.memory_space<vmem>>[vector<16xi32>, vector<16xi32>], vector<16xf32>,
            %mul3A_412 = arith.constant 16 : i32
            %mul3A_413 = arith.muli %while3A_228, %mul3A_412 : i32
            %add3A_414 = vector.broadcast %mul3A_413 : i32 to vector<16xi32>
            %add3A_415 = arith.addi %add3A_414, %iota3A : vector<16xi32>
            tpu.vector_store_idx %arg13[%add3A_415, %broadcast_in_dim3A_410], %gather3A_411 : memref<144x128xf32, #tpu.memory_space<vmem>>[vector<16xi32>, vector<16xi32>], vector<16xf32>,
            %broadcast_in_dim3A_416 = arith.constant 23 : i32
            %broadcast_in_dim3A_417 = vector.broadcast %broadcast_in_dim3A_416 : i32 to vector<16xi32>
            %gather3A_418 = tpu.vector_load_idx %arg7[%broadcast_in_dim3A_417, %min3A_250] : memref<32x2048xf32, #tpu.memory_space<vmem>>[vector<16xi32>, vector<16xi32>], vector<16xf32>,
            %mul3A_419 = arith.constant 16 : i32
            %mul3A_420 = arith.muli %while3A_228, %mul3A_419 : i32
            %add3A_421 = vector.broadcast %mul3A_420 : i32 to vector<16xi32>
            %add3A_422 = arith.addi %add3A_421, %iota3A : vector<16xi32>
            tpu.vector_store_idx %arg13[%add3A_422, %broadcast_in_dim3A_417], %gather3A_418 : memref<144x128xf32, #tpu.memory_space<vmem>>[vector<16xi32>, vector<16xi32>], vector<16xf32>,
            %broadcast_in_dim3A_423 = arith.constant 24 : i32
            %broadcast_in_dim3A_424 = vector.broadcast %broadcast_in_dim3A_423 : i32 to vector<16xi32>
            %gather3A_425 = tpu.vector_load_idx %arg7[%broadcast_in_dim3A_424, %min3A_250] : memref<32x2048xf32, #tpu.memory_space<vmem>>[vector<16xi32>, vector<16xi32>], vector<16xf32>,
            %mul3A_426 = arith.constant 16 : i32
            %mul3A_427 = arith.muli %while3A_228, %mul3A_426 : i32
            %add3A_428 = vector.broadcast %mul3A_427 : i32 to vector<16xi32>
            %add3A_429 = arith.addi %add3A_428, %iota3A : vector<16xi32>
            tpu.vector_store_idx %arg13[%add3A_429, %broadcast_in_dim3A_424], %gather3A_425 : memref<144x128xf32, #tpu.memory_space<vmem>>[vector<16xi32>, vector<16xi32>], vector<16xf32>,
            %broadcast_in_dim3A_430 = arith.constant 25 : i32
            %broadcast_in_dim3A_431 = vector.broadcast %broadcast_in_dim3A_430 : i32 to vector<16xi32>
            %gather3A_432 = tpu.vector_load_idx %arg7[%broadcast_in_dim3A_431, %min3A_250] : memref<32x2048xf32, #tpu.memory_space<vmem>>[vector<16xi32>, vector<16xi32>], vector<16xf32>,
            %mul3A_433 = arith.constant 16 : i32
            %mul3A_434 = arith.muli %while3A_228, %mul3A_433 : i32
            %add3A_435 = vector.broadcast %mul3A_434 : i32 to vector<16xi32>
            %add3A_436 = arith.addi %add3A_435, %iota3A : vector<16xi32>
            tpu.vector_store_idx %arg13[%add3A_436, %broadcast_in_dim3A_431], %gather3A_432 : memref<144x128xf32, #tpu.memory_space<vmem>>[vector<16xi32>, vector<16xi32>], vector<16xf32>,
            %broadcast_in_dim3A_437 = arith.constant 26 : i32
            %broadcast_in_dim3A_438 = vector.broadcast %broadcast_in_dim3A_437 : i32 to vector<16xi32>
            %gather3A_439 = tpu.vector_load_idx %arg7[%broadcast_in_dim3A_438, %min3A_250] : memref<32x2048xf32, #tpu.memory_space<vmem>>[vector<16xi32>, vector<16xi32>], vector<16xf32>,
            %mul3A_440 = arith.constant 16 : i32
            %mul3A_441 = arith.muli %while3A_228, %mul3A_440 : i32
            %add3A_442 = vector.broadcast %mul3A_441 : i32 to vector<16xi32>
            %add3A_443 = arith.addi %add3A_442, %iota3A : vector<16xi32>
            tpu.vector_store_idx %arg13[%add3A_443, %broadcast_in_dim3A_438], %gather3A_439 : memref<144x128xf32, #tpu.memory_space<vmem>>[vector<16xi32>, vector<16xi32>], vector<16xf32>,
            %broadcast_in_dim3A_444 = arith.constant 27 : i32
            %broadcast_in_dim3A_445 = vector.broadcast %broadcast_in_dim3A_444 : i32 to vector<16xi32>
            %gather3A_446 = tpu.vector_load_idx %arg7[%broadcast_in_dim3A_445, %min3A_250] : memref<32x2048xf32, #tpu.memory_space<vmem>>[vector<16xi32>, vector<16xi32>], vector<16xf32>,
            %mul3A_447 = arith.constant 16 : i32
            %mul3A_448 = arith.muli %while3A_228, %mul3A_447 : i32
            %add3A_449 = vector.broadcast %mul3A_448 : i32 to vector<16xi32>
            %add3A_450 = arith.addi %add3A_449, %iota3A : vector<16xi32>
            tpu.vector_store_idx %arg13[%add3A_450, %broadcast_in_dim3A_445], %gather3A_446 : memref<144x128xf32, #tpu.memory_space<vmem>>[vector<16xi32>, vector<16xi32>], vector<16xf32>,
            %broadcast_in_dim3A_451 = arith.constant 28 : i32
            %broadcast_in_dim3A_452 = vector.broadcast %broadcast_in_dim3A_451 : i32 to vector<16xi32>
            %gather3A_453 = tpu.vector_load_idx %arg7[%broadcast_in_dim3A_452, %min3A_250] : memref<32x2048xf32, #tpu.memory_space<vmem>>[vector<16xi32>, vector<16xi32>], vector<16xf32>,
            %mul3A_454 = arith.constant 16 : i32
            %mul3A_455 = arith.muli %while3A_228, %mul3A_454 : i32
            %add3A_456 = vector.broadcast %mul3A_455 : i32 to vector<16xi32>
            %add3A_457 = arith.addi %add3A_456, %iota3A : vector<16xi32>
            tpu.vector_store_idx %arg13[%add3A_457, %broadcast_in_dim3A_452], %gather3A_453 : memref<144x128xf32, #tpu.memory_space<vmem>>[vector<16xi32>, vector<16xi32>], vector<16xf32>,
            %broadcast_in_dim3A_458 = arith.constant 29 : i32
            %broadcast_in_dim3A_459 = vector.broadcast %broadcast_in_dim3A_458 : i32 to vector<16xi32>
            %gather3A_460 = tpu.vector_load_idx %arg7[%broadcast_in_dim3A_459, %min3A_250] : memref<32x2048xf32, #tpu.memory_space<vmem>>[vector<16xi32>, vector<16xi32>], vector<16xf32>,
            %mul3A_461 = arith.constant 16 : i32
            %mul3A_462 = arith.muli %while3A_228, %mul3A_461 : i32
            %add3A_463 = vector.broadcast %mul3A_462 : i32 to vector<16xi32>
            %add3A_464 = arith.addi %add3A_463, %iota3A : vector<16xi32>
            tpu.vector_store_idx %arg13[%add3A_464, %broadcast_in_dim3A_459], %gather3A_460 : memref<144x128xf32, #tpu.memory_space<vmem>>[vector<16xi32>, vector<16xi32>], vector<16xf32>,
            %broadcast_in_dim3A_465 = arith.constant 30 : i32
            %broadcast_in_dim3A_466 = vector.broadcast %broadcast_in_dim3A_465 : i32 to vector<16xi32>
            %gather3A_467 = tpu.vector_load_idx %arg7[%broadcast_in_dim3A_466, %min3A_250] : memref<32x2048xf32, #tpu.memory_space<vmem>>[vector<16xi32>, vector<16xi32>], vector<16xf32>,
            %mul3A_468 = arith.constant 16 : i32
            %mul3A_469 = arith.muli %while3A_228, %mul3A_468 : i32
            %add3A_470 = vector.broadcast %mul3A_469 : i32 to vector<16xi32>
            %add3A_471 = arith.addi %add3A_470, %iota3A : vector<16xi32>
            tpu.vector_store_idx %arg13[%add3A_471, %broadcast_in_dim3A_466], %gather3A_467 : memref<144x128xf32, #tpu.memory_space<vmem>>[vector<16xi32>, vector<16xi32>], vector<16xf32>,
            %broadcast_in_dim3A_472 = arith.constant 31 : i32
            %broadcast_in_dim3A_473 = vector.broadcast %broadcast_in_dim3A_472 : i32 to vector<16xi32>
            %gather3A_474 = tpu.vector_load_idx %arg7[%broadcast_in_dim3A_473, %min3A_250] : memref<32x2048xf32, #tpu.memory_space<vmem>>[vector<16xi32>, vector<16xi32>], vector<16xf32>,
            %mul3A_475 = arith.constant 16 : i32
            %mul3A_476 = arith.muli %while3A_228, %mul3A_475 : i32
            %add3A_477 = vector.broadcast %mul3A_476 : i32 to vector<16xi32>
            %add3A_478 = arith.addi %add3A_477, %iota3A : vector<16xi32>
            tpu.vector_store_idx %arg13[%add3A_478, %broadcast_in_dim3A_473], %gather3A_474 : memref<144x128xf32, #tpu.memory_space<vmem>>[vector<16xi32>, vector<16xi32>], vector<16xf32>,
            %eq3A_479 = arith.constant 0 : i32
            %eq3A_480 = arith.cmpi eq, %arg0, %eq3A_479 : i32
            %convert_element_type3A_481 = arith.extui %eq3A_480 : i1 to i32
            %cond3A_482 = arith.constant 0 : i32
            %cond3A_483 = arith.cmpi ne, %convert_element_type3A_481, %cond3A_482 : i32
            scf.if %cond3A_483 {
              %mul3A_489 = arith.constant 16 : i32
              %mul3A_490 = arith.muli %while3A_228, %mul3A_489 : i32
              %dma_start3A = arith.constant 0 : i32
              %dma_start3A_491 = tpu.memref_slice %arg13[%mul3A_490, %dma_start3A] : memref<144x128xf32, #tpu.memory_space<vmem>> -> memref<16x128xf32, #tpu.memory_space<vmem>>
              %dma_start3A_492 = arith.constant 0 : i32
              %dma_start3A_493 = tpu.memref_slice %arg14[%while3A_228, %dma_start3A_492] : memref<9x16xi32, #tpu.memory_space<vmem>> -> memref<1x16xi32, #tpu.memory_space<vmem>>
              %dma_start3A_494 = tpu.memref_squeeze %dma_start3A_493 : memref<1x16xi32, #tpu.memory_space<vmem>> -> memref<16xi32, #tpu.memory_space<vmem>>
              %dma_start3A_495 = arith.constant 0 : i32
              %dma_start3A_496 = arith.constant 0 : i32
              %dma_start3A_497 = tpu.memref_slice %arg5[%dma_start3A_495, %dma_start3A_496] : memref<16400x128xf32, #tpu.memory_space<hbm>> -> memref<16400x128xf32, #tpu.memory_space<hbm>>
              tpu.enqueue_indirect_dma source(%dma_start3A_491 : memref<16x128xf32, #tpu.memory_space<vmem>>) target(%dma_start3A_497 : memref<16400x128xf32, #tpu.memory_space<hbm>>) offsets(%dma_start3A_494 : memref<16xi32, #tpu.memory_space<vmem>>) semaphore(%arg17 : memref<!tpu.dma_semaphore, #tpu.memory_space<semaphore_mem>>)
            } else {
            }
            %eq3A_484 = arith.constant 1 : i32
            %eq3A_485 = arith.cmpi eq, %arg0, %eq3A_484 : i32
            %convert_element_type3A_486 = arith.extui %eq3A_485 : i1 to i32
            %cond3A_487 = arith.constant 0 : i32
            %cond3A_488 = arith.cmpi ne, %convert_element_type3A_486, %cond3A_487 : i32
            scf.if %cond3A_488 {
              %mul3A_489 = arith.constant 16 : i32
              %mul3A_490 = arith.muli %while3A_228, %mul3A_489 : i32
              %dma_start3A = arith.constant 0 : i32
              %dma_start3A_491 = tpu.memref_slice %arg13[%mul3A_490, %dma_start3A] : memref<144x128xf32, #tpu.memory_space<vmem>> -> memref<16x128xf32, #tpu.memory_space<vmem>>
              %dma_start3A_492 = arith.constant 0 : i32
              %dma_start3A_493 = tpu.memref_slice %arg14[%while3A_228, %dma_start3A_492] : memref<9x16xi32, #tpu.memory_space<vmem>> -> memref<1x16xi32, #tpu.memory_space<vmem>>
              %dma_start3A_494 = tpu.memref_squeeze %dma_start3A_493 : memref<1x16xi32, #tpu.memory_space<vmem>> -> memref<16xi32, #tpu.memory_space<vmem>>
              %dma_start3A_495 = arith.constant 0 : i32
              %dma_start3A_496 = arith.constant 0 : i32
              %dma_start3A_497 = tpu.memref_slice %arg6[%dma_start3A_495, %dma_start3A_496] : memref<16400x128xf32, #tpu.memory_space<hbm>> -> memref<16400x128xf32, #tpu.memory_space<hbm>>
              tpu.enqueue_indirect_dma source(%dma_start3A_491 : memref<16x128xf32, #tpu.memory_space<vmem>>) target(%dma_start3A_497 : memref<16400x128xf32, #tpu.memory_space<hbm>>) offsets(%dma_start3A_494 : memref<16xi32, #tpu.memory_space<vmem>>) semaphore(%arg17 : memref<!tpu.dma_semaphore, #tpu.memory_space<semaphore_mem>>)
            } else {
            }
          }
          %while3A_217 = arith.constant 1 : i32
          scf.for %while3A_228 = %while3A_215 to %while3A_211 step %while3A_217  : i32 {
            %mul3A_229 = arith.constant 16 : i32
            %mul3A_230 = arith.muli %while3A_228, %mul3A_229 : i32
            %get3A_231 = arith.index_cast %mul3A_230 : i32 to index
            %get3A_232 = tpu.vector_load %arg11[%get3A_231] {strides = array<i32>} : memref<144xi32, #tpu.memory_space<vmem>>, vector<16xi32>,
            %mul3A_233 = arith.constant 16 : i32
            %mul3A_234 = arith.muli %while3A_228, %mul3A_233 : i32
            %get3A_235 = arith.index_cast %mul3A_234 : i32 to index
            %get3A_236 = tpu.vector_load %arg12[%get3A_235] {strides = array<i32>} : memref<144xi32, #tpu.memory_space<vmem>>, vector<16xi32>,
            %mul3A_237 = arith.constant 16 : i32
            %mul3A_238 = arith.muli %while3A_228, %mul3A_237 : i32
            %add3A_239 = vector.broadcast %mul3A_238 : i32 to vector<16xi32>
            %add3A_240 = arith.addi %add3A_239, %iota3A : vector<16xi32>
            %lt3A_241 = vector.broadcast %add3A_175 : i32 to vector<16xi32>
            %lt3A_242 = arith.cmpi slt, %add3A_240, %lt3A_241 : vector<16xi32>
            %mul3A_243 = arith.constant 2048 : i32
            %mul3A_244 = arith.muli %add3A_41, %mul3A_243 : i32
            %sub3A_245 = vector.broadcast %mul3A_244 : i32 to vector<16xi32>
            %sub3A_246 = arith.subi %get3A_232, %sub3A_245 : vector<16xi32>
            %jit3A_247 = arith.constant 0 : i32
            %jit3A_248 = arith.constant 2047 : i32
            %max3A = vector.broadcast %jit3A_247 : i32 to vector<16xi32>
            %max3A_249 = arith.maxsi %max3A, %sub3A_246 : vector<16xi32>
            %min3A = vector.broadcast %jit3A_248 : i32 to vector<16xi32>
            %min3A_250 = arith.minsi %min3A, %max3A_249 : vector<16xi32>
            %add3A_251 = arith.constant 16384 : i32
            %add3A_252 = vector.broadcast %add3A_251 : i32 to vector<16xi32>
            %add3A_253 = arith.addi %add3A_252, %iota3A : vector<16xi32>
            %select_n3A_254 = arith.select %lt3A_242, %get3A_236, %add3A_253 : vector<16xi1>, vector<16xi32>
            %broadcast_in_dim3A_255 = vector.broadcast %while3A_228 : i32 to vector<16xi32>
            tpu.vector_store_idx %arg14[%broadcast_in_dim3A_255, %iota3A], %select_n3A_254 : memref<9x16xi32, #tpu.memory_space<vmem>>[vector<16xi32>, vector<16xi32>], vector<16xi32>,
            %broadcast_in_dim3A_256 = arith.constant 0 : i32
            %broadcast_in_dim3A_257 = vector.broadcast %broadcast_in_dim3A_256 : i32 to vector<16xi32>
            %gather3A = tpu.vector_load_idx %arg7[%broadcast_in_dim3A_257, %min3A_250] : memref<32x2048xf32, #tpu.memory_space<vmem>>[vector<16xi32>, vector<16xi32>], vector<16xf32>,
            %mul3A_258 = arith.constant 16 : i32
            %mul3A_259 = arith.muli %while3A_228, %mul3A_258 : i32
            %add3A_260 = vector.broadcast %mul3A_259 : i32 to vector<16xi32>
            %add3A_261 = arith.addi %add3A_260, %iota3A : vector<16xi32>
            tpu.vector_store_idx %arg13[%add3A_261, %broadcast_in_dim3A_257], %gather3A : memref<144x128xf32, #tpu.memory_space<vmem>>[vector<16xi32>, vector<16xi32>], vector<16xf32>,
            %broadcast_in_dim3A_262 = arith.constant 1 : i32
            %broadcast_in_dim3A_263 = vector.broadcast %broadcast_in_dim3A_262 : i32 to vector<16xi32>
            %gather3A_264 = tpu.vector_load_idx %arg7[%broadcast_in_dim3A_263, %min3A_250] : memref<32x2048xf32, #tpu.memory_space<vmem>>[vector<16xi32>, vector<16xi32>], vector<16xf32>,
            %mul3A_265 = arith.constant 16 : i32
            %mul3A_266 = arith.muli %while3A_228, %mul3A_265 : i32
            %add3A_267 = vector.broadcast %mul3A_266 : i32 to vector<16xi32>
            %add3A_268 = arith.addi %add3A_267, %iota3A : vector<16xi32>
            tpu.vector_store_idx %arg13[%add3A_268, %broadcast_in_dim3A_263], %gather3A_264 : memref<144x128xf32, #tpu.memory_space<vmem>>[vector<16xi32>, vector<16xi32>], vector<16xf32>,
            %broadcast_in_dim3A_269 = arith.constant 2 : i32
            %broadcast_in_dim3A_270 = vector.broadcast %broadcast_in_dim3A_269 : i32 to vector<16xi32>
            %gather3A_271 = tpu.vector_load_idx %arg7[%broadcast_in_dim3A_270, %min3A_250] : memref<32x2048xf32, #tpu.memory_space<vmem>>[vector<16xi32>, vector<16xi32>], vector<16xf32>,
            %mul3A_272 = arith.constant 16 : i32
            %mul3A_273 = arith.muli %while3A_228, %mul3A_272 : i32
            %add3A_274 = vector.broadcast %mul3A_273 : i32 to vector<16xi32>
            %add3A_275 = arith.addi %add3A_274, %iota3A : vector<16xi32>
            tpu.vector_store_idx %arg13[%add3A_275, %broadcast_in_dim3A_270], %gather3A_271 : memref<144x128xf32, #tpu.memory_space<vmem>>[vector<16xi32>, vector<16xi32>], vector<16xf32>,
            %broadcast_in_dim3A_276 = arith.constant 3 : i32
            %broadcast_in_dim3A_277 = vector.broadcast %broadcast_in_dim3A_276 : i32 to vector<16xi32>
            %gather3A_278 = tpu.vector_load_idx %arg7[%broadcast_in_dim3A_277, %min3A_250] : memref<32x2048xf32, #tpu.memory_space<vmem>>[vector<16xi32>, vector<16xi32>], vector<16xf32>,
            %mul3A_279 = arith.constant 16 : i32
            %mul3A_280 = arith.muli %while3A_228, %mul3A_279 : i32
            %add3A_281 = vector.broadcast %mul3A_280 : i32 to vector<16xi32>
            %add3A_282 = arith.addi %add3A_281, %iota3A : vector<16xi32>
            tpu.vector_store_idx %arg13[%add3A_282, %broadcast_in_dim3A_277], %gather3A_278 : memref<144x128xf32, #tpu.memory_space<vmem>>[vector<16xi32>, vector<16xi32>], vector<16xf32>,
            %broadcast_in_dim3A_283 = arith.constant 4 : i32
            %broadcast_in_dim3A_284 = vector.broadcast %broadcast_in_dim3A_283 : i32 to vector<16xi32>
            %gather3A_285 = tpu.vector_load_idx %arg7[%broadcast_in_dim3A_284, %min3A_250] : memref<32x2048xf32, #tpu.memory_space<vmem>>[vector<16xi32>, vector<16xi32>], vector<16xf32>,
            %mul3A_286 = arith.constant 16 : i32
            %mul3A_287 = arith.muli %while3A_228, %mul3A_286 : i32
            %add3A_288 = vector.broadcast %mul3A_287 : i32 to vector<16xi32>
            %add3A_289 = arith.addi %add3A_288, %iota3A : vector<16xi32>
            tpu.vector_store_idx %arg13[%add3A_289, %broadcast_in_dim3A_284], %gather3A_285 : memref<144x128xf32, #tpu.memory_space<vmem>>[vector<16xi32>, vector<16xi32>], vector<16xf32>,
            %broadcast_in_dim3A_290 = arith.constant 5 : i32
            %broadcast_in_dim3A_291 = vector.broadcast %broadcast_in_dim3A_290 : i32 to vector<16xi32>
            %gather3A_292 = tpu.vector_load_idx %arg7[%broadcast_in_dim3A_291, %min3A_250] : memref<32x2048xf32, #tpu.memory_space<vmem>>[vector<16xi32>, vector<16xi32>], vector<16xf32>,
            %mul3A_293 = arith.constant 16 : i32
            %mul3A_294 = arith.muli %while3A_228, %mul3A_293 : i32
            %add3A_295 = vector.broadcast %mul3A_294 : i32 to vector<16xi32>
            %add3A_296 = arith.addi %add3A_295, %iota3A : vector<16xi32>
            tpu.vector_store_idx %arg13[%add3A_296, %broadcast_in_dim3A_291], %gather3A_292 : memref<144x128xf32, #tpu.memory_space<vmem>>[vector<16xi32>, vector<16xi32>], vector<16xf32>,
            %broadcast_in_dim3A_297 = arith.constant 6 : i32
            %broadcast_in_dim3A_298 = vector.broadcast %broadcast_in_dim3A_297 : i32 to vector<16xi32>
            %gather3A_299 = tpu.vector_load_idx %arg7[%broadcast_in_dim3A_298, %min3A_250] : memref<32x2048xf32, #tpu.memory_space<vmem>>[vector<16xi32>, vector<16xi32>], vector<16xf32>,
            %mul3A_300 = arith.constant 16 : i32
            %mul3A_301 = arith.muli %while3A_228, %mul3A_300 : i32
            %add3A_302 = vector.broadcast %mul3A_301 : i32 to vector<16xi32>
            %add3A_303 = arith.addi %add3A_302, %iota3A : vector<16xi32>
            tpu.vector_store_idx %arg13[%add3A_303, %broadcast_in_dim3A_298], %gather3A_299 : memref<144x128xf32, #tpu.memory_space<vmem>>[vector<16xi32>, vector<16xi32>], vector<16xf32>,
            %broadcast_in_dim3A_304 = arith.constant 7 : i32
            %broadcast_in_dim3A_305 = vector.broadcast %broadcast_in_dim3A_304 : i32 to vector<16xi32>
            %gather3A_306 = tpu.vector_load_idx %arg7[%broadcast_in_dim3A_305, %min3A_250] : memref<32x2048xf32, #tpu.memory_space<vmem>>[vector<16xi32>, vector<16xi32>], vector<16xf32>,
            %mul3A_307 = arith.constant 16 : i32
            %mul3A_308 = arith.muli %while3A_228, %mul3A_307 : i32
            %add3A_309 = vector.broadcast %mul3A_308 : i32 to vector<16xi32>
            %add3A_310 = arith.addi %add3A_309, %iota3A : vector<16xi32>
            tpu.vector_store_idx %arg13[%add3A_310, %broadcast_in_dim3A_305], %gather3A_306 : memref<144x128xf32, #tpu.memory_space<vmem>>[vector<16xi32>, vector<16xi32>], vector<16xf32>,
            %broadcast_in_dim3A_311 = arith.constant 8 : i32
            %broadcast_in_dim3A_312 = vector.broadcast %broadcast_in_dim3A_311 : i32 to vector<16xi32>
            %gather3A_313 = tpu.vector_load_idx %arg7[%broadcast_in_dim3A_312, %min3A_250] : memref<32x2048xf32, #tpu.memory_space<vmem>>[vector<16xi32>, vector<16xi32>], vector<16xf32>,
            %mul3A_314 = arith.constant 16 : i32
            %mul3A_315 = arith.muli %while3A_228, %mul3A_314 : i32
            %add3A_316 = vector.broadcast %mul3A_315 : i32 to vector<16xi32>
            %add3A_317 = arith.addi %add3A_316, %iota3A : vector<16xi32>
            tpu.vector_store_idx %arg13[%add3A_317, %broadcast_in_dim3A_312], %gather3A_313 : memref<144x128xf32, #tpu.memory_space<vmem>>[vector<16xi32>, vector<16xi32>], vector<16xf32>,
            %broadcast_in_dim3A_318 = arith.constant 9 : i32
            %broadcast_in_dim3A_319 = vector.broadcast %broadcast_in_dim3A_318 : i32 to vector<16xi32>
            %gather3A_320 = tpu.vector_load_idx %arg7[%broadcast_in_dim3A_319, %min3A_250] : memref<32x2048xf32, #tpu.memory_space<vmem>>[vector<16xi32>, vector<16xi32>], vector<16xf32>,
            %mul3A_321 = arith.constant 16 : i32
            %mul3A_322 = arith.muli %while3A_228, %mul3A_321 : i32
            %add3A_323 = vector.broadcast %mul3A_322 : i32 to vector<16xi32>
            %add3A_324 = arith.addi %add3A_323, %iota3A : vector<16xi32>
            tpu.vector_store_idx %arg13[%add3A_324, %broadcast_in_dim3A_319], %gather3A_320 : memref<144x128xf32, #tpu.memory_space<vmem>>[vector<16xi32>, vector<16xi32>], vector<16xf32>,
            %broadcast_in_dim3A_325 = arith.constant 10 : i32
            %broadcast_in_dim3A_326 = vector.broadcast %broadcast_in_dim3A_325 : i32 to vector<16xi32>
            %gather3A_327 = tpu.vector_load_idx %arg7[%broadcast_in_dim3A_326, %min3A_250] : memref<32x2048xf32, #tpu.memory_space<vmem>>[vector<16xi32>, vector<16xi32>], vector<16xf32>,
            %mul3A_328 = arith.constant 16 : i32
            %mul3A_329 = arith.muli %while3A_228, %mul3A_328 : i32
            %add3A_330 = vector.broadcast %mul3A_329 : i32 to vector<16xi32>
            %add3A_331 = arith.addi %add3A_330, %iota3A : vector<16xi32>
            tpu.vector_store_idx %arg13[%add3A_331, %broadcast_in_dim3A_326], %gather3A_327 : memref<144x128xf32, #tpu.memory_space<vmem>>[vector<16xi32>, vector<16xi32>], vector<16xf32>,
            %broadcast_in_dim3A_332 = arith.constant 11 : i32
            %broadcast_in_dim3A_333 = vector.broadcast %broadcast_in_dim3A_332 : i32 to vector<16xi32>
            %gather3A_334 = tpu.vector_load_idx %arg7[%broadcast_in_dim3A_333, %min3A_250] : memref<32x2048xf32, #tpu.memory_space<vmem>>[vector<16xi32>, vector<16xi32>], vector<16xf32>,
            %mul3A_335 = arith.constant 16 : i32
            %mul3A_336 = arith.muli %while3A_228, %mul3A_335 : i32
            %add3A_337 = vector.broadcast %mul3A_336 : i32 to vector<16xi32>
            %add3A_338 = arith.addi %add3A_337, %iota3A : vector<16xi32>
            tpu.vector_store_idx %arg13[%add3A_338, %broadcast_in_dim3A_333], %gather3A_334 : memref<144x128xf32, #tpu.memory_space<vmem>>[vector<16xi32>, vector<16xi32>], vector<16xf32>,
            %broadcast_in_dim3A_339 = arith.constant 12 : i32
            %broadcast_in_dim3A_340 = vector.broadcast %broadcast_in_dim3A_339 : i32 to vector<16xi32>
            %gather3A_341 = tpu.vector_load_idx %arg7[%broadcast_in_dim3A_340, %min3A_250] : memref<32x2048xf32, #tpu.memory_space<vmem>>[vector<16xi32>, vector<16xi32>], vector<16xf32>,
            %mul3A_342 = arith.constant 16 : i32
            %mul3A_343 = arith.muli %while3A_228, %mul3A_342 : i32
            %add3A_344 = vector.broadcast %mul3A_343 : i32 to vector<16xi32>
            %add3A_345 = arith.addi %add3A_344, %iota3A : vector<16xi32>
            tpu.vector_store_idx %arg13[%add3A_345, %broadcast_in_dim3A_340], %gather3A_341 : memref<144x128xf32, #tpu.memory_space<vmem>>[vector<16xi32>, vector<16xi32>], vector<16xf32>,
            %broadcast_in_dim3A_346 = arith.constant 13 : i32
            %broadcast_in_dim3A_347 = vector.broadcast %broadcast_in_dim3A_346 : i32 to vector<16xi32>
            %gather3A_348 = tpu.vector_load_idx %arg7[%broadcast_in_dim3A_347, %min3A_250] : memref<32x2048xf32, #tpu.memory_space<vmem>>[vector<16xi32>, vector<16xi32>], vector<16xf32>,
            %mul3A_349 = arith.constant 16 : i32
            %mul3A_350 = arith.muli %while3A_228, %mul3A_349 : i32
            %add3A_351 = vector.broadcast %mul3A_350 : i32 to vector<16xi32>
            %add3A_352 = arith.addi %add3A_351, %iota3A : vector<16xi32>
            tpu.vector_store_idx %arg13[%add3A_352, %broadcast_in_dim3A_347], %gather3A_348 : memref<144x128xf32, #tpu.memory_space<vmem>>[vector<16xi32>, vector<16xi32>], vector<16xf32>,
            %broadcast_in_dim3A_353 = arith.constant 14 : i32
            %broadcast_in_dim3A_354 = vector.broadcast %broadcast_in_dim3A_353 : i32 to vector<16xi32>
            %gather3A_355 = tpu.vector_load_idx %arg7[%broadcast_in_dim3A_354, %min3A_250] : memref<32x2048xf32, #tpu.memory_space<vmem>>[vector<16xi32>, vector<16xi32>], vector<16xf32>,
            %mul3A_356 = arith.constant 16 : i32
            %mul3A_357 = arith.muli %while3A_228, %mul3A_356 : i32
            %add3A_358 = vector.broadcast %mul3A_357 : i32 to vector<16xi32>
            %add3A_359 = arith.addi %add3A_358, %iota3A : vector<16xi32>
            tpu.vector_store_idx %arg13[%add3A_359, %broadcast_in_dim3A_354], %gather3A_355 : memref<144x128xf32, #tpu.memory_space<vmem>>[vector<16xi32>, vector<16xi32>], vector<16xf32>,
            %broadcast_in_dim3A_360 = arith.constant 15 : i32
            %broadcast_in_dim3A_361 = vector.broadcast %broadcast_in_dim3A_360 : i32 to vector<16xi32>
            %gather3A_362 = tpu.vector_load_idx %arg7[%broadcast_in_dim3A_361, %min3A_250] : memref<32x2048xf32, #tpu.memory_space<vmem>>[vector<16xi32>, vector<16xi32>], vector<16xf32>,
            %mul3A_363 = arith.constant 16 : i32
            %mul3A_364 = arith.muli %while3A_228, %mul3A_363 : i32
            %add3A_365 = vector.broadcast %mul3A_364 : i32 to vector<16xi32>
            %add3A_366 = arith.addi %add3A_365, %iota3A : vector<16xi32>
            tpu.vector_store_idx %arg13[%add3A_366, %broadcast_in_dim3A_361], %gather3A_362 : memref<144x128xf32, #tpu.memory_space<vmem>>[vector<16xi32>, vector<16xi32>], vector<16xf32>,
            %broadcast_in_dim3A_367 = arith.constant 16 : i32
            %broadcast_in_dim3A_368 = vector.broadcast %broadcast_in_dim3A_367 : i32 to vector<16xi32>
            %gather3A_369 = tpu.vector_load_idx %arg7[%broadcast_in_dim3A_368, %min3A_250] : memref<32x2048xf32, #tpu.memory_space<vmem>>[vector<16xi32>, vector<16xi32>], vector<16xf32>,
            %mul3A_370 = arith.constant 16 : i32
            %mul3A_371 = arith.muli %while3A_228, %mul3A_370 : i32
            %add3A_372 = vector.broadcast %mul3A_371 : i32 to vector<16xi32>
            %add3A_373 = arith.addi %add3A_372, %iota3A : vector<16xi32>
            tpu.vector_store_idx %arg13[%add3A_373, %broadcast_in_dim3A_368], %gather3A_369 : memref<144x128xf32, #tpu.memory_space<vmem>>[vector<16xi32>, vector<16xi32>], vector<16xf32>,
            %broadcast_in_dim3A_374 = arith.constant 17 : i32
            %broadcast_in_dim3A_375 = vector.broadcast %broadcast_in_dim3A_374 : i32 to vector<16xi32>
            %gather3A_376 = tpu.vector_load_idx %arg7[%broadcast_in_dim3A_375, %min3A_250] : memref<32x2048xf32, #tpu.memory_space<vmem>>[vector<16xi32>, vector<16xi32>], vector<16xf32>,
            %mul3A_377 = arith.constant 16 : i32
            %mul3A_378 = arith.muli %while3A_228, %mul3A_377 : i32
            %add3A_379 = vector.broadcast %mul3A_378 : i32 to vector<16xi32>
            %add3A_380 = arith.addi %add3A_379, %iota3A : vector<16xi32>
            tpu.vector_store_idx %arg13[%add3A_380, %broadcast_in_dim3A_375], %gather3A_376 : memref<144x128xf32, #tpu.memory_space<vmem>>[vector<16xi32>, vector<16xi32>], vector<16xf32>,
            %broadcast_in_dim3A_381 = arith.constant 18 : i32
            %broadcast_in_dim3A_382 = vector.broadcast %broadcast_in_dim3A_381 : i32 to vector<16xi32>
            %gather3A_383 = tpu.vector_load_idx %arg7[%broadcast_in_dim3A_382, %min3A_250] : memref<32x2048xf32, #tpu.memory_space<vmem>>[vector<16xi32>, vector<16xi32>], vector<16xf32>,
            %mul3A_384 = arith.constant 16 : i32
            %mul3A_385 = arith.muli %while3A_228, %mul3A_384 : i32
            %add3A_386 = vector.broadcast %mul3A_385 : i32 to vector<16xi32>
            %add3A_387 = arith.addi %add3A_386, %iota3A : vector<16xi32>
            tpu.vector_store_idx %arg13[%add3A_387, %broadcast_in_dim3A_382], %gather3A_383 : memref<144x128xf32, #tpu.memory_space<vmem>>[vector<16xi32>, vector<16xi32>], vector<16xf32>,
            %broadcast_in_dim3A_388 = arith.constant 19 : i32
            %broadcast_in_dim3A_389 = vector.broadcast %broadcast_in_dim3A_388 : i32 to vector<16xi32>
            %gather3A_390 = tpu.vector_load_idx %arg7[%broadcast_in_dim3A_389, %min3A_250] : memref<32x2048xf32, #tpu.memory_space<vmem>>[vector<16xi32>, vector<16xi32>], vector<16xf32>,
            %mul3A_391 = arith.constant 16 : i32
            %mul3A_392 = arith.muli %while3A_228, %mul3A_391 : i32
            %add3A_393 = vector.broadcast %mul3A_392 : i32 to vector<16xi32>
            %add3A_394 = arith.addi %add3A_393, %iota3A : vector<16xi32>
            tpu.vector_store_idx %arg13[%add3A_394, %broadcast_in_dim3A_389], %gather3A_390 : memref<144x128xf32, #tpu.memory_space<vmem>>[vector<16xi32>, vector<16xi32>], vector<16xf32>,
            %broadcast_in_dim3A_395 = arith.constant 20 : i32
            %broadcast_in_dim3A_396 = vector.broadcast %broadcast_in_dim3A_395 : i32 to vector<16xi32>
            %gather3A_397 = tpu.vector_load_idx %arg7[%broadcast_in_dim3A_396, %min3A_250] : memref<32x2048xf32, #tpu.memory_space<vmem>>[vector<16xi32>, vector<16xi32>], vector<16xf32>,
            %mul3A_398 = arith.constant 16 : i32
            %mul3A_399 = arith.muli %while3A_228, %mul3A_398 : i32
            %add3A_400 = vector.broadcast %mul3A_399 : i32 to vector<16xi32>
            %add3A_401 = arith.addi %add3A_400, %iota3A : vector<16xi32>
            tpu.vector_store_idx %arg13[%add3A_401, %broadcast_in_dim3A_396], %gather3A_397 : memref<144x128xf32, #tpu.memory_space<vmem>>[vector<16xi32>, vector<16xi32>], vector<16xf32>,
            %broadcast_in_dim3A_402 = arith.constant 21 : i32
            %broadcast_in_dim3A_403 = vector.broadcast %broadcast_in_dim3A_402 : i32 to vector<16xi32>
            %gather3A_404 = tpu.vector_load_idx %arg7[%broadcast_in_dim3A_403, %min3A_250] : memref<32x2048xf32, #tpu.memory_space<vmem>>[vector<16xi32>, vector<16xi32>], vector<16xf32>,
            %mul3A_405 = arith.constant 16 : i32
            %mul3A_406 = arith.muli %while3A_228, %mul3A_405 : i32
            %add3A_407 = vector.broadcast %mul3A_406 : i32 to vector<16xi32>
            %add3A_408 = arith.addi %add3A_407, %iota3A : vector<16xi32>
            tpu.vector_store_idx %arg13[%add3A_408, %broadcast_in_dim3A_403], %gather3A_404 : memref<144x128xf32, #tpu.memory_space<vmem>>[vector<16xi32>, vector<16xi32>], vector<16xf32>,
            %broadcast_in_dim3A_409 = arith.constant 22 : i32
            %broadcast_in_dim3A_410 = vector.broadcast %broadcast_in_dim3A_409 : i32 to vector<16xi32>
            %gather3A_411 = tpu.vector_load_idx %arg7[%broadcast_in_dim3A_410, %min3A_250] : memref<32x2048xf32, #tpu.memory_space<vmem>>[vector<16xi32>, vector<16xi32>], vector<16xf32>,
            %mul3A_412 = arith.constant 16 : i32
            %mul3A_413 = arith.muli %while3A_228, %mul3A_412 : i32
            %add3A_414 = vector.broadcast %mul3A_413 : i32 to vector<16xi32>
            %add3A_415 = arith.addi %add3A_414, %iota3A : vector<16xi32>
            tpu.vector_store_idx %arg13[%add3A_415, %broadcast_in_dim3A_410], %gather3A_411 : memref<144x128xf32, #tpu.memory_space<vmem>>[vector<16xi32>, vector<16xi32>], vector<16xf32>,
            %broadcast_in_dim3A_416 = arith.constant 23 : i32
            %broadcast_in_dim3A_417 = vector.broadcast %broadcast_in_dim3A_416 : i32 to vector<16xi32>
            %gather3A_418 = tpu.vector_load_idx %arg7[%broadcast_in_dim3A_417, %min3A_250] : memref<32x2048xf32, #tpu.memory_space<vmem>>[vector<16xi32>, vector<16xi32>], vector<16xf32>,
            %mul3A_419 = arith.constant 16 : i32
            %mul3A_420 = arith.muli %while3A_228, %mul3A_419 : i32
            %add3A_421 = vector.broadcast %mul3A_420 : i32 to vector<16xi32>
            %add3A_422 = arith.addi %add3A_421, %iota3A : vector<16xi32>
            tpu.vector_store_idx %arg13[%add3A_422, %broadcast_in_dim3A_417], %gather3A_418 : memref<144x128xf32, #tpu.memory_space<vmem>>[vector<16xi32>, vector<16xi32>], vector<16xf32>,
            %broadcast_in_dim3A_423 = arith.constant 24 : i32
            %broadcast_in_dim3A_424 = vector.broadcast %broadcast_in_dim3A_423 : i32 to vector<16xi32>
            %gather3A_425 = tpu.vector_load_idx %arg7[%broadcast_in_dim3A_424, %min3A_250] : memref<32x2048xf32, #tpu.memory_space<vmem>>[vector<16xi32>, vector<16xi32>], vector<16xf32>,
            %mul3A_426 = arith.constant 16 : i32
            %mul3A_427 = arith.muli %while3A_228, %mul3A_426 : i32
            %add3A_428 = vector.broadcast %mul3A_427 : i32 to vector<16xi32>
            %add3A_429 = arith.addi %add3A_428, %iota3A : vector<16xi32>
            tpu.vector_store_idx %arg13[%add3A_429, %broadcast_in_dim3A_424], %gather3A_425 : memref<144x128xf32, #tpu.memory_space<vmem>>[vector<16xi32>, vector<16xi32>], vector<16xf32>,
            %broadcast_in_dim3A_430 = arith.constant 25 : i32
            %broadcast_in_dim3A_431 = vector.broadcast %broadcast_in_dim3A_430 : i32 to vector<16xi32>
            %gather3A_432 = tpu.vector_load_idx %arg7[%broadcast_in_dim3A_431, %min3A_250] : memref<32x2048xf32, #tpu.memory_space<vmem>>[vector<16xi32>, vector<16xi32>], vector<16xf32>,
            %mul3A_433 = arith.constant 16 : i32
            %mul3A_434 = arith.muli %while3A_228, %mul3A_433 : i32
            %add3A_435 = vector.broadcast %mul3A_434 : i32 to vector<16xi32>
            %add3A_436 = arith.addi %add3A_435, %iota3A : vector<16xi32>
            tpu.vector_store_idx %arg13[%add3A_436, %broadcast_in_dim3A_431], %gather3A_432 : memref<144x128xf32, #tpu.memory_space<vmem>>[vector<16xi32>, vector<16xi32>], vector<16xf32>,
            %broadcast_in_dim3A_437 = arith.constant 26 : i32
            %broadcast_in_dim3A_438 = vector.broadcast %broadcast_in_dim3A_437 : i32 to vector<16xi32>
            %gather3A_439 = tpu.vector_load_idx %arg7[%broadcast_in_dim3A_438, %min3A_250] : memref<32x2048xf32, #tpu.memory_space<vmem>>[vector<16xi32>, vector<16xi32>], vector<16xf32>,
            %mul3A_440 = arith.constant 16 : i32
            %mul3A_441 = arith.muli %while3A_228, %mul3A_440 : i32
            %add3A_442 = vector.broadcast %mul3A_441 : i32 to vector<16xi32>
            %add3A_443 = arith.addi %add3A_442, %iota3A : vector<16xi32>
            tpu.vector_store_idx %arg13[%add3A_443, %broadcast_in_dim3A_438], %gather3A_439 : memref<144x128xf32, #tpu.memory_space<vmem>>[vector<16xi32>, vector<16xi32>], vector<16xf32>,
            %broadcast_in_dim3A_444 = arith.constant 27 : i32
            %broadcast_in_dim3A_445 = vector.broadcast %broadcast_in_dim3A_444 : i32 to vector<16xi32>
            %gather3A_446 = tpu.vector_load_idx %arg7[%broadcast_in_dim3A_445, %min3A_250] : memref<32x2048xf32, #tpu.memory_space<vmem>>[vector<16xi32>, vector<16xi32>], vector<16xf32>,
            %mul3A_447 = arith.constant 16 : i32
            %mul3A_448 = arith.muli %while3A_228, %mul3A_447 : i32
            %add3A_449 = vector.broadcast %mul3A_448 : i32 to vector<16xi32>
            %add3A_450 = arith.addi %add3A_449, %iota3A : vector<16xi32>
            tpu.vector_store_idx %arg13[%add3A_450, %broadcast_in_dim3A_445], %gather3A_446 : memref<144x128xf32, #tpu.memory_space<vmem>>[vector<16xi32>, vector<16xi32>], vector<16xf32>,
            %broadcast_in_dim3A_451 = arith.constant 28 : i32
            %broadcast_in_dim3A_452 = vector.broadcast %broadcast_in_dim3A_451 : i32 to vector<16xi32>
            %gather3A_453 = tpu.vector_load_idx %arg7[%broadcast_in_dim3A_452, %min3A_250] : memref<32x2048xf32, #tpu.memory_space<vmem>>[vector<16xi32>, vector<16xi32>], vector<16xf32>,
            %mul3A_454 = arith.constant 16 : i32
            %mul3A_455 = arith.muli %while3A_228, %mul3A_454 : i32
            %add3A_456 = vector.broadcast %mul3A_455 : i32 to vector<16xi32>
            %add3A_457 = arith.addi %add3A_456, %iota3A : vector<16xi32>
            tpu.vector_store_idx %arg13[%add3A_457, %broadcast_in_dim3A_452], %gather3A_453 : memref<144x128xf32, #tpu.memory_space<vmem>>[vector<16xi32>, vector<16xi32>], vector<16xf32>,
            %broadcast_in_dim3A_458 = arith.constant 29 : i32
            %broadcast_in_dim3A_459 = vector.broadcast %broadcast_in_dim3A_458 : i32 to vector<16xi32>
            %gather3A_460 = tpu.vector_load_idx %arg7[%broadcast_in_dim3A_459, %min3A_250] : memref<32x2048xf32, #tpu.memory_space<vmem>>[vector<16xi32>, vector<16xi32>], vector<16xf32>,
            %mul3A_461 = arith.constant 16 : i32
            %mul3A_462 = arith.muli %while3A_228, %mul3A_461 : i32
            %add3A_463 = vector.broadcast %mul3A_462 : i32 to vector<16xi32>
            %add3A_464 = arith.addi %add3A_463, %iota3A : vector<16xi32>
            tpu.vector_store_idx %arg13[%add3A_464, %broadcast_in_dim3A_459], %gather3A_460 : memref<144x128xf32, #tpu.memory_space<vmem>>[vector<16xi32>, vector<16xi32>], vector<16xf32>,
            %broadcast_in_dim3A_465 = arith.constant 30 : i32
            %broadcast_in_dim3A_466 = vector.broadcast %broadcast_in_dim3A_465 : i32 to vector<16xi32>
            %gather3A_467 = tpu.vector_load_idx %arg7[%broadcast_in_dim3A_466, %min3A_250] : memref<32x2048xf32, #tpu.memory_space<vmem>>[vector<16xi32>, vector<16xi32>], vector<16xf32>,
            %mul3A_468 = arith.constant 16 : i32
            %mul3A_469 = arith.muli %while3A_228, %mul3A_468 : i32
            %add3A_470 = vector.broadcast %mul3A_469 : i32 to vector<16xi32>
            %add3A_471 = arith.addi %add3A_470, %iota3A : vector<16xi32>
            tpu.vector_store_idx %arg13[%add3A_471, %broadcast_in_dim3A_466], %gather3A_467 : memref<144x128xf32, #tpu.memory_space<vmem>>[vector<16xi32>, vector<16xi32>], vector<16xf32>,
            %broadcast_in_dim3A_472 = arith.constant 31 : i32
            %broadcast_in_dim3A_473 = vector.broadcast %broadcast_in_dim3A_472 : i32 to vector<16xi32>
            %gather3A_474 = tpu.vector_load_idx %arg7[%broadcast_in_dim3A_473, %min3A_250] : memref<32x2048xf32, #tpu.memory_space<vmem>>[vector<16xi32>, vector<16xi32>], vector<16xf32>,
            %mul3A_475 = arith.constant 16 : i32
            %mul3A_476 = arith.muli %while3A_228, %mul3A_475 : i32
            %add3A_477 = vector.broadcast %mul3A_476 : i32 to vector<16xi32>
            %add3A_478 = arith.addi %add3A_477, %iota3A : vector<16xi32>
            tpu.vector_store_idx %arg13[%add3A_478, %broadcast_in_dim3A_473], %gather3A_474 : memref<144x128xf32, #tpu.memory_space<vmem>>[vector<16xi32>, vector<16xi32>], vector<16xf32>,
            %eq3A_479 = arith.constant 0 : i32
            %eq3A_480 = arith.cmpi eq, %arg0, %eq3A_479 : i32
            %convert_element_type3A_481 = arith.extui %eq3A_480 : i1 to i32
            %cond3A_482 = arith.constant 0 : i32
            %cond3A_483 = arith.cmpi ne, %convert_element_type3A_481, %cond3A_482 : i32
            scf.if %cond3A_483 {
              %mul3A_489 = arith.constant 16 : i32
              %mul3A_490 = arith.muli %while3A_228, %mul3A_489 : i32
              %dma_start3A = arith.constant 0 : i32
              %dma_start3A_491 = tpu.memref_slice %arg13[%mul3A_490, %dma_start3A] : memref<144x128xf32, #tpu.memory_space<vmem>> -> memref<16x128xf32, #tpu.memory_space<vmem>>
              %dma_start3A_492 = arith.constant 0 : i32
              %dma_start3A_493 = tpu.memref_slice %arg14[%while3A_228, %dma_start3A_492] : memref<9x16xi32, #tpu.memory_space<vmem>> -> memref<1x16xi32, #tpu.memory_space<vmem>>
              %dma_start3A_494 = tpu.memref_squeeze %dma_start3A_493 : memref<1x16xi32, #tpu.memory_space<vmem>> -> memref<16xi32, #tpu.memory_space<vmem>>
              %dma_start3A_495 = arith.constant 0 : i32
              %dma_start3A_496 = arith.constant 0 : i32
              %dma_start3A_497 = tpu.memref_slice %arg5[%dma_start3A_495, %dma_start3A_496] : memref<16400x128xf32, #tpu.memory_space<hbm>> -> memref<16400x128xf32, #tpu.memory_space<hbm>>
              tpu.enqueue_indirect_dma source(%dma_start3A_491 : memref<16x128xf32, #tpu.memory_space<vmem>>) target(%dma_start3A_497 : memref<16400x128xf32, #tpu.memory_space<hbm>>) offsets(%dma_start3A_494 : memref<16xi32, #tpu.memory_space<vmem>>) semaphore(%arg17 : memref<!tpu.dma_semaphore, #tpu.memory_space<semaphore_mem>>)
            } else {
            }
            %eq3A_484 = arith.constant 1 : i32
            %eq3A_485 = arith.cmpi eq, %arg0, %eq3A_484 : i32
            %convert_element_type3A_486 = arith.extui %eq3A_485 : i1 to i32
            %cond3A_487 = arith.constant 0 : i32
            %cond3A_488 = arith.cmpi ne, %convert_element_type3A_486, %cond3A_487 : i32
            scf.if %cond3A_488 {
              %mul3A_489 = arith.constant 16 : i32
              %mul3A_490 = arith.muli %while3A_228, %mul3A_489 : i32
              %dma_start3A = arith.constant 0 : i32
              %dma_start3A_491 = tpu.memref_slice %arg13[%mul3A_490, %dma_start3A] : memref<144x128xf32, #tpu.memory_space<vmem>> -> memref<16x128xf32, #tpu.memory_space<vmem>>
              %dma_start3A_492 = arith.constant 0 : i32
              %dma_start3A_493 = tpu.memref_slice %arg14[%while3A_228, %dma_start3A_492] : memref<9x16xi32, #tpu.memory_space<vmem>> -> memref<1x16xi32, #tpu.memory_space<vmem>>
              %dma_start3A_494 = tpu.memref_squeeze %dma_start3A_493 : memref<1x16xi32, #tpu.memory_space<vmem>> -> memref<16xi32, #tpu.memory_space<vmem>>
              %dma_start3A_495 = arith.constant 0 : i32
              %dma_start3A_496 = arith.constant 0 : i32
              %dma_start3A_497 = tpu.memref_slice %arg6[%dma_start3A_495, %dma_start3A_496] : memref<16400x128xf32, #tpu.memory_space<hbm>> -> memref<16400x128xf32, #tpu.memory_space<hbm>>
              tpu.enqueue_indirect_dma source(%dma_start3A_491 : memref<16x128xf32, #tpu.memory_space<vmem>>) target(%dma_start3A_497 : memref<16400x128xf32, #tpu.memory_space<hbm>>) offsets(%dma_start3A_494 : memref<16xi32, #tpu.memory_space<vmem>>) semaphore(%arg17 : memref<!tpu.dma_semaphore, #tpu.memory_space<semaphore_mem>>)
            } else {
            }
          }
          %while3A_218 = arith.constant 0 : i32
          %while3A_219 = arith.constant 0 : i32
          %while3A_220 = arith.subi %select_n3A_207, %while3A_219 : i32
          %while3A_221 = arith.addi %while3A_219, %while3A_220 : i32
          %while3A_222 = arith.constant 1 : i32
          %while3A_223 = arith.divsi %while3A_220, %while3A_222 : i32
          %while3A_224 = arith.muli %while3A_223, %while3A_222 : i32
          %while3A_225 = arith.addi %while3A_219, %while3A_224 : i32
          %while3A_226 = arith.constant 1 : i32
          scf.for %while3A_228 = %while3A_219 to %while3A_225 step %while3A_226  : i32 {
            %dma_wait3A_229 = arith.constant 0 : i32
            %dma_wait3A_230 = arith.constant 0 : i32
            %dma_wait3A_231 = tpu.memref_slice %arg2[%dma_wait3A_229, %dma_wait3A_230] : memref<64x1000000xf32, #tpu.memory_space<hbm>> -> memref<16x128xf32, #tpu.memory_space<hbm>>
            %dma_wait3A_232 = arith.constant 0 : i32
            %dma_wait3A_233 = arith.constant 0 : i32
            %dma_wait3A_234 = tpu.memref_slice %arg2[%dma_wait3A_232, %dma_wait3A_233] : memref<64x1000000xf32, #tpu.memory_space<hbm>> -> memref<16x128xf32, #tpu.memory_space<hbm>>
            tpu.wait_dma2 semaphore(%arg17 : memref<!tpu.dma_semaphore, #tpu.memory_space<semaphore_mem>>) src(%dma_wait3A_234 : memref<16x128xf32, #tpu.memory_space<hbm>>) dst(%arg15 : memref<16x128xf32, #tpu.memory_space<vmem>>)
          }
          %while3A_227 = arith.constant 1 : i32
          scf.for %while3A_228 = %while3A_225 to %while3A_221 step %while3A_227  : i32 {
            %dma_wait3A_229 = arith.constant 0 : i32
            %dma_wait3A_230 = arith.constant 0 : i32
            %dma_wait3A_231 = tpu.memref_slice %arg2[%dma_wait3A_229, %dma_wait3A_230] : memref<64x1000000xf32, #tpu.memory_space<hbm>> -> memref<16x128xf32, #tpu.memory_space<hbm>>
            %dma_wait3A_232 = arith.constant 0 : i32
            %dma_wait3A_233 = arith.constant 0 : i32
            %dma_wait3A_234 = tpu.memref_slice %arg2[%dma_wait3A_232, %dma_wait3A_233] : memref<64x1000000xf32, #tpu.memory_space<hbm>> -> memref<16x128xf32, #tpu.memory_space<hbm>>
            tpu.wait_dma2 semaphore(%arg17 : memref<!tpu.dma_semaphore, #tpu.memory_space<semaphore_mem>>) src(%dma_wait3A_234 : memref<16x128xf32, #tpu.memory_space<hbm>>) dst(%arg15 : memref<16x128xf32, #tpu.memory_space<vmem>>)
          }
        } else {
        }
        %jit3A_180 = arith.constant 0 : i32
        %select_n3A_181 = arith.select %ge3A_176, %jit3A_180, %add3A_175 : i32
        scf.yield %select_n3A_181 : i32
      }
      %while3A_93 = arith.constant 1 : i32
      %while3A_94 = scf.for %while3A_141 = %while3A_90 to %while3A_86 step %while3A_93 iter_args(%while3A_142 = %while3A_92) -> (i32)  : i32 {
        %mul3A_143 = arith.constant 16 : i32
        %mul3A_144 = arith.muli %while3A_141, %mul3A_143 : i32
        %get3A = arith.index_cast %mul3A_144 : i32 to index
        %get3A_145 = tpu.vector_load %arg9[%get3A] {strides = array<i32>} : memref<16400xi32, #tpu.memory_space<vmem>>, vector<16xi32>,
        %mul3A_146 = arith.constant 16 : i32
        %mul3A_147 = arith.muli %while3A_141, %mul3A_146 : i32
        %get3A_148 = arith.index_cast %mul3A_147 : i32 to index
        %get3A_149 = tpu.vector_load %arg10[%get3A_148] {strides = array<i32>} : memref<16400xi32, #tpu.memory_space<vmem>>, vector<16xi32>,
        %mul3A_150 = arith.constant 16 : i32
        %mul3A_151 = arith.muli %while3A_141, %mul3A_150 : i32
        %add3A_152 = vector.broadcast %mul3A_151 : i32 to vector<16xi32>
        %add3A_153 = arith.addi %add3A_152, %iota3A : vector<16xi32>
        %shift_right_arithmetic3A = arith.constant 11 : i32
        %shift_right_arithmetic3A_154 = vector.broadcast %shift_right_arithmetic3A : i32 to vector<16xi32>
        %shift_right_arithmetic3A_155 = arith.shrsi %get3A_145, %shift_right_arithmetic3A_154 : vector<16xi32>
        %eq3A_156 = vector.broadcast %add3A_41 : i32 to vector<16xi32>
        %eq3A_157 = arith.cmpi eq, %shift_right_arithmetic3A_155, %eq3A_156 : vector<16xi32>
        %lt3A = vector.broadcast %scan3A_7 : i32 to vector<16xi32>
        %lt3A_158 = arith.cmpi slt, %add3A_153, %lt3A : vector<16xi32>
        %and3A_159 = arith.andi %eq3A_157, %lt3A_158 : vector<16xi1>
        %select_n3A_160 = arith.select %and3A_159, %broadcast_in_dim3A_0, %broadcast_in_dim3A_2 : vector<16xi1>, vector<16xi32>
        %broadcast_in_dim3A_161 = arith.constant true
        %broadcast_in_dim3A_162 = vector.broadcast %broadcast_in_dim3A_161 : i1 to vector<16xi1>
        %masked_cumsum3A = tpu.scan <sum>, %select_n3A_160 masked %broadcast_in_dim3A_162 : vector<16xi32>, vector<16xi1> -> vector<16xi32>
        %add3A_163 = vector.broadcast %while3A_142 : i32 to vector<16xi32>
        %add3A_164 = arith.addi %add3A_163, %masked_cumsum3A : vector<16xi32>
        %sub3A_165 = arith.constant 1 : i32
        %sub3A_166 = vector.broadcast %sub3A_165 : i32 to vector<16xi32>
        %sub3A_167 = arith.subi %add3A_164, %sub3A_166 : vector<16xi32>
        %add3A_168 = arith.constant 128 : i32
        %add3A_169 = vector.broadcast %add3A_168 : i32 to vector<16xi32>
        %add3A_170 = arith.addi %add3A_169, %iota3A : vector<16xi32>
        %select_n3A_171 = arith.select %and3A_159, %sub3A_167, %add3A_170 : vector<16xi1>, vector<16xi32>
        tpu.vector_store_idx %arg11[%select_n3A_171], %get3A_145 : memref<144xi32, #tpu.memory_space<vmem>>[vector<16xi32>], vector<16xi32>,
        tpu.vector_store_idx %arg12[%select_n3A_171], %get3A_149 : memref<144xi32, #tpu.memory_space<vmem>>[vector<16xi32>], vector<16xi32>,
        %reduce_sum3A = arith.constant true
        %reduce_sum3A_172 = vector.broadcast %reduce_sum3A : i1 to vector<16xi1>
        %reduce_sum3A_173 = tpu.scan <sum>, %select_n3A_160 masked %reduce_sum3A_172 : vector<16xi32>, vector<16xi1> -> vector<16xi32>
        %reduce_sum3A_174 = vector.extract %reduce_sum3A_173[15] : i32 from vector<16xi32>
        %add3A_175 = arith.addi %while3A_142, %reduce_sum3A_174 : i32
        %ge3A = arith.constant 112 : i32
        %ge3A_176 = arith.cmpi sge, %add3A_175, %ge3A : i32
        %convert_element_type3A_177 = arith.extui %ge3A_176 : i1 to i32
        %cond3A_178 = arith.constant 0 : i32
        %cond3A_179 = arith.cmpi ne, %convert_element_type3A_177, %cond3A_178 : i32
        scf.if %cond3A_179 {
          %add3A_182 = arith.constant 15 : i32
          %add3A_183 = arith.addi %add3A_175, %add3A_182 : i32
          %jit3A_184 = arith.constant 16 : i32
          %div3A_185 = arith.divsi %add3A_183, %jit3A_184 : i32
          %sign3A_186 = arith.constant 0 : i32
          %sign3A_187 = arith.cmpi sgt, %add3A_183, %sign3A_186 : i32
          %sign3A_188 = arith.extui %sign3A_187 : i1 to i32
          %sign3A_189 = arith.constant 0 : i32
          %sign3A_190 = arith.cmpi slt, %add3A_183, %sign3A_189 : i32
          %sign3A_191 = arith.extui %sign3A_190 : i1 to i32
          %sign3A_192 = arith.subi %sign3A_188, %sign3A_191 : i32
          %sign3A_193 = arith.constant 0 : i32
          %sign3A_194 = arith.cmpi sgt, %jit3A_184, %sign3A_193 : i32
          %sign3A_195 = arith.extui %sign3A_194 : i1 to i32
          %sign3A_196 = arith.constant 0 : i32
          %sign3A_197 = arith.cmpi slt, %jit3A_184, %sign3A_196 : i32
          %sign3A_198 = arith.extui %sign3A_197 : i1 to i32
          %sign3A_199 = arith.subi %sign3A_195, %sign3A_198 : i32
          %ne3A_200 = arith.cmpi ne, %sign3A_192, %sign3A_199 : i32
          %rem3A_201 = arith.remsi %add3A_183, %jit3A_184 : i32
          %ne3A_202 = arith.constant 0 : i32
          %ne3A_203 = arith.cmpi ne, %rem3A_201, %ne3A_202 : i32
          %and3A_204 = arith.andi %ne3A_200, %ne3A_203 : i1
          %sub3A_205 = arith.constant 1 : i32
          %sub3A_206 = arith.subi %div3A_185, %sub3A_205 : i32
          %select_n3A_207 = arith.select %and3A_204, %sub3A_206, %div3A_185 : i32
          %while3A_208 = arith.constant 0 : i32
          %while3A_209 = arith.constant 0 : i32
          %while3A_210 = arith.subi %select_n3A_207, %while3A_209 : i32
          %while3A_211 = arith.addi %while3A_209, %while3A_210 : i32
          %while3A_212 = arith.constant 1 : i32
          %while3A_213 = arith.divsi %while3A_210, %while3A_212 : i32
          %while3A_214 = arith.muli %while3A_213, %while3A_212 : i32
          %while3A_215 = arith.addi %while3A_209, %while3A_214 : i32
          %while3A_216 = arith.constant 1 : i32
          scf.for %while3A_228 = %while3A_209 to %while3A_215 step %while3A_216  : i32 {
            %mul3A_229 = arith.constant 16 : i32
            %mul3A_230 = arith.muli %while3A_228, %mul3A_229 : i32
            %get3A_231 = arith.index_cast %mul3A_230 : i32 to index
            %get3A_232 = tpu.vector_load %arg11[%get3A_231] {strides = array<i32>} : memref<144xi32, #tpu.memory_space<vmem>>, vector<16xi32>,
            %mul3A_233 = arith.constant 16 : i32
            %mul3A_234 = arith.muli %while3A_228, %mul3A_233 : i32
            %get3A_235 = arith.index_cast %mul3A_234 : i32 to index
            %get3A_236 = tpu.vector_load %arg12[%get3A_235] {strides = array<i32>} : memref<144xi32, #tpu.memory_space<vmem>>, vector<16xi32>,
            %mul3A_237 = arith.constant 16 : i32
            %mul3A_238 = arith.muli %while3A_228, %mul3A_237 : i32
            %add3A_239 = vector.broadcast %mul3A_238 : i32 to vector<16xi32>
            %add3A_240 = arith.addi %add3A_239, %iota3A : vector<16xi32>
            %lt3A_241 = vector.broadcast %add3A_175 : i32 to vector<16xi32>
            %lt3A_242 = arith.cmpi slt, %add3A_240, %lt3A_241 : vector<16xi32>
            %mul3A_243 = arith.constant 2048 : i32
            %mul3A_244 = arith.muli %add3A_41, %mul3A_243 : i32
            %sub3A_245 = vector.broadcast %mul3A_244 : i32 to vector<16xi32>
            %sub3A_246 = arith.subi %get3A_232, %sub3A_245 : vector<16xi32>
            %jit3A_247 = arith.constant 0 : i32
            %jit3A_248 = arith.constant 2047 : i32
            %max3A = vector.broadcast %jit3A_247 : i32 to vector<16xi32>
            %max3A_249 = arith.maxsi %max3A, %sub3A_246 : vector<16xi32>
            %min3A = vector.broadcast %jit3A_248 : i32 to vector<16xi32>
            %min3A_250 = arith.minsi %min3A, %max3A_249 : vector<16xi32>
            %add3A_251 = arith.constant 16384 : i32
            %add3A_252 = vector.broadcast %add3A_251 : i32 to vector<16xi32>
            %add3A_253 = arith.addi %add3A_252, %iota3A : vector<16xi32>
            %select_n3A_254 = arith.select %lt3A_242, %get3A_236, %add3A_253 : vector<16xi1>, vector<16xi32>
            %broadcast_in_dim3A_255 = vector.broadcast %while3A_228 : i32 to vector<16xi32>
            tpu.vector_store_idx %arg14[%broadcast_in_dim3A_255, %iota3A], %select_n3A_254 : memref<9x16xi32, #tpu.memory_space<vmem>>[vector<16xi32>, vector<16xi32>], vector<16xi32>,
            %broadcast_in_dim3A_256 = arith.constant 0 : i32
            %broadcast_in_dim3A_257 = vector.broadcast %broadcast_in_dim3A_256 : i32 to vector<16xi32>
            %gather3A = tpu.vector_load_idx %arg7[%broadcast_in_dim3A_257, %min3A_250] : memref<32x2048xf32, #tpu.memory_space<vmem>>[vector<16xi32>, vector<16xi32>], vector<16xf32>,
            %mul3A_258 = arith.constant 16 : i32
            %mul3A_259 = arith.muli %while3A_228, %mul3A_258 : i32
            %add3A_260 = vector.broadcast %mul3A_259 : i32 to vector<16xi32>
            %add3A_261 = arith.addi %add3A_260, %iota3A : vector<16xi32>
            tpu.vector_store_idx %arg13[%add3A_261, %broadcast_in_dim3A_257], %gather3A : memref<144x128xf32, #tpu.memory_space<vmem>>[vector<16xi32>, vector<16xi32>], vector<16xf32>,
            %broadcast_in_dim3A_262 = arith.constant 1 : i32
            %broadcast_in_dim3A_263 = vector.broadcast %broadcast_in_dim3A_262 : i32 to vector<16xi32>
            %gather3A_264 = tpu.vector_load_idx %arg7[%broadcast_in_dim3A_263, %min3A_250] : memref<32x2048xf32, #tpu.memory_space<vmem>>[vector<16xi32>, vector<16xi32>], vector<16xf32>,
            %mul3A_265 = arith.constant 16 : i32
            %mul3A_266 = arith.muli %while3A_228, %mul3A_265 : i32
            %add3A_267 = vector.broadcast %mul3A_266 : i32 to vector<16xi32>
            %add3A_268 = arith.addi %add3A_267, %iota3A : vector<16xi32>
            tpu.vector_store_idx %arg13[%add3A_268, %broadcast_in_dim3A_263], %gather3A_264 : memref<144x128xf32, #tpu.memory_space<vmem>>[vector<16xi32>, vector<16xi32>], vector<16xf32>,
            %broadcast_in_dim3A_269 = arith.constant 2 : i32
            %broadcast_in_dim3A_270 = vector.broadcast %broadcast_in_dim3A_269 : i32 to vector<16xi32>
            %gather3A_271 = tpu.vector_load_idx %arg7[%broadcast_in_dim3A_270, %min3A_250] : memref<32x2048xf32, #tpu.memory_space<vmem>>[vector<16xi32>, vector<16xi32>], vector<16xf32>,
            %mul3A_272 = arith.constant 16 : i32
            %mul3A_273 = arith.muli %while3A_228, %mul3A_272 : i32
            %add3A_274 = vector.broadcast %mul3A_273 : i32 to vector<16xi32>
            %add3A_275 = arith.addi %add3A_274, %iota3A : vector<16xi32>
            tpu.vector_store_idx %arg13[%add3A_275, %broadcast_in_dim3A_270], %gather3A_271 : memref<144x128xf32, #tpu.memory_space<vmem>>[vector<16xi32>, vector<16xi32>], vector<16xf32>,
            %broadcast_in_dim3A_276 = arith.constant 3 : i32
            %broadcast_in_dim3A_277 = vector.broadcast %broadcast_in_dim3A_276 : i32 to vector<16xi32>
            %gather3A_278 = tpu.vector_load_idx %arg7[%broadcast_in_dim3A_277, %min3A_250] : memref<32x2048xf32, #tpu.memory_space<vmem>>[vector<16xi32>, vector<16xi32>], vector<16xf32>,
            %mul3A_279 = arith.constant 16 : i32
            %mul3A_280 = arith.muli %while3A_228, %mul3A_279 : i32
            %add3A_281 = vector.broadcast %mul3A_280 : i32 to vector<16xi32>
            %add3A_282 = arith.addi %add3A_281, %iota3A : vector<16xi32>
            tpu.vector_store_idx %arg13[%add3A_282, %broadcast_in_dim3A_277], %gather3A_278 : memref<144x128xf32, #tpu.memory_space<vmem>>[vector<16xi32>, vector<16xi32>], vector<16xf32>,
            %broadcast_in_dim3A_283 = arith.constant 4 : i32
            %broadcast_in_dim3A_284 = vector.broadcast %broadcast_in_dim3A_283 : i32 to vector<16xi32>
            %gather3A_285 = tpu.vector_load_idx %arg7[%broadcast_in_dim3A_284, %min3A_250] : memref<32x2048xf32, #tpu.memory_space<vmem>>[vector<16xi32>, vector<16xi32>], vector<16xf32>,
            %mul3A_286 = arith.constant 16 : i32
            %mul3A_287 = arith.muli %while3A_228, %mul3A_286 : i32
            %add3A_288 = vector.broadcast %mul3A_287 : i32 to vector<16xi32>
            %add3A_289 = arith.addi %add3A_288, %iota3A : vector<16xi32>
            tpu.vector_store_idx %arg13[%add3A_289, %broadcast_in_dim3A_284], %gather3A_285 : memref<144x128xf32, #tpu.memory_space<vmem>>[vector<16xi32>, vector<16xi32>], vector<16xf32>,
            %broadcast_in_dim3A_290 = arith.constant 5 : i32
            %broadcast_in_dim3A_291 = vector.broadcast %broadcast_in_dim3A_290 : i32 to vector<16xi32>
            %gather3A_292 = tpu.vector_load_idx %arg7[%broadcast_in_dim3A_291, %min3A_250] : memref<32x2048xf32, #tpu.memory_space<vmem>>[vector<16xi32>, vector<16xi32>], vector<16xf32>,
            %mul3A_293 = arith.constant 16 : i32
            %mul3A_294 = arith.muli %while3A_228, %mul3A_293 : i32
            %add3A_295 = vector.broadcast %mul3A_294 : i32 to vector<16xi32>
            %add3A_296 = arith.addi %add3A_295, %iota3A : vector<16xi32>
            tpu.vector_store_idx %arg13[%add3A_296, %broadcast_in_dim3A_291], %gather3A_292 : memref<144x128xf32, #tpu.memory_space<vmem>>[vector<16xi32>, vector<16xi32>], vector<16xf32>,
            %broadcast_in_dim3A_297 = arith.constant 6 : i32
            %broadcast_in_dim3A_298 = vector.broadcast %broadcast_in_dim3A_297 : i32 to vector<16xi32>
            %gather3A_299 = tpu.vector_load_idx %arg7[%broadcast_in_dim3A_298, %min3A_250] : memref<32x2048xf32, #tpu.memory_space<vmem>>[vector<16xi32>, vector<16xi32>], vector<16xf32>,
            %mul3A_300 = arith.constant 16 : i32
            %mul3A_301 = arith.muli %while3A_228, %mul3A_300 : i32
            %add3A_302 = vector.broadcast %mul3A_301 : i32 to vector<16xi32>
            %add3A_303 = arith.addi %add3A_302, %iota3A : vector<16xi32>
            tpu.vector_store_idx %arg13[%add3A_303, %broadcast_in_dim3A_298], %gather3A_299 : memref<144x128xf32, #tpu.memory_space<vmem>>[vector<16xi32>, vector<16xi32>], vector<16xf32>,
            %broadcast_in_dim3A_304 = arith.constant 7 : i32
            %broadcast_in_dim3A_305 = vector.broadcast %broadcast_in_dim3A_304 : i32 to vector<16xi32>
            %gather3A_306 = tpu.vector_load_idx %arg7[%broadcast_in_dim3A_305, %min3A_250] : memref<32x2048xf32, #tpu.memory_space<vmem>>[vector<16xi32>, vector<16xi32>], vector<16xf32>,
            %mul3A_307 = arith.constant 16 : i32
            %mul3A_308 = arith.muli %while3A_228, %mul3A_307 : i32
            %add3A_309 = vector.broadcast %mul3A_308 : i32 to vector<16xi32>
            %add3A_310 = arith.addi %add3A_309, %iota3A : vector<16xi32>
            tpu.vector_store_idx %arg13[%add3A_310, %broadcast_in_dim3A_305], %gather3A_306 : memref<144x128xf32, #tpu.memory_space<vmem>>[vector<16xi32>, vector<16xi32>], vector<16xf32>,
            %broadcast_in_dim3A_311 = arith.constant 8 : i32
            %broadcast_in_dim3A_312 = vector.broadcast %broadcast_in_dim3A_311 : i32 to vector<16xi32>
            %gather3A_313 = tpu.vector_load_idx %arg7[%broadcast_in_dim3A_312, %min3A_250] : memref<32x2048xf32, #tpu.memory_space<vmem>>[vector<16xi32>, vector<16xi32>], vector<16xf32>,
            %mul3A_314 = arith.constant 16 : i32
            %mul3A_315 = arith.muli %while3A_228, %mul3A_314 : i32
            %add3A_316 = vector.broadcast %mul3A_315 : i32 to vector<16xi32>
            %add3A_317 = arith.addi %add3A_316, %iota3A : vector<16xi32>
            tpu.vector_store_idx %arg13[%add3A_317, %broadcast_in_dim3A_312], %gather3A_313 : memref<144x128xf32, #tpu.memory_space<vmem>>[vector<16xi32>, vector<16xi32>], vector<16xf32>,
            %broadcast_in_dim3A_318 = arith.constant 9 : i32
            %broadcast_in_dim3A_319 = vector.broadcast %broadcast_in_dim3A_318 : i32 to vector<16xi32>
            %gather3A_320 = tpu.vector_load_idx %arg7[%broadcast_in_dim3A_319, %min3A_250] : memref<32x2048xf32, #tpu.memory_space<vmem>>[vector<16xi32>, vector<16xi32>], vector<16xf32>,
            %mul3A_321 = arith.constant 16 : i32
            %mul3A_322 = arith.muli %while3A_228, %mul3A_321 : i32
            %add3A_323 = vector.broadcast %mul3A_322 : i32 to vector<16xi32>
            %add3A_324 = arith.addi %add3A_323, %iota3A : vector<16xi32>
            tpu.vector_store_idx %arg13[%add3A_324, %broadcast_in_dim3A_319], %gather3A_320 : memref<144x128xf32, #tpu.memory_space<vmem>>[vector<16xi32>, vector<16xi32>], vector<16xf32>,
            %broadcast_in_dim3A_325 = arith.constant 10 : i32
            %broadcast_in_dim3A_326 = vector.broadcast %broadcast_in_dim3A_325 : i32 to vector<16xi32>
            %gather3A_327 = tpu.vector_load_idx %arg7[%broadcast_in_dim3A_326, %min3A_250] : memref<32x2048xf32, #tpu.memory_space<vmem>>[vector<16xi32>, vector<16xi32>], vector<16xf32>,
            %mul3A_328 = arith.constant 16 : i32
            %mul3A_329 = arith.muli %while3A_228, %mul3A_328 : i32
            %add3A_330 = vector.broadcast %mul3A_329 : i32 to vector<16xi32>
            %add3A_331 = arith.addi %add3A_330, %iota3A : vector<16xi32>
            tpu.vector_store_idx %arg13[%add3A_331, %broadcast_in_dim3A_326], %gather3A_327 : memref<144x128xf32, #tpu.memory_space<vmem>>[vector<16xi32>, vector<16xi32>], vector<16xf32>,
            %broadcast_in_dim3A_332 = arith.constant 11 : i32
            %broadcast_in_dim3A_333 = vector.broadcast %broadcast_in_dim3A_332 : i32 to vector<16xi32>
            %gather3A_334 = tpu.vector_load_idx %arg7[%broadcast_in_dim3A_333, %min3A_250] : memref<32x2048xf32, #tpu.memory_space<vmem>>[vector<16xi32>, vector<16xi32>], vector<16xf32>,
            %mul3A_335 = arith.constant 16 : i32
            %mul3A_336 = arith.muli %while3A_228, %mul3A_335 : i32
            %add3A_337 = vector.broadcast %mul3A_336 : i32 to vector<16xi32>
            %add3A_338 = arith.addi %add3A_337, %iota3A : vector<16xi32>
            tpu.vector_store_idx %arg13[%add3A_338, %broadcast_in_dim3A_333], %gather3A_334 : memref<144x128xf32, #tpu.memory_space<vmem>>[vector<16xi32>, vector<16xi32>], vector<16xf32>,
            %broadcast_in_dim3A_339 = arith.constant 12 : i32
            %broadcast_in_dim3A_340 = vector.broadcast %broadcast_in_dim3A_339 : i32 to vector<16xi32>
            %gather3A_341 = tpu.vector_load_idx %arg7[%broadcast_in_dim3A_340, %min3A_250] : memref<32x2048xf32, #tpu.memory_space<vmem>>[vector<16xi32>, vector<16xi32>], vector<16xf32>,
            %mul3A_342 = arith.constant 16 : i32
            %mul3A_343 = arith.muli %while3A_228, %mul3A_342 : i32
            %add3A_344 = vector.broadcast %mul3A_343 : i32 to vector<16xi32>
            %add3A_345 = arith.addi %add3A_344, %iota3A : vector<16xi32>
            tpu.vector_store_idx %arg13[%add3A_345, %broadcast_in_dim3A_340], %gather3A_341 : memref<144x128xf32, #tpu.memory_space<vmem>>[vector<16xi32>, vector<16xi32>], vector<16xf32>,
            %broadcast_in_dim3A_346 = arith.constant 13 : i32
            %broadcast_in_dim3A_347 = vector.broadcast %broadcast_in_dim3A_346 : i32 to vector<16xi32>
            %gather3A_348 = tpu.vector_load_idx %arg7[%broadcast_in_dim3A_347, %min3A_250] : memref<32x2048xf32, #tpu.memory_space<vmem>>[vector<16xi32>, vector<16xi32>], vector<16xf32>,
            %mul3A_349 = arith.constant 16 : i32
            %mul3A_350 = arith.muli %while3A_228, %mul3A_349 : i32
            %add3A_351 = vector.broadcast %mul3A_350 : i32 to vector<16xi32>
            %add3A_352 = arith.addi %add3A_351, %iota3A : vector<16xi32>
            tpu.vector_store_idx %arg13[%add3A_352, %broadcast_in_dim3A_347], %gather3A_348 : memref<144x128xf32, #tpu.memory_space<vmem>>[vector<16xi32>, vector<16xi32>], vector<16xf32>,
            %broadcast_in_dim3A_353 = arith.constant 14 : i32
            %broadcast_in_dim3A_354 = vector.broadcast %broadcast_in_dim3A_353 : i32 to vector<16xi32>
            %gather3A_355 = tpu.vector_load_idx %arg7[%broadcast_in_dim3A_354, %min3A_250] : memref<32x2048xf32, #tpu.memory_space<vmem>>[vector<16xi32>, vector<16xi32>], vector<16xf32>,
            %mul3A_356 = arith.constant 16 : i32
            %mul3A_357 = arith.muli %while3A_228, %mul3A_356 : i32
            %add3A_358 = vector.broadcast %mul3A_357 : i32 to vector<16xi32>
            %add3A_359 = arith.addi %add3A_358, %iota3A : vector<16xi32>
            tpu.vector_store_idx %arg13[%add3A_359, %broadcast_in_dim3A_354], %gather3A_355 : memref<144x128xf32, #tpu.memory_space<vmem>>[vector<16xi32>, vector<16xi32>], vector<16xf32>,
            %broadcast_in_dim3A_360 = arith.constant 15 : i32
            %broadcast_in_dim3A_361 = vector.broadcast %broadcast_in_dim3A_360 : i32 to vector<16xi32>
            %gather3A_362 = tpu.vector_load_idx %arg7[%broadcast_in_dim3A_361, %min3A_250] : memref<32x2048xf32, #tpu.memory_space<vmem>>[vector<16xi32>, vector<16xi32>], vector<16xf32>,
            %mul3A_363 = arith.constant 16 : i32
            %mul3A_364 = arith.muli %while3A_228, %mul3A_363 : i32
            %add3A_365 = vector.broadcast %mul3A_364 : i32 to vector<16xi32>
            %add3A_366 = arith.addi %add3A_365, %iota3A : vector<16xi32>
            tpu.vector_store_idx %arg13[%add3A_366, %broadcast_in_dim3A_361], %gather3A_362 : memref<144x128xf32, #tpu.memory_space<vmem>>[vector<16xi32>, vector<16xi32>], vector<16xf32>,
            %broadcast_in_dim3A_367 = arith.constant 16 : i32
            %broadcast_in_dim3A_368 = vector.broadcast %broadcast_in_dim3A_367 : i32 to vector<16xi32>
            %gather3A_369 = tpu.vector_load_idx %arg7[%broadcast_in_dim3A_368, %min3A_250] : memref<32x2048xf32, #tpu.memory_space<vmem>>[vector<16xi32>, vector<16xi32>], vector<16xf32>,
            %mul3A_370 = arith.constant 16 : i32
            %mul3A_371 = arith.muli %while3A_228, %mul3A_370 : i32
            %add3A_372 = vector.broadcast %mul3A_371 : i32 to vector<16xi32>
            %add3A_373 = arith.addi %add3A_372, %iota3A : vector<16xi32>
            tpu.vector_store_idx %arg13[%add3A_373, %broadcast_in_dim3A_368], %gather3A_369 : memref<144x128xf32, #tpu.memory_space<vmem>>[vector<16xi32>, vector<16xi32>], vector<16xf32>,
            %broadcast_in_dim3A_374 = arith.constant 17 : i32
            %broadcast_in_dim3A_375 = vector.broadcast %broadcast_in_dim3A_374 : i32 to vector<16xi32>
            %gather3A_376 = tpu.vector_load_idx %arg7[%broadcast_in_dim3A_375, %min3A_250] : memref<32x2048xf32, #tpu.memory_space<vmem>>[vector<16xi32>, vector<16xi32>], vector<16xf32>,
            %mul3A_377 = arith.constant 16 : i32
            %mul3A_378 = arith.muli %while3A_228, %mul3A_377 : i32
            %add3A_379 = vector.broadcast %mul3A_378 : i32 to vector<16xi32>
            %add3A_380 = arith.addi %add3A_379, %iota3A : vector<16xi32>
            tpu.vector_store_idx %arg13[%add3A_380, %broadcast_in_dim3A_375], %gather3A_376 : memref<144x128xf32, #tpu.memory_space<vmem>>[vector<16xi32>, vector<16xi32>], vector<16xf32>,
            %broadcast_in_dim3A_381 = arith.constant 18 : i32
            %broadcast_in_dim3A_382 = vector.broadcast %broadcast_in_dim3A_381 : i32 to vector<16xi32>
            %gather3A_383 = tpu.vector_load_idx %arg7[%broadcast_in_dim3A_382, %min3A_250] : memref<32x2048xf32, #tpu.memory_space<vmem>>[vector<16xi32>, vector<16xi32>], vector<16xf32>,
            %mul3A_384 = arith.constant 16 : i32
            %mul3A_385 = arith.muli %while3A_228, %mul3A_384 : i32
            %add3A_386 = vector.broadcast %mul3A_385 : i32 to vector<16xi32>
            %add3A_387 = arith.addi %add3A_386, %iota3A : vector<16xi32>
            tpu.vector_store_idx %arg13[%add3A_387, %broadcast_in_dim3A_382], %gather3A_383 : memref<144x128xf32, #tpu.memory_space<vmem>>[vector<16xi32>, vector<16xi32>], vector<16xf32>,
            %broadcast_in_dim3A_388 = arith.constant 19 : i32
            %broadcast_in_dim3A_389 = vector.broadcast %broadcast_in_dim3A_388 : i32 to vector<16xi32>
            %gather3A_390 = tpu.vector_load_idx %arg7[%broadcast_in_dim3A_389, %min3A_250] : memref<32x2048xf32, #tpu.memory_space<vmem>>[vector<16xi32>, vector<16xi32>], vector<16xf32>,
            %mul3A_391 = arith.constant 16 : i32
            %mul3A_392 = arith.muli %while3A_228, %mul3A_391 : i32
            %add3A_393 = vector.broadcast %mul3A_392 : i32 to vector<16xi32>
            %add3A_394 = arith.addi %add3A_393, %iota3A : vector<16xi32>
            tpu.vector_store_idx %arg13[%add3A_394, %broadcast_in_dim3A_389], %gather3A_390 : memref<144x128xf32, #tpu.memory_space<vmem>>[vector<16xi32>, vector<16xi32>], vector<16xf32>,
            %broadcast_in_dim3A_395 = arith.constant 20 : i32
            %broadcast_in_dim3A_396 = vector.broadcast %broadcast_in_dim3A_395 : i32 to vector<16xi32>
            %gather3A_397 = tpu.vector_load_idx %arg7[%broadcast_in_dim3A_396, %min3A_250] : memref<32x2048xf32, #tpu.memory_space<vmem>>[vector<16xi32>, vector<16xi32>], vector<16xf32>,
            %mul3A_398 = arith.constant 16 : i32
            %mul3A_399 = arith.muli %while3A_228, %mul3A_398 : i32
            %add3A_400 = vector.broadcast %mul3A_399 : i32 to vector<16xi32>
            %add3A_401 = arith.addi %add3A_400, %iota3A : vector<16xi32>
            tpu.vector_store_idx %arg13[%add3A_401, %broadcast_in_dim3A_396], %gather3A_397 : memref<144x128xf32, #tpu.memory_space<vmem>>[vector<16xi32>, vector<16xi32>], vector<16xf32>,
            %broadcast_in_dim3A_402 = arith.constant 21 : i32
            %broadcast_in_dim3A_403 = vector.broadcast %broadcast_in_dim3A_402 : i32 to vector<16xi32>
            %gather3A_404 = tpu.vector_load_idx %arg7[%broadcast_in_dim3A_403, %min3A_250] : memref<32x2048xf32, #tpu.memory_space<vmem>>[vector<16xi32>, vector<16xi32>], vector<16xf32>,
            %mul3A_405 = arith.constant 16 : i32
            %mul3A_406 = arith.muli %while3A_228, %mul3A_405 : i32
            %add3A_407 = vector.broadcast %mul3A_406 : i32 to vector<16xi32>
            %add3A_408 = arith.addi %add3A_407, %iota3A : vector<16xi32>
            tpu.vector_store_idx %arg13[%add3A_408, %broadcast_in_dim3A_403], %gather3A_404 : memref<144x128xf32, #tpu.memory_space<vmem>>[vector<16xi32>, vector<16xi32>], vector<16xf32>,
            %broadcast_in_dim3A_409 = arith.constant 22 : i32
            %broadcast_in_dim3A_410 = vector.broadcast %broadcast_in_dim3A_409 : i32 to vector<16xi32>
            %gather3A_411 = tpu.vector_load_idx %arg7[%broadcast_in_dim3A_410, %min3A_250] : memref<32x2048xf32, #tpu.memory_space<vmem>>[vector<16xi32>, vector<16xi32>], vector<16xf32>,
            %mul3A_412 = arith.constant 16 : i32
            %mul3A_413 = arith.muli %while3A_228, %mul3A_412 : i32
            %add3A_414 = vector.broadcast %mul3A_413 : i32 to vector<16xi32>
            %add3A_415 = arith.addi %add3A_414, %iota3A : vector<16xi32>
            tpu.vector_store_idx %arg13[%add3A_415, %broadcast_in_dim3A_410], %gather3A_411 : memref<144x128xf32, #tpu.memory_space<vmem>>[vector<16xi32>, vector<16xi32>], vector<16xf32>,
            %broadcast_in_dim3A_416 = arith.constant 23 : i32
            %broadcast_in_dim3A_417 = vector.broadcast %broadcast_in_dim3A_416 : i32 to vector<16xi32>
            %gather3A_418 = tpu.vector_load_idx %arg7[%broadcast_in_dim3A_417, %min3A_250] : memref<32x2048xf32, #tpu.memory_space<vmem>>[vector<16xi32>, vector<16xi32>], vector<16xf32>,
            %mul3A_419 = arith.constant 16 : i32
            %mul3A_420 = arith.muli %while3A_228, %mul3A_419 : i32
            %add3A_421 = vector.broadcast %mul3A_420 : i32 to vector<16xi32>
            %add3A_422 = arith.addi %add3A_421, %iota3A : vector<16xi32>
            tpu.vector_store_idx %arg13[%add3A_422, %broadcast_in_dim3A_417], %gather3A_418 : memref<144x128xf32, #tpu.memory_space<vmem>>[vector<16xi32>, vector<16xi32>], vector<16xf32>,
            %broadcast_in_dim3A_423 = arith.constant 24 : i32
            %broadcast_in_dim3A_424 = vector.broadcast %broadcast_in_dim3A_423 : i32 to vector<16xi32>
            %gather3A_425 = tpu.vector_load_idx %arg7[%broadcast_in_dim3A_424, %min3A_250] : memref<32x2048xf32, #tpu.memory_space<vmem>>[vector<16xi32>, vector<16xi32>], vector<16xf32>,
            %mul3A_426 = arith.constant 16 : i32
            %mul3A_427 = arith.muli %while3A_228, %mul3A_426 : i32
            %add3A_428 = vector.broadcast %mul3A_427 : i32 to vector<16xi32>
            %add3A_429 = arith.addi %add3A_428, %iota3A : vector<16xi32>
            tpu.vector_store_idx %arg13[%add3A_429, %broadcast_in_dim3A_424], %gather3A_425 : memref<144x128xf32, #tpu.memory_space<vmem>>[vector<16xi32>, vector<16xi32>], vector<16xf32>,
            %broadcast_in_dim3A_430 = arith.constant 25 : i32
            %broadcast_in_dim3A_431 = vector.broadcast %broadcast_in_dim3A_430 : i32 to vector<16xi32>
            %gather3A_432 = tpu.vector_load_idx %arg7[%broadcast_in_dim3A_431, %min3A_250] : memref<32x2048xf32, #tpu.memory_space<vmem>>[vector<16xi32>, vector<16xi32>], vector<16xf32>,
            %mul3A_433 = arith.constant 16 : i32
            %mul3A_434 = arith.muli %while3A_228, %mul3A_433 : i32
            %add3A_435 = vector.broadcast %mul3A_434 : i32 to vector<16xi32>
            %add3A_436 = arith.addi %add3A_435, %iota3A : vector<16xi32>
            tpu.vector_store_idx %arg13[%add3A_436, %broadcast_in_dim3A_431], %gather3A_432 : memref<144x128xf32, #tpu.memory_space<vmem>>[vector<16xi32>, vector<16xi32>], vector<16xf32>,
            %broadcast_in_dim3A_437 = arith.constant 26 : i32
            %broadcast_in_dim3A_438 = vector.broadcast %broadcast_in_dim3A_437 : i32 to vector<16xi32>
            %gather3A_439 = tpu.vector_load_idx %arg7[%broadcast_in_dim3A_438, %min3A_250] : memref<32x2048xf32, #tpu.memory_space<vmem>>[vector<16xi32>, vector<16xi32>], vector<16xf32>,
            %mul3A_440 = arith.constant 16 : i32
            %mul3A_441 = arith.muli %while3A_228, %mul3A_440 : i32
            %add3A_442 = vector.broadcast %mul3A_441 : i32 to vector<16xi32>
            %add3A_443 = arith.addi %add3A_442, %iota3A : vector<16xi32>
            tpu.vector_store_idx %arg13[%add3A_443, %broadcast_in_dim3A_438], %gather3A_439 : memref<144x128xf32, #tpu.memory_space<vmem>>[vector<16xi32>, vector<16xi32>], vector<16xf32>,
            %broadcast_in_dim3A_444 = arith.constant 27 : i32
            %broadcast_in_dim3A_445 = vector.broadcast %broadcast_in_dim3A_444 : i32 to vector<16xi32>
            %gather3A_446 = tpu.vector_load_idx %arg7[%broadcast_in_dim3A_445, %min3A_250] : memref<32x2048xf32, #tpu.memory_space<vmem>>[vector<16xi32>, vector<16xi32>], vector<16xf32>,
            %mul3A_447 = arith.constant 16 : i32
            %mul3A_448 = arith.muli %while3A_228, %mul3A_447 : i32
            %add3A_449 = vector.broadcast %mul3A_448 : i32 to vector<16xi32>
            %add3A_450 = arith.addi %add3A_449, %iota3A : vector<16xi32>
            tpu.vector_store_idx %arg13[%add3A_450, %broadcast_in_dim3A_445], %gather3A_446 : memref<144x128xf32, #tpu.memory_space<vmem>>[vector<16xi32>, vector<16xi32>], vector<16xf32>,
            %broadcast_in_dim3A_451 = arith.constant 28 : i32
            %broadcast_in_dim3A_452 = vector.broadcast %broadcast_in_dim3A_451 : i32 to vector<16xi32>
            %gather3A_453 = tpu.vector_load_idx %arg7[%broadcast_in_dim3A_452, %min3A_250] : memref<32x2048xf32, #tpu.memory_space<vmem>>[vector<16xi32>, vector<16xi32>], vector<16xf32>,
            %mul3A_454 = arith.constant 16 : i32
            %mul3A_455 = arith.muli %while3A_228, %mul3A_454 : i32
            %add3A_456 = vector.broadcast %mul3A_455 : i32 to vector<16xi32>
            %add3A_457 = arith.addi %add3A_456, %iota3A : vector<16xi32>
            tpu.vector_store_idx %arg13[%add3A_457, %broadcast_in_dim3A_452], %gather3A_453 : memref<144x128xf32, #tpu.memory_space<vmem>>[vector<16xi32>, vector<16xi32>], vector<16xf32>,
            %broadcast_in_dim3A_458 = arith.constant 29 : i32
            %broadcast_in_dim3A_459 = vector.broadcast %broadcast_in_dim3A_458 : i32 to vector<16xi32>
            %gather3A_460 = tpu.vector_load_idx %arg7[%broadcast_in_dim3A_459, %min3A_250] : memref<32x2048xf32, #tpu.memory_space<vmem>>[vector<16xi32>, vector<16xi32>], vector<16xf32>,
            %mul3A_461 = arith.constant 16 : i32
            %mul3A_462 = arith.muli %while3A_228, %mul3A_461 : i32
            %add3A_463 = vector.broadcast %mul3A_462 : i32 to vector<16xi32>
            %add3A_464 = arith.addi %add3A_463, %iota3A : vector<16xi32>
            tpu.vector_store_idx %arg13[%add3A_464, %broadcast_in_dim3A_459], %gather3A_460 : memref<144x128xf32, #tpu.memory_space<vmem>>[vector<16xi32>, vector<16xi32>], vector<16xf32>,
            %broadcast_in_dim3A_465 = arith.constant 30 : i32
            %broadcast_in_dim3A_466 = vector.broadcast %broadcast_in_dim3A_465 : i32 to vector<16xi32>
            %gather3A_467 = tpu.vector_load_idx %arg7[%broadcast_in_dim3A_466, %min3A_250] : memref<32x2048xf32, #tpu.memory_space<vmem>>[vector<16xi32>, vector<16xi32>], vector<16xf32>,
            %mul3A_468 = arith.constant 16 : i32
            %mul3A_469 = arith.muli %while3A_228, %mul3A_468 : i32
            %add3A_470 = vector.broadcast %mul3A_469 : i32 to vector<16xi32>
            %add3A_471 = arith.addi %add3A_470, %iota3A : vector<16xi32>
            tpu.vector_store_idx %arg13[%add3A_471, %broadcast_in_dim3A_466], %gather3A_467 : memref<144x128xf32, #tpu.memory_space<vmem>>[vector<16xi32>, vector<16xi32>], vector<16xf32>,
            %broadcast_in_dim3A_472 = arith.constant 31 : i32
            %broadcast_in_dim3A_473 = vector.broadcast %broadcast_in_dim3A_472 : i32 to vector<16xi32>
            %gather3A_474 = tpu.vector_load_idx %arg7[%broadcast_in_dim3A_473, %min3A_250] : memref<32x2048xf32, #tpu.memory_space<vmem>>[vector<16xi32>, vector<16xi32>], vector<16xf32>,
            %mul3A_475 = arith.constant 16 : i32
            %mul3A_476 = arith.muli %while3A_228, %mul3A_475 : i32
            %add3A_477 = vector.broadcast %mul3A_476 : i32 to vector<16xi32>
            %add3A_478 = arith.addi %add3A_477, %iota3A : vector<16xi32>
            tpu.vector_store_idx %arg13[%add3A_478, %broadcast_in_dim3A_473], %gather3A_474 : memref<144x128xf32, #tpu.memory_space<vmem>>[vector<16xi32>, vector<16xi32>], vector<16xf32>,
            %eq3A_479 = arith.constant 0 : i32
            %eq3A_480 = arith.cmpi eq, %arg0, %eq3A_479 : i32
            %convert_element_type3A_481 = arith.extui %eq3A_480 : i1 to i32
            %cond3A_482 = arith.constant 0 : i32
            %cond3A_483 = arith.cmpi ne, %convert_element_type3A_481, %cond3A_482 : i32
            scf.if %cond3A_483 {
              %mul3A_489 = arith.constant 16 : i32
              %mul3A_490 = arith.muli %while3A_228, %mul3A_489 : i32
              %dma_start3A = arith.constant 0 : i32
              %dma_start3A_491 = tpu.memref_slice %arg13[%mul3A_490, %dma_start3A] : memref<144x128xf32, #tpu.memory_space<vmem>> -> memref<16x128xf32, #tpu.memory_space<vmem>>
              %dma_start3A_492 = arith.constant 0 : i32
              %dma_start3A_493 = tpu.memref_slice %arg14[%while3A_228, %dma_start3A_492] : memref<9x16xi32, #tpu.memory_space<vmem>> -> memref<1x16xi32, #tpu.memory_space<vmem>>
              %dma_start3A_494 = tpu.memref_squeeze %dma_start3A_493 : memref<1x16xi32, #tpu.memory_space<vmem>> -> memref<16xi32, #tpu.memory_space<vmem>>
              %dma_start3A_495 = arith.constant 0 : i32
              %dma_start3A_496 = arith.constant 0 : i32
              %dma_start3A_497 = tpu.memref_slice %arg5[%dma_start3A_495, %dma_start3A_496] : memref<16400x128xf32, #tpu.memory_space<hbm>> -> memref<16400x128xf32, #tpu.memory_space<hbm>>
              tpu.enqueue_indirect_dma source(%dma_start3A_491 : memref<16x128xf32, #tpu.memory_space<vmem>>) target(%dma_start3A_497 : memref<16400x128xf32, #tpu.memory_space<hbm>>) offsets(%dma_start3A_494 : memref<16xi32, #tpu.memory_space<vmem>>) semaphore(%arg17 : memref<!tpu.dma_semaphore, #tpu.memory_space<semaphore_mem>>)
            } else {
            }
            %eq3A_484 = arith.constant 1 : i32
            %eq3A_485 = arith.cmpi eq, %arg0, %eq3A_484 : i32
            %convert_element_type3A_486 = arith.extui %eq3A_485 : i1 to i32
            %cond3A_487 = arith.constant 0 : i32
            %cond3A_488 = arith.cmpi ne, %convert_element_type3A_486, %cond3A_487 : i32
            scf.if %cond3A_488 {
              %mul3A_489 = arith.constant 16 : i32
              %mul3A_490 = arith.muli %while3A_228, %mul3A_489 : i32
              %dma_start3A = arith.constant 0 : i32
              %dma_start3A_491 = tpu.memref_slice %arg13[%mul3A_490, %dma_start3A] : memref<144x128xf32, #tpu.memory_space<vmem>> -> memref<16x128xf32, #tpu.memory_space<vmem>>
              %dma_start3A_492 = arith.constant 0 : i32
              %dma_start3A_493 = tpu.memref_slice %arg14[%while3A_228, %dma_start3A_492] : memref<9x16xi32, #tpu.memory_space<vmem>> -> memref<1x16xi32, #tpu.memory_space<vmem>>
              %dma_start3A_494 = tpu.memref_squeeze %dma_start3A_493 : memref<1x16xi32, #tpu.memory_space<vmem>> -> memref<16xi32, #tpu.memory_space<vmem>>
              %dma_start3A_495 = arith.constant 0 : i32
              %dma_start3A_496 = arith.constant 0 : i32
              %dma_start3A_497 = tpu.memref_slice %arg6[%dma_start3A_495, %dma_start3A_496] : memref<16400x128xf32, #tpu.memory_space<hbm>> -> memref<16400x128xf32, #tpu.memory_space<hbm>>
              tpu.enqueue_indirect_dma source(%dma_start3A_491 : memref<16x128xf32, #tpu.memory_space<vmem>>) target(%dma_start3A_497 : memref<16400x128xf32, #tpu.memory_space<hbm>>) offsets(%dma_start3A_494 : memref<16xi32, #tpu.memory_space<vmem>>) semaphore(%arg17 : memref<!tpu.dma_semaphore, #tpu.memory_space<semaphore_mem>>)
            } else {
            }
          }
          %while3A_217 = arith.constant 1 : i32
          scf.for %while3A_228 = %while3A_215 to %while3A_211 step %while3A_217  : i32 {
            %mul3A_229 = arith.constant 16 : i32
            %mul3A_230 = arith.muli %while3A_228, %mul3A_229 : i32
            %get3A_231 = arith.index_cast %mul3A_230 : i32 to index
            %get3A_232 = tpu.vector_load %arg11[%get3A_231] {strides = array<i32>} : memref<144xi32, #tpu.memory_space<vmem>>, vector<16xi32>,
            %mul3A_233 = arith.constant 16 : i32
            %mul3A_234 = arith.muli %while3A_228, %mul3A_233 : i32
            %get3A_235 = arith.index_cast %mul3A_234 : i32 to index
            %get3A_236 = tpu.vector_load %arg12[%get3A_235] {strides = array<i32>} : memref<144xi32, #tpu.memory_space<vmem>>, vector<16xi32>,
            %mul3A_237 = arith.constant 16 : i32
            %mul3A_238 = arith.muli %while3A_228, %mul3A_237 : i32
            %add3A_239 = vector.broadcast %mul3A_238 : i32 to vector<16xi32>
            %add3A_240 = arith.addi %add3A_239, %iota3A : vector<16xi32>
            %lt3A_241 = vector.broadcast %add3A_175 : i32 to vector<16xi32>
            %lt3A_242 = arith.cmpi slt, %add3A_240, %lt3A_241 : vector<16xi32>
            %mul3A_243 = arith.constant 2048 : i32
            %mul3A_244 = arith.muli %add3A_41, %mul3A_243 : i32
            %sub3A_245 = vector.broadcast %mul3A_244 : i32 to vector<16xi32>
            %sub3A_246 = arith.subi %get3A_232, %sub3A_245 : vector<16xi32>
            %jit3A_247 = arith.constant 0 : i32
            %jit3A_248 = arith.constant 2047 : i32
            %max3A = vector.broadcast %jit3A_247 : i32 to vector<16xi32>
            %max3A_249 = arith.maxsi %max3A, %sub3A_246 : vector<16xi32>
            %min3A = vector.broadcast %jit3A_248 : i32 to vector<16xi32>
            %min3A_250 = arith.minsi %min3A, %max3A_249 : vector<16xi32>
            %add3A_251 = arith.constant 16384 : i32
            %add3A_252 = vector.broadcast %add3A_251 : i32 to vector<16xi32>
            %add3A_253 = arith.addi %add3A_252, %iota3A : vector<16xi32>
            %select_n3A_254 = arith.select %lt3A_242, %get3A_236, %add3A_253 : vector<16xi1>, vector<16xi32>
            %broadcast_in_dim3A_255 = vector.broadcast %while3A_228 : i32 to vector<16xi32>
            tpu.vector_store_idx %arg14[%broadcast_in_dim3A_255, %iota3A], %select_n3A_254 : memref<9x16xi32, #tpu.memory_space<vmem>>[vector<16xi32>, vector<16xi32>], vector<16xi32>,
            %broadcast_in_dim3A_256 = arith.constant 0 : i32
            %broadcast_in_dim3A_257 = vector.broadcast %broadcast_in_dim3A_256 : i32 to vector<16xi32>
            %gather3A = tpu.vector_load_idx %arg7[%broadcast_in_dim3A_257, %min3A_250] : memref<32x2048xf32, #tpu.memory_space<vmem>>[vector<16xi32>, vector<16xi32>], vector<16xf32>,
            %mul3A_258 = arith.constant 16 : i32
            %mul3A_259 = arith.muli %while3A_228, %mul3A_258 : i32
            %add3A_260 = vector.broadcast %mul3A_259 : i32 to vector<16xi32>
            %add3A_261 = arith.addi %add3A_260, %iota3A : vector<16xi32>
            tpu.vector_store_idx %arg13[%add3A_261, %broadcast_in_dim3A_257], %gather3A : memref<144x128xf32, #tpu.memory_space<vmem>>[vector<16xi32>, vector<16xi32>], vector<16xf32>,
            %broadcast_in_dim3A_262 = arith.constant 1 : i32
            %broadcast_in_dim3A_263 = vector.broadcast %broadcast_in_dim3A_262 : i32 to vector<16xi32>
            %gather3A_264 = tpu.vector_load_idx %arg7[%broadcast_in_dim3A_263, %min3A_250] : memref<32x2048xf32, #tpu.memory_space<vmem>>[vector<16xi32>, vector<16xi32>], vector<16xf32>,
            %mul3A_265 = arith.constant 16 : i32
            %mul3A_266 = arith.muli %while3A_228, %mul3A_265 : i32
            %add3A_267 = vector.broadcast %mul3A_266 : i32 to vector<16xi32>
            %add3A_268 = arith.addi %add3A_267, %iota3A : vector<16xi32>
            tpu.vector_store_idx %arg13[%add3A_268, %broadcast_in_dim3A_263], %gather3A_264 : memref<144x128xf32, #tpu.memory_space<vmem>>[vector<16xi32>, vector<16xi32>], vector<16xf32>,
            %broadcast_in_dim3A_269 = arith.constant 2 : i32
            %broadcast_in_dim3A_270 = vector.broadcast %broadcast_in_dim3A_269 : i32 to vector<16xi32>
            %gather3A_271 = tpu.vector_load_idx %arg7[%broadcast_in_dim3A_270, %min3A_250] : memref<32x2048xf32, #tpu.memory_space<vmem>>[vector<16xi32>, vector<16xi32>], vector<16xf32>,
            %mul3A_272 = arith.constant 16 : i32
            %mul3A_273 = arith.muli %while3A_228, %mul3A_272 : i32
            %add3A_274 = vector.broadcast %mul3A_273 : i32 to vector<16xi32>
            %add3A_275 = arith.addi %add3A_274, %iota3A : vector<16xi32>
            tpu.vector_store_idx %arg13[%add3A_275, %broadcast_in_dim3A_270], %gather3A_271 : memref<144x128xf32, #tpu.memory_space<vmem>>[vector<16xi32>, vector<16xi32>], vector<16xf32>,
            %broadcast_in_dim3A_276 = arith.constant 3 : i32
            %broadcast_in_dim3A_277 = vector.broadcast %broadcast_in_dim3A_276 : i32 to vector<16xi32>
            %gather3A_278 = tpu.vector_load_idx %arg7[%broadcast_in_dim3A_277, %min3A_250] : memref<32x2048xf32, #tpu.memory_space<vmem>>[vector<16xi32>, vector<16xi32>], vector<16xf32>,
            %mul3A_279 = arith.constant 16 : i32
            %mul3A_280 = arith.muli %while3A_228, %mul3A_279 : i32
            %add3A_281 = vector.broadcast %mul3A_280 : i32 to vector<16xi32>
            %add3A_282 = arith.addi %add3A_281, %iota3A : vector<16xi32>
            tpu.vector_store_idx %arg13[%add3A_282, %broadcast_in_dim3A_277], %gather3A_278 : memref<144x128xf32, #tpu.memory_space<vmem>>[vector<16xi32>, vector<16xi32>], vector<16xf32>,
            %broadcast_in_dim3A_283 = arith.constant 4 : i32
            %broadcast_in_dim3A_284 = vector.broadcast %broadcast_in_dim3A_283 : i32 to vector<16xi32>
            %gather3A_285 = tpu.vector_load_idx %arg7[%broadcast_in_dim3A_284, %min3A_250] : memref<32x2048xf32, #tpu.memory_space<vmem>>[vector<16xi32>, vector<16xi32>], vector<16xf32>,
            %mul3A_286 = arith.constant 16 : i32
            %mul3A_287 = arith.muli %while3A_228, %mul3A_286 : i32
            %add3A_288 = vector.broadcast %mul3A_287 : i32 to vector<16xi32>
            %add3A_289 = arith.addi %add3A_288, %iota3A : vector<16xi32>
            tpu.vector_store_idx %arg13[%add3A_289, %broadcast_in_dim3A_284], %gather3A_285 : memref<144x128xf32, #tpu.memory_space<vmem>>[vector<16xi32>, vector<16xi32>], vector<16xf32>,
            %broadcast_in_dim3A_290 = arith.constant 5 : i32
            %broadcast_in_dim3A_291 = vector.broadcast %broadcast_in_dim3A_290 : i32 to vector<16xi32>
            %gather3A_292 = tpu.vector_load_idx %arg7[%broadcast_in_dim3A_291, %min3A_250] : memref<32x2048xf32, #tpu.memory_space<vmem>>[vector<16xi32>, vector<16xi32>], vector<16xf32>,
            %mul3A_293 = arith.constant 16 : i32
            %mul3A_294 = arith.muli %while3A_228, %mul3A_293 : i32
            %add3A_295 = vector.broadcast %mul3A_294 : i32 to vector<16xi32>
            %add3A_296 = arith.addi %add3A_295, %iota3A : vector<16xi32>
            tpu.vector_store_idx %arg13[%add3A_296, %broadcast_in_dim3A_291], %gather3A_292 : memref<144x128xf32, #tpu.memory_space<vmem>>[vector<16xi32>, vector<16xi32>], vector<16xf32>,
            %broadcast_in_dim3A_297 = arith.constant 6 : i32
            %broadcast_in_dim3A_298 = vector.broadcast %broadcast_in_dim3A_297 : i32 to vector<16xi32>
            %gather3A_299 = tpu.vector_load_idx %arg7[%broadcast_in_dim3A_298, %min3A_250] : memref<32x2048xf32, #tpu.memory_space<vmem>>[vector<16xi32>, vector<16xi32>], vector<16xf32>,
            %mul3A_300 = arith.constant 16 : i32
            %mul3A_301 = arith.muli %while3A_228, %mul3A_300 : i32
            %add3A_302 = vector.broadcast %mul3A_301 : i32 to vector<16xi32>
            %add3A_303 = arith.addi %add3A_302, %iota3A : vector<16xi32>
            tpu.vector_store_idx %arg13[%add3A_303, %broadcast_in_dim3A_298], %gather3A_299 : memref<144x128xf32, #tpu.memory_space<vmem>>[vector<16xi32>, vector<16xi32>], vector<16xf32>,
            %broadcast_in_dim3A_304 = arith.constant 7 : i32
            %broadcast_in_dim3A_305 = vector.broadcast %broadcast_in_dim3A_304 : i32 to vector<16xi32>
            %gather3A_306 = tpu.vector_load_idx %arg7[%broadcast_in_dim3A_305, %min3A_250] : memref<32x2048xf32, #tpu.memory_space<vmem>>[vector<16xi32>, vector<16xi32>], vector<16xf32>,
            %mul3A_307 = arith.constant 16 : i32
            %mul3A_308 = arith.muli %while3A_228, %mul3A_307 : i32
            %add3A_309 = vector.broadcast %mul3A_308 : i32 to vector<16xi32>
            %add3A_310 = arith.addi %add3A_309, %iota3A : vector<16xi32>
            tpu.vector_store_idx %arg13[%add3A_310, %broadcast_in_dim3A_305], %gather3A_306 : memref<144x128xf32, #tpu.memory_space<vmem>>[vector<16xi32>, vector<16xi32>], vector<16xf32>,
            %broadcast_in_dim3A_311 = arith.constant 8 : i32
            %broadcast_in_dim3A_312 = vector.broadcast %broadcast_in_dim3A_311 : i32 to vector<16xi32>
            %gather3A_313 = tpu.vector_load_idx %arg7[%broadcast_in_dim3A_312, %min3A_250] : memref<32x2048xf32, #tpu.memory_space<vmem>>[vector<16xi32>, vector<16xi32>], vector<16xf32>,
            %mul3A_314 = arith.constant 16 : i32
            %mul3A_315 = arith.muli %while3A_228, %mul3A_314 : i32
            %add3A_316 = vector.broadcast %mul3A_315 : i32 to vector<16xi32>
            %add3A_317 = arith.addi %add3A_316, %iota3A : vector<16xi32>
            tpu.vector_store_idx %arg13[%add3A_317, %broadcast_in_dim3A_312], %gather3A_313 : memref<144x128xf32, #tpu.memory_space<vmem>>[vector<16xi32>, vector<16xi32>], vector<16xf32>,
            %broadcast_in_dim3A_318 = arith.constant 9 : i32
            %broadcast_in_dim3A_319 = vector.broadcast %broadcast_in_dim3A_318 : i32 to vector<16xi32>
            %gather3A_320 = tpu.vector_load_idx %arg7[%broadcast_in_dim3A_319, %min3A_250] : memref<32x2048xf32, #tpu.memory_space<vmem>>[vector<16xi32>, vector<16xi32>], vector<16xf32>,
            %mul3A_321 = arith.constant 16 : i32
            %mul3A_322 = arith.muli %while3A_228, %mul3A_321 : i32
            %add3A_323 = vector.broadcast %mul3A_322 : i32 to vector<16xi32>
            %add3A_324 = arith.addi %add3A_323, %iota3A : vector<16xi32>
            tpu.vector_store_idx %arg13[%add3A_324, %broadcast_in_dim3A_319], %gather3A_320 : memref<144x128xf32, #tpu.memory_space<vmem>>[vector<16xi32>, vector<16xi32>], vector<16xf32>,
            %broadcast_in_dim3A_325 = arith.constant 10 : i32
            %broadcast_in_dim3A_326 = vector.broadcast %broadcast_in_dim3A_325 : i32 to vector<16xi32>
            %gather3A_327 = tpu.vector_load_idx %arg7[%broadcast_in_dim3A_326, %min3A_250] : memref<32x2048xf32, #tpu.memory_space<vmem>>[vector<16xi32>, vector<16xi32>], vector<16xf32>,
            %mul3A_328 = arith.constant 16 : i32
            %mul3A_329 = arith.muli %while3A_228, %mul3A_328 : i32
            %add3A_330 = vector.broadcast %mul3A_329 : i32 to vector<16xi32>
            %add3A_331 = arith.addi %add3A_330, %iota3A : vector<16xi32>
            tpu.vector_store_idx %arg13[%add3A_331, %broadcast_in_dim3A_326], %gather3A_327 : memref<144x128xf32, #tpu.memory_space<vmem>>[vector<16xi32>, vector<16xi32>], vector<16xf32>,
            %broadcast_in_dim3A_332 = arith.constant 11 : i32
            %broadcast_in_dim3A_333 = vector.broadcast %broadcast_in_dim3A_332 : i32 to vector<16xi32>
            %gather3A_334 = tpu.vector_load_idx %arg7[%broadcast_in_dim3A_333, %min3A_250] : memref<32x2048xf32, #tpu.memory_space<vmem>>[vector<16xi32>, vector<16xi32>], vector<16xf32>,
            %mul3A_335 = arith.constant 16 : i32
            %mul3A_336 = arith.muli %while3A_228, %mul3A_335 : i32
            %add3A_337 = vector.broadcast %mul3A_336 : i32 to vector<16xi32>
            %add3A_338 = arith.addi %add3A_337, %iota3A : vector<16xi32>
            tpu.vector_store_idx %arg13[%add3A_338, %broadcast_in_dim3A_333], %gather3A_334 : memref<144x128xf32, #tpu.memory_space<vmem>>[vector<16xi32>, vector<16xi32>], vector<16xf32>,
            %broadcast_in_dim3A_339 = arith.constant 12 : i32
            %broadcast_in_dim3A_340 = vector.broadcast %broadcast_in_dim3A_339 : i32 to vector<16xi32>
            %gather3A_341 = tpu.vector_load_idx %arg7[%broadcast_in_dim3A_340, %min3A_250] : memref<32x2048xf32, #tpu.memory_space<vmem>>[vector<16xi32>, vector<16xi32>], vector<16xf32>,
            %mul3A_342 = arith.constant 16 : i32
            %mul3A_343 = arith.muli %while3A_228, %mul3A_342 : i32
            %add3A_344 = vector.broadcast %mul3A_343 : i32 to vector<16xi32>
            %add3A_345 = arith.addi %add3A_344, %iota3A : vector<16xi32>
            tpu.vector_store_idx %arg13[%add3A_345, %broadcast_in_dim3A_340], %gather3A_341 : memref<144x128xf32, #tpu.memory_space<vmem>>[vector<16xi32>, vector<16xi32>], vector<16xf32>,
            %broadcast_in_dim3A_346 = arith.constant 13 : i32
            %broadcast_in_dim3A_347 = vector.broadcast %broadcast_in_dim3A_346 : i32 to vector<16xi32>
            %gather3A_348 = tpu.vector_load_idx %arg7[%broadcast_in_dim3A_347, %min3A_250] : memref<32x2048xf32, #tpu.memory_space<vmem>>[vector<16xi32>, vector<16xi32>], vector<16xf32>,
            %mul3A_349 = arith.constant 16 : i32
            %mul3A_350 = arith.muli %while3A_228, %mul3A_349 : i32
            %add3A_351 = vector.broadcast %mul3A_350 : i32 to vector<16xi32>
            %add3A_352 = arith.addi %add3A_351, %iota3A : vector<16xi32>
            tpu.vector_store_idx %arg13[%add3A_352, %broadcast_in_dim3A_347], %gather3A_348 : memref<144x128xf32, #tpu.memory_space<vmem>>[vector<16xi32>, vector<16xi32>], vector<16xf32>,
            %broadcast_in_dim3A_353 = arith.constant 14 : i32
            %broadcast_in_dim3A_354 = vector.broadcast %broadcast_in_dim3A_353 : i32 to vector<16xi32>
            %gather3A_355 = tpu.vector_load_idx %arg7[%broadcast_in_dim3A_354, %min3A_250] : memref<32x2048xf32, #tpu.memory_space<vmem>>[vector<16xi32>, vector<16xi32>], vector<16xf32>,
            %mul3A_356 = arith.constant 16 : i32
            %mul3A_357 = arith.muli %while3A_228, %mul3A_356 : i32
            %add3A_358 = vector.broadcast %mul3A_357 : i32 to vector<16xi32>
            %add3A_359 = arith.addi %add3A_358, %iota3A : vector<16xi32>
            tpu.vector_store_idx %arg13[%add3A_359, %broadcast_in_dim3A_354], %gather3A_355 : memref<144x128xf32, #tpu.memory_space<vmem>>[vector<16xi32>, vector<16xi32>], vector<16xf32>,
            %broadcast_in_dim3A_360 = arith.constant 15 : i32
            %broadcast_in_dim3A_361 = vector.broadcast %broadcast_in_dim3A_360 : i32 to vector<16xi32>
            %gather3A_362 = tpu.vector_load_idx %arg7[%broadcast_in_dim3A_361, %min3A_250] : memref<32x2048xf32, #tpu.memory_space<vmem>>[vector<16xi32>, vector<16xi32>], vector<16xf32>,
            %mul3A_363 = arith.constant 16 : i32
            %mul3A_364 = arith.muli %while3A_228, %mul3A_363 : i32
            %add3A_365 = vector.broadcast %mul3A_364 : i32 to vector<16xi32>
            %add3A_366 = arith.addi %add3A_365, %iota3A : vector<16xi32>
            tpu.vector_store_idx %arg13[%add3A_366, %broadcast_in_dim3A_361], %gather3A_362 : memref<144x128xf32, #tpu.memory_space<vmem>>[vector<16xi32>, vector<16xi32>], vector<16xf32>,
            %broadcast_in_dim3A_367 = arith.constant 16 : i32
            %broadcast_in_dim3A_368 = vector.broadcast %broadcast_in_dim3A_367 : i32 to vector<16xi32>
            %gather3A_369 = tpu.vector_load_idx %arg7[%broadcast_in_dim3A_368, %min3A_250] : memref<32x2048xf32, #tpu.memory_space<vmem>>[vector<16xi32>, vector<16xi32>], vector<16xf32>,
            %mul3A_370 = arith.constant 16 : i32
            %mul3A_371 = arith.muli %while3A_228, %mul3A_370 : i32
            %add3A_372 = vector.broadcast %mul3A_371 : i32 to vector<16xi32>
            %add3A_373 = arith.addi %add3A_372, %iota3A : vector<16xi32>
            tpu.vector_store_idx %arg13[%add3A_373, %broadcast_in_dim3A_368], %gather3A_369 : memref<144x128xf32, #tpu.memory_space<vmem>>[vector<16xi32>, vector<16xi32>], vector<16xf32>,
            %broadcast_in_dim3A_374 = arith.constant 17 : i32
            %broadcast_in_dim3A_375 = vector.broadcast %broadcast_in_dim3A_374 : i32 to vector<16xi32>
            %gather3A_376 = tpu.vector_load_idx %arg7[%broadcast_in_dim3A_375, %min3A_250] : memref<32x2048xf32, #tpu.memory_space<vmem>>[vector<16xi32>, vector<16xi32>], vector<16xf32>,
            %mul3A_377 = arith.constant 16 : i32
            %mul3A_378 = arith.muli %while3A_228, %mul3A_377 : i32
            %add3A_379 = vector.broadcast %mul3A_378 : i32 to vector<16xi32>
            %add3A_380 = arith.addi %add3A_379, %iota3A : vector<16xi32>
            tpu.vector_store_idx %arg13[%add3A_380, %broadcast_in_dim3A_375], %gather3A_376 : memref<144x128xf32, #tpu.memory_space<vmem>>[vector<16xi32>, vector<16xi32>], vector<16xf32>,
            %broadcast_in_dim3A_381 = arith.constant 18 : i32
            %broadcast_in_dim3A_382 = vector.broadcast %broadcast_in_dim3A_381 : i32 to vector<16xi32>
            %gather3A_383 = tpu.vector_load_idx %arg7[%broadcast_in_dim3A_382, %min3A_250] : memref<32x2048xf32, #tpu.memory_space<vmem>>[vector<16xi32>, vector<16xi32>], vector<16xf32>,
            %mul3A_384 = arith.constant 16 : i32
            %mul3A_385 = arith.muli %while3A_228, %mul3A_384 : i32
            %add3A_386 = vector.broadcast %mul3A_385 : i32 to vector<16xi32>
            %add3A_387 = arith.addi %add3A_386, %iota3A : vector<16xi32>
            tpu.vector_store_idx %arg13[%add3A_387, %broadcast_in_dim3A_382], %gather3A_383 : memref<144x128xf32, #tpu.memory_space<vmem>>[vector<16xi32>, vector<16xi32>], vector<16xf32>,
            %broadcast_in_dim3A_388 = arith.constant 19 : i32
            %broadcast_in_dim3A_389 = vector.broadcast %broadcast_in_dim3A_388 : i32 to vector<16xi32>
            %gather3A_390 = tpu.vector_load_idx %arg7[%broadcast_in_dim3A_389, %min3A_250] : memref<32x2048xf32, #tpu.memory_space<vmem>>[vector<16xi32>, vector<16xi32>], vector<16xf32>,
            %mul3A_391 = arith.constant 16 : i32
            %mul3A_392 = arith.muli %while3A_228, %mul3A_391 : i32
            %add3A_393 = vector.broadcast %mul3A_392 : i32 to vector<16xi32>
            %add3A_394 = arith.addi %add3A_393, %iota3A : vector<16xi32>
            tpu.vector_store_idx %arg13[%add3A_394, %broadcast_in_dim3A_389], %gather3A_390 : memref<144x128xf32, #tpu.memory_space<vmem>>[vector<16xi32>, vector<16xi32>], vector<16xf32>,
            %broadcast_in_dim3A_395 = arith.constant 20 : i32
            %broadcast_in_dim3A_396 = vector.broadcast %broadcast_in_dim3A_395 : i32 to vector<16xi32>
            %gather3A_397 = tpu.vector_load_idx %arg7[%broadcast_in_dim3A_396, %min3A_250] : memref<32x2048xf32, #tpu.memory_space<vmem>>[vector<16xi32>, vector<16xi32>], vector<16xf32>,
            %mul3A_398 = arith.constant 16 : i32
            %mul3A_399 = arith.muli %while3A_228, %mul3A_398 : i32
            %add3A_400 = vector.broadcast %mul3A_399 : i32 to vector<16xi32>
            %add3A_401 = arith.addi %add3A_400, %iota3A : vector<16xi32>
            tpu.vector_store_idx %arg13[%add3A_401, %broadcast_in_dim3A_396], %gather3A_397 : memref<144x128xf32, #tpu.memory_space<vmem>>[vector<16xi32>, vector<16xi32>], vector<16xf32>,
            %broadcast_in_dim3A_402 = arith.constant 21 : i32
            %broadcast_in_dim3A_403 = vector.broadcast %broadcast_in_dim3A_402 : i32 to vector<16xi32>
            %gather3A_404 = tpu.vector_load_idx %arg7[%broadcast_in_dim3A_403, %min3A_250] : memref<32x2048xf32, #tpu.memory_space<vmem>>[vector<16xi32>, vector<16xi32>], vector<16xf32>,
            %mul3A_405 = arith.constant 16 : i32
            %mul3A_406 = arith.muli %while3A_228, %mul3A_405 : i32
            %add3A_407 = vector.broadcast %mul3A_406 : i32 to vector<16xi32>
            %add3A_408 = arith.addi %add3A_407, %iota3A : vector<16xi32>
            tpu.vector_store_idx %arg13[%add3A_408, %broadcast_in_dim3A_403], %gather3A_404 : memref<144x128xf32, #tpu.memory_space<vmem>>[vector<16xi32>, vector<16xi32>], vector<16xf32>,
            %broadcast_in_dim3A_409 = arith.constant 22 : i32
            %broadcast_in_dim3A_410 = vector.broadcast %broadcast_in_dim3A_409 : i32 to vector<16xi32>
            %gather3A_411 = tpu.vector_load_idx %arg7[%broadcast_in_dim3A_410, %min3A_250] : memref<32x2048xf32, #tpu.memory_space<vmem>>[vector<16xi32>, vector<16xi32>], vector<16xf32>,
            %mul3A_412 = arith.constant 16 : i32
            %mul3A_413 = arith.muli %while3A_228, %mul3A_412 : i32
            %add3A_414 = vector.broadcast %mul3A_413 : i32 to vector<16xi32>
            %add3A_415 = arith.addi %add3A_414, %iota3A : vector<16xi32>
            tpu.vector_store_idx %arg13[%add3A_415, %broadcast_in_dim3A_410], %gather3A_411 : memref<144x128xf32, #tpu.memory_space<vmem>>[vector<16xi32>, vector<16xi32>], vector<16xf32>,
            %broadcast_in_dim3A_416 = arith.constant 23 : i32
            %broadcast_in_dim3A_417 = vector.broadcast %broadcast_in_dim3A_416 : i32 to vector<16xi32>
            %gather3A_418 = tpu.vector_load_idx %arg7[%broadcast_in_dim3A_417, %min3A_250] : memref<32x2048xf32, #tpu.memory_space<vmem>>[vector<16xi32>, vector<16xi32>], vector<16xf32>,
            %mul3A_419 = arith.constant 16 : i32
            %mul3A_420 = arith.muli %while3A_228, %mul3A_419 : i32
            %add3A_421 = vector.broadcast %mul3A_420 : i32 to vector<16xi32>
            %add3A_422 = arith.addi %add3A_421, %iota3A : vector<16xi32>
            tpu.vector_store_idx %arg13[%add3A_422, %broadcast_in_dim3A_417], %gather3A_418 : memref<144x128xf32, #tpu.memory_space<vmem>>[vector<16xi32>, vector<16xi32>], vector<16xf32>,
            %broadcast_in_dim3A_423 = arith.constant 24 : i32
            %broadcast_in_dim3A_424 = vector.broadcast %broadcast_in_dim3A_423 : i32 to vector<16xi32>
            %gather3A_425 = tpu.vector_load_idx %arg7[%broadcast_in_dim3A_424, %min3A_250] : memref<32x2048xf32, #tpu.memory_space<vmem>>[vector<16xi32>, vector<16xi32>], vector<16xf32>,
            %mul3A_426 = arith.constant 16 : i32
            %mul3A_427 = arith.muli %while3A_228, %mul3A_426 : i32
            %add3A_428 = vector.broadcast %mul3A_427 : i32 to vector<16xi32>
            %add3A_429 = arith.addi %add3A_428, %iota3A : vector<16xi32>
            tpu.vector_store_idx %arg13[%add3A_429, %broadcast_in_dim3A_424], %gather3A_425 : memref<144x128xf32, #tpu.memory_space<vmem>>[vector<16xi32>, vector<16xi32>], vector<16xf32>,
            %broadcast_in_dim3A_430 = arith.constant 25 : i32
            %broadcast_in_dim3A_431 = vector.broadcast %broadcast_in_dim3A_430 : i32 to vector<16xi32>
            %gather3A_432 = tpu.vector_load_idx %arg7[%broadcast_in_dim3A_431, %min3A_250] : memref<32x2048xf32, #tpu.memory_space<vmem>>[vector<16xi32>, vector<16xi32>], vector<16xf32>,
            %mul3A_433 = arith.constant 16 : i32
            %mul3A_434 = arith.muli %while3A_228, %mul3A_433 : i32
            %add3A_435 = vector.broadcast %mul3A_434 : i32 to vector<16xi32>
            %add3A_436 = arith.addi %add3A_435, %iota3A : vector<16xi32>
            tpu.vector_store_idx %arg13[%add3A_436, %broadcast_in_dim3A_431], %gather3A_432 : memref<144x128xf32, #tpu.memory_space<vmem>>[vector<16xi32>, vector<16xi32>], vector<16xf32>,
            %broadcast_in_dim3A_437 = arith.constant 26 : i32
            %broadcast_in_dim3A_438 = vector.broadcast %broadcast_in_dim3A_437 : i32 to vector<16xi32>
            %gather3A_439 = tpu.vector_load_idx %arg7[%broadcast_in_dim3A_438, %min3A_250] : memref<32x2048xf32, #tpu.memory_space<vmem>>[vector<16xi32>, vector<16xi32>], vector<16xf32>,
            %mul3A_440 = arith.constant 16 : i32
            %mul3A_441 = arith.muli %while3A_228, %mul3A_440 : i32
            %add3A_442 = vector.broadcast %mul3A_441 : i32 to vector<16xi32>
            %add3A_443 = arith.addi %add3A_442, %iota3A : vector<16xi32>
            tpu.vector_store_idx %arg13[%add3A_443, %broadcast_in_dim3A_438], %gather3A_439 : memref<144x128xf32, #tpu.memory_space<vmem>>[vector<16xi32>, vector<16xi32>], vector<16xf32>,
            %broadcast_in_dim3A_444 = arith.constant 27 : i32
            %broadcast_in_dim3A_445 = vector.broadcast %broadcast_in_dim3A_444 : i32 to vector<16xi32>
            %gather3A_446 = tpu.vector_load_idx %arg7[%broadcast_in_dim3A_445, %min3A_250] : memref<32x2048xf32, #tpu.memory_space<vmem>>[vector<16xi32>, vector<16xi32>], vector<16xf32>,
            %mul3A_447 = arith.constant 16 : i32
            %mul3A_448 = arith.muli %while3A_228, %mul3A_447 : i32
            %add3A_449 = vector.broadcast %mul3A_448 : i32 to vector<16xi32>
            %add3A_450 = arith.addi %add3A_449, %iota3A : vector<16xi32>
            tpu.vector_store_idx %arg13[%add3A_450, %broadcast_in_dim3A_445], %gather3A_446 : memref<144x128xf32, #tpu.memory_space<vmem>>[vector<16xi32>, vector<16xi32>], vector<16xf32>,
            %broadcast_in_dim3A_451 = arith.constant 28 : i32
            %broadcast_in_dim3A_452 = vector.broadcast %broadcast_in_dim3A_451 : i32 to vector<16xi32>
            %gather3A_453 = tpu.vector_load_idx %arg7[%broadcast_in_dim3A_452, %min3A_250] : memref<32x2048xf32, #tpu.memory_space<vmem>>[vector<16xi32>, vector<16xi32>], vector<16xf32>,
            %mul3A_454 = arith.constant 16 : i32
            %mul3A_455 = arith.muli %while3A_228, %mul3A_454 : i32
            %add3A_456 = vector.broadcast %mul3A_455 : i32 to vector<16xi32>
            %add3A_457 = arith.addi %add3A_456, %iota3A : vector<16xi32>
            tpu.vector_store_idx %arg13[%add3A_457, %broadcast_in_dim3A_452], %gather3A_453 : memref<144x128xf32, #tpu.memory_space<vmem>>[vector<16xi32>, vector<16xi32>], vector<16xf32>,
            %broadcast_in_dim3A_458 = arith.constant 29 : i32
            %broadcast_in_dim3A_459 = vector.broadcast %broadcast_in_dim3A_458 : i32 to vector<16xi32>
            %gather3A_460 = tpu.vector_load_idx %arg7[%broadcast_in_dim3A_459, %min3A_250] : memref<32x2048xf32, #tpu.memory_space<vmem>>[vector<16xi32>, vector<16xi32>], vector<16xf32>,
            %mul3A_461 = arith.constant 16 : i32
            %mul3A_462 = arith.muli %while3A_228, %mul3A_461 : i32
            %add3A_463 = vector.broadcast %mul3A_462 : i32 to vector<16xi32>
            %add3A_464 = arith.addi %add3A_463, %iota3A : vector<16xi32>
            tpu.vector_store_idx %arg13[%add3A_464, %broadcast_in_dim3A_459], %gather3A_460 : memref<144x128xf32, #tpu.memory_space<vmem>>[vector<16xi32>, vector<16xi32>], vector<16xf32>,
            %broadcast_in_dim3A_465 = arith.constant 30 : i32
            %broadcast_in_dim3A_466 = vector.broadcast %broadcast_in_dim3A_465 : i32 to vector<16xi32>
            %gather3A_467 = tpu.vector_load_idx %arg7[%broadcast_in_dim3A_466, %min3A_250] : memref<32x2048xf32, #tpu.memory_space<vmem>>[vector<16xi32>, vector<16xi32>], vector<16xf32>,
            %mul3A_468 = arith.constant 16 : i32
            %mul3A_469 = arith.muli %while3A_228, %mul3A_468 : i32
            %add3A_470 = vector.broadcast %mul3A_469 : i32 to vector<16xi32>
            %add3A_471 = arith.addi %add3A_470, %iota3A : vector<16xi32>
            tpu.vector_store_idx %arg13[%add3A_471, %broadcast_in_dim3A_466], %gather3A_467 : memref<144x128xf32, #tpu.memory_space<vmem>>[vector<16xi32>, vector<16xi32>], vector<16xf32>,
            %broadcast_in_dim3A_472 = arith.constant 31 : i32
            %broadcast_in_dim3A_473 = vector.broadcast %broadcast_in_dim3A_472 : i32 to vector<16xi32>
            %gather3A_474 = tpu.vector_load_idx %arg7[%broadcast_in_dim3A_473, %min3A_250] : memref<32x2048xf32, #tpu.memory_space<vmem>>[vector<16xi32>, vector<16xi32>], vector<16xf32>,
            %mul3A_475 = arith.constant 16 : i32
            %mul3A_476 = arith.muli %while3A_228, %mul3A_475 : i32
            %add3A_477 = vector.broadcast %mul3A_476 : i32 to vector<16xi32>
            %add3A_478 = arith.addi %add3A_477, %iota3A : vector<16xi32>
            tpu.vector_store_idx %arg13[%add3A_478, %broadcast_in_dim3A_473], %gather3A_474 : memref<144x128xf32, #tpu.memory_space<vmem>>[vector<16xi32>, vector<16xi32>], vector<16xf32>,
            %eq3A_479 = arith.constant 0 : i32
            %eq3A_480 = arith.cmpi eq, %arg0, %eq3A_479 : i32
            %convert_element_type3A_481 = arith.extui %eq3A_480 : i1 to i32
            %cond3A_482 = arith.constant 0 : i32
            %cond3A_483 = arith.cmpi ne, %convert_element_type3A_481, %cond3A_482 : i32
            scf.if %cond3A_483 {
              %mul3A_489 = arith.constant 16 : i32
              %mul3A_490 = arith.muli %while3A_228, %mul3A_489 : i32
              %dma_start3A = arith.constant 0 : i32
              %dma_start3A_491 = tpu.memref_slice %arg13[%mul3A_490, %dma_start3A] : memref<144x128xf32, #tpu.memory_space<vmem>> -> memref<16x128xf32, #tpu.memory_space<vmem>>
              %dma_start3A_492 = arith.constant 0 : i32
              %dma_start3A_493 = tpu.memref_slice %arg14[%while3A_228, %dma_start3A_492] : memref<9x16xi32, #tpu.memory_space<vmem>> -> memref<1x16xi32, #tpu.memory_space<vmem>>
              %dma_start3A_494 = tpu.memref_squeeze %dma_start3A_493 : memref<1x16xi32, #tpu.memory_space<vmem>> -> memref<16xi32, #tpu.memory_space<vmem>>
              %dma_start3A_495 = arith.constant 0 : i32
              %dma_start3A_496 = arith.constant 0 : i32
              %dma_start3A_497 = tpu.memref_slice %arg5[%dma_start3A_495, %dma_start3A_496] : memref<16400x128xf32, #tpu.memory_space<hbm>> -> memref<16400x128xf32, #tpu.memory_space<hbm>>
              tpu.enqueue_indirect_dma source(%dma_start3A_491 : memref<16x128xf32, #tpu.memory_space<vmem>>) target(%dma_start3A_497 : memref<16400x128xf32, #tpu.memory_space<hbm>>) offsets(%dma_start3A_494 : memref<16xi32, #tpu.memory_space<vmem>>) semaphore(%arg17 : memref<!tpu.dma_semaphore, #tpu.memory_space<semaphore_mem>>)
            } else {
            }
            %eq3A_484 = arith.constant 1 : i32
            %eq3A_485 = arith.cmpi eq, %arg0, %eq3A_484 : i32
            %convert_element_type3A_486 = arith.extui %eq3A_485 : i1 to i32
            %cond3A_487 = arith.constant 0 : i32
            %cond3A_488 = arith.cmpi ne, %convert_element_type3A_486, %cond3A_487 : i32
            scf.if %cond3A_488 {
              %mul3A_489 = arith.constant 16 : i32
              %mul3A_490 = arith.muli %while3A_228, %mul3A_489 : i32
              %dma_start3A = arith.constant 0 : i32
              %dma_start3A_491 = tpu.memref_slice %arg13[%mul3A_490, %dma_start3A] : memref<144x128xf32, #tpu.memory_space<vmem>> -> memref<16x128xf32, #tpu.memory_space<vmem>>
              %dma_start3A_492 = arith.constant 0 : i32
              %dma_start3A_493 = tpu.memref_slice %arg14[%while3A_228, %dma_start3A_492] : memref<9x16xi32, #tpu.memory_space<vmem>> -> memref<1x16xi32, #tpu.memory_space<vmem>>
              %dma_start3A_494 = tpu.memref_squeeze %dma_start3A_493 : memref<1x16xi32, #tpu.memory_space<vmem>> -> memref<16xi32, #tpu.memory_space<vmem>>
              %dma_start3A_495 = arith.constant 0 : i32
              %dma_start3A_496 = arith.constant 0 : i32
              %dma_start3A_497 = tpu.memref_slice %arg6[%dma_start3A_495, %dma_start3A_496] : memref<16400x128xf32, #tpu.memory_space<hbm>> -> memref<16400x128xf32, #tpu.memory_space<hbm>>
              tpu.enqueue_indirect_dma source(%dma_start3A_491 : memref<16x128xf32, #tpu.memory_space<vmem>>) target(%dma_start3A_497 : memref<16400x128xf32, #tpu.memory_space<hbm>>) offsets(%dma_start3A_494 : memref<16xi32, #tpu.memory_space<vmem>>) semaphore(%arg17 : memref<!tpu.dma_semaphore, #tpu.memory_space<semaphore_mem>>)
            } else {
            }
          }
          %while3A_218 = arith.constant 0 : i32
          %while3A_219 = arith.constant 0 : i32
          %while3A_220 = arith.subi %select_n3A_207, %while3A_219 : i32
          %while3A_221 = arith.addi %while3A_219, %while3A_220 : i32
          %while3A_222 = arith.constant 1 : i32
          %while3A_223 = arith.divsi %while3A_220, %while3A_222 : i32
          %while3A_224 = arith.muli %while3A_223, %while3A_222 : i32
          %while3A_225 = arith.addi %while3A_219, %while3A_224 : i32
          %while3A_226 = arith.constant 1 : i32
          scf.for %while3A_228 = %while3A_219 to %while3A_225 step %while3A_226  : i32 {
            %dma_wait3A_229 = arith.constant 0 : i32
            %dma_wait3A_230 = arith.constant 0 : i32
            %dma_wait3A_231 = tpu.memref_slice %arg2[%dma_wait3A_229, %dma_wait3A_230] : memref<64x1000000xf32, #tpu.memory_space<hbm>> -> memref<16x128xf32, #tpu.memory_space<hbm>>
            %dma_wait3A_232 = arith.constant 0 : i32
            %dma_wait3A_233 = arith.constant 0 : i32
            %dma_wait3A_234 = tpu.memref_slice %arg2[%dma_wait3A_232, %dma_wait3A_233] : memref<64x1000000xf32, #tpu.memory_space<hbm>> -> memref<16x128xf32, #tpu.memory_space<hbm>>
            tpu.wait_dma2 semaphore(%arg17 : memref<!tpu.dma_semaphore, #tpu.memory_space<semaphore_mem>>) src(%dma_wait3A_234 : memref<16x128xf32, #tpu.memory_space<hbm>>) dst(%arg15 : memref<16x128xf32, #tpu.memory_space<vmem>>)
          }
          %while3A_227 = arith.constant 1 : i32
          scf.for %while3A_228 = %while3A_225 to %while3A_221 step %while3A_227  : i32 {
            %dma_wait3A_229 = arith.constant 0 : i32
            %dma_wait3A_230 = arith.constant 0 : i32
            %dma_wait3A_231 = tpu.memref_slice %arg2[%dma_wait3A_229, %dma_wait3A_230] : memref<64x1000000xf32, #tpu.memory_space<hbm>> -> memref<16x128xf32, #tpu.memory_space<hbm>>
            %dma_wait3A_232 = arith.constant 0 : i32
            %dma_wait3A_233 = arith.constant 0 : i32
            %dma_wait3A_234 = tpu.memref_slice %arg2[%dma_wait3A_232, %dma_wait3A_233] : memref<64x1000000xf32, #tpu.memory_space<hbm>> -> memref<16x128xf32, #tpu.memory_space<hbm>>
            tpu.wait_dma2 semaphore(%arg17 : memref<!tpu.dma_semaphore, #tpu.memory_space<semaphore_mem>>) src(%dma_wait3A_234 : memref<16x128xf32, #tpu.memory_space<hbm>>) dst(%arg15 : memref<16x128xf32, #tpu.memory_space<vmem>>)
          }
        } else {
        }
        %jit3A_180 = arith.constant 0 : i32
        %select_n3A_181 = arith.select %ge3A_176, %jit3A_180, %add3A_175 : i32
        scf.yield %select_n3A_181 : i32
      }
      %add3A_95 = arith.constant 15 : i32
      %add3A_96 = arith.addi %while3A_94, %add3A_95 : i32
      %jit3A_97 = arith.constant 16 : i32
      %div3A_98 = arith.divsi %add3A_96, %jit3A_97 : i32
      %sign3A_99 = arith.constant 0 : i32
      %sign3A_100 = arith.cmpi sgt, %add3A_96, %sign3A_99 : i32
      %sign3A_101 = arith.extui %sign3A_100 : i1 to i32
      %sign3A_102 = arith.constant 0 : i32
      %sign3A_103 = arith.cmpi slt, %add3A_96, %sign3A_102 : i32
      %sign3A_104 = arith.extui %sign3A_103 : i1 to i32
      %sign3A_105 = arith.subi %sign3A_101, %sign3A_104 : i32
      %sign3A_106 = arith.constant 0 : i32
      %sign3A_107 = arith.cmpi sgt, %jit3A_97, %sign3A_106 : i32
      %sign3A_108 = arith.extui %sign3A_107 : i1 to i32
      %sign3A_109 = arith.constant 0 : i32
      %sign3A_110 = arith.cmpi slt, %jit3A_97, %sign3A_109 : i32
      %sign3A_111 = arith.extui %sign3A_110 : i1 to i32
      %sign3A_112 = arith.subi %sign3A_108, %sign3A_111 : i32
      %ne3A_113 = arith.cmpi ne, %sign3A_105, %sign3A_112 : i32
      %rem3A_114 = arith.remsi %add3A_96, %jit3A_97 : i32
      %ne3A_115 = arith.constant 0 : i32
      %ne3A_116 = arith.cmpi ne, %rem3A_114, %ne3A_115 : i32
      %and3A_117 = arith.andi %ne3A_113, %ne3A_116 : i1
      %sub3A_118 = arith.constant 1 : i32
      %sub3A_119 = arith.subi %div3A_98, %sub3A_118 : i32
      %select_n3A_120 = arith.select %and3A_117, %sub3A_119, %div3A_98 : i32
      %while3A_121 = arith.constant 0 : i32
      %while3A_122 = arith.constant 0 : i32
      %while3A_123 = arith.subi %select_n3A_120, %while3A_122 : i32
      %while3A_124 = arith.addi %while3A_122, %while3A_123 : i32
      %while3A_125 = arith.constant 1 : i32
      %while3A_126 = arith.divsi %while3A_123, %while3A_125 : i32
      %while3A_127 = arith.muli %while3A_126, %while3A_125 : i32
      %while3A_128 = arith.addi %while3A_122, %while3A_127 : i32
      %while3A_129 = arith.constant 1 : i32
      scf.for %while3A_141 = %while3A_122 to %while3A_128 step %while3A_129  : i32 {
        %mul3A_142 = arith.constant 16 : i32
        %mul3A_143 = arith.muli %while3A_141, %mul3A_142 : i32
        %get3A = arith.index_cast %mul3A_143 : i32 to index
        %get3A_144 = tpu.vector_load %arg11[%get3A] {strides = array<i32>} : memref<144xi32, #tpu.memory_space<vmem>>, vector<16xi32>,
        %mul3A_145 = arith.constant 16 : i32
        %mul3A_146 = arith.muli %while3A_141, %mul3A_145 : i32
        %get3A_147 = arith.index_cast %mul3A_146 : i32 to index
        %get3A_148 = tpu.vector_load %arg12[%get3A_147] {strides = array<i32>} : memref<144xi32, #tpu.memory_space<vmem>>, vector<16xi32>,
        %mul3A_149 = arith.constant 16 : i32
        %mul3A_150 = arith.muli %while3A_141, %mul3A_149 : i32
        %add3A_151 = vector.broadcast %mul3A_150 : i32 to vector<16xi32>
        %add3A_152 = arith.addi %add3A_151, %iota3A : vector<16xi32>
        %lt3A = vector.broadcast %while3A_94 : i32 to vector<16xi32>
        %lt3A_153 = arith.cmpi slt, %add3A_152, %lt3A : vector<16xi32>
        %mul3A_154 = arith.constant 2048 : i32
        %mul3A_155 = arith.muli %add3A_41, %mul3A_154 : i32
        %sub3A_156 = vector.broadcast %mul3A_155 : i32 to vector<16xi32>
        %sub3A_157 = arith.subi %get3A_144, %sub3A_156 : vector<16xi32>
        %jit3A_158 = arith.constant 0 : i32
        %jit3A_159 = arith.constant 2047 : i32
        %max3A = vector.broadcast %jit3A_158 : i32 to vector<16xi32>
        %max3A_160 = arith.maxsi %max3A, %sub3A_157 : vector<16xi32>
        %min3A = vector.broadcast %jit3A_159 : i32 to vector<16xi32>
        %min3A_161 = arith.minsi %min3A, %max3A_160 : vector<16xi32>
        %add3A_162 = arith.constant 16384 : i32
        %add3A_163 = vector.broadcast %add3A_162 : i32 to vector<16xi32>
        %add3A_164 = arith.addi %add3A_163, %iota3A : vector<16xi32>
        %select_n3A_165 = arith.select %lt3A_153, %get3A_148, %add3A_164 : vector<16xi1>, vector<16xi32>
        %broadcast_in_dim3A_166 = vector.broadcast %while3A_141 : i32 to vector<16xi32>
        tpu.vector_store_idx %arg14[%broadcast_in_dim3A_166, %iota3A], %select_n3A_165 : memref<9x16xi32, #tpu.memory_space<vmem>>[vector<16xi32>, vector<16xi32>], vector<16xi32>,
        %broadcast_in_dim3A_167 = arith.constant 0 : i32
        %broadcast_in_dim3A_168 = vector.broadcast %broadcast_in_dim3A_167 : i32 to vector<16xi32>
        %gather3A = tpu.vector_load_idx %arg7[%broadcast_in_dim3A_168, %min3A_161] : memref<32x2048xf32, #tpu.memory_space<vmem>>[vector<16xi32>, vector<16xi32>], vector<16xf32>,
        %mul3A_169 = arith.constant 16 : i32
        %mul3A_170 = arith.muli %while3A_141, %mul3A_169 : i32
        %add3A_171 = vector.broadcast %mul3A_170 : i32 to vector<16xi32>
        %add3A_172 = arith.addi %add3A_171, %iota3A : vector<16xi32>
        tpu.vector_store_idx %arg13[%add3A_172, %broadcast_in_dim3A_168], %gather3A : memref<144x128xf32, #tpu.memory_space<vmem>>[vector<16xi32>, vector<16xi32>], vector<16xf32>,
        %broadcast_in_dim3A_173 = arith.constant 1 : i32
        %broadcast_in_dim3A_174 = vector.broadcast %broadcast_in_dim3A_173 : i32 to vector<16xi32>
        %gather3A_175 = tpu.vector_load_idx %arg7[%broadcast_in_dim3A_174, %min3A_161] : memref<32x2048xf32, #tpu.memory_space<vmem>>[vector<16xi32>, vector<16xi32>], vector<16xf32>,
        %mul3A_176 = arith.constant 16 : i32
        %mul3A_177 = arith.muli %while3A_141, %mul3A_176 : i32
        %add3A_178 = vector.broadcast %mul3A_177 : i32 to vector<16xi32>
        %add3A_179 = arith.addi %add3A_178, %iota3A : vector<16xi32>
        tpu.vector_store_idx %arg13[%add3A_179, %broadcast_in_dim3A_174], %gather3A_175 : memref<144x128xf32, #tpu.memory_space<vmem>>[vector<16xi32>, vector<16xi32>], vector<16xf32>,
        %broadcast_in_dim3A_180 = arith.constant 2 : i32
        %broadcast_in_dim3A_181 = vector.broadcast %broadcast_in_dim3A_180 : i32 to vector<16xi32>
        %gather3A_182 = tpu.vector_load_idx %arg7[%broadcast_in_dim3A_181, %min3A_161] : memref<32x2048xf32, #tpu.memory_space<vmem>>[vector<16xi32>, vector<16xi32>], vector<16xf32>,
        %mul3A_183 = arith.constant 16 : i32
        %mul3A_184 = arith.muli %while3A_141, %mul3A_183 : i32
        %add3A_185 = vector.broadcast %mul3A_184 : i32 to vector<16xi32>
        %add3A_186 = arith.addi %add3A_185, %iota3A : vector<16xi32>
        tpu.vector_store_idx %arg13[%add3A_186, %broadcast_in_dim3A_181], %gather3A_182 : memref<144x128xf32, #tpu.memory_space<vmem>>[vector<16xi32>, vector<16xi32>], vector<16xf32>,
        %broadcast_in_dim3A_187 = arith.constant 3 : i32
        %broadcast_in_dim3A_188 = vector.broadcast %broadcast_in_dim3A_187 : i32 to vector<16xi32>
        %gather3A_189 = tpu.vector_load_idx %arg7[%broadcast_in_dim3A_188, %min3A_161] : memref<32x2048xf32, #tpu.memory_space<vmem>>[vector<16xi32>, vector<16xi32>], vector<16xf32>,
        %mul3A_190 = arith.constant 16 : i32
        %mul3A_191 = arith.muli %while3A_141, %mul3A_190 : i32
        %add3A_192 = vector.broadcast %mul3A_191 : i32 to vector<16xi32>
        %add3A_193 = arith.addi %add3A_192, %iota3A : vector<16xi32>
        tpu.vector_store_idx %arg13[%add3A_193, %broadcast_in_dim3A_188], %gather3A_189 : memref<144x128xf32, #tpu.memory_space<vmem>>[vector<16xi32>, vector<16xi32>], vector<16xf32>,
        %broadcast_in_dim3A_194 = arith.constant 4 : i32
        %broadcast_in_dim3A_195 = vector.broadcast %broadcast_in_dim3A_194 : i32 to vector<16xi32>
        %gather3A_196 = tpu.vector_load_idx %arg7[%broadcast_in_dim3A_195, %min3A_161] : memref<32x2048xf32, #tpu.memory_space<vmem>>[vector<16xi32>, vector<16xi32>], vector<16xf32>,
        %mul3A_197 = arith.constant 16 : i32
        %mul3A_198 = arith.muli %while3A_141, %mul3A_197 : i32
        %add3A_199 = vector.broadcast %mul3A_198 : i32 to vector<16xi32>
        %add3A_200 = arith.addi %add3A_199, %iota3A : vector<16xi32>
        tpu.vector_store_idx %arg13[%add3A_200, %broadcast_in_dim3A_195], %gather3A_196 : memref<144x128xf32, #tpu.memory_space<vmem>>[vector<16xi32>, vector<16xi32>], vector<16xf32>,
        %broadcast_in_dim3A_201 = arith.constant 5 : i32
        %broadcast_in_dim3A_202 = vector.broadcast %broadcast_in_dim3A_201 : i32 to vector<16xi32>
        %gather3A_203 = tpu.vector_load_idx %arg7[%broadcast_in_dim3A_202, %min3A_161] : memref<32x2048xf32, #tpu.memory_space<vmem>>[vector<16xi32>, vector<16xi32>], vector<16xf32>,
        %mul3A_204 = arith.constant 16 : i32
        %mul3A_205 = arith.muli %while3A_141, %mul3A_204 : i32
        %add3A_206 = vector.broadcast %mul3A_205 : i32 to vector<16xi32>
        %add3A_207 = arith.addi %add3A_206, %iota3A : vector<16xi32>
        tpu.vector_store_idx %arg13[%add3A_207, %broadcast_in_dim3A_202], %gather3A_203 : memref<144x128xf32, #tpu.memory_space<vmem>>[vector<16xi32>, vector<16xi32>], vector<16xf32>,
        %broadcast_in_dim3A_208 = arith.constant 6 : i32
        %broadcast_in_dim3A_209 = vector.broadcast %broadcast_in_dim3A_208 : i32 to vector<16xi32>
        %gather3A_210 = tpu.vector_load_idx %arg7[%broadcast_in_dim3A_209, %min3A_161] : memref<32x2048xf32, #tpu.memory_space<vmem>>[vector<16xi32>, vector<16xi32>], vector<16xf32>,
        %mul3A_211 = arith.constant 16 : i32
        %mul3A_212 = arith.muli %while3A_141, %mul3A_211 : i32
        %add3A_213 = vector.broadcast %mul3A_212 : i32 to vector<16xi32>
        %add3A_214 = arith.addi %add3A_213, %iota3A : vector<16xi32>
        tpu.vector_store_idx %arg13[%add3A_214, %broadcast_in_dim3A_209], %gather3A_210 : memref<144x128xf32, #tpu.memory_space<vmem>>[vector<16xi32>, vector<16xi32>], vector<16xf32>,
        %broadcast_in_dim3A_215 = arith.constant 7 : i32
        %broadcast_in_dim3A_216 = vector.broadcast %broadcast_in_dim3A_215 : i32 to vector<16xi32>
        %gather3A_217 = tpu.vector_load_idx %arg7[%broadcast_in_dim3A_216, %min3A_161] : memref<32x2048xf32, #tpu.memory_space<vmem>>[vector<16xi32>, vector<16xi32>], vector<16xf32>,
        %mul3A_218 = arith.constant 16 : i32
        %mul3A_219 = arith.muli %while3A_141, %mul3A_218 : i32
        %add3A_220 = vector.broadcast %mul3A_219 : i32 to vector<16xi32>
        %add3A_221 = arith.addi %add3A_220, %iota3A : vector<16xi32>
        tpu.vector_store_idx %arg13[%add3A_221, %broadcast_in_dim3A_216], %gather3A_217 : memref<144x128xf32, #tpu.memory_space<vmem>>[vector<16xi32>, vector<16xi32>], vector<16xf32>,
        %broadcast_in_dim3A_222 = arith.constant 8 : i32
        %broadcast_in_dim3A_223 = vector.broadcast %broadcast_in_dim3A_222 : i32 to vector<16xi32>
        %gather3A_224 = tpu.vector_load_idx %arg7[%broadcast_in_dim3A_223, %min3A_161] : memref<32x2048xf32, #tpu.memory_space<vmem>>[vector<16xi32>, vector<16xi32>], vector<16xf32>,
        %mul3A_225 = arith.constant 16 : i32
        %mul3A_226 = arith.muli %while3A_141, %mul3A_225 : i32
        %add3A_227 = vector.broadcast %mul3A_226 : i32 to vector<16xi32>
        %add3A_228 = arith.addi %add3A_227, %iota3A : vector<16xi32>
        tpu.vector_store_idx %arg13[%add3A_228, %broadcast_in_dim3A_223], %gather3A_224 : memref<144x128xf32, #tpu.memory_space<vmem>>[vector<16xi32>, vector<16xi32>], vector<16xf32>,
        %broadcast_in_dim3A_229 = arith.constant 9 : i32
        %broadcast_in_dim3A_230 = vector.broadcast %broadcast_in_dim3A_229 : i32 to vector<16xi32>
        %gather3A_231 = tpu.vector_load_idx %arg7[%broadcast_in_dim3A_230, %min3A_161] : memref<32x2048xf32, #tpu.memory_space<vmem>>[vector<16xi32>, vector<16xi32>], vector<16xf32>,
        %mul3A_232 = arith.constant 16 : i32
        %mul3A_233 = arith.muli %while3A_141, %mul3A_232 : i32
        %add3A_234 = vector.broadcast %mul3A_233 : i32 to vector<16xi32>
        %add3A_235 = arith.addi %add3A_234, %iota3A : vector<16xi32>
        tpu.vector_store_idx %arg13[%add3A_235, %broadcast_in_dim3A_230], %gather3A_231 : memref<144x128xf32, #tpu.memory_space<vmem>>[vector<16xi32>, vector<16xi32>], vector<16xf32>,
        %broadcast_in_dim3A_236 = arith.constant 10 : i32
        %broadcast_in_dim3A_237 = vector.broadcast %broadcast_in_dim3A_236 : i32 to vector<16xi32>
        %gather3A_238 = tpu.vector_load_idx %arg7[%broadcast_in_dim3A_237, %min3A_161] : memref<32x2048xf32, #tpu.memory_space<vmem>>[vector<16xi32>, vector<16xi32>], vector<16xf32>,
        %mul3A_239 = arith.constant 16 : i32
        %mul3A_240 = arith.muli %while3A_141, %mul3A_239 : i32
        %add3A_241 = vector.broadcast %mul3A_240 : i32 to vector<16xi32>
        %add3A_242 = arith.addi %add3A_241, %iota3A : vector<16xi32>
        tpu.vector_store_idx %arg13[%add3A_242, %broadcast_in_dim3A_237], %gather3A_238 : memref<144x128xf32, #tpu.memory_space<vmem>>[vector<16xi32>, vector<16xi32>], vector<16xf32>,
        %broadcast_in_dim3A_243 = arith.constant 11 : i32
        %broadcast_in_dim3A_244 = vector.broadcast %broadcast_in_dim3A_243 : i32 to vector<16xi32>
        %gather3A_245 = tpu.vector_load_idx %arg7[%broadcast_in_dim3A_244, %min3A_161] : memref<32x2048xf32, #tpu.memory_space<vmem>>[vector<16xi32>, vector<16xi32>], vector<16xf32>,
        %mul3A_246 = arith.constant 16 : i32
        %mul3A_247 = arith.muli %while3A_141, %mul3A_246 : i32
        %add3A_248 = vector.broadcast %mul3A_247 : i32 to vector<16xi32>
        %add3A_249 = arith.addi %add3A_248, %iota3A : vector<16xi32>
        tpu.vector_store_idx %arg13[%add3A_249, %broadcast_in_dim3A_244], %gather3A_245 : memref<144x128xf32, #tpu.memory_space<vmem>>[vector<16xi32>, vector<16xi32>], vector<16xf32>,
        %broadcast_in_dim3A_250 = arith.constant 12 : i32
        %broadcast_in_dim3A_251 = vector.broadcast %broadcast_in_dim3A_250 : i32 to vector<16xi32>
        %gather3A_252 = tpu.vector_load_idx %arg7[%broadcast_in_dim3A_251, %min3A_161] : memref<32x2048xf32, #tpu.memory_space<vmem>>[vector<16xi32>, vector<16xi32>], vector<16xf32>,
        %mul3A_253 = arith.constant 16 : i32
        %mul3A_254 = arith.muli %while3A_141, %mul3A_253 : i32
        %add3A_255 = vector.broadcast %mul3A_254 : i32 to vector<16xi32>
        %add3A_256 = arith.addi %add3A_255, %iota3A : vector<16xi32>
        tpu.vector_store_idx %arg13[%add3A_256, %broadcast_in_dim3A_251], %gather3A_252 : memref<144x128xf32, #tpu.memory_space<vmem>>[vector<16xi32>, vector<16xi32>], vector<16xf32>,
        %broadcast_in_dim3A_257 = arith.constant 13 : i32
        %broadcast_in_dim3A_258 = vector.broadcast %broadcast_in_dim3A_257 : i32 to vector<16xi32>
        %gather3A_259 = tpu.vector_load_idx %arg7[%broadcast_in_dim3A_258, %min3A_161] : memref<32x2048xf32, #tpu.memory_space<vmem>>[vector<16xi32>, vector<16xi32>], vector<16xf32>,
        %mul3A_260 = arith.constant 16 : i32
        %mul3A_261 = arith.muli %while3A_141, %mul3A_260 : i32
        %add3A_262 = vector.broadcast %mul3A_261 : i32 to vector<16xi32>
        %add3A_263 = arith.addi %add3A_262, %iota3A : vector<16xi32>
        tpu.vector_store_idx %arg13[%add3A_263, %broadcast_in_dim3A_258], %gather3A_259 : memref<144x128xf32, #tpu.memory_space<vmem>>[vector<16xi32>, vector<16xi32>], vector<16xf32>,
        %broadcast_in_dim3A_264 = arith.constant 14 : i32
        %broadcast_in_dim3A_265 = vector.broadcast %broadcast_in_dim3A_264 : i32 to vector<16xi32>
        %gather3A_266 = tpu.vector_load_idx %arg7[%broadcast_in_dim3A_265, %min3A_161] : memref<32x2048xf32, #tpu.memory_space<vmem>>[vector<16xi32>, vector<16xi32>], vector<16xf32>,
        %mul3A_267 = arith.constant 16 : i32
        %mul3A_268 = arith.muli %while3A_141, %mul3A_267 : i32
        %add3A_269 = vector.broadcast %mul3A_268 : i32 to vector<16xi32>
        %add3A_270 = arith.addi %add3A_269, %iota3A : vector<16xi32>
        tpu.vector_store_idx %arg13[%add3A_270, %broadcast_in_dim3A_265], %gather3A_266 : memref<144x128xf32, #tpu.memory_space<vmem>>[vector<16xi32>, vector<16xi32>], vector<16xf32>,
        %broadcast_in_dim3A_271 = arith.constant 15 : i32
        %broadcast_in_dim3A_272 = vector.broadcast %broadcast_in_dim3A_271 : i32 to vector<16xi32>
        %gather3A_273 = tpu.vector_load_idx %arg7[%broadcast_in_dim3A_272, %min3A_161] : memref<32x2048xf32, #tpu.memory_space<vmem>>[vector<16xi32>, vector<16xi32>], vector<16xf32>,
        %mul3A_274 = arith.constant 16 : i32
        %mul3A_275 = arith.muli %while3A_141, %mul3A_274 : i32
        %add3A_276 = vector.broadcast %mul3A_275 : i32 to vector<16xi32>
        %add3A_277 = arith.addi %add3A_276, %iota3A : vector<16xi32>
        tpu.vector_store_idx %arg13[%add3A_277, %broadcast_in_dim3A_272], %gather3A_273 : memref<144x128xf32, #tpu.memory_space<vmem>>[vector<16xi32>, vector<16xi32>], vector<16xf32>,
        %broadcast_in_dim3A_278 = arith.constant 16 : i32
        %broadcast_in_dim3A_279 = vector.broadcast %broadcast_in_dim3A_278 : i32 to vector<16xi32>
        %gather3A_280 = tpu.vector_load_idx %arg7[%broadcast_in_dim3A_279, %min3A_161] : memref<32x2048xf32, #tpu.memory_space<vmem>>[vector<16xi32>, vector<16xi32>], vector<16xf32>,
        %mul3A_281 = arith.constant 16 : i32
        %mul3A_282 = arith.muli %while3A_141, %mul3A_281 : i32
        %add3A_283 = vector.broadcast %mul3A_282 : i32 to vector<16xi32>
        %add3A_284 = arith.addi %add3A_283, %iota3A : vector<16xi32>
        tpu.vector_store_idx %arg13[%add3A_284, %broadcast_in_dim3A_279], %gather3A_280 : memref<144x128xf32, #tpu.memory_space<vmem>>[vector<16xi32>, vector<16xi32>], vector<16xf32>,
        %broadcast_in_dim3A_285 = arith.constant 17 : i32
        %broadcast_in_dim3A_286 = vector.broadcast %broadcast_in_dim3A_285 : i32 to vector<16xi32>
        %gather3A_287 = tpu.vector_load_idx %arg7[%broadcast_in_dim3A_286, %min3A_161] : memref<32x2048xf32, #tpu.memory_space<vmem>>[vector<16xi32>, vector<16xi32>], vector<16xf32>,
        %mul3A_288 = arith.constant 16 : i32
        %mul3A_289 = arith.muli %while3A_141, %mul3A_288 : i32
        %add3A_290 = vector.broadcast %mul3A_289 : i32 to vector<16xi32>
        %add3A_291 = arith.addi %add3A_290, %iota3A : vector<16xi32>
        tpu.vector_store_idx %arg13[%add3A_291, %broadcast_in_dim3A_286], %gather3A_287 : memref<144x128xf32, #tpu.memory_space<vmem>>[vector<16xi32>, vector<16xi32>], vector<16xf32>,
        %broadcast_in_dim3A_292 = arith.constant 18 : i32
        %broadcast_in_dim3A_293 = vector.broadcast %broadcast_in_dim3A_292 : i32 to vector<16xi32>
        %gather3A_294 = tpu.vector_load_idx %arg7[%broadcast_in_dim3A_293, %min3A_161] : memref<32x2048xf32, #tpu.memory_space<vmem>>[vector<16xi32>, vector<16xi32>], vector<16xf32>,
        %mul3A_295 = arith.constant 16 : i32
        %mul3A_296 = arith.muli %while3A_141, %mul3A_295 : i32
        %add3A_297 = vector.broadcast %mul3A_296 : i32 to vector<16xi32>
        %add3A_298 = arith.addi %add3A_297, %iota3A : vector<16xi32>
        tpu.vector_store_idx %arg13[%add3A_298, %broadcast_in_dim3A_293], %gather3A_294 : memref<144x128xf32, #tpu.memory_space<vmem>>[vector<16xi32>, vector<16xi32>], vector<16xf32>,
        %broadcast_in_dim3A_299 = arith.constant 19 : i32
        %broadcast_in_dim3A_300 = vector.broadcast %broadcast_in_dim3A_299 : i32 to vector<16xi32>
        %gather3A_301 = tpu.vector_load_idx %arg7[%broadcast_in_dim3A_300, %min3A_161] : memref<32x2048xf32, #tpu.memory_space<vmem>>[vector<16xi32>, vector<16xi32>], vector<16xf32>,
        %mul3A_302 = arith.constant 16 : i32
        %mul3A_303 = arith.muli %while3A_141, %mul3A_302 : i32
        %add3A_304 = vector.broadcast %mul3A_303 : i32 to vector<16xi32>
        %add3A_305 = arith.addi %add3A_304, %iota3A : vector<16xi32>
        tpu.vector_store_idx %arg13[%add3A_305, %broadcast_in_dim3A_300], %gather3A_301 : memref<144x128xf32, #tpu.memory_space<vmem>>[vector<16xi32>, vector<16xi32>], vector<16xf32>,
        %broadcast_in_dim3A_306 = arith.constant 20 : i32
        %broadcast_in_dim3A_307 = vector.broadcast %broadcast_in_dim3A_306 : i32 to vector<16xi32>
        %gather3A_308 = tpu.vector_load_idx %arg7[%broadcast_in_dim3A_307, %min3A_161] : memref<32x2048xf32, #tpu.memory_space<vmem>>[vector<16xi32>, vector<16xi32>], vector<16xf32>,
        %mul3A_309 = arith.constant 16 : i32
        %mul3A_310 = arith.muli %while3A_141, %mul3A_309 : i32
        %add3A_311 = vector.broadcast %mul3A_310 : i32 to vector<16xi32>
        %add3A_312 = arith.addi %add3A_311, %iota3A : vector<16xi32>
        tpu.vector_store_idx %arg13[%add3A_312, %broadcast_in_dim3A_307], %gather3A_308 : memref<144x128xf32, #tpu.memory_space<vmem>>[vector<16xi32>, vector<16xi32>], vector<16xf32>,
        %broadcast_in_dim3A_313 = arith.constant 21 : i32
        %broadcast_in_dim3A_314 = vector.broadcast %broadcast_in_dim3A_313 : i32 to vector<16xi32>
        %gather3A_315 = tpu.vector_load_idx %arg7[%broadcast_in_dim3A_314, %min3A_161] : memref<32x2048xf32, #tpu.memory_space<vmem>>[vector<16xi32>, vector<16xi32>], vector<16xf32>,
        %mul3A_316 = arith.constant 16 : i32
        %mul3A_317 = arith.muli %while3A_141, %mul3A_316 : i32
        %add3A_318 = vector.broadcast %mul3A_317 : i32 to vector<16xi32>
        %add3A_319 = arith.addi %add3A_318, %iota3A : vector<16xi32>
        tpu.vector_store_idx %arg13[%add3A_319, %broadcast_in_dim3A_314], %gather3A_315 : memref<144x128xf32, #tpu.memory_space<vmem>>[vector<16xi32>, vector<16xi32>], vector<16xf32>,
        %broadcast_in_dim3A_320 = arith.constant 22 : i32
        %broadcast_in_dim3A_321 = vector.broadcast %broadcast_in_dim3A_320 : i32 to vector<16xi32>
        %gather3A_322 = tpu.vector_load_idx %arg7[%broadcast_in_dim3A_321, %min3A_161] : memref<32x2048xf32, #tpu.memory_space<vmem>>[vector<16xi32>, vector<16xi32>], vector<16xf32>,
        %mul3A_323 = arith.constant 16 : i32
        %mul3A_324 = arith.muli %while3A_141, %mul3A_323 : i32
        %add3A_325 = vector.broadcast %mul3A_324 : i32 to vector<16xi32>
        %add3A_326 = arith.addi %add3A_325, %iota3A : vector<16xi32>
        tpu.vector_store_idx %arg13[%add3A_326, %broadcast_in_dim3A_321], %gather3A_322 : memref<144x128xf32, #tpu.memory_space<vmem>>[vector<16xi32>, vector<16xi32>], vector<16xf32>,
        %broadcast_in_dim3A_327 = arith.constant 23 : i32
        %broadcast_in_dim3A_328 = vector.broadcast %broadcast_in_dim3A_327 : i32 to vector<16xi32>
        %gather3A_329 = tpu.vector_load_idx %arg7[%broadcast_in_dim3A_328, %min3A_161] : memref<32x2048xf32, #tpu.memory_space<vmem>>[vector<16xi32>, vector<16xi32>], vector<16xf32>,
        %mul3A_330 = arith.constant 16 : i32
        %mul3A_331 = arith.muli %while3A_141, %mul3A_330 : i32
        %add3A_332 = vector.broadcast %mul3A_331 : i32 to vector<16xi32>
        %add3A_333 = arith.addi %add3A_332, %iota3A : vector<16xi32>
        tpu.vector_store_idx %arg13[%add3A_333, %broadcast_in_dim3A_328], %gather3A_329 : memref<144x128xf32, #tpu.memory_space<vmem>>[vector<16xi32>, vector<16xi32>], vector<16xf32>,
        %broadcast_in_dim3A_334 = arith.constant 24 : i32
        %broadcast_in_dim3A_335 = vector.broadcast %broadcast_in_dim3A_334 : i32 to vector<16xi32>
        %gather3A_336 = tpu.vector_load_idx %arg7[%broadcast_in_dim3A_335, %min3A_161] : memref<32x2048xf32, #tpu.memory_space<vmem>>[vector<16xi32>, vector<16xi32>], vector<16xf32>,
        %mul3A_337 = arith.constant 16 : i32
        %mul3A_338 = arith.muli %while3A_141, %mul3A_337 : i32
        %add3A_339 = vector.broadcast %mul3A_338 : i32 to vector<16xi32>
        %add3A_340 = arith.addi %add3A_339, %iota3A : vector<16xi32>
        tpu.vector_store_idx %arg13[%add3A_340, %broadcast_in_dim3A_335], %gather3A_336 : memref<144x128xf32, #tpu.memory_space<vmem>>[vector<16xi32>, vector<16xi32>], vector<16xf32>,
        %broadcast_in_dim3A_341 = arith.constant 25 : i32
        %broadcast_in_dim3A_342 = vector.broadcast %broadcast_in_dim3A_341 : i32 to vector<16xi32>
        %gather3A_343 = tpu.vector_load_idx %arg7[%broadcast_in_dim3A_342, %min3A_161] : memref<32x2048xf32, #tpu.memory_space<vmem>>[vector<16xi32>, vector<16xi32>], vector<16xf32>,
        %mul3A_344 = arith.constant 16 : i32
        %mul3A_345 = arith.muli %while3A_141, %mul3A_344 : i32
        %add3A_346 = vector.broadcast %mul3A_345 : i32 to vector<16xi32>
        %add3A_347 = arith.addi %add3A_346, %iota3A : vector<16xi32>
        tpu.vector_store_idx %arg13[%add3A_347, %broadcast_in_dim3A_342], %gather3A_343 : memref<144x128xf32, #tpu.memory_space<vmem>>[vector<16xi32>, vector<16xi32>], vector<16xf32>,
        %broadcast_in_dim3A_348 = arith.constant 26 : i32
        %broadcast_in_dim3A_349 = vector.broadcast %broadcast_in_dim3A_348 : i32 to vector<16xi32>
        %gather3A_350 = tpu.vector_load_idx %arg7[%broadcast_in_dim3A_349, %min3A_161] : memref<32x2048xf32, #tpu.memory_space<vmem>>[vector<16xi32>, vector<16xi32>], vector<16xf32>,
        %mul3A_351 = arith.constant 16 : i32
        %mul3A_352 = arith.muli %while3A_141, %mul3A_351 : i32
        %add3A_353 = vector.broadcast %mul3A_352 : i32 to vector<16xi32>
        %add3A_354 = arith.addi %add3A_353, %iota3A : vector<16xi32>
        tpu.vector_store_idx %arg13[%add3A_354, %broadcast_in_dim3A_349], %gather3A_350 : memref<144x128xf32, #tpu.memory_space<vmem>>[vector<16xi32>, vector<16xi32>], vector<16xf32>,
        %broadcast_in_dim3A_355 = arith.constant 27 : i32
        %broadcast_in_dim3A_356 = vector.broadcast %broadcast_in_dim3A_355 : i32 to vector<16xi32>
        %gather3A_357 = tpu.vector_load_idx %arg7[%broadcast_in_dim3A_356, %min3A_161] : memref<32x2048xf32, #tpu.memory_space<vmem>>[vector<16xi32>, vector<16xi32>], vector<16xf32>,
        %mul3A_358 = arith.constant 16 : i32
        %mul3A_359 = arith.muli %while3A_141, %mul3A_358 : i32
        %add3A_360 = vector.broadcast %mul3A_359 : i32 to vector<16xi32>
        %add3A_361 = arith.addi %add3A_360, %iota3A : vector<16xi32>
        tpu.vector_store_idx %arg13[%add3A_361, %broadcast_in_dim3A_356], %gather3A_357 : memref<144x128xf32, #tpu.memory_space<vmem>>[vector<16xi32>, vector<16xi32>], vector<16xf32>,
        %broadcast_in_dim3A_362 = arith.constant 28 : i32
        %broadcast_in_dim3A_363 = vector.broadcast %broadcast_in_dim3A_362 : i32 to vector<16xi32>
        %gather3A_364 = tpu.vector_load_idx %arg7[%broadcast_in_dim3A_363, %min3A_161] : memref<32x2048xf32, #tpu.memory_space<vmem>>[vector<16xi32>, vector<16xi32>], vector<16xf32>,
        %mul3A_365 = arith.constant 16 : i32
        %mul3A_366 = arith.muli %while3A_141, %mul3A_365 : i32
        %add3A_367 = vector.broadcast %mul3A_366 : i32 to vector<16xi32>
        %add3A_368 = arith.addi %add3A_367, %iota3A : vector<16xi32>
        tpu.vector_store_idx %arg13[%add3A_368, %broadcast_in_dim3A_363], %gather3A_364 : memref<144x128xf32, #tpu.memory_space<vmem>>[vector<16xi32>, vector<16xi32>], vector<16xf32>,
        %broadcast_in_dim3A_369 = arith.constant 29 : i32
        %broadcast_in_dim3A_370 = vector.broadcast %broadcast_in_dim3A_369 : i32 to vector<16xi32>
        %gather3A_371 = tpu.vector_load_idx %arg7[%broadcast_in_dim3A_370, %min3A_161] : memref<32x2048xf32, #tpu.memory_space<vmem>>[vector<16xi32>, vector<16xi32>], vector<16xf32>,
        %mul3A_372 = arith.constant 16 : i32
        %mul3A_373 = arith.muli %while3A_141, %mul3A_372 : i32
        %add3A_374 = vector.broadcast %mul3A_373 : i32 to vector<16xi32>
        %add3A_375 = arith.addi %add3A_374, %iota3A : vector<16xi32>
        tpu.vector_store_idx %arg13[%add3A_375, %broadcast_in_dim3A_370], %gather3A_371 : memref<144x128xf32, #tpu.memory_space<vmem>>[vector<16xi32>, vector<16xi32>], vector<16xf32>,
        %broadcast_in_dim3A_376 = arith.constant 30 : i32
        %broadcast_in_dim3A_377 = vector.broadcast %broadcast_in_dim3A_376 : i32 to vector<16xi32>
        %gather3A_378 = tpu.vector_load_idx %arg7[%broadcast_in_dim3A_377, %min3A_161] : memref<32x2048xf32, #tpu.memory_space<vmem>>[vector<16xi32>, vector<16xi32>], vector<16xf32>,
        %mul3A_379 = arith.constant 16 : i32
        %mul3A_380 = arith.muli %while3A_141, %mul3A_379 : i32
        %add3A_381 = vector.broadcast %mul3A_380 : i32 to vector<16xi32>
        %add3A_382 = arith.addi %add3A_381, %iota3A : vector<16xi32>
        tpu.vector_store_idx %arg13[%add3A_382, %broadcast_in_dim3A_377], %gather3A_378 : memref<144x128xf32, #tpu.memory_space<vmem>>[vector<16xi32>, vector<16xi32>], vector<16xf32>,
        %broadcast_in_dim3A_383 = arith.constant 31 : i32
        %broadcast_in_dim3A_384 = vector.broadcast %broadcast_in_dim3A_383 : i32 to vector<16xi32>
        %gather3A_385 = tpu.vector_load_idx %arg7[%broadcast_in_dim3A_384, %min3A_161] : memref<32x2048xf32, #tpu.memory_space<vmem>>[vector<16xi32>, vector<16xi32>], vector<16xf32>,
        %mul3A_386 = arith.constant 16 : i32
        %mul3A_387 = arith.muli %while3A_141, %mul3A_386 : i32
        %add3A_388 = vector.broadcast %mul3A_387 : i32 to vector<16xi32>
        %add3A_389 = arith.addi %add3A_388, %iota3A : vector<16xi32>
        tpu.vector_store_idx %arg13[%add3A_389, %broadcast_in_dim3A_384], %gather3A_385 : memref<144x128xf32, #tpu.memory_space<vmem>>[vector<16xi32>, vector<16xi32>], vector<16xf32>,
        %eq3A_390 = arith.constant 0 : i32
        %eq3A_391 = arith.cmpi eq, %arg0, %eq3A_390 : i32
        %convert_element_type3A_392 = arith.extui %eq3A_391 : i1 to i32
        %cond3A_393 = arith.constant 0 : i32
        %cond3A_394 = arith.cmpi ne, %convert_element_type3A_392, %cond3A_393 : i32
        scf.if %cond3A_394 {
          %mul3A_400 = arith.constant 16 : i32
          %mul3A_401 = arith.muli %while3A_141, %mul3A_400 : i32
          %dma_start3A = arith.constant 0 : i32
          %dma_start3A_402 = tpu.memref_slice %arg13[%mul3A_401, %dma_start3A] : memref<144x128xf32, #tpu.memory_space<vmem>> -> memref<16x128xf32, #tpu.memory_space<vmem>>
          %dma_start3A_403 = arith.constant 0 : i32
          %dma_start3A_404 = tpu.memref_slice %arg14[%while3A_141, %dma_start3A_403] : memref<9x16xi32, #tpu.memory_space<vmem>> -> memref<1x16xi32, #tpu.memory_space<vmem>>
          %dma_start3A_405 = tpu.memref_squeeze %dma_start3A_404 : memref<1x16xi32, #tpu.memory_space<vmem>> -> memref<16xi32, #tpu.memory_space<vmem>>
          %dma_start3A_406 = arith.constant 0 : i32
          %dma_start3A_407 = arith.constant 0 : i32
          %dma_start3A_408 = tpu.memref_slice %arg5[%dma_start3A_406, %dma_start3A_407] : memref<16400x128xf32, #tpu.memory_space<hbm>> -> memref<16400x128xf32, #tpu.memory_space<hbm>>
          tpu.enqueue_indirect_dma source(%dma_start3A_402 : memref<16x128xf32, #tpu.memory_space<vmem>>) target(%dma_start3A_408 : memref<16400x128xf32, #tpu.memory_space<hbm>>) offsets(%dma_start3A_405 : memref<16xi32, #tpu.memory_space<vmem>>) semaphore(%arg17 : memref<!tpu.dma_semaphore, #tpu.memory_space<semaphore_mem>>)
        } else {
        }
        %eq3A_395 = arith.constant 1 : i32
        %eq3A_396 = arith.cmpi eq, %arg0, %eq3A_395 : i32
        %convert_element_type3A_397 = arith.extui %eq3A_396 : i1 to i32
        %cond3A_398 = arith.constant 0 : i32
        %cond3A_399 = arith.cmpi ne, %convert_element_type3A_397, %cond3A_398 : i32
        scf.if %cond3A_399 {
          %mul3A_400 = arith.constant 16 : i32
          %mul3A_401 = arith.muli %while3A_141, %mul3A_400 : i32
          %dma_start3A = arith.constant 0 : i32
          %dma_start3A_402 = tpu.memref_slice %arg13[%mul3A_401, %dma_start3A] : memref<144x128xf32, #tpu.memory_space<vmem>> -> memref<16x128xf32, #tpu.memory_space<vmem>>
          %dma_start3A_403 = arith.constant 0 : i32
          %dma_start3A_404 = tpu.memref_slice %arg14[%while3A_141, %dma_start3A_403] : memref<9x16xi32, #tpu.memory_space<vmem>> -> memref<1x16xi32, #tpu.memory_space<vmem>>
          %dma_start3A_405 = tpu.memref_squeeze %dma_start3A_404 : memref<1x16xi32, #tpu.memory_space<vmem>> -> memref<16xi32, #tpu.memory_space<vmem>>
          %dma_start3A_406 = arith.constant 0 : i32
          %dma_start3A_407 = arith.constant 0 : i32
          %dma_start3A_408 = tpu.memref_slice %arg6[%dma_start3A_406, %dma_start3A_407] : memref<16400x128xf32, #tpu.memory_space<hbm>> -> memref<16400x128xf32, #tpu.memory_space<hbm>>
          tpu.enqueue_indirect_dma source(%dma_start3A_402 : memref<16x128xf32, #tpu.memory_space<vmem>>) target(%dma_start3A_408 : memref<16400x128xf32, #tpu.memory_space<hbm>>) offsets(%dma_start3A_405 : memref<16xi32, #tpu.memory_space<vmem>>) semaphore(%arg17 : memref<!tpu.dma_semaphore, #tpu.memory_space<semaphore_mem>>)
        } else {
        }
      }
      %while3A_130 = arith.constant 1 : i32
      scf.for %while3A_141 = %while3A_128 to %while3A_124 step %while3A_130  : i32 {
        %mul3A_142 = arith.constant 16 : i32
        %mul3A_143 = arith.muli %while3A_141, %mul3A_142 : i32
        %get3A = arith.index_cast %mul3A_143 : i32 to index
        %get3A_144 = tpu.vector_load %arg11[%get3A] {strides = array<i32>} : memref<144xi32, #tpu.memory_space<vmem>>, vector<16xi32>,
        %mul3A_145 = arith.constant 16 : i32
        %mul3A_146 = arith.muli %while3A_141, %mul3A_145 : i32
        %get3A_147 = arith.index_cast %mul3A_146 : i32 to index
        %get3A_148 = tpu.vector_load %arg12[%get3A_147] {strides = array<i32>} : memref<144xi32, #tpu.memory_space<vmem>>, vector<16xi32>,
        %mul3A_149 = arith.constant 16 : i32
        %mul3A_150 = arith.muli %while3A_141, %mul3A_149 : i32
        %add3A_151 = vector.broadcast %mul3A_150 : i32 to vector<16xi32>
        %add3A_152 = arith.addi %add3A_151, %iota3A : vector<16xi32>
        %lt3A = vector.broadcast %while3A_94 : i32 to vector<16xi32>
        %lt3A_153 = arith.cmpi slt, %add3A_152, %lt3A : vector<16xi32>
        %mul3A_154 = arith.constant 2048 : i32
        %mul3A_155 = arith.muli %add3A_41, %mul3A_154 : i32
        %sub3A_156 = vector.broadcast %mul3A_155 : i32 to vector<16xi32>
        %sub3A_157 = arith.subi %get3A_144, %sub3A_156 : vector<16xi32>
        %jit3A_158 = arith.constant 0 : i32
        %jit3A_159 = arith.constant 2047 : i32
        %max3A = vector.broadcast %jit3A_158 : i32 to vector<16xi32>
        %max3A_160 = arith.maxsi %max3A, %sub3A_157 : vector<16xi32>
        %min3A = vector.broadcast %jit3A_159 : i32 to vector<16xi32>
        %min3A_161 = arith.minsi %min3A, %max3A_160 : vector<16xi32>
        %add3A_162 = arith.constant 16384 : i32
        %add3A_163 = vector.broadcast %add3A_162 : i32 to vector<16xi32>
        %add3A_164 = arith.addi %add3A_163, %iota3A : vector<16xi32>
        %select_n3A_165 = arith.select %lt3A_153, %get3A_148, %add3A_164 : vector<16xi1>, vector<16xi32>
        %broadcast_in_dim3A_166 = vector.broadcast %while3A_141 : i32 to vector<16xi32>
        tpu.vector_store_idx %arg14[%broadcast_in_dim3A_166, %iota3A], %select_n3A_165 : memref<9x16xi32, #tpu.memory_space<vmem>>[vector<16xi32>, vector<16xi32>], vector<16xi32>,
        %broadcast_in_dim3A_167 = arith.constant 0 : i32
        %broadcast_in_dim3A_168 = vector.broadcast %broadcast_in_dim3A_167 : i32 to vector<16xi32>
        %gather3A = tpu.vector_load_idx %arg7[%broadcast_in_dim3A_168, %min3A_161] : memref<32x2048xf32, #tpu.memory_space<vmem>>[vector<16xi32>, vector<16xi32>], vector<16xf32>,
        %mul3A_169 = arith.constant 16 : i32
        %mul3A_170 = arith.muli %while3A_141, %mul3A_169 : i32
        %add3A_171 = vector.broadcast %mul3A_170 : i32 to vector<16xi32>
        %add3A_172 = arith.addi %add3A_171, %iota3A : vector<16xi32>
        tpu.vector_store_idx %arg13[%add3A_172, %broadcast_in_dim3A_168], %gather3A : memref<144x128xf32, #tpu.memory_space<vmem>>[vector<16xi32>, vector<16xi32>], vector<16xf32>,
        %broadcast_in_dim3A_173 = arith.constant 1 : i32
        %broadcast_in_dim3A_174 = vector.broadcast %broadcast_in_dim3A_173 : i32 to vector<16xi32>
        %gather3A_175 = tpu.vector_load_idx %arg7[%broadcast_in_dim3A_174, %min3A_161] : memref<32x2048xf32, #tpu.memory_space<vmem>>[vector<16xi32>, vector<16xi32>], vector<16xf32>,
        %mul3A_176 = arith.constant 16 : i32
        %mul3A_177 = arith.muli %while3A_141, %mul3A_176 : i32
        %add3A_178 = vector.broadcast %mul3A_177 : i32 to vector<16xi32>
        %add3A_179 = arith.addi %add3A_178, %iota3A : vector<16xi32>
        tpu.vector_store_idx %arg13[%add3A_179, %broadcast_in_dim3A_174], %gather3A_175 : memref<144x128xf32, #tpu.memory_space<vmem>>[vector<16xi32>, vector<16xi32>], vector<16xf32>,
        %broadcast_in_dim3A_180 = arith.constant 2 : i32
        %broadcast_in_dim3A_181 = vector.broadcast %broadcast_in_dim3A_180 : i32 to vector<16xi32>
        %gather3A_182 = tpu.vector_load_idx %arg7[%broadcast_in_dim3A_181, %min3A_161] : memref<32x2048xf32, #tpu.memory_space<vmem>>[vector<16xi32>, vector<16xi32>], vector<16xf32>,
        %mul3A_183 = arith.constant 16 : i32
        %mul3A_184 = arith.muli %while3A_141, %mul3A_183 : i32
        %add3A_185 = vector.broadcast %mul3A_184 : i32 to vector<16xi32>
        %add3A_186 = arith.addi %add3A_185, %iota3A : vector<16xi32>
        tpu.vector_store_idx %arg13[%add3A_186, %broadcast_in_dim3A_181], %gather3A_182 : memref<144x128xf32, #tpu.memory_space<vmem>>[vector<16xi32>, vector<16xi32>], vector<16xf32>,
        %broadcast_in_dim3A_187 = arith.constant 3 : i32
        %broadcast_in_dim3A_188 = vector.broadcast %broadcast_in_dim3A_187 : i32 to vector<16xi32>
        %gather3A_189 = tpu.vector_load_idx %arg7[%broadcast_in_dim3A_188, %min3A_161] : memref<32x2048xf32, #tpu.memory_space<vmem>>[vector<16xi32>, vector<16xi32>], vector<16xf32>,
        %mul3A_190 = arith.constant 16 : i32
        %mul3A_191 = arith.muli %while3A_141, %mul3A_190 : i32
        %add3A_192 = vector.broadcast %mul3A_191 : i32 to vector<16xi32>
        %add3A_193 = arith.addi %add3A_192, %iota3A : vector<16xi32>
        tpu.vector_store_idx %arg13[%add3A_193, %broadcast_in_dim3A_188], %gather3A_189 : memref<144x128xf32, #tpu.memory_space<vmem>>[vector<16xi32>, vector<16xi32>], vector<16xf32>,
        %broadcast_in_dim3A_194 = arith.constant 4 : i32
        %broadcast_in_dim3A_195 = vector.broadcast %broadcast_in_dim3A_194 : i32 to vector<16xi32>
        %gather3A_196 = tpu.vector_load_idx %arg7[%broadcast_in_dim3A_195, %min3A_161] : memref<32x2048xf32, #tpu.memory_space<vmem>>[vector<16xi32>, vector<16xi32>], vector<16xf32>,
        %mul3A_197 = arith.constant 16 : i32
        %mul3A_198 = arith.muli %while3A_141, %mul3A_197 : i32
        %add3A_199 = vector.broadcast %mul3A_198 : i32 to vector<16xi32>
        %add3A_200 = arith.addi %add3A_199, %iota3A : vector<16xi32>
        tpu.vector_store_idx %arg13[%add3A_200, %broadcast_in_dim3A_195], %gather3A_196 : memref<144x128xf32, #tpu.memory_space<vmem>>[vector<16xi32>, vector<16xi32>], vector<16xf32>,
        %broadcast_in_dim3A_201 = arith.constant 5 : i32
        %broadcast_in_dim3A_202 = vector.broadcast %broadcast_in_dim3A_201 : i32 to vector<16xi32>
        %gather3A_203 = tpu.vector_load_idx %arg7[%broadcast_in_dim3A_202, %min3A_161] : memref<32x2048xf32, #tpu.memory_space<vmem>>[vector<16xi32>, vector<16xi32>], vector<16xf32>,
        %mul3A_204 = arith.constant 16 : i32
        %mul3A_205 = arith.muli %while3A_141, %mul3A_204 : i32
        %add3A_206 = vector.broadcast %mul3A_205 : i32 to vector<16xi32>
        %add3A_207 = arith.addi %add3A_206, %iota3A : vector<16xi32>
        tpu.vector_store_idx %arg13[%add3A_207, %broadcast_in_dim3A_202], %gather3A_203 : memref<144x128xf32, #tpu.memory_space<vmem>>[vector<16xi32>, vector<16xi32>], vector<16xf32>,
        %broadcast_in_dim3A_208 = arith.constant 6 : i32
        %broadcast_in_dim3A_209 = vector.broadcast %broadcast_in_dim3A_208 : i32 to vector<16xi32>
        %gather3A_210 = tpu.vector_load_idx %arg7[%broadcast_in_dim3A_209, %min3A_161] : memref<32x2048xf32, #tpu.memory_space<vmem>>[vector<16xi32>, vector<16xi32>], vector<16xf32>,
        %mul3A_211 = arith.constant 16 : i32
        %mul3A_212 = arith.muli %while3A_141, %mul3A_211 : i32
        %add3A_213 = vector.broadcast %mul3A_212 : i32 to vector<16xi32>
        %add3A_214 = arith.addi %add3A_213, %iota3A : vector<16xi32>
        tpu.vector_store_idx %arg13[%add3A_214, %broadcast_in_dim3A_209], %gather3A_210 : memref<144x128xf32, #tpu.memory_space<vmem>>[vector<16xi32>, vector<16xi32>], vector<16xf32>,
        %broadcast_in_dim3A_215 = arith.constant 7 : i32
        %broadcast_in_dim3A_216 = vector.broadcast %broadcast_in_dim3A_215 : i32 to vector<16xi32>
        %gather3A_217 = tpu.vector_load_idx %arg7[%broadcast_in_dim3A_216, %min3A_161] : memref<32x2048xf32, #tpu.memory_space<vmem>>[vector<16xi32>, vector<16xi32>], vector<16xf32>,
        %mul3A_218 = arith.constant 16 : i32
        %mul3A_219 = arith.muli %while3A_141, %mul3A_218 : i32
        %add3A_220 = vector.broadcast %mul3A_219 : i32 to vector<16xi32>
        %add3A_221 = arith.addi %add3A_220, %iota3A : vector<16xi32>
        tpu.vector_store_idx %arg13[%add3A_221, %broadcast_in_dim3A_216], %gather3A_217 : memref<144x128xf32, #tpu.memory_space<vmem>>[vector<16xi32>, vector<16xi32>], vector<16xf32>,
        %broadcast_in_dim3A_222 = arith.constant 8 : i32
        %broadcast_in_dim3A_223 = vector.broadcast %broadcast_in_dim3A_222 : i32 to vector<16xi32>
        %gather3A_224 = tpu.vector_load_idx %arg7[%broadcast_in_dim3A_223, %min3A_161] : memref<32x2048xf32, #tpu.memory_space<vmem>>[vector<16xi32>, vector<16xi32>], vector<16xf32>,
        %mul3A_225 = arith.constant 16 : i32
        %mul3A_226 = arith.muli %while3A_141, %mul3A_225 : i32
        %add3A_227 = vector.broadcast %mul3A_226 : i32 to vector<16xi32>
        %add3A_228 = arith.addi %add3A_227, %iota3A : vector<16xi32>
        tpu.vector_store_idx %arg13[%add3A_228, %broadcast_in_dim3A_223], %gather3A_224 : memref<144x128xf32, #tpu.memory_space<vmem>>[vector<16xi32>, vector<16xi32>], vector<16xf32>,
        %broadcast_in_dim3A_229 = arith.constant 9 : i32
        %broadcast_in_dim3A_230 = vector.broadcast %broadcast_in_dim3A_229 : i32 to vector<16xi32>
        %gather3A_231 = tpu.vector_load_idx %arg7[%broadcast_in_dim3A_230, %min3A_161] : memref<32x2048xf32, #tpu.memory_space<vmem>>[vector<16xi32>, vector<16xi32>], vector<16xf32>,
        %mul3A_232 = arith.constant 16 : i32
        %mul3A_233 = arith.muli %while3A_141, %mul3A_232 : i32
        %add3A_234 = vector.broadcast %mul3A_233 : i32 to vector<16xi32>
        %add3A_235 = arith.addi %add3A_234, %iota3A : vector<16xi32>
        tpu.vector_store_idx %arg13[%add3A_235, %broadcast_in_dim3A_230], %gather3A_231 : memref<144x128xf32, #tpu.memory_space<vmem>>[vector<16xi32>, vector<16xi32>], vector<16xf32>,
        %broadcast_in_dim3A_236 = arith.constant 10 : i32
        %broadcast_in_dim3A_237 = vector.broadcast %broadcast_in_dim3A_236 : i32 to vector<16xi32>
        %gather3A_238 = tpu.vector_load_idx %arg7[%broadcast_in_dim3A_237, %min3A_161] : memref<32x2048xf32, #tpu.memory_space<vmem>>[vector<16xi32>, vector<16xi32>], vector<16xf32>,
        %mul3A_239 = arith.constant 16 : i32
        %mul3A_240 = arith.muli %while3A_141, %mul3A_239 : i32
        %add3A_241 = vector.broadcast %mul3A_240 : i32 to vector<16xi32>
        %add3A_242 = arith.addi %add3A_241, %iota3A : vector<16xi32>
        tpu.vector_store_idx %arg13[%add3A_242, %broadcast_in_dim3A_237], %gather3A_238 : memref<144x128xf32, #tpu.memory_space<vmem>>[vector<16xi32>, vector<16xi32>], vector<16xf32>,
        %broadcast_in_dim3A_243 = arith.constant 11 : i32
        %broadcast_in_dim3A_244 = vector.broadcast %broadcast_in_dim3A_243 : i32 to vector<16xi32>
        %gather3A_245 = tpu.vector_load_idx %arg7[%broadcast_in_dim3A_244, %min3A_161] : memref<32x2048xf32, #tpu.memory_space<vmem>>[vector<16xi32>, vector<16xi32>], vector<16xf32>,
        %mul3A_246 = arith.constant 16 : i32
        %mul3A_247 = arith.muli %while3A_141, %mul3A_246 : i32
        %add3A_248 = vector.broadcast %mul3A_247 : i32 to vector<16xi32>
        %add3A_249 = arith.addi %add3A_248, %iota3A : vector<16xi32>
        tpu.vector_store_idx %arg13[%add3A_249, %broadcast_in_dim3A_244], %gather3A_245 : memref<144x128xf32, #tpu.memory_space<vmem>>[vector<16xi32>, vector<16xi32>], vector<16xf32>,
        %broadcast_in_dim3A_250 = arith.constant 12 : i32
        %broadcast_in_dim3A_251 = vector.broadcast %broadcast_in_dim3A_250 : i32 to vector<16xi32>
        %gather3A_252 = tpu.vector_load_idx %arg7[%broadcast_in_dim3A_251, %min3A_161] : memref<32x2048xf32, #tpu.memory_space<vmem>>[vector<16xi32>, vector<16xi32>], vector<16xf32>,
        %mul3A_253 = arith.constant 16 : i32
        %mul3A_254 = arith.muli %while3A_141, %mul3A_253 : i32
        %add3A_255 = vector.broadcast %mul3A_254 : i32 to vector<16xi32>
        %add3A_256 = arith.addi %add3A_255, %iota3A : vector<16xi32>
        tpu.vector_store_idx %arg13[%add3A_256, %broadcast_in_dim3A_251], %gather3A_252 : memref<144x128xf32, #tpu.memory_space<vmem>>[vector<16xi32>, vector<16xi32>], vector<16xf32>,
        %broadcast_in_dim3A_257 = arith.constant 13 : i32
        %broadcast_in_dim3A_258 = vector.broadcast %broadcast_in_dim3A_257 : i32 to vector<16xi32>
        %gather3A_259 = tpu.vector_load_idx %arg7[%broadcast_in_dim3A_258, %min3A_161] : memref<32x2048xf32, #tpu.memory_space<vmem>>[vector<16xi32>, vector<16xi32>], vector<16xf32>,
        %mul3A_260 = arith.constant 16 : i32
        %mul3A_261 = arith.muli %while3A_141, %mul3A_260 : i32
        %add3A_262 = vector.broadcast %mul3A_261 : i32 to vector<16xi32>
        %add3A_263 = arith.addi %add3A_262, %iota3A : vector<16xi32>
        tpu.vector_store_idx %arg13[%add3A_263, %broadcast_in_dim3A_258], %gather3A_259 : memref<144x128xf32, #tpu.memory_space<vmem>>[vector<16xi32>, vector<16xi32>], vector<16xf32>,
        %broadcast_in_dim3A_264 = arith.constant 14 : i32
        %broadcast_in_dim3A_265 = vector.broadcast %broadcast_in_dim3A_264 : i32 to vector<16xi32>
        %gather3A_266 = tpu.vector_load_idx %arg7[%broadcast_in_dim3A_265, %min3A_161] : memref<32x2048xf32, #tpu.memory_space<vmem>>[vector<16xi32>, vector<16xi32>], vector<16xf32>,
        %mul3A_267 = arith.constant 16 : i32
        %mul3A_268 = arith.muli %while3A_141, %mul3A_267 : i32
        %add3A_269 = vector.broadcast %mul3A_268 : i32 to vector<16xi32>
        %add3A_270 = arith.addi %add3A_269, %iota3A : vector<16xi32>
        tpu.vector_store_idx %arg13[%add3A_270, %broadcast_in_dim3A_265], %gather3A_266 : memref<144x128xf32, #tpu.memory_space<vmem>>[vector<16xi32>, vector<16xi32>], vector<16xf32>,
        %broadcast_in_dim3A_271 = arith.constant 15 : i32
        %broadcast_in_dim3A_272 = vector.broadcast %broadcast_in_dim3A_271 : i32 to vector<16xi32>
        %gather3A_273 = tpu.vector_load_idx %arg7[%broadcast_in_dim3A_272, %min3A_161] : memref<32x2048xf32, #tpu.memory_space<vmem>>[vector<16xi32>, vector<16xi32>], vector<16xf32>,
        %mul3A_274 = arith.constant 16 : i32
        %mul3A_275 = arith.muli %while3A_141, %mul3A_274 : i32
        %add3A_276 = vector.broadcast %mul3A_275 : i32 to vector<16xi32>
        %add3A_277 = arith.addi %add3A_276, %iota3A : vector<16xi32>
        tpu.vector_store_idx %arg13[%add3A_277, %broadcast_in_dim3A_272], %gather3A_273 : memref<144x128xf32, #tpu.memory_space<vmem>>[vector<16xi32>, vector<16xi32>], vector<16xf32>,
        %broadcast_in_dim3A_278 = arith.constant 16 : i32
        %broadcast_in_dim3A_279 = vector.broadcast %broadcast_in_dim3A_278 : i32 to vector<16xi32>
        %gather3A_280 = tpu.vector_load_idx %arg7[%broadcast_in_dim3A_279, %min3A_161] : memref<32x2048xf32, #tpu.memory_space<vmem>>[vector<16xi32>, vector<16xi32>], vector<16xf32>,
        %mul3A_281 = arith.constant 16 : i32
        %mul3A_282 = arith.muli %while3A_141, %mul3A_281 : i32
        %add3A_283 = vector.broadcast %mul3A_282 : i32 to vector<16xi32>
        %add3A_284 = arith.addi %add3A_283, %iota3A : vector<16xi32>
        tpu.vector_store_idx %arg13[%add3A_284, %broadcast_in_dim3A_279], %gather3A_280 : memref<144x128xf32, #tpu.memory_space<vmem>>[vector<16xi32>, vector<16xi32>], vector<16xf32>,
        %broadcast_in_dim3A_285 = arith.constant 17 : i32
        %broadcast_in_dim3A_286 = vector.broadcast %broadcast_in_dim3A_285 : i32 to vector<16xi32>
        %gather3A_287 = tpu.vector_load_idx %arg7[%broadcast_in_dim3A_286, %min3A_161] : memref<32x2048xf32, #tpu.memory_space<vmem>>[vector<16xi32>, vector<16xi32>], vector<16xf32>,
        %mul3A_288 = arith.constant 16 : i32
        %mul3A_289 = arith.muli %while3A_141, %mul3A_288 : i32
        %add3A_290 = vector.broadcast %mul3A_289 : i32 to vector<16xi32>
        %add3A_291 = arith.addi %add3A_290, %iota3A : vector<16xi32>
        tpu.vector_store_idx %arg13[%add3A_291, %broadcast_in_dim3A_286], %gather3A_287 : memref<144x128xf32, #tpu.memory_space<vmem>>[vector<16xi32>, vector<16xi32>], vector<16xf32>,
        %broadcast_in_dim3A_292 = arith.constant 18 : i32
        %broadcast_in_dim3A_293 = vector.broadcast %broadcast_in_dim3A_292 : i32 to vector<16xi32>
        %gather3A_294 = tpu.vector_load_idx %arg7[%broadcast_in_dim3A_293, %min3A_161] : memref<32x2048xf32, #tpu.memory_space<vmem>>[vector<16xi32>, vector<16xi32>], vector<16xf32>,
        %mul3A_295 = arith.constant 16 : i32
        %mul3A_296 = arith.muli %while3A_141, %mul3A_295 : i32
        %add3A_297 = vector.broadcast %mul3A_296 : i32 to vector<16xi32>
        %add3A_298 = arith.addi %add3A_297, %iota3A : vector<16xi32>
        tpu.vector_store_idx %arg13[%add3A_298, %broadcast_in_dim3A_293], %gather3A_294 : memref<144x128xf32, #tpu.memory_space<vmem>>[vector<16xi32>, vector<16xi32>], vector<16xf32>,
        %broadcast_in_dim3A_299 = arith.constant 19 : i32
        %broadcast_in_dim3A_300 = vector.broadcast %broadcast_in_dim3A_299 : i32 to vector<16xi32>
        %gather3A_301 = tpu.vector_load_idx %arg7[%broadcast_in_dim3A_300, %min3A_161] : memref<32x2048xf32, #tpu.memory_space<vmem>>[vector<16xi32>, vector<16xi32>], vector<16xf32>,
        %mul3A_302 = arith.constant 16 : i32
        %mul3A_303 = arith.muli %while3A_141, %mul3A_302 : i32
        %add3A_304 = vector.broadcast %mul3A_303 : i32 to vector<16xi32>
        %add3A_305 = arith.addi %add3A_304, %iota3A : vector<16xi32>
        tpu.vector_store_idx %arg13[%add3A_305, %broadcast_in_dim3A_300], %gather3A_301 : memref<144x128xf32, #tpu.memory_space<vmem>>[vector<16xi32>, vector<16xi32>], vector<16xf32>,
        %broadcast_in_dim3A_306 = arith.constant 20 : i32
        %broadcast_in_dim3A_307 = vector.broadcast %broadcast_in_dim3A_306 : i32 to vector<16xi32>
        %gather3A_308 = tpu.vector_load_idx %arg7[%broadcast_in_dim3A_307, %min3A_161] : memref<32x2048xf32, #tpu.memory_space<vmem>>[vector<16xi32>, vector<16xi32>], vector<16xf32>,
        %mul3A_309 = arith.constant 16 : i32
        %mul3A_310 = arith.muli %while3A_141, %mul3A_309 : i32
        %add3A_311 = vector.broadcast %mul3A_310 : i32 to vector<16xi32>
        %add3A_312 = arith.addi %add3A_311, %iota3A : vector<16xi32>
        tpu.vector_store_idx %arg13[%add3A_312, %broadcast_in_dim3A_307], %gather3A_308 : memref<144x128xf32, #tpu.memory_space<vmem>>[vector<16xi32>, vector<16xi32>], vector<16xf32>,
        %broadcast_in_dim3A_313 = arith.constant 21 : i32
        %broadcast_in_dim3A_314 = vector.broadcast %broadcast_in_dim3A_313 : i32 to vector<16xi32>
        %gather3A_315 = tpu.vector_load_idx %arg7[%broadcast_in_dim3A_314, %min3A_161] : memref<32x2048xf32, #tpu.memory_space<vmem>>[vector<16xi32>, vector<16xi32>], vector<16xf32>,
        %mul3A_316 = arith.constant 16 : i32
        %mul3A_317 = arith.muli %while3A_141, %mul3A_316 : i32
        %add3A_318 = vector.broadcast %mul3A_317 : i32 to vector<16xi32>
        %add3A_319 = arith.addi %add3A_318, %iota3A : vector<16xi32>
        tpu.vector_store_idx %arg13[%add3A_319, %broadcast_in_dim3A_314], %gather3A_315 : memref<144x128xf32, #tpu.memory_space<vmem>>[vector<16xi32>, vector<16xi32>], vector<16xf32>,
        %broadcast_in_dim3A_320 = arith.constant 22 : i32
        %broadcast_in_dim3A_321 = vector.broadcast %broadcast_in_dim3A_320 : i32 to vector<16xi32>
        %gather3A_322 = tpu.vector_load_idx %arg7[%broadcast_in_dim3A_321, %min3A_161] : memref<32x2048xf32, #tpu.memory_space<vmem>>[vector<16xi32>, vector<16xi32>], vector<16xf32>,
        %mul3A_323 = arith.constant 16 : i32
        %mul3A_324 = arith.muli %while3A_141, %mul3A_323 : i32
        %add3A_325 = vector.broadcast %mul3A_324 : i32 to vector<16xi32>
        %add3A_326 = arith.addi %add3A_325, %iota3A : vector<16xi32>
        tpu.vector_store_idx %arg13[%add3A_326, %broadcast_in_dim3A_321], %gather3A_322 : memref<144x128xf32, #tpu.memory_space<vmem>>[vector<16xi32>, vector<16xi32>], vector<16xf32>,
        %broadcast_in_dim3A_327 = arith.constant 23 : i32
        %broadcast_in_dim3A_328 = vector.broadcast %broadcast_in_dim3A_327 : i32 to vector<16xi32>
        %gather3A_329 = tpu.vector_load_idx %arg7[%broadcast_in_dim3A_328, %min3A_161] : memref<32x2048xf32, #tpu.memory_space<vmem>>[vector<16xi32>, vector<16xi32>], vector<16xf32>,
        %mul3A_330 = arith.constant 16 : i32
        %mul3A_331 = arith.muli %while3A_141, %mul3A_330 : i32
        %add3A_332 = vector.broadcast %mul3A_331 : i32 to vector<16xi32>
        %add3A_333 = arith.addi %add3A_332, %iota3A : vector<16xi32>
        tpu.vector_store_idx %arg13[%add3A_333, %broadcast_in_dim3A_328], %gather3A_329 : memref<144x128xf32, #tpu.memory_space<vmem>>[vector<16xi32>, vector<16xi32>], vector<16xf32>,
        %broadcast_in_dim3A_334 = arith.constant 24 : i32
        %broadcast_in_dim3A_335 = vector.broadcast %broadcast_in_dim3A_334 : i32 to vector<16xi32>
        %gather3A_336 = tpu.vector_load_idx %arg7[%broadcast_in_dim3A_335, %min3A_161] : memref<32x2048xf32, #tpu.memory_space<vmem>>[vector<16xi32>, vector<16xi32>], vector<16xf32>,
        %mul3A_337 = arith.constant 16 : i32
        %mul3A_338 = arith.muli %while3A_141, %mul3A_337 : i32
        %add3A_339 = vector.broadcast %mul3A_338 : i32 to vector<16xi32>
        %add3A_340 = arith.addi %add3A_339, %iota3A : vector<16xi32>
        tpu.vector_store_idx %arg13[%add3A_340, %broadcast_in_dim3A_335], %gather3A_336 : memref<144x128xf32, #tpu.memory_space<vmem>>[vector<16xi32>, vector<16xi32>], vector<16xf32>,
        %broadcast_in_dim3A_341 = arith.constant 25 : i32
        %broadcast_in_dim3A_342 = vector.broadcast %broadcast_in_dim3A_341 : i32 to vector<16xi32>
        %gather3A_343 = tpu.vector_load_idx %arg7[%broadcast_in_dim3A_342, %min3A_161] : memref<32x2048xf32, #tpu.memory_space<vmem>>[vector<16xi32>, vector<16xi32>], vector<16xf32>,
        %mul3A_344 = arith.constant 16 : i32
        %mul3A_345 = arith.muli %while3A_141, %mul3A_344 : i32
        %add3A_346 = vector.broadcast %mul3A_345 : i32 to vector<16xi32>
        %add3A_347 = arith.addi %add3A_346, %iota3A : vector<16xi32>
        tpu.vector_store_idx %arg13[%add3A_347, %broadcast_in_dim3A_342], %gather3A_343 : memref<144x128xf32, #tpu.memory_space<vmem>>[vector<16xi32>, vector<16xi32>], vector<16xf32>,
        %broadcast_in_dim3A_348 = arith.constant 26 : i32
        %broadcast_in_dim3A_349 = vector.broadcast %broadcast_in_dim3A_348 : i32 to vector<16xi32>
        %gather3A_350 = tpu.vector_load_idx %arg7[%broadcast_in_dim3A_349, %min3A_161] : memref<32x2048xf32, #tpu.memory_space<vmem>>[vector<16xi32>, vector<16xi32>], vector<16xf32>,
        %mul3A_351 = arith.constant 16 : i32
        %mul3A_352 = arith.muli %while3A_141, %mul3A_351 : i32
        %add3A_353 = vector.broadcast %mul3A_352 : i32 to vector<16xi32>
        %add3A_354 = arith.addi %add3A_353, %iota3A : vector<16xi32>
        tpu.vector_store_idx %arg13[%add3A_354, %broadcast_in_dim3A_349], %gather3A_350 : memref<144x128xf32, #tpu.memory_space<vmem>>[vector<16xi32>, vector<16xi32>], vector<16xf32>,
        %broadcast_in_dim3A_355 = arith.constant 27 : i32
        %broadcast_in_dim3A_356 = vector.broadcast %broadcast_in_dim3A_355 : i32 to vector<16xi32>
        %gather3A_357 = tpu.vector_load_idx %arg7[%broadcast_in_dim3A_356, %min3A_161] : memref<32x2048xf32, #tpu.memory_space<vmem>>[vector<16xi32>, vector<16xi32>], vector<16xf32>,
        %mul3A_358 = arith.constant 16 : i32
        %mul3A_359 = arith.muli %while3A_141, %mul3A_358 : i32
        %add3A_360 = vector.broadcast %mul3A_359 : i32 to vector<16xi32>
        %add3A_361 = arith.addi %add3A_360, %iota3A : vector<16xi32>
        tpu.vector_store_idx %arg13[%add3A_361, %broadcast_in_dim3A_356], %gather3A_357 : memref<144x128xf32, #tpu.memory_space<vmem>>[vector<16xi32>, vector<16xi32>], vector<16xf32>,
        %broadcast_in_dim3A_362 = arith.constant 28 : i32
        %broadcast_in_dim3A_363 = vector.broadcast %broadcast_in_dim3A_362 : i32 to vector<16xi32>
        %gather3A_364 = tpu.vector_load_idx %arg7[%broadcast_in_dim3A_363, %min3A_161] : memref<32x2048xf32, #tpu.memory_space<vmem>>[vector<16xi32>, vector<16xi32>], vector<16xf32>,
        %mul3A_365 = arith.constant 16 : i32
        %mul3A_366 = arith.muli %while3A_141, %mul3A_365 : i32
        %add3A_367 = vector.broadcast %mul3A_366 : i32 to vector<16xi32>
        %add3A_368 = arith.addi %add3A_367, %iota3A : vector<16xi32>
        tpu.vector_store_idx %arg13[%add3A_368, %broadcast_in_dim3A_363], %gather3A_364 : memref<144x128xf32, #tpu.memory_space<vmem>>[vector<16xi32>, vector<16xi32>], vector<16xf32>,
        %broadcast_in_dim3A_369 = arith.constant 29 : i32
        %broadcast_in_dim3A_370 = vector.broadcast %broadcast_in_dim3A_369 : i32 to vector<16xi32>
        %gather3A_371 = tpu.vector_load_idx %arg7[%broadcast_in_dim3A_370, %min3A_161] : memref<32x2048xf32, #tpu.memory_space<vmem>>[vector<16xi32>, vector<16xi32>], vector<16xf32>,
        %mul3A_372 = arith.constant 16 : i32
        %mul3A_373 = arith.muli %while3A_141, %mul3A_372 : i32
        %add3A_374 = vector.broadcast %mul3A_373 : i32 to vector<16xi32>
        %add3A_375 = arith.addi %add3A_374, %iota3A : vector<16xi32>
        tpu.vector_store_idx %arg13[%add3A_375, %broadcast_in_dim3A_370], %gather3A_371 : memref<144x128xf32, #tpu.memory_space<vmem>>[vector<16xi32>, vector<16xi32>], vector<16xf32>,
        %broadcast_in_dim3A_376 = arith.constant 30 : i32
        %broadcast_in_dim3A_377 = vector.broadcast %broadcast_in_dim3A_376 : i32 to vector<16xi32>
        %gather3A_378 = tpu.vector_load_idx %arg7[%broadcast_in_dim3A_377, %min3A_161] : memref<32x2048xf32, #tpu.memory_space<vmem>>[vector<16xi32>, vector<16xi32>], vector<16xf32>,
        %mul3A_379 = arith.constant 16 : i32
        %mul3A_380 = arith.muli %while3A_141, %mul3A_379 : i32
        %add3A_381 = vector.broadcast %mul3A_380 : i32 to vector<16xi32>
        %add3A_382 = arith.addi %add3A_381, %iota3A : vector<16xi32>
        tpu.vector_store_idx %arg13[%add3A_382, %broadcast_in_dim3A_377], %gather3A_378 : memref<144x128xf32, #tpu.memory_space<vmem>>[vector<16xi32>, vector<16xi32>], vector<16xf32>,
        %broadcast_in_dim3A_383 = arith.constant 31 : i32
        %broadcast_in_dim3A_384 = vector.broadcast %broadcast_in_dim3A_383 : i32 to vector<16xi32>
        %gather3A_385 = tpu.vector_load_idx %arg7[%broadcast_in_dim3A_384, %min3A_161] : memref<32x2048xf32, #tpu.memory_space<vmem>>[vector<16xi32>, vector<16xi32>], vector<16xf32>,
        %mul3A_386 = arith.constant 16 : i32
        %mul3A_387 = arith.muli %while3A_141, %mul3A_386 : i32
        %add3A_388 = vector.broadcast %mul3A_387 : i32 to vector<16xi32>
        %add3A_389 = arith.addi %add3A_388, %iota3A : vector<16xi32>
        tpu.vector_store_idx %arg13[%add3A_389, %broadcast_in_dim3A_384], %gather3A_385 : memref<144x128xf32, #tpu.memory_space<vmem>>[vector<16xi32>, vector<16xi32>], vector<16xf32>,
        %eq3A_390 = arith.constant 0 : i32
        %eq3A_391 = arith.cmpi eq, %arg0, %eq3A_390 : i32
        %convert_element_type3A_392 = arith.extui %eq3A_391 : i1 to i32
        %cond3A_393 = arith.constant 0 : i32
        %cond3A_394 = arith.cmpi ne, %convert_element_type3A_392, %cond3A_393 : i32
        scf.if %cond3A_394 {
          %mul3A_400 = arith.constant 16 : i32
          %mul3A_401 = arith.muli %while3A_141, %mul3A_400 : i32
          %dma_start3A = arith.constant 0 : i32
          %dma_start3A_402 = tpu.memref_slice %arg13[%mul3A_401, %dma_start3A] : memref<144x128xf32, #tpu.memory_space<vmem>> -> memref<16x128xf32, #tpu.memory_space<vmem>>
          %dma_start3A_403 = arith.constant 0 : i32
          %dma_start3A_404 = tpu.memref_slice %arg14[%while3A_141, %dma_start3A_403] : memref<9x16xi32, #tpu.memory_space<vmem>> -> memref<1x16xi32, #tpu.memory_space<vmem>>
          %dma_start3A_405 = tpu.memref_squeeze %dma_start3A_404 : memref<1x16xi32, #tpu.memory_space<vmem>> -> memref<16xi32, #tpu.memory_space<vmem>>
          %dma_start3A_406 = arith.constant 0 : i32
          %dma_start3A_407 = arith.constant 0 : i32
          %dma_start3A_408 = tpu.memref_slice %arg5[%dma_start3A_406, %dma_start3A_407] : memref<16400x128xf32, #tpu.memory_space<hbm>> -> memref<16400x128xf32, #tpu.memory_space<hbm>>
          tpu.enqueue_indirect_dma source(%dma_start3A_402 : memref<16x128xf32, #tpu.memory_space<vmem>>) target(%dma_start3A_408 : memref<16400x128xf32, #tpu.memory_space<hbm>>) offsets(%dma_start3A_405 : memref<16xi32, #tpu.memory_space<vmem>>) semaphore(%arg17 : memref<!tpu.dma_semaphore, #tpu.memory_space<semaphore_mem>>)
        } else {
        }
        %eq3A_395 = arith.constant 1 : i32
        %eq3A_396 = arith.cmpi eq, %arg0, %eq3A_395 : i32
        %convert_element_type3A_397 = arith.extui %eq3A_396 : i1 to i32
        %cond3A_398 = arith.constant 0 : i32
        %cond3A_399 = arith.cmpi ne, %convert_element_type3A_397, %cond3A_398 : i32
        scf.if %cond3A_399 {
          %mul3A_400 = arith.constant 16 : i32
          %mul3A_401 = arith.muli %while3A_141, %mul3A_400 : i32
          %dma_start3A = arith.constant 0 : i32
          %dma_start3A_402 = tpu.memref_slice %arg13[%mul3A_401, %dma_start3A] : memref<144x128xf32, #tpu.memory_space<vmem>> -> memref<16x128xf32, #tpu.memory_space<vmem>>
          %dma_start3A_403 = arith.constant 0 : i32
          %dma_start3A_404 = tpu.memref_slice %arg14[%while3A_141, %dma_start3A_403] : memref<9x16xi32, #tpu.memory_space<vmem>> -> memref<1x16xi32, #tpu.memory_space<vmem>>
          %dma_start3A_405 = tpu.memref_squeeze %dma_start3A_404 : memref<1x16xi32, #tpu.memory_space<vmem>> -> memref<16xi32, #tpu.memory_space<vmem>>
          %dma_start3A_406 = arith.constant 0 : i32
          %dma_start3A_407 = arith.constant 0 : i32
          %dma_start3A_408 = tpu.memref_slice %arg6[%dma_start3A_406, %dma_start3A_407] : memref<16400x128xf32, #tpu.memory_space<hbm>> -> memref<16400x128xf32, #tpu.memory_space<hbm>>
          tpu.enqueue_indirect_dma source(%dma_start3A_402 : memref<16x128xf32, #tpu.memory_space<vmem>>) target(%dma_start3A_408 : memref<16400x128xf32, #tpu.memory_space<hbm>>) offsets(%dma_start3A_405 : memref<16xi32, #tpu.memory_space<vmem>>) semaphore(%arg17 : memref<!tpu.dma_semaphore, #tpu.memory_space<semaphore_mem>>)
        } else {
        }
      }
      %while3A_131 = arith.constant 0 : i32
      %while3A_132 = arith.constant 0 : i32
      %while3A_133 = arith.subi %select_n3A_120, %while3A_132 : i32
      %while3A_134 = arith.addi %while3A_132, %while3A_133 : i32
      %while3A_135 = arith.constant 1 : i32
      %while3A_136 = arith.divsi %while3A_133, %while3A_135 : i32
      %while3A_137 = arith.muli %while3A_136, %while3A_135 : i32
      %while3A_138 = arith.addi %while3A_132, %while3A_137 : i32
      %while3A_139 = arith.constant 1 : i32
      scf.for %while3A_141 = %while3A_132 to %while3A_138 step %while3A_139  : i32 {
        %dma_wait3A_142 = arith.constant 0 : i32
        %dma_wait3A_143 = arith.constant 0 : i32
        %dma_wait3A_144 = tpu.memref_slice %arg2[%dma_wait3A_142, %dma_wait3A_143] : memref<64x1000000xf32, #tpu.memory_space<hbm>> -> memref<16x128xf32, #tpu.memory_space<hbm>>
        %dma_wait3A_145 = arith.constant 0 : i32
        %dma_wait3A_146 = arith.constant 0 : i32
        %dma_wait3A_147 = tpu.memref_slice %arg2[%dma_wait3A_145, %dma_wait3A_146] : memref<64x1000000xf32, #tpu.memory_space<hbm>> -> memref<16x128xf32, #tpu.memory_space<hbm>>
        tpu.wait_dma2 semaphore(%arg17 : memref<!tpu.dma_semaphore, #tpu.memory_space<semaphore_mem>>) src(%dma_wait3A_147 : memref<16x128xf32, #tpu.memory_space<hbm>>) dst(%arg15 : memref<16x128xf32, #tpu.memory_space<vmem>>)
      }
      %while3A_140 = arith.constant 1 : i32
      scf.for %while3A_141 = %while3A_138 to %while3A_134 step %while3A_140  : i32 {
        %dma_wait3A_142 = arith.constant 0 : i32
        %dma_wait3A_143 = arith.constant 0 : i32
        %dma_wait3A_144 = tpu.memref_slice %arg2[%dma_wait3A_142, %dma_wait3A_143] : memref<64x1000000xf32, #tpu.memory_space<hbm>> -> memref<16x128xf32, #tpu.memory_space<hbm>>
        %dma_wait3A_145 = arith.constant 0 : i32
        %dma_wait3A_146 = arith.constant 0 : i32
        %dma_wait3A_147 = tpu.memref_slice %arg2[%dma_wait3A_145, %dma_wait3A_146] : memref<64x1000000xf32, #tpu.memory_space<hbm>> -> memref<16x128xf32, #tpu.memory_space<hbm>>
        tpu.wait_dma2 semaphore(%arg17 : memref<!tpu.dma_semaphore, #tpu.memory_space<semaphore_mem>>) src(%dma_wait3A_147 : memref<16x128xf32, #tpu.memory_space<hbm>>) dst(%arg15 : memref<16x128xf32, #tpu.memory_space<vmem>>)
      }
    }
    return
  }
}

</mosaic_0001>

<sc_bundles>
// kernel: kernel.3.cloned.1.call-start
scs
__scs_entry_jumppad:
0x0: {  	(pc) =	sbr.rel $0x88, $3  }
0x1: {  	(tag) =	ssettag $0x0;
	lr =	simm.s32 $0x1  }
0x2: {  	[smem:$0x3F9F] =	sst lr;
	_ =	strace $0xD0000000  }
0x3: {  	_ = 	snop  }
0x4: {  	_ = 	snop  }
0x5: {  	_ = 	snop  }
0x6: {  	_ = 	snop  }
0x7: {  	_ = 	snop  }
__scs_overlays_trampoline_lowered:
0x8: {  	[smem:$0x3FAE] =	sst s0  }
0x9: {  	[smem:$0x3FAF] =	sst s1  }
0xa: {  	[smem:$0x3FB0] =	sst s2  }
0xb: {  	[smem:$0x3FB1] =	sst s3  }
0xc: {  	[smem:$0x3FB2] =	sst s4  }
0xd: {  	[smem:$0x3FB3] =	sst s5  }
0xe: {  	[smem:$0x3FB4] =	sst s6  }
0xf: {  	[smem:$0x3FB5] =	sst s7  }
0x10: {  	[smem:$0x3FB6] =	sst s8  }
0x11: {  	[smem:$0x3FB7] =	sst s9;
	s0 =	simm.s32 @!p0 $0x0  }
0x12: {  	s1 =	sld [smem:$0x3F9D];
	s0 =	simm.s32 @p0 $0x1  }
0x13: {  	[smem:$0x3FB8] =	sst s0;
	s0 =	simm.s32 @!p1 $0x0  }
0x14: {  	s2 =	sld [smem:$0x3F9C];
	s0 =	simm.s32 @p1 $0x1  }
0x15: {  	[smem:$0x3FB9] =	sst s0;
	s0 =	simm.s32 @!p2 $0x0  }
0x16: {  	s3 =	sld [smem:$0x3FDB];
	s0 =	simm.s32 @p2 $0x1  }
0x17: {  	s4 =	simm.s32 $0x1BF5;
	[smem:$0x3FBB] =	sst s0  }
0x18: {  	s0 =	sld [smem:$0x3F9E];
	_ =	swait.ge [sflag:s4], $0x0  }
0x19: {  	s7 =	sld [smem:$0x3F9F]  }
0x1a: {  	s8 =	sadd.s32 $0xFFFFE003, lr  }
0x1b: {  	s9 =	sadd.s32 $0xFFFFFEF7, lr;
	s5 =	simm.s32 $0xFFFFFFFF;
	p2 =	slt.u32 s8, $0xFFFFF086  }
0x1c: {  	p1 =	slt.u32 s9, $0xF7A;
	s5 =	simm.s32 @!p2 $0x0  }
0x1d: {  	s5 =	simm.s32 @p1 $0x1;
	p0 =	seq.s32 s7, s2  }
0x1e: {  	s7 =	smul.u32 @!p0 $0xF7A, s2;
	p2 =	seq.s32 @!p0 s5, $0x0  }
0x1f: {  	s9 =	smul.u32 $0xF7A, s1;
	s8 =	simm.s32 @!p0 $0x1BF5;
	p2 =	por !p2, p0  }
0x20: {  	[sflag:s8] =	ssyncset.s32 @!p0 $0xFFFFF086;
	s6 =	sadd.s32 @!p0 s3, s7;
	s7 =	simm.s32 @!p0 $0x108  }
0x21: {  	s3 =	sadd.s32 s3, s9;
	s6 =	sadd.s32 @!p0 $0x88, s6;
	s7 =	simm.s32 @p2 $0x1082  }
0x22: {  	[simem:s7], [sflag:s8] =	dma.local @!p0 [hbm:s6], $0xF7A  }
0x23: {  	s9 =	sor.u32 $0xD0000000, s2;
	s6 =	simm.s32 $0x108;
	_ =	swait.ge @!p0 [sflag:s8], $0x0  }
0x24: {  	s3 =	sadd.s32 $0x88, s3;
	s6 =	simm.s32 @!p1 $0x1082;
	[sflag:s4] =	ssyncset.s32 $0xFFFFF086  }
0x25: {  	[simem:s6], [sflag:s4] =	dma.local [hbm:s3], $0xF7A  }
0x26: {  	[smem:$0x3F9F] =	sst s1;
	(tag) =	ssettag s2;
	_ =	strace s9  }
0x27: {  	s1 =	sld [smem:$0x3FAF]  }
0x28: {  	s2 =	sld [smem:$0x3FB0]  }
0x29: {  	s4 =	sld [smem:$0x3FB2]  }
0x2a: {  	p0 =	seq.s32 s5, $0x0;
	s5 =	sld [smem:$0x3FB3]  }
0x2b: {  	s6 =	sld [smem:$0x3FB4]  }
0x2c: {  	s7 =	sld [smem:$0x3FB5]  }
0x2d: {  	s3 =	simm.s32 $0x108;
	s8 =	sld [smem:$0x3FB6]  }
0x2e: {  	s3 =	simm.s32 @!p0 $0x1082;
	s9 =	sld [smem:$0x3FB7]  }
0x2f: {  	lr =	sadd.s32 s0, s3;
	s0 =	sld [smem:$0x3FAE]  }
0x30: {  	s3 =	sld [smem:$0x3FB1]  }
0x31: {  	[smem:$0x3FBA] =	sst s10  }
0x32: {  	s10 =	sld [smem:$0x3FB8];
	_ =	sdelay $0x3  }
0x33: {  	p0 =	seq.s32 s10, $0x1;
	s10 =	sld [smem:$0x3FBA];
	_ =	sdelay $0x3  }
0x34: {  	[smem:$0x3FBA] =	sst s10  }
0x35: {  	s10 =	sld [smem:$0x3FB9];
	_ =	sdelay $0x3  }
0x36: {  	p1 =	seq.s32 s10, $0x1;
	s10 =	sld [smem:$0x3FBA];
	_ =	sdelay $0x3  }
0x37: {  	[smem:$0x3FBA] =	sst s10  }
0x38: {  	s10 =	sld [smem:$0x3FBB]  }
0x39: {  	_ = 	snop;
	(pc) =	sbr.ind lr, $3  }
0x3a: {  	_ = 	snop  }
0x3b: {  	_ = 	snop  }
0x3c: {  	p2 =	seq.s32 s10, $0x1;
	s10 =	sld [smem:$0x3FBA]  }
0x3d: {  	_ =	shalt  }
0x3e: {  	_ =	shalt  }
0x3f: {  	_ =	shalt  }
0x40: {  	_ =	shalt  }
0x41: {  	_ =	shalt  }
0x42: {  	_ =	shalt  }
0x43: {  	_ =	shalt  }
0x44: {  	_ =	shalt  }
0x45: {  	_ =	shalt  }
0x46: {  	_ =	shalt  }
0x47: {  	_ =	shalt  }
0x48: {  	_ =	shalt  }
0x49: {  	_ =	shalt  }
0x4a: {  	_ =	shalt  }
0x4b: {  	_ =	shalt  }
0x4c: {  	_ =	shalt  }
0x4d: {  	_ =	shalt  }
0x4e: {  	_ =	shalt  }
0x4f: {  	_ =	shalt  }
0x50: {  	_ =	shalt  }
0x51: {  	_ =	shalt  }
0x52: {  	_ =	shalt  }
0x53: {  	_ =	shalt  }
0x54: {  	_ =	shalt  }
0x55: {  	_ =	shalt  }
0x56: {  	_ =	shalt  }
0x57: {  	_ =	shalt  }
0x58: {  	_ =	shalt  }
0x59: {  	_ =	shalt  }
0x5a: {  	_ =	shalt  }
0x5b: {  	_ =	shalt  }
0x5c: {  	_ =	shalt  }
0x5d: {  	_ =	shalt  }
0x5e: {  	_ =	shalt  }
0x5f: {  	_ =	shalt  }
0x60: {  	_ =	shalt  }
0x61: {  	_ =	shalt  }
0x62: {  	_ =	shalt  }
0x63: {  	_ =	shalt  }
0x64: {  	_ =	shalt  }
0x65: {  	_ =	shalt  }
0x66: {  	_ =	shalt  }
0x67: {  	_ =	shalt  }
0x68: {  	_ =	shalt  }
0x69: {  	_ =	shalt  }
0x6a: {  	_ =	shalt  }
0x6b: {  	_ =	shalt  }
0x6c: {  	_ =	shalt  }
0x6d: {  	_ =	shalt  }
0x6e: {  	_ =	shalt  }
0x6f: {  	_ =	shalt  }
0x70: {  	_ =	shalt  }
0x71: {  	_ =	shalt  }
0x72: {  	_ =	shalt  }
0x73: {  	_ =	shalt  }
0x74: {  	_ =	shalt  }
0x75: {  	_ =	shalt  }
0x76: {  	_ =	shalt  }
0x77: {  	_ =	shalt  }
0x78: {  	_ =	shalt  }
0x79: {  	_ =	shalt  }
0x7a: {  	_ =	shalt  }
0x7b: {  	_ =	shalt  }
0x7c: {  	_ =	shalt  }
0x7d: {  	_ =	shalt  }
0x7e: {  	_ =	shalt  }
0x7f: {  	_ =	shalt  }
0x80: {  	_ =	shalt  }
0x81: {  	_ =	shalt  }
0x82: {  	_ =	shalt  }
0x83: {  	_ =	shalt  }
0x84: {  	_ =	shalt  }
0x85: {  	_ =	shalt  }
0x86: {  	_ =	shalt  }
0x87: {  	_ =	shalt  }
.Lfunc_end0:
.L_simem_size_0:
called_computation_lowered:
.L_overlay_start_0:
0x88: {  	s2 =	sld [smem:$0x3FD9]  }
0x89: {  	s3 =	sld [smem:$0x3FFE];
	_ =	sdelay $0x1  }
0x8a: {  	s1 =	srdreg.scid  }
0x8b: {  	s0 =	sand.u32 $0x1, s1  }
0x8c: {  	s17 =	sshll.u32 s0, $0xA;
	s2 =	sadd.s32 s3, s2  }
0x8d: {  	s2 =	sadd.s32 s2, s17  }
0x8e: {  	[smem:$0x3FC6] =	sst s2  }
0x8f: {  	_ = 	snop  }
0x90: {  	s2 =	sld [smem:$0x3FC9]  }
0x91: {  	s18 =	sld [smem:$0x3FC8]  }
0x92: {  	s4 =	sld [smem:$0x3FD0];
	(tm) =	ssettm $0x1  }
0x93: {  	s5 =	sld [smem:$0x3FFB];
	_ =	sdelay $0x3  }
0x94: {  	_ =	strace s5  }
0x95: {  	s5 =	sld [smem:$0x3FFC];
	_ =	sdelay $0x3  }
0x96: {  	_ =	strace s5  }
0x97: {  	s5 =	sld [smem:$0x3FFD];
	_ =	sdelay $0x3  }
0x98: {  	_ =	strace s5  }
0x99: {  	_ =	strace $0x8FFFFFFF  }
0x9a: {  	s19 =	sld [smem:$0x3FDB];
	_ =	sdelay $0x1  }
0x9b: {  	s6 =	simm.s32 $_scs_section_size  }
0x9c: {  	s7 =	simm.s32 $_size__tile_overlayer_lowered;
	s8 =	simm.s32 $_tile_overlayer_lowered  }
0x9d: {  	s22 =	simm.s32 $0x1BFF;
	s21 =	sshll.u32 s8, $0x1;
	s5 =	sadd.s32 s6, s19  }
0x9e: {  	s9 =	simm.s32 $0x0;
	s20 =	sshll.u32 s7, $0x1;
	s7 =	sadd.s32 s21, s5  }
0x9f: {  	[timem:s9], [sflag:s22] =	dma.local [hbm:s7], s20  }
0xa0: {  	_ =	swait.ge [sflag:s22], s20  }
0xa1: {  	s6 =	ssub.s32 $0x0, s20;
	[sflag:s22] =	ssyncset.done $0x0  }
0xa2: {  	[sflag:s22] =	ssyncadd.s32 s6;
	_ =	sdelay $0x1  }
0xa3: {  	s23 =	simm.s32 $0x1B8B  }
0xa4: {  	_ =	swait.ge [sflag:s23], $0x1  }
0xa5: {  	[sflag:s23] =	ssyncset.done $0x0  }
0xa6: {  	s25 =	simm.s32 $0x1B8E;
	s24 =	sld [smem:$0x3FFE];
	[sflag:s23] =	ssyncadd.s32 $0xFFFFFFFF  }
0xa7: {  	s26 =	simm.s32 $execute0_lowered;
	[smem:$0x3FD2] =	sst s25  }
0xa8: {  	s7 =	sshll.u32 s26, $0x1;
	_ =	strace $0x80000046;
	[dreg:$0x1] =	wrdreg $0xFFFFFFFF  }
0xa9: {  	s28 =	simm.s32 $_size_execute0_lowered;
	s5 =	sadd.s32 s5, s7;
	[dreg:$0x0] =	wrdreg $0x0  }
0xaa: {  	s7 =	sshll.u32 s28, $0x1;
	[dreg:$0x2] =	wrdreg s5  }
0xab: {  	[dreg:$0x3] =	wrdreg s7  }
0xac: {  	[dreg:$0x4] =	wrdreg $0xC0  }
0xad: {  	_ =	task [dreg:s9], $0x5FFFF  }
0xae: {  	[dreg:$0x1] =	wrdreg $0xFFFFFFFF  }
0xaf: {  	[dreg:$0x0] =	wrdreg $0x60  }
0xb0: {  	[dreg:$0x2] =	wrdreg s18  }
0xb1: {  	[dreg:$0x3] =	wrdreg s4  }
0xb2: {  	[dreg:$0x4] =	wrdreg s2  }
0xb3: {  	[dreg:$0x5] =	wrdreg s24  }
0xb4: {  	[dreg:$0x6] =	wrdreg $0x9  }
0xb5: {  	_ =	task.clear_ibuf [dreg:s9], $0x7FFFF;
	_ =	strace $0x90000046  }
0xb6: {  	s29 =	simm.s32 $0x9;
	_ =	strace $0x80000048  }
0xb7: {  	_ =	swait.ge [sflag:s29], $0x1  }
0xb8: {  	[sflag:s29] =	ssyncadd.s32 $0xFFFFFFFF  }
0xb9: {  	_ =	strace $0x90000048  }
0xba: {  	_ =	sfence  }
0xbb: {  	s30 =	sld [smem:$0x0];
	_ =	sdelay $0x2  }
0xbc: {  	s31 =	sshll.u32 s1, $0xD;
	s1 =	sshrl.u32 s1, $0x2  }
0xbd: {  	s3 =	sand.u32 $0x4000, s31;
	s1 =	sadd.s32 s1, s30  }
0xbe: {  	s0 =	sor.u32 s3, s0;
	s1 =	sshll.u32 s1, $0x11  }
0xbf: {  	s0 =	sor.u32 s1, s0  }
0xc0: {  	s0 =	sadd.s32 $0x8F2B, s0  }
0xc1: {  	[sflag:s0] =	ssyncadd.remote.s32 $0x1  }
0xc2: {  	_ =	sfence.sel $0xFFFF  }
0xc3: {  	[dreg:$0x0] =	wrdreg $0xFFFFFFFF;
	(pc) =	sbr.abs _section_cstart, $3  }
0xc4: {  	[dreg:$0x1] =	wrdreg $0xFFFFFFFF  }
0xc5: {  	_ =	task.clear_ibuf [dreg:s9], $0x2FFFF;
	_ =	strace $0x9FFFFFFF  }
0xc6: {  	(tm) =	ssettm $0x7FFFFFFF  }
0xc7: {  	_ =	shalt  }
tec
execute0_lowered:
.L_overlay_start_1:
0x0: {  	(tag) =	ssettag $0x1  }
0x1: {  	s1 =	rddreg [dreg:$0x0]  }
0x2: {  	s0 =	rddreg [dreg:$0x1]  }
0x3: {  	s8 =	rddreg [dreg:$0x2]  }
0x4: {  	s2 =	rddreg [dreg:$0x3];
	s3 =	srdreg.scid;
	s4 =	simm.s32 $0x0  }
0x5: {  	s7 =	stileid.u32;
	s14 =	simm.s32 $0x10000;
	s17 =	simm.s32 $0x3  }
0x6: {  	s18 =	simm.s32 $0x10800;
	s19 =	simm.s32 $0x14880;
	s20 =	simm.s32 $0x1  }
0x7: {  	s22 =	simm.s32 $0x18900;
	s23 =	simm.s32 $0x18A00;
	s3 =	sand.u32 $0x1, s3  }
0x8: {  	s24 =	simm.s32 $0x1D300;
	s25 =	simm.s32 $0x18B00;
	s5 =	ssub.s32 $0x2, s3  }
0x9: {  	s26 =	ssub.s32 $0x1E8, s7;
	s10 =	smul.u32 $0x1E85000, s3;
	s6 =	sshrl.u32 s5, $0x1  }
0xa: {  	[smem:$0x7FF] =	sst s4;
	s5 =	ssub.s32 s5, s6;
	s6 =	sshrl.u32 s26, $0x4  }
0xb: {  	_ =	strace $0x80000047;
	s29 =	sadd.s32 $0x7A1400, s10;
	[dreg:$0x5] =	wrdreg s6  }
0xc: {  	s28 =	simm.s32 $0x2;
	s9 =	sadd.s32 $0xF42800, s10;
	[dreg:$0x6] =	wrdreg s29  }
0xd: {  	s30 =	sshll.u32 s3, $0xD;
	p0 =	seq.s32 s3, $0x1;
	[dreg:$0x7] =	wrdreg s9  }
.Ltmp0:
0xe: {  	s9 =	smov.u32 s10;
	s10 =	sadd.s32 $0x16E3C00, s10;
	(pc) =	sbr.rel .LBB2_1-.Ltmp0, $4  }
0xf: {  	s26 =	simm.s32 $0x10;
	s31 =	smax.u32 s5, $0x1;
	[dreg:$0x8] =	wrdreg s10  }
0x10: {  	s10 =	sadd.s32 s0, s30;
	s0 =	simm.s32 $0x40C00;
	[dreg:$0x9] =	wrdreg s31  }
0x11: {  	v1 =	vlaneseq.u32;
	v2 =	vimm.s32 $0x0;
	s11 =	sadd.s32 $0x800, s10;
	s12 =	sadd.s32 $0x1000, s10;
	s0 =	simm.s32 @!p0 $0xA00  }
0x12: {  	v0 =	vmov s7;
	v3 =	vor.u32 $0x4000, v1;
	v4 =	vor.u32 $0x80, v1;
	s13 =	sadd.s32 $0x1800, s10;
	s15 =	sadd.s32 s0, s2;
	s2 =	simm.s32 $0x0  }
.LBB2_23:
0x13: {  	s2 =	rddreg [dreg:$0xa]  }
0x14: {  	s0 =	rddreg [dreg:$0x9];
	s2 =	sadd.s32 $0x1, s2  }
0x15: {  	p0 =	sne.s32 s2, s0  }
.Ltmp1:
0x16: {  	_ = 	snop;
	(pc) =	sbr.rel @!p0 .LBB2_24-.Ltmp1, $2  }
0x17: {  	_ =	sdelay $0x2  }
0x18: {  	s8 =	rddreg [dreg:$0x2];
	s14 =	simm.s32 $0x10000  }
.LBB2_1:
0x19: {  	[dreg:$0xa] =	wrdreg s2  }
0x1a: {  	s2 =	simm.s32 $0x0;
	s0 =	simm.s32 $0x0;
	s3 =	simm.s32 $0x0  }
.LBB2_2:
0x1b: {  	s5 =	sshll.u32 s3, $0x8  }
0x1c: {  	s6 =	simm.s32 $0x0;
	s5 =	sadd.s32 s8, s5  }
0x1d: {  	[tilespmem:s14], [sflag:$0x3] =	stream.linear.gather [hbm4b:s5+s6], $0x800, $0x38;
	[tilespmem:$0x1DB00] =	vst v63  }
0x1e: {  	_ =	swait.ge [sflag:s17], $0x800  }
0x1f: {  	[sflag:s17] =	ssyncset.done $0x0  }
0x20: {  	s31 =	simm.s32 $0x0;
	[sflag:s17] =	ssyncadd.s32 $0xFFFFF800  }
0x21: {  	v5 =	vld [tilespmem:s31+$0x10000];
	_ =	sdelay $0x4  }
0x22: {  	v6 =	vshrl.u32 v5, $0xB  }
0x23: {  	v6 =	vand.u32 $0xF, v6  }
0x24: {  	vm0 =	veq.s32 v6, v0  }
0x25: {  	v6 =	vsel vm0, $0x1, v2  }
0x26: {  	(xrf0) =	vadd.scan.msk.s32 $0xffff, v6;
	_ =	sdelay $0x2  }
0x27: {  	v6 =	vmov s0  }
0x28: {  	v6 =	vadd.s32 $0xFFFFFFFF, v6  }
0x29: {  	v6 =	vbroadcast v6, $0x0  }
0x2a: {  	v7, _, _ =	vpop (xrf0)  }
0x2b: {  	v6 =	vadd.s32 v7, v6;
	(v2sf) =	vpush v7, $0xF  }
0x2c: {  	v6 =	vsel vm0, v6, v3;
	_ =	sdelay $0x4  }
0x2d: {  	[tilespmem:v6+s18+$0x0] =	vst.idx.msk $0xffff, v5;
	v5 =	vor.u32 s2, v1  }
0x2e: {  	s7 =	simm.s32 $0x10;
	s6 =	simm.s32 $0x80;
	s5 =	smov.u32 s2;
	[tilespmem:v6+s19+$0x0] =	vst.idx.msk $0xffff, v5  }
.LBB2_3:
0x2f: {  	p0 =	sne.s32 s6, $0x1FC0;
	v5 =	vld [tilespmem:s7+$0x10000];
	_ =	sdelay $0x4  }
0x30: {  	v6 =	vshrl.u32 v5, $0xB  }
0x31: {  	v6 =	vand.u32 $0xF, v6  }
0x32: {  	vm0 =	veq.s32 v6, v0;
	s7 =	spop (v2sf)  }
0x33: {  	v6 =	vsel vm0, $0x1, v2;
	s0 =	sadd.s32 s0, s7  }
0x34: {  	v7 =	vmov s0;
	(xrf0) =	vadd.scan.msk.s32 $0xffff, v6  }
0x35: {  	v6 =	vadd.s32 $0xFFFFFFFF, v7  }
0x36: {  	v6 =	vbroadcast v6, $0x0;
	_ =	sdelay $0x3  }
0x37: {  	v7, _, _ =	vpop (xrf0)  }
0x38: {  	v6 =	vadd.s32 v7, v6;
	(v2sf) =	vpush v7, $0xF  }
0x39: {  	v6 =	vsel vm0, v6, v3;
	_ =	sdelay $0x1  }
.Ltmp2:
0x3a: {  	(pc) =	sbr.rel @p0 .LBB2_3-.Ltmp2, $4  }
0x3b: {  	_ = 	snop  }
0x3c: {  	s5 =	sadd.s32 $0x10, s5  }
0x3d: {  	v7 =	vor.u32 s5, v1;
	[tilespmem:v6+s18+$0x0] =	vst.idx.msk $0xffff, v5  }
0x3e: {  	s7 =	sshra.s32 s6, $0x2;
	s6 =	sadd.s32 $0x40, s6;
	[tilespmem:v6+s19+$0x0] =	vst.idx.msk $0xffff, v7  }
0x3f: {  	v5 =	vld [tilespmem:s7+$0x10000];
	_ =	sdelay $0x4  }
0x40: {  	v6 =	vshrl.u32 v5, $0xB  }
0x41: {  	v6 =	vand.u32 $0xF, v6  }
0x42: {  	vm0 =	veq.s32 v6, v0  }
0x43: {  	v6 =	vsel vm0, $0x1, v2  }
0x44: {  	(xrf0) =	vadd.scan.msk.s32 $0xffff, v6;
	_ =	sdelay $0x5  }
0x45: {  	v6, _, _ =	vpop (xrf0)  }
0x46: {  	(v2sf) =	vpush v6, $0xF;
	_ =	sdelay $0x2  }
0x47: {  	s6 =	spop (v2sf)  }
0x48: {  	s0 =	sadd.s32 s0, s6  }
0x49: {  	v7 =	vmov s0  }
0x4a: {  	v7 =	vadd.s32 $0xFFFFFFFF, v7  }
0x4b: {  	v7 =	vbroadcast v7, $0x0;
	_ =	sdelay $0x1  }
0x4c: {  	v6 =	vadd.s32 v6, v7  }
0x4d: {  	s3 =	sadd.s32 $0x1, s3;
	v6 =	vsel vm0, v6, v3  }
0x4e: {  	p0 =	sne.s32 s3, $0x8  }
.Ltmp3:
0x4f: {  	_ = 	snop;
	(pc) =	sbr.rel @p0 .LBB2_2-.Ltmp3, $4  }
0x50: {  	_ = 	snop  }
0x51: {  	s5 =	sadd.s32 $0x10, s5  }
0x52: {  	v7 =	vor.u32 s5, v1;
	[tilespmem:v6+s18+$0x0] =	vst.idx.msk $0xffff, v5;
	s31 =	spop (v2sf)  }
0x53: {  	s2 =	sadd.s32 $0x800, s2;
	[tilespmem:v6+s19+$0x0] =	vst.idx.msk $0xffff, v7;
	s0 =	sadd.s32 s0, s31  }
0x54: {  	s2 =	sadd.s32 $0xF, s0  }
0x55: {  	s3 =	sand.u32 $0xF, s2  }
0x56: {  	s31 =	sshra.s32 s2, $0x1F;
	p1 =	slt.s32 s2, $0x1;
	p0 =	sne.s32 s3, $0x0  }
.Ltmp4:
0x57: {  	s3 =	sshrl.u32 s31, $0x1C;
	p0 =	por !p1, !p0;
	(pc) =	sbr.rel .LBB2_6-.Ltmp4, $4  }
0x58: {  	s2 =	sadd.s32 s3, s2;
	s3 =	simm.s32 $0x1;
	p0 =	por !p0, !p0  }
0x59: {  	s2 =	sshra.s32 s2, $0x4;
	s3 =	simm.s32 @!p0 $0x0  }
0x5a: {  	s30 =	ssub.s32 s2, s3  }
0x5b: {  	v5 =	vmov s0;
	s0 =	simm.s32 $0x0;
	p0 =	slt.s32 s30, $0x1  }
.LBB2_21:
0x5c: {  	[sflag:s28] =	ssyncadd.s32 $0xFFFFF800  }
.LBB2_22:
0x5d: {  	s3 =	rddreg [dreg:$0x5]  }
0x5e: {  	p1 =	sne.s32 s0, s3  }
.Ltmp5:
0x5f: {  	_ = 	snop;
	(pc) =	sbr.rel @!p1 .LBB2_23-.Ltmp5, $3  }
0x60: {  	_ =	sdelay $0x1  }
0x61: {  	s2 =	sadd.s32 $0x1, s0  }
0x62: {  	s0 =	smov.u32 s2  }
.LBB2_6:
0x63: {  	s2 =	sshll.u32 s0, $0x4;
	s3 =	stileid.u32  }
0x64: {  	s3 =	sor.u32 s3, s2  }
0x65: {  	p1 =	seq.s32 s3, $0x1E8  }
0x66: {  	s2 =	simm.s32 @p1 $0x0  }
0x67: {  	[tilespmem:s2], [sflag:$0x1] =	stream.linear.gather @p1 [hbm4b:s10+s2], $0x4000, $0x38;
	[tilespmem:$0x1DB00] =	vst v63  }
0x68: {  	s5 =	simm.s32 @p1 $0x4000  }
0x69: {  	[tilespmem:s5], [sflag:$0x1] =	stream.linear.gather @p1 [hbm4b:s11+s2], $0x4000, $0x38;
	[tilespmem:$0x1DB00] =	vst v63  }
0x6a: {  	s5 =	simm.s32 @p1 $0x8000  }
0x6b: {  	[tilespmem:s5], [sflag:$0x1] =	stream.linear.gather @p1 [hbm4b:s12+s2], $0x4000, $0x38;
	[tilespmem:$0x1DB00] =	vst v63  }
0x6c: {  	s2 =	sshll.u32 @!p1 s3, $0xE  }
0x6d: {  	s5 =	sadd.s32 @!p1 s9, s2  }
0x6e: {  	s5 =	sshrl.u32 @!p1 s5, $0x3  }
0x6f: {  	s6 =	simm.s32 @!p1 $0x0;
	s5 =	sadd.s32 @!p1 s1, s5  }
0x70: {  	[tilespmem:s6], [sflag:$0x1] =	stream.linear.gather @!p1 [hbm4b:s5+s6], $0x4000, $0x38;
	[tilespmem:$0x1DB00] =	vst v63  }
0x71: {  	s5 =	rddreg [dreg:$0x6]  }
0x72: {  	s5 =	sadd.s32 @!p1 s5, s2  }
0x73: {  	s5 =	sshrl.u32 @!p1 s5, $0x3  }
0x74: {  	s7 =	simm.s32 @!p1 $0x4000;
	s5 =	sadd.s32 @!p1 s1, s5  }
0x75: {  	[tilespmem:s7], [sflag:$0x1] =	stream.linear.gather @!p1 [hbm4b:s5+s6], $0x4000, $0x38;
	[tilespmem:$0x1DB00] =	vst v63  }
0x76: {  	s5 =	rddreg [dreg:$0x7]  }
0x77: {  	s5 =	sadd.s32 @!p1 s5, s2  }
0x78: {  	s5 =	sshrl.u32 @!p1 s5, $0x3  }
0x79: {  	s7 =	simm.s32 @!p1 $0x8000;
	s5 =	sadd.s32 @!p1 s1, s5  }
0x7a: {  	[tilespmem:s7], [sflag:$0x1] =	stream.linear.gather @!p1 [hbm4b:s5+s6], $0x4000, $0x38;
	[tilespmem:$0x1DB00] =	vst v63  }
0x7b: {  	s5 =	rddreg [dreg:$0x8]  }
0x7c: {  	s2 =	sadd.s32 @!p1 s5, s2  }
0x7d: {  	s2 =	sshrl.u32 @!p1 s2, $0x3  }
0x7e: {  	s21 =	simm.s32 $0xC000;
	s2 =	sadd.s32 @!p1 s1, s2  }
.Ltmp6:
0x7f: {  	s29 =	simm.s32 $0x0;
	s2 =	smov.u32 @p1 s13;
	(pc) =	sbr.rel @p0 .LBB2_16-.Ltmp6, $4  }
0x80: {  	[tilespmem:s21], [sflag:$0x1] =	stream.linear.gather [hbm4b:s2+s29], $0x4000, $0x38;
	[tilespmem:$0x1DB00] =	vst v63  }
0x81: {  	_ =	swait.ge [sflag:s20], $0x10000  }
0x82: {  	s31 =	sshll.u32 s3, $0xB;
	[sflag:s20] =	ssyncset.done $0x0  }
0x83: {  	v6 =	vmov s31;
	s2 =	simm.s32 $0x0;
	[sflag:s20] =	ssyncadd.s32 $0xFFFF0000  }
.Ltmp7:
0x84: {  	(pc) =	sbr.rel .LBB2_8-.Ltmp7, $2  }
0x85: {  	_ =	sdelay $0x2  }
0x86: {  	v7 =	vmov s3;
	s2 =	simm.s32 $0x0;
	s14 =	simm.s32 $0x0  }
.LBB2_9:
0x87: {  	s2 =	simm.s32 @!p1 $0x0  }
.LBB2_15:
0x88: {  	s14 =	sadd.s32 $0x1, s14  }
0x89: {  	p1 =	sne.s32 s14, s30  }
.Ltmp8:
0x8a: {  	_ = 	snop;
	(pc) =	sbr.rel @!p1 .LBB2_16-.Ltmp8, $1  }
0x8b: {  	_ =	sdelay $0x3  }
.LBB2_8:
0x8c: {  	s3 =	sshll.u32 s14, $0x4  }
0x8d: {  	v8 =	vld [tilespmem:s3+$0x10800];
	_ =	sdelay $0x4  }
0x8e: {  	v9 =	vor.u32 s3, v1;
	v10 =	vshra.s32 v8, $0xB  }
0x8f: {  	vm1 =	vlt.s32 v9, v5;
	vm0 =	veq.s32 v10, v7  }
0x90: {  	vm0 =	vmand vm1, vm0  }
0x91: {  	v61 =	vsel vm0, $0x1, v2  }
0x92: {  	(xrf0) =	vadd.scan.msk.s32 $0xffff, v61;
	_ =	sdelay $0x5  }
0x93: {  	v9, _, _ =	vpop (xrf0)  }
0x94: {  	(v2sf) =	vpush v9, $0xF;
	_ =	sdelay $0xe  }
0x95: {  	s5 =	spop (v2sf)  }
0x96: {  	v62 =	vmov s2;
	s2 =	sadd.s32 s2, s5  }
0x97: {  	p1 =	slt.s32 s2, $0x70  }
0x98: {  	s5 =	sadd.s32 @!p1 $0xF, s2  }
0x99: {  	s6 =	sand.u32 @!p1 $0xF, s5  }
0x9a: {  	p2 =	slt.s32 @!p1 s5, $0x0;
	p3 =	sne.s32 @!p1 s6, $0x0  }
0x9b: {  	s6 =	sshra.s32 @!p1 s5, $0x1F;
	p2 =	por @!p1 !p2, !p3  }
0x9c: {  	v10 =	vadd.s32 $0xFFFFFFFF, v62;
	s6 =	sshrl.u32 @!p1 s6, $0x1C;
	p2 =	por @!p1 !p2, !p2  }
0x9d: {  	v63 =	vld [tilespmem:s3+$0x14880];
	v10 =	vbroadcast v10, $0x0;
	s3 =	sadd.s32 @!p1 s6, s5;
	s5 =	simm.s32 @!p1 $0x1;
	p2 =	por !p2, p1  }
0x9e: {  	s3 =	sshra.s32 @!p1 s3, $0x4;
	s5 =	simm.s32 @p2 $0x0  }
0x9f: {  	v9 =	vadd.s32 v9, v10;
	s29 =	ssub.s32 @!p1 s3, s5  }
0xa0: {  	v9 =	vsel vm0, v9, v4;
	p2 =	slt.s32 @!p1 s29, $0x1  }
0xa1: {  	p2 =	por p1, p2  }
.Ltmp9:
0xa2: {  	_ = 	snop;
	(pc) =	sbr.rel @p2 .LBB2_9-.Ltmp9, $3  }
0xa3: {  	_ =	sdelay $0x1  }
0xa4: {  	[tilespmem:v9+s22+$0x0] =	vst.idx.msk $0xffff, v8  }
0xa5: {  	[tilespmem:v9+s23+$0x0] =	vst.idx.msk $0xffff, v63  }
0xa6: {  	s3 =	simm.s32 $0x18900  }
0xa7: {  	v8 =	vld [tilespmem:s3+$0x0];
	_ =	sdelay $0x4  }
0xa8: {  	v8 =	vsub.s32 v8, v6  }
0xa9: {  	vm0 =	vgt.s32 v8, $0x0  }
0xaa: {  	v8 =	vnsel vm0, $0x0, v8  }
0xab: {  	s8 =	simm.s32 $0x18A00;
	v8 =	vmin.u32 v8, $0x7FF  }
0xac: {  	s16 =	simm.s32 $0x0;
	v9 =	vld [tilespmem:s8+$0x0];
	v10 =	vshll.u32 v8, $0x3  }
0xad: {  	v11 =	vor.u32 s16, v1;
	v8 =	vand.u32 $0x7F, v8;
	v10 =	vand.u32 $0x3C00, v10  }
0xae: {  	s21 =	simm.s32 $0x0;
	v10 =	vor.u32 v8, v10  }
0xaf: {  	v12 =	vor.u32 s21, v1;
	v8 =	vmov s2  }
0xb0: {  	vm15 =	vlt.s32 v12, v8  }
0xb1: {  	v9 =	vsel vm15, v9, v3  }
0xb2: {  	[tilespmem:v11+s24+$0x0] =	vst.idx.msk $0xffff, v9  }
0xb3: {  	v11 =	vshll.u32 v12, $0x7;
	v9 =	vld.idx.msk [tilespmem:v10+s4+$0x0], $0xffff  }
0xb4: {  	v53 =	vor.u32 $0x80, v10;
	_ =	sdelay $0x3  }
0xb5: {  	[tilespmem:v11+s25+$0x0] =	vst.idx.msk $0xffff, v9  }
0xb6: {  	v54 =	vor.u32 $0x1, v11;
	v9 =	vld.idx.msk [tilespmem:v53+s4+$0x0], $0xffff  }
0xb7: {  	v13 =	vor.u32 $0x100, v10;
	_ =	sdelay $0x3  }
0xb8: {  	[tilespmem:v54+s25+$0x0] =	vst.idx.msk $0xffff, v9  }
0xb9: {  	v55 =	vor.u32 $0x2, v11;
	v9 =	vld.idx.msk [tilespmem:v13+s4+$0x0], $0xffff  }
0xba: {  	v56 =	vor.u32 $0x180, v10;
	_ =	sdelay $0x3  }
0xbb: {  	[tilespmem:v55+s25+$0x0] =	vst.idx.msk $0xffff, v9  }
0xbc: {  	v57 =	vor.u32 $0x3, v11;
	v9 =	vld.idx.msk [tilespmem:v56+s4+$0x0], $0xffff  }
0xbd: {  	v58 =	vor.u32 $0x200, v10;
	_ =	sdelay $0x3  }
0xbe: {  	[tilespmem:v57+s25+$0x0] =	vst.idx.msk $0xffff, v9  }
0xbf: {  	v59 =	vor.u32 $0x4, v11;
	v9 =	vld.idx.msk [tilespmem:v58+s4+$0x0], $0xffff  }
0xc0: {  	v60 =	vor.u32 $0x280, v10;
	_ =	sdelay $0x3  }
0xc1: {  	[tilespmem:v59+s25+$0x0] =	vst.idx.msk $0xffff, v9  }
0xc2: {  	v61 =	vor.u32 $0x5, v11;
	v9 =	vld.idx.msk [tilespmem:v60+s4+$0x0], $0xffff  }
0xc3: {  	v62 =	vor.u32 $0x300, v10;
	_ =	sdelay $0x3  }
0xc4: {  	[tilespmem:v61+s25+$0x0] =	vst.idx.msk $0xffff, v9  }
0xc5: {  	v63 =	vor.u32 $0x6, v11;
	v9 =	vld.idx.msk [tilespmem:v62+s4+$0x0], $0xffff  }
0xc6: {  	v16 =	vor.u32 $0x380, v10;
	_ =	sdelay $0x3  }
0xc7: {  	[tilespmem:v63+s25+$0x0] =	vst.idx.msk $0xffff, v9  }
0xc8: {  	v17 =	vor.u32 $0x7, v11;
	v9 =	vld.idx.msk [tilespmem:v16+s4+$0x0], $0xffff  }
0xc9: {  	v18 =	vor.u32 $0x4000, v10;
	_ =	sdelay $0x3  }
0xca: {  	[tilespmem:v17+s25+$0x0] =	vst.idx.msk $0xffff, v9  }
0xcb: {  	v19 =	vor.u32 $0x8, v11;
	v9 =	vld.idx.msk [tilespmem:v18+s4+$0x0], $0xffff  }
0xcc: {  	v20 =	vor.u32 $0x4080, v10;
	_ =	sdelay $0x3  }
0xcd: {  	[tilespmem:v19+s25+$0x0] =	vst.idx.msk $0xffff, v9  }
0xce: {  	v21 =	vor.u32 $0x9, v11;
	v9 =	vld.idx.msk [tilespmem:v20+s4+$0x0], $0xffff  }
0xcf: {  	v22 =	vor.u32 $0x4100, v10;
	_ =	sdelay $0x3  }
0xd0: {  	[tilespmem:v21+s25+$0x0] =	vst.idx.msk $0xffff, v9  }
0xd1: {  	v23 =	vor.u32 $0xA, v11;
	v9 =	vld.idx.msk [tilespmem:v22+s4+$0x0], $0xffff  }
0xd2: {  	v24 =	vor.u32 $0x4180, v10;
	_ =	sdelay $0x3  }
0xd3: {  	[tilespmem:v23+s25+$0x0] =	vst.idx.msk $0xffff, v9  }
0xd4: {  	v25 =	vor.u32 $0xB, v11;
	v9 =	vld.idx.msk [tilespmem:v24+s4+$0x0], $0xffff  }
0xd5: {  	v26 =	vor.u32 $0x4200, v10;
	_ =	sdelay $0x3  }
0xd6: {  	[tilespmem:v25+s25+$0x0] =	vst.idx.msk $0xffff, v9  }
0xd7: {  	v27 =	vor.u32 $0xC, v11;
	v9 =	vld.idx.msk [tilespmem:v26+s4+$0x0], $0xffff  }
0xd8: {  	v28 =	vor.u32 $0x4280, v10;
	_ =	sdelay $0x3  }
0xd9: {  	[tilespmem:v27+s25+$0x0] =	vst.idx.msk $0xffff, v9  }
0xda: {  	v29 =	vor.u32 $0xD, v11;
	v9 =	vld.idx.msk [tilespmem:v28+s4+$0x0], $0xffff  }
0xdb: {  	v30 =	vor.u32 $0x4300, v10;
	_ =	sdelay $0x3  }
0xdc: {  	[tilespmem:v29+s25+$0x0] =	vst.idx.msk $0xffff, v9  }
0xdd: {  	v31 =	vor.u32 $0xE, v11;
	v9 =	vld.idx.msk [tilespmem:v30+s4+$0x0], $0xffff  }
0xde: {  	v32 =	vor.u32 $0x4380, v10;
	_ =	sdelay $0x3  }
0xdf: {  	[tilespmem:v31+s25+$0x0] =	vst.idx.msk $0xffff, v9  }
0xe0: {  	v33 =	vor.u32 $0xF, v11;
	v9 =	vld.idx.msk [tilespmem:v32+s4+$0x0], $0xffff  }
0xe1: {  	v34 =	vor.u32 $0x8000, v10;
	_ =	sdelay $0x3  }
0xe2: {  	[tilespmem:v33+s25+$0x0] =	vst.idx.msk $0xffff, v9  }
0xe3: {  	v35 =	vor.u32 $0x10, v11;
	v9 =	vld.idx.msk [tilespmem:v34+s4+$0x0], $0xffff  }
0xe4: {  	v36 =	vor.u32 $0x8080, v10;
	_ =	sdelay $0x3  }
0xe5: {  	[tilespmem:v35+s25+$0x0] =	vst.idx.msk $0xffff, v9  }
0xe6: {  	v37 =	vor.u32 $0x11, v11;
	v9 =	vld.idx.msk [tilespmem:v36+s4+$0x0], $0xffff  }
0xe7: {  	v38 =	vor.u32 $0x8100, v10;
	_ =	sdelay $0x3  }
0xe8: {  	[tilespmem:v37+s25+$0x0] =	vst.idx.msk $0xffff, v9  }
0xe9: {  	v39 =	vor.u32 $0x12, v11;
	v9 =	vld.idx.msk [tilespmem:v38+s4+$0x0], $0xffff  }
0xea: {  	v40 =	vor.u32 $0x8180, v10;
	_ =	sdelay $0x3  }
0xeb: {  	[tilespmem:v39+s25+$0x0] =	vst.idx.msk $0xffff, v9  }
0xec: {  	v41 =	vor.u32 $0x13, v11;
	v9 =	vld.idx.msk [tilespmem:v40+s4+$0x0], $0xffff  }
0xed: {  	v42 =	vor.u32 $0x8200, v10;
	_ =	sdelay $0x3  }
0xee: {  	[tilespmem:v41+s25+$0x0] =	vst.idx.msk $0xffff, v9  }
0xef: {  	v43 =	vor.u32 $0x14, v11;
	v9 =	vld.idx.msk [tilespmem:v42+s4+$0x0], $0xffff  }
0xf0: {  	v44 =	vor.u32 $0x8280, v10;
	_ =	sdelay $0x3  }
0xf1: {  	[tilespmem:v43+s25+$0x0] =	vst.idx.msk $0xffff, v9  }
0xf2: {  	v45 =	vor.u32 $0x15, v11;
	v9 =	vld.idx.msk [tilespmem:v44+s4+$0x0], $0xffff  }
0xf3: {  	v46 =	vor.u32 $0x8300, v10;
	_ =	sdelay $0x3  }
0xf4: {  	[tilespmem:v45+s25+$0x0] =	vst.idx.msk $0xffff, v9  }
0xf5: {  	v47 =	vor.u32 $0x16, v11;
	v9 =	vld.idx.msk [tilespmem:v46+s4+$0x0], $0xffff  }
0xf6: {  	v48 =	vor.u32 $0x8380, v10;
	_ =	sdelay $0x3  }
0xf7: {  	[tilespmem:v47+s25+$0x0] =	vst.idx.msk $0xffff, v9  }
0xf8: {  	v49 =	vor.u32 $0x17, v11;
	v9 =	vld.idx.msk [tilespmem:v48+s4+$0x0], $0xffff  }
0xf9: {  	v50 =	vor.u32 $0xC000, v10;
	_ =	sdelay $0x3  }
0xfa: {  	[tilespmem:v49+s25+$0x0] =	vst.idx.msk $0xffff, v9  }
0xfb: {  	v51 =	vor.u32 $0x18, v11;
	v9 =	vld.idx.msk [tilespmem:v50+s4+$0x0], $0xffff  }
0xfc: {  	v52 =	vor.u32 $0xC080, v10;
	_ =	sdelay $0x3  }
0xfd: {  	[tilespmem:v51+s25+$0x0] =	vst.idx.msk $0xffff, v9  }
0xfe: {  	v53 =	vor.u32 $0x19, v11;
	v9 =	vld.idx.msk [tilespmem:v52+s4+$0x0], $0xffff  }
0xff: {  	v54 =	vor.u32 $0xC100, v10;
	_ =	sdelay $0x3  }
0x100: {  	[tilespmem:v53+s25+$0x0] =	vst.idx.msk $0xffff, v9  }
0x101: {  	v55 =	vor.u32 $0x1A, v11;
	v9 =	vld.idx.msk [tilespmem:v54+s4+$0x0], $0xffff  }
0x102: {  	v56 =	vor.u32 $0xC180, v10;
	_ =	sdelay $0x3  }
0x103: {  	[tilespmem:v55+s25+$0x0] =	vst.idx.msk $0xffff, v9  }
0x104: {  	v57 =	vor.u32 $0x1B, v11;
	v9 =	vld.idx.msk [tilespmem:v56+s4+$0x0], $0xffff  }
0x105: {  	v58 =	vor.u32 $0xC200, v10;
	_ =	sdelay $0x3  }
0x106: {  	[tilespmem:v57+s25+$0x0] =	vst.idx.msk $0xffff, v9  }
0x107: {  	v59 =	vor.u32 $0x1C, v11;
	v9 =	vld.idx.msk [tilespmem:v58+s4+$0x0], $0xffff  }
0x108: {  	v60 =	vor.u32 $0xC280, v10;
	_ =	sdelay $0x3  }
0x109: {  	[tilespmem:v59+s25+$0x0] =	vst.idx.msk $0xffff, v9  }
0x10a: {  	v61 =	vor.u32 $0x1D, v11;
	v9 =	vld.idx.msk [tilespmem:v60+s4+$0x0], $0xffff  }
0x10b: {  	v62 =	vor.u32 $0xC300, v10;
	_ =	sdelay $0x3  }
0x10c: {  	[tilespmem:v61+s25+$0x0] =	vst.idx.msk $0xffff, v9  }
0x10d: {  	v63 =	vor.u32 $0x1E, v11;
	v9 =	vld.idx.msk [tilespmem:v62+s4+$0x0], $0xffff  }
0x10e: {  	v10 =	vor.u32 $0xC380, v10;
	_ =	sdelay $0x3  }
0x10f: {  	[tilespmem:v63+s25+$0x0] =	vst.idx.msk $0xffff, v9  }
0x110: {  	p1 =	sne.s32 s29, $0x1;
	v9 =	vld.idx.msk [tilespmem:v10+s4+$0x0], $0xffff;
	v10 =	vor.u32 $0x1F, v11  }
.Ltmp10:
0x111: {  	_ = 	snop;
	(pc) =	sbr.rel @!p1 .LBB2_12-.Ltmp10, $4  }
0x112: {  	_ = 	snop  }
0x113: {  	s6 =	simm.s32 $0x18B00;
	s31 =	simm.s32 $0x1D380  }
0x114: {  	s5 =	simm.s32 $0x19300;
	s7 =	simm.s32 $0x18910;
	s3 =	simm.s32 $0x1D300  }
0x115: {  	s16 =	simm.s32 $0x18A10;
	s21 =	simm.s32 $0x10;
	s2 =	simm.s32 $0x1;
	[tilespmem:v10+s25+$0x0] =	vst.idx.msk $0xffff, v9  }
.LBB2_11:
0x116: {  	[hbm4b:s15+s26] =	stream.indirect.scatter [tilespmem:s6], [sflag:$0x2], $0x80, s3, s26, $0xb8;
	[tilespmem:$0x1DB00] =	vst v63  }
0x117: {  	s8 =	smov.u32 s2;
	s2 =	sadd.s32 $0x1, s2;
	s3 =	smov.u32 s31;
	v9 =	vld [tilespmem:s7+$0x0]  }
0x118: {  	s6 =	smov.u32 s5;
	p1 =	sne.s32 s29, s2;
	_ =	sdelay $0x3  }
0x119: {  	v9 =	vsub.s32 v9, v6  }
0x11a: {  	vm0 =	vgt.s32 v9, $0x0  }
0x11b: {  	v9 =	vnsel vm0, $0x0, v9  }
0x11c: {  	v9 =	vmin.u32 v9, $0x7FF  }
0x11d: {  	s8 =	sshll.u32 s8, $0x7;
	v10 =	vld [tilespmem:s16+$0x0];
	v11 =	vshll.u32 v9, $0x3  }
0x11e: {  	v12 =	vor.u32 s8, v1;
	v9 =	vand.u32 $0x7F, v9;
	v11 =	vand.u32 $0x3C00, v11  }
0x11f: {  	v9 =	vor.u32 v9, v11  }
0x120: {  	v11 =	vor.u32 s21, v1  }
0x121: {  	vm0 =	vlt.s32 v11, v8  }
0x122: {  	v10 =	vsel vm0, v10, v3  }
0x123: {  	[tilespmem:v12+s24+$0x0] =	vst.idx.msk $0xffff, v10  }
0x124: {  	v12 =	vld.idx.msk [tilespmem:v9+s4+$0x0], $0xffff  }
0x125: {  	v10 =	vshll.u32 v11, $0x7  }
0x126: {  	v11 =	vor.u32 $0x80, v9;
	_ =	sdelay $0x3  }
0x127: {  	[tilespmem:v10+s25+$0x0] =	vst.idx.msk $0xffff, v12  }
0x128: {  	v11 =	vld.idx.msk [tilespmem:v11+s4+$0x0], $0xffff  }
0x129: {  	v12 =	vor.u32 $0x1, v10  }
0x12a: {  	v13 =	vor.u32 $0x100, v9;
	_ =	sdelay $0x3  }
0x12b: {  	[tilespmem:v12+s25+$0x0] =	vst.idx.msk $0xffff, v11  }
0x12c: {  	v11 =	vld.idx.msk [tilespmem:v13+s4+$0x0], $0xffff  }
0x12d: {  	v12 =	vor.u32 $0x2, v10  }
0x12e: {  	v13 =	vor.u32 $0x180, v9;
	_ =	sdelay $0x3  }
0x12f: {  	[tilespmem:v12+s25+$0x0] =	vst.idx.msk $0xffff, v11  }
0x130: {  	v11 =	vld.idx.msk [tilespmem:v13+s4+$0x0], $0xffff  }
0x131: {  	v12 =	vor.u32 $0x3, v10  }
0x132: {  	v13 =	vor.u32 $0x200, v9;
	_ =	sdelay $0x3  }
0x133: {  	[tilespmem:v12+s25+$0x0] =	vst.idx.msk $0xffff, v11  }
0x134: {  	v11 =	vld.idx.msk [tilespmem:v13+s4+$0x0], $0xffff  }
0x135: {  	v12 =	vor.u32 $0x4, v10  }
0x136: {  	v13 =	vor.u32 $0x280, v9;
	_ =	sdelay $0x3  }
0x137: {  	[tilespmem:v12+s25+$0x0] =	vst.idx.msk $0xffff, v11  }
0x138: {  	v11 =	vld.idx.msk [tilespmem:v13+s4+$0x0], $0xffff  }
0x139: {  	v12 =	vor.u32 $0x5, v10  }
0x13a: {  	v13 =	vor.u32 $0x300, v9;
	_ =	sdelay $0x3  }
0x13b: {  	[tilespmem:v12+s25+$0x0] =	vst.idx.msk $0xffff, v11  }
0x13c: {  	v11 =	vld.idx.msk [tilespmem:v13+s4+$0x0], $0xffff  }
0x13d: {  	v12 =	vor.u32 $0x6, v10  }
0x13e: {  	v13 =	vor.u32 $0x380, v9;
	_ =	sdelay $0x3  }
0x13f: {  	[tilespmem:v12+s25+$0x0] =	vst.idx.msk $0xffff, v11  }
0x140: {  	v11 =	vld.idx.msk [tilespmem:v13+s4+$0x0], $0xffff  }
0x141: {  	v12 =	vor.u32 $0x7, v10  }
0x142: {  	v13 =	vor.u32 $0x4000, v9;
	_ =	sdelay $0x3  }
0x143: {  	[tilespmem:v12+s25+$0x0] =	vst.idx.msk $0xffff, v11  }
0x144: {  	v11 =	vld.idx.msk [tilespmem:v13+s4+$0x0], $0xffff  }
0x145: {  	v12 =	vor.u32 $0x8, v10  }
0x146: {  	v13 =	vor.u32 $0x4080, v9;
	_ =	sdelay $0x3  }
0x147: {  	[tilespmem:v12+s25+$0x0] =	vst.idx.msk $0xffff, v11  }
0x148: {  	v11 =	vld.idx.msk [tilespmem:v13+s4+$0x0], $0xffff  }
0x149: {  	v12 =	vor.u32 $0x9, v10  }
0x14a: {  	v13 =	vor.u32 $0x4100, v9;
	_ =	sdelay $0x3  }
0x14b: {  	[tilespmem:v12+s25+$0x0] =	vst.idx.msk $0xffff, v11  }
0x14c: {  	v11 =	vld.idx.msk [tilespmem:v13+s4+$0x0], $0xffff  }
0x14d: {  	v12 =	vor.u32 $0xA, v10  }
0x14e: {  	v13 =	vor.u32 $0x4180, v9;
	_ =	sdelay $0x3  }
0x14f: {  	[tilespmem:v12+s25+$0x0] =	vst.idx.msk $0xffff, v11  }
0x150: {  	v11 =	vld.idx.msk [tilespmem:v13+s4+$0x0], $0xffff  }
0x151: {  	v12 =	vor.u32 $0xB, v10  }
0x152: {  	v13 =	vor.u32 $0x4200, v9;
	_ =	sdelay $0x3  }
0x153: {  	[tilespmem:v12+s25+$0x0] =	vst.idx.msk $0xffff, v11  }
0x154: {  	v11 =	vld.idx.msk [tilespmem:v13+s4+$0x0], $0xffff  }
0x155: {  	v12 =	vor.u32 $0xC, v10  }
0x156: {  	v13 =	vor.u32 $0x4280, v9;
	_ =	sdelay $0x3  }
0x157: {  	[tilespmem:v12+s25+$0x0] =	vst.idx.msk $0xffff, v11  }
0x158: {  	v11 =	vld.idx.msk [tilespmem:v13+s4+$0x0], $0xffff  }
0x159: {  	v12 =	vor.u32 $0xD, v10  }
0x15a: {  	v13 =	vor.u32 $0x4300, v9;
	_ =	sdelay $0x3  }
0x15b: {  	[tilespmem:v12+s25+$0x0] =	vst.idx.msk $0xffff, v11  }
0x15c: {  	v11 =	vld.idx.msk [tilespmem:v13+s4+$0x0], $0xffff  }
0x15d: {  	v12 =	vor.u32 $0xE, v10  }
0x15e: {  	v13 =	vor.u32 $0x4380, v9;
	_ =	sdelay $0x3  }
0x15f: {  	[tilespmem:v12+s25+$0x0] =	vst.idx.msk $0xffff, v11  }
0x160: {  	v11 =	vld.idx.msk [tilespmem:v13+s4+$0x0], $0xffff  }
0x161: {  	v12 =	vor.u32 $0xF, v10  }
0x162: {  	v13 =	vor.u32 $0x8000, v9;
	_ =	sdelay $0x3  }
0x163: {  	[tilespmem:v12+s25+$0x0] =	vst.idx.msk $0xffff, v11  }
0x164: {  	v11 =	vld.idx.msk [tilespmem:v13+s4+$0x0], $0xffff  }
0x165: {  	v12 =	vor.u32 $0x10, v10  }
0x166: {  	v13 =	vor.u32 $0x8080, v9;
	_ =	sdelay $0x3  }
0x167: {  	[tilespmem:v12+s25+$0x0] =	vst.idx.msk $0xffff, v11  }
0x168: {  	v11 =	vld.idx.msk [tilespmem:v13+s4+$0x0], $0xffff  }
0x169: {  	v12 =	vor.u32 $0x11, v10  }
0x16a: {  	v13 =	vor.u32 $0x8100, v9;
	_ =	sdelay $0x3  }
0x16b: {  	[tilespmem:v12+s25+$0x0] =	vst.idx.msk $0xffff, v11  }
0x16c: {  	v11 =	vld.idx.msk [tilespmem:v13+s4+$0x0], $0xffff  }
0x16d: {  	v12 =	vor.u32 $0x12, v10  }
0x16e: {  	v13 =	vor.u32 $0x8180, v9;
	_ =	sdelay $0x3  }
0x16f: {  	[tilespmem:v12+s25+$0x0] =	vst.idx.msk $0xffff, v11  }
0x170: {  	v11 =	vld.idx.msk [tilespmem:v13+s4+$0x0], $0xffff  }
0x171: {  	v12 =	vor.u32 $0x13, v10  }
0x172: {  	v13 =	vor.u32 $0x8200, v9;
	_ =	sdelay $0x3  }
0x173: {  	[tilespmem:v12+s25+$0x0] =	vst.idx.msk $0xffff, v11  }
0x174: {  	v11 =	vld.idx.msk [tilespmem:v13+s4+$0x0], $0xffff  }
0x175: {  	v12 =	vor.u32 $0x14, v10  }
0x176: {  	v13 =	vor.u32 $0x8280, v9;
	_ =	sdelay $0x3  }
0x177: {  	[tilespmem:v12+s25+$0x0] =	vst.idx.msk $0xffff, v11  }
0x178: {  	v11 =	vld.idx.msk [tilespmem:v13+s4+$0x0], $0xffff  }
0x179: {  	v12 =	vor.u32 $0x15, v10  }
0x17a: {  	v13 =	vor.u32 $0x8300, v9;
	_ =	sdelay $0x3  }
0x17b: {  	[tilespmem:v12+s25+$0x0] =	vst.idx.msk $0xffff, v11  }
0x17c: {  	v11 =	vld.idx.msk [tilespmem:v13+s4+$0x0], $0xffff  }
0x17d: {  	v12 =	vor.u32 $0x16, v10  }
0x17e: {  	v13 =	vor.u32 $0x8380, v9;
	_ =	sdelay $0x3  }
0x17f: {  	[tilespmem:v12+s25+$0x0] =	vst.idx.msk $0xffff, v11  }
0x180: {  	v11 =	vld.idx.msk [tilespmem:v13+s4+$0x0], $0xffff  }
0x181: {  	v12 =	vor.u32 $0x17, v10  }
0x182: {  	v13 =	vor.u32 $0xC000, v9;
	_ =	sdelay $0x3  }
0x183: {  	[tilespmem:v12+s25+$0x0] =	vst.idx.msk $0xffff, v11  }
0x184: {  	v11 =	vld.idx.msk [tilespmem:v13+s4+$0x0], $0xffff  }
0x185: {  	v12 =	vor.u32 $0x18, v10  }
0x186: {  	v13 =	vor.u32 $0xC080, v9;
	_ =	sdelay $0x3  }
0x187: {  	[tilespmem:v12+s25+$0x0] =	vst.idx.msk $0xffff, v11  }
0x188: {  	v11 =	vld.idx.msk [tilespmem:v13+s4+$0x0], $0xffff  }
0x189: {  	v12 =	vor.u32 $0x19, v10  }
0x18a: {  	v13 =	vor.u32 $0xC100, v9;
	_ =	sdelay $0x3  }
0x18b: {  	[tilespmem:v12+s25+$0x0] =	vst.idx.msk $0xffff, v11  }
0x18c: {  	v11 =	vld.idx.msk [tilespmem:v13+s4+$0x0], $0xffff  }
0x18d: {  	v12 =	vor.u32 $0x1A, v10  }
0x18e: {  	v13 =	vor.u32 $0xC180, v9;
	_ =	sdelay $0x3  }
0x18f: {  	[tilespmem:v12+s25+$0x0] =	vst.idx.msk $0xffff, v11  }
0x190: {  	v11 =	vld.idx.msk [tilespmem:v13+s4+$0x0], $0xffff  }
0x191: {  	v12 =	vor.u32 $0x1B, v10  }
0x192: {  	v13 =	vor.u32 $0xC200, v9;
	_ =	sdelay $0x3  }
0x193: {  	[tilespmem:v12+s25+$0x0] =	vst.idx.msk $0xffff, v11  }
0x194: {  	v11 =	vld.idx.msk [tilespmem:v13+s4+$0x0], $0xffff  }
0x195: {  	v12 =	vor.u32 $0x1C, v10  }
0x196: {  	v13 =	vor.u32 $0xC280, v9;
	_ =	sdelay $0x3  }
0x197: {  	[tilespmem:v12+s25+$0x0] =	vst.idx.msk $0xffff, v11  }
0x198: {  	v11 =	vld.idx.msk [tilespmem:v13+s4+$0x0], $0xffff  }
0x199: {  	v12 =	vor.u32 $0x1D, v10  }
0x19a: {  	v13 =	vor.u32 $0xC300, v9;
	_ =	sdelay $0x3  }
0x19b: {  	[tilespmem:v12+s25+$0x0] =	vst.idx.msk $0xffff, v11  }
0x19c: {  	v11 =	vld.idx.msk [tilespmem:v13+s4+$0x0], $0xffff  }
0x19d: {  	v12 =	vor.u32 $0x1E, v10  }
0x19e: {  	v9 =	vor.u32 $0xC380, v9;
	_ =	sdelay $0x3  }
0x19f: {  	[tilespmem:v12+s25+$0x0] =	vst.idx.msk $0xffff, v11  }
0x1a0: {  	v9 =	vld.idx.msk [tilespmem:v9+s4+$0x0], $0xffff  }
0x1a1: {  	v10 =	vor.u32 $0x1F, v10  }
.Ltmp11:
0x1a2: {  	(pc) =	sbr.rel @p1 .LBB2_11-.Ltmp11, $3  }
0x1a3: {  	_ =	sdelay $0x1  }
0x1a4: {  	s16 =	sadd.s32 $0x10, s16;
	s21 =	sadd.s32 $0x10, s21  }
0x1a5: {  	s31 =	sadd.s32 $0x80, s31;
	s5 =	sadd.s32 $0x800, s5;
	s7 =	sadd.s32 $0x10, s7;
	[tilespmem:v10+s25+$0x0] =	vst.idx.msk $0xffff, v9  }
.LBB2_12:
0x1a6: {  	[hbm4b:s15+s26] =	stream.indirect.scatter [tilespmem:s6], [sflag:$0x2], $0x80, s3, s26, $0xb8;
	[tilespmem:$0x1DB00] =	vst v63  }
.LBB2_13:
0x1a7: {  	p1 =	sne.s32 s29, $0x1  }
.Ltmp12:
0x1a8: {  	_ = 	snop;
	(pc) =	sbr.rel @p1 .LBB2_13-.Ltmp12, $4  }
0x1a9: {  	_ = 	snop  }
0x1aa: {  	_ =	swait.ge [sflag:s28], $0x800  }
0x1ab: {  	[sflag:s28] =	ssyncset.done $0x0  }
0x1ac: {  	s29 =	sadd.s32 $0xFFFFFFFF, s29;
	[sflag:s28] =	ssyncadd.s32 $0xFFFFF800  }
.Ltmp13:
0x1ad: {  	(pc) =	sbr.rel .LBB2_15-.Ltmp13, $2  }
0x1ae: {  	_ =	sdelay $0x2  }
0x1af: {  	s2 =	simm.s32 $0x0  }
.LBB2_16:
0x1b0: {  	s3 =	sadd.s32 $0xF, s2  }
0x1b1: {  	s5 =	sand.u32 $0xF, s3  }
0x1b2: {  	p1 =	slt.s32 s2, $0xFFFFFFF2;
	s6 =	sshra.s32 s3, $0x1F;
	p2 =	sne.s32 s5, $0x0  }
0x1b3: {  	s31 =	sshrl.u32 s6, $0x1C;
	p1 =	por !p1, !p2  }
0x1b4: {  	s5 =	simm.s32 $0x1;
	s3 =	sadd.s32 s31, s3;
	p1 =	por !p1, !p1  }
0x1b5: {  	s3 =	sshra.s32 s3, $0x4;
	s5 =	simm.s32 @!p1 $0x0  }
0x1b6: {  	s14 =	ssub.s32 s3, s5  }
0x1b7: {  	p1 =	slt.s32 s14, $0x1  }
.Ltmp14:
0x1b8: {  	_ = 	snop;
	(pc) =	sbr.rel @p1 .LBB2_22-.Ltmp14, $1  }
0x1b9: {  	_ =	sdelay $0x3  }
0x1ba: {  	s3 =	simm.s32 $0x18900  }
0x1bb: {  	v7 =	vld [tilespmem:s3+$0x0];
	_ =	sdelay $0x4  }
0x1bc: {  	v7 =	vsub.s32 v7, v6  }
0x1bd: {  	vm0 =	vgt.s32 v7, $0x0  }
0x1be: {  	v7 =	vnsel vm0, $0x0, v7  }
0x1bf: {  	s16 =	simm.s32 $0x18A00;
	v7 =	vmin.u32 v7, $0x7FF  }
0x1c0: {  	s21 =	simm.s32 $0x0;
	v8 =	vld [tilespmem:s16+$0x0];
	v9 =	vshll.u32 v7, $0x3  }
0x1c1: {  	v10 =	vor.u32 s21, v1;
	v7 =	vand.u32 $0x7F, v7;
	v9 =	vand.u32 $0x3C00, v9  }
0x1c2: {  	s31 =	simm.s32 $0x0;
	v9 =	vor.u32 v7, v9  }
0x1c3: {  	v11 =	vor.u32 s31, v1;
	v7 =	vmov s2  }
0x1c4: {  	vm15 =	vlt.s32 v11, v7  }
0x1c5: {  	v8 =	vsel vm15, v8, v3  }
0x1c6: {  	[tilespmem:v10+s24+$0x0] =	vst.idx.msk $0xffff, v8  }
0x1c7: {  	v10 =	vshll.u32 v11, $0x7;
	v8 =	vld.idx.msk [tilespmem:v9+s4+$0x0], $0xffff  }
0x1c8: {  	v52 =	vor.u32 $0x80, v9;
	_ =	sdelay $0x3  }
0x1c9: {  	[tilespmem:v10+s25+$0x0] =	vst.idx.msk $0xffff, v8  }
0x1ca: {  	v53 =	vor.u32 $0x1, v10;
	v8 =	vld.idx.msk [tilespmem:v52+s4+$0x0], $0xffff  }
0x1cb: {  	v12 =	vor.u32 $0x100, v9;
	_ =	sdelay $0x3  }
0x1cc: {  	[tilespmem:v53+s25+$0x0] =	vst.idx.msk $0xffff, v8  }
0x1cd: {  	v54 =	vor.u32 $0x2, v10;
	v8 =	vld.idx.msk [tilespmem:v12+s4+$0x0], $0xffff  }
0x1ce: {  	v55 =	vor.u32 $0x180, v9;
	_ =	sdelay $0x3  }
0x1cf: {  	[tilespmem:v54+s25+$0x0] =	vst.idx.msk $0xffff, v8  }
0x1d0: {  	v56 =	vor.u32 $0x3, v10;
	v8 =	vld.idx.msk [tilespmem:v55+s4+$0x0], $0xffff  }
0x1d1: {  	v57 =	vor.u32 $0x200, v9;
	_ =	sdelay $0x3  }
0x1d2: {  	[tilespmem:v56+s25+$0x0] =	vst.idx.msk $0xffff, v8  }
0x1d3: {  	v58 =	vor.u32 $0x4, v10;
	v8 =	vld.idx.msk [tilespmem:v57+s4+$0x0], $0xffff  }
0x1d4: {  	v59 =	vor.u32 $0x280, v9;
	_ =	sdelay $0x3  }
0x1d5: {  	[tilespmem:v58+s25+$0x0] =	vst.idx.msk $0xffff, v8  }
0x1d6: {  	v60 =	vor.u32 $0x5, v10;
	v8 =	vld.idx.msk [tilespmem:v59+s4+$0x0], $0xffff  }
0x1d7: {  	v61 =	vor.u32 $0x300, v9;
	_ =	sdelay $0x3  }
0x1d8: {  	[tilespmem:v60+s25+$0x0] =	vst.idx.msk $0xffff, v8  }
0x1d9: {  	v62 =	vor.u32 $0x6, v10;
	v8 =	vld.idx.msk [tilespmem:v61+s4+$0x0], $0xffff  }
0x1da: {  	v63 =	vor.u32 $0x380, v9;
	_ =	sdelay $0x3  }
0x1db: {  	[tilespmem:v62+s25+$0x0] =	vst.idx.msk $0xffff, v8  }
0x1dc: {  	v16 =	vor.u32 $0x7, v10;
	v8 =	vld.idx.msk [tilespmem:v63+s4+$0x0], $0xffff  }
0x1dd: {  	v17 =	vor.u32 $0x4000, v9;
	_ =	sdelay $0x3  }
0x1de: {  	[tilespmem:v16+s25+$0x0] =	vst.idx.msk $0xffff, v8  }
0x1df: {  	v18 =	vor.u32 $0x8, v10;
	v8 =	vld.idx.msk [tilespmem:v17+s4+$0x0], $0xffff  }
0x1e0: {  	v19 =	vor.u32 $0x4080, v9;
	_ =	sdelay $0x3  }
0x1e1: {  	[tilespmem:v18+s25+$0x0] =	vst.idx.msk $0xffff, v8  }
0x1e2: {  	v20 =	vor.u32 $0x9, v10;
	v8 =	vld.idx.msk [tilespmem:v19+s4+$0x0], $0xffff  }
0x1e3: {  	v21 =	vor.u32 $0x4100, v9;
	_ =	sdelay $0x3  }
0x1e4: {  	[tilespmem:v20+s25+$0x0] =	vst.idx.msk $0xffff, v8  }
0x1e5: {  	v22 =	vor.u32 $0xA, v10;
	v8 =	vld.idx.msk [tilespmem:v21+s4+$0x0], $0xffff  }
0x1e6: {  	v23 =	vor.u32 $0x4180, v9;
	_ =	sdelay $0x3  }
0x1e7: {  	[tilespmem:v22+s25+$0x0] =	vst.idx.msk $0xffff, v8  }
0x1e8: {  	v24 =	vor.u32 $0xB, v10;
	v8 =	vld.idx.msk [tilespmem:v23+s4+$0x0], $0xffff  }
0x1e9: {  	v25 =	vor.u32 $0x4200, v9;
	_ =	sdelay $0x3  }
0x1ea: {  	[tilespmem:v24+s25+$0x0] =	vst.idx.msk $0xffff, v8  }
0x1eb: {  	v26 =	vor.u32 $0xC, v10;
	v8 =	vld.idx.msk [tilespmem:v25+s4+$0x0], $0xffff  }
0x1ec: {  	v27 =	vor.u32 $0x4280, v9;
	_ =	sdelay $0x3  }
0x1ed: {  	[tilespmem:v26+s25+$0x0] =	vst.idx.msk $0xffff, v8  }
0x1ee: {  	v28 =	vor.u32 $0xD, v10;
	v8 =	vld.idx.msk [tilespmem:v27+s4+$0x0], $0xffff  }
0x1ef: {  	v29 =	vor.u32 $0x4300, v9;
	_ =	sdelay $0x3  }
0x1f0: {  	[tilespmem:v28+s25+$0x0] =	vst.idx.msk $0xffff, v8  }
0x1f1: {  	v30 =	vor.u32 $0xE, v10;
	v8 =	vld.idx.msk [tilespmem:v29+s4+$0x0], $0xffff  }
0x1f2: {  	v31 =	vor.u32 $0x4380, v9;
	_ =	sdelay $0x3  }
0x1f3: {  	[tilespmem:v30+s25+$0x0] =	vst.idx.msk $0xffff, v8  }
0x1f4: {  	v32 =	vor.u32 $0xF, v10;
	v8 =	vld.idx.msk [tilespmem:v31+s4+$0x0], $0xffff  }
0x1f5: {  	v33 =	vor.u32 $0x8000, v9;
	_ =	sdelay $0x3  }
0x1f6: {  	[tilespmem:v32+s25+$0x0] =	vst.idx.msk $0xffff, v8  }
0x1f7: {  	v34 =	vor.u32 $0x10, v10;
	v8 =	vld.idx.msk [tilespmem:v33+s4+$0x0], $0xffff  }
0x1f8: {  	v35 =	vor.u32 $0x8080, v9;
	_ =	sdelay $0x3  }
0x1f9: {  	[tilespmem:v34+s25+$0x0] =	vst.idx.msk $0xffff, v8  }
0x1fa: {  	v36 =	vor.u32 $0x11, v10;
	v8 =	vld.idx.msk [tilespmem:v35+s4+$0x0], $0xffff  }
0x1fb: {  	v37 =	vor.u32 $0x8100, v9;
	_ =	sdelay $0x3  }
0x1fc: {  	[tilespmem:v36+s25+$0x0] =	vst.idx.msk $0xffff, v8  }
0x1fd: {  	v38 =	vor.u32 $0x12, v10;
	v8 =	vld.idx.msk [tilespmem:v37+s4+$0x0], $0xffff  }
0x1fe: {  	v39 =	vor.u32 $0x8180, v9;
	_ =	sdelay $0x3  }
0x1ff: {  	[tilespmem:v38+s25+$0x0] =	vst.idx.msk $0xffff, v8  }
0x200: {  	v40 =	vor.u32 $0x13, v10;
	v8 =	vld.idx.msk [tilespmem:v39+s4+$0x0], $0xffff  }
0x201: {  	v41 =	vor.u32 $0x8200, v9;
	_ =	sdelay $0x3  }
0x202: {  	[tilespmem:v40+s25+$0x0] =	vst.idx.msk $0xffff, v8  }
0x203: {  	v42 =	vor.u32 $0x14, v10;
	v8 =	vld.idx.msk [tilespmem:v41+s4+$0x0], $0xffff  }
0x204: {  	v43 =	vor.u32 $0x8280, v9;
	_ =	sdelay $0x3  }
0x205: {  	[tilespmem:v42+s25+$0x0] =	vst.idx.msk $0xffff, v8  }
0x206: {  	v44 =	vor.u32 $0x15, v10;
	v8 =	vld.idx.msk [tilespmem:v43+s4+$0x0], $0xffff  }
0x207: {  	v45 =	vor.u32 $0x8300, v9;
	_ =	sdelay $0x3  }
0x208: {  	[tilespmem:v44+s25+$0x0] =	vst.idx.msk $0xffff, v8  }
0x209: {  	v46 =	vor.u32 $0x16, v10;
	v8 =	vld.idx.msk [tilespmem:v45+s4+$0x0], $0xffff  }
0x20a: {  	v47 =	vor.u32 $0x8380, v9;
	_ =	sdelay $0x3  }
0x20b: {  	[tilespmem:v46+s25+$0x0] =	vst.idx.msk $0xffff, v8  }
0x20c: {  	v48 =	vor.u32 $0x17, v10;
	v8 =	vld.idx.msk [tilespmem:v47+s4+$0x0], $0xffff  }
0x20d: {  	v49 =	vor.u32 $0xC000, v9;
	_ =	sdelay $0x3  }
0x20e: {  	[tilespmem:v48+s25+$0x0] =	vst.idx.msk $0xffff, v8  }
0x20f: {  	v50 =	vor.u32 $0x18, v10;
	v8 =	vld.idx.msk [tilespmem:v49+s4+$0x0], $0xffff  }
0x210: {  	v51 =	vor.u32 $0xC080, v9;
	_ =	sdelay $0x3  }
0x211: {  	[tilespmem:v50+s25+$0x0] =	vst.idx.msk $0xffff, v8  }
0x212: {  	v52 =	vor.u32 $0x19, v10;
	v8 =	vld.idx.msk [tilespmem:v51+s4+$0x0], $0xffff  }
0x213: {  	v53 =	vor.u32 $0xC100, v9;
	_ =	sdelay $0x3  }
0x214: {  	[tilespmem:v52+s25+$0x0] =	vst.idx.msk $0xffff, v8  }
0x215: {  	v54 =	vor.u32 $0x1A, v10;
	v8 =	vld.idx.msk [tilespmem:v53+s4+$0x0], $0xffff  }
0x216: {  	v55 =	vor.u32 $0xC180, v9;
	_ =	sdelay $0x3  }
0x217: {  	[tilespmem:v54+s25+$0x0] =	vst.idx.msk $0xffff, v8  }
0x218: {  	v56 =	vor.u32 $0x1B, v10;
	v8 =	vld.idx.msk [tilespmem:v55+s4+$0x0], $0xffff  }
0x219: {  	v57 =	vor.u32 $0xC200, v9;
	_ =	sdelay $0x3  }
0x21a: {  	[tilespmem:v56+s25+$0x0] =	vst.idx.msk $0xffff, v8  }
0x21b: {  	v58 =	vor.u32 $0x1C, v10;
	v8 =	vld.idx.msk [tilespmem:v57+s4+$0x0], $0xffff  }
0x21c: {  	v59 =	vor.u32 $0xC280, v9;
	_ =	sdelay $0x3  }
0x21d: {  	[tilespmem:v58+s25+$0x0] =	vst.idx.msk $0xffff, v8  }
0x21e: {  	v60 =	vor.u32 $0x1D, v10;
	v8 =	vld.idx.msk [tilespmem:v59+s4+$0x0], $0xffff  }
0x21f: {  	v61 =	vor.u32 $0xC300, v9;
	_ =	sdelay $0x3  }
0x220: {  	[tilespmem:v60+s25+$0x0] =	vst.idx.msk $0xffff, v8  }
0x221: {  	v62 =	vor.u32 $0x1E, v10;
	v8 =	vld.idx.msk [tilespmem:v61+s4+$0x0], $0xffff  }
0x222: {  	v9 =	vor.u32 $0xC380, v9;
	_ =	sdelay $0x3  }
0x223: {  	[tilespmem:v62+s25+$0x0] =	vst.idx.msk $0xffff, v8  }
0x224: {  	p1 =	sne.s32 s14, $0x1;
	v63 =	vor.u32 $0x1F, v10;
	v8 =	vld.idx.msk [tilespmem:v9+s4+$0x0], $0xffff  }
.Ltmp15:
0x225: {  	_ = 	snop;
	(pc) =	sbr.rel @!p1 .LBB2_19-.Ltmp15, $4  }
0x226: {  	_ = 	snop  }
0x227: {  	s6 =	simm.s32 $0x18B00;
	s29 =	simm.s32 $0x1D380  }
0x228: {  	s5 =	simm.s32 $0x19300;
	s7 =	simm.s32 $0x18910;
	s3 =	simm.s32 $0x1D300  }
0x229: {  	s16 =	simm.s32 $0x18A10;
	s21 =	simm.s32 $0x10;
	s2 =	simm.s32 $0x1;
	[tilespmem:v63+s25+$0x0] =	vst.idx.msk $0xffff, v8  }
.LBB2_18:
0x22a: {  	[hbm4b:s15+s26] =	stream.indirect.scatter [tilespmem:s6], [sflag:$0x2], $0x80, s3, s26, $0xb8;
	[tilespmem:$0x1DB00] =	vst v63  }
0x22b: {  	s8 =	smov.u32 s2;
	s2 =	sadd.s32 $0x1, s2;
	s3 =	smov.u32 s29;
	v8 =	vld [tilespmem:s7+$0x0]  }
0x22c: {  	s6 =	smov.u32 s5;
	p1 =	sne.s32 s14, s2;
	_ =	sdelay $0x3  }
0x22d: {  	v8 =	vsub.s32 v8, v6  }
0x22e: {  	vm0 =	vgt.s32 v8, $0x0  }
0x22f: {  	v8 =	vnsel vm0, $0x0, v8  }
0x230: {  	v8 =	vmin.u32 v8, $0x7FF  }
0x231: {  	s8 =	sshll.u32 s8, $0x7;
	v9 =	vld [tilespmem:s16+$0x0];
	v10 =	vshll.u32 v8, $0x3  }
0x232: {  	v11 =	vor.u32 s8, v1;
	v8 =	vand.u32 $0x7F, v8;
	v10 =	vand.u32 $0x3C00, v10  }
0x233: {  	v8 =	vor.u32 v8, v10  }
0x234: {  	v10 =	vor.u32 s21, v1  }
0x235: {  	vm0 =	vlt.s32 v10, v7  }
0x236: {  	v9 =	vsel vm0, v9, v3  }
0x237: {  	[tilespmem:v11+s24+$0x0] =	vst.idx.msk $0xffff, v9  }
0x238: {  	v11 =	vld.idx.msk [tilespmem:v8+s4+$0x0], $0xffff  }
0x239: {  	v9 =	vshll.u32 v10, $0x7  }
0x23a: {  	v10 =	vor.u32 $0x80, v8;
	_ =	sdelay $0x3  }
0x23b: {  	[tilespmem:v9+s25+$0x0] =	vst.idx.msk $0xffff, v11  }
0x23c: {  	v10 =	vld.idx.msk [tilespmem:v10+s4+$0x0], $0xffff  }
0x23d: {  	v11 =	vor.u32 $0x1, v9  }
0x23e: {  	v12 =	vor.u32 $0x100, v8;
	_ =	sdelay $0x3  }
0x23f: {  	[tilespmem:v11+s25+$0x0] =	vst.idx.msk $0xffff, v10  }
0x240: {  	v10 =	vld.idx.msk [tilespmem:v12+s4+$0x0], $0xffff  }
0x241: {  	v11 =	vor.u32 $0x2, v9  }
0x242: {  	v12 =	vor.u32 $0x180, v8;
	_ =	sdelay $0x3  }
0x243: {  	[tilespmem:v11+s25+$0x0] =	vst.idx.msk $0xffff, v10  }
0x244: {  	v10 =	vld.idx.msk [tilespmem:v12+s4+$0x0], $0xffff  }
0x245: {  	v11 =	vor.u32 $0x3, v9  }
0x246: {  	v12 =	vor.u32 $0x200, v8;
	_ =	sdelay $0x3  }
0x247: {  	[tilespmem:v11+s25+$0x0] =	vst.idx.msk $0xffff, v10  }
0x248: {  	v10 =	vld.idx.msk [tilespmem:v12+s4+$0x0], $0xffff  }
0x249: {  	v11 =	vor.u32 $0x4, v9  }
0x24a: {  	v12 =	vor.u32 $0x280, v8;
	_ =	sdelay $0x3  }
0x24b: {  	[tilespmem:v11+s25+$0x0] =	vst.idx.msk $0xffff, v10  }
0x24c: {  	v10 =	vld.idx.msk [tilespmem:v12+s4+$0x0], $0xffff  }
0x24d: {  	v11 =	vor.u32 $0x5, v9  }
0x24e: {  	v12 =	vor.u32 $0x300, v8;
	_ =	sdelay $0x3  }
0x24f: {  	[tilespmem:v11+s25+$0x0] =	vst.idx.msk $0xffff, v10  }
0x250: {  	v10 =	vld.idx.msk [tilespmem:v12+s4+$0x0], $0xffff  }
0x251: {  	v11 =	vor.u32 $0x6, v9  }
0x252: {  	v12 =	vor.u32 $0x380, v8;
	_ =	sdelay $0x3  }
0x253: {  	[tilespmem:v11+s25+$0x0] =	vst.idx.msk $0xffff, v10  }
0x254: {  	v10 =	vld.idx.msk [tilespmem:v12+s4+$0x0], $0xffff  }
0x255: {  	v11 =	vor.u32 $0x7, v9  }
0x256: {  	v12 =	vor.u32 $0x4000, v8;
	_ =	sdelay $0x3  }
0x257: {  	[tilespmem:v11+s25+$0x0] =	vst.idx.msk $0xffff, v10  }
0x258: {  	v10 =	vld.idx.msk [tilespmem:v12+s4+$0x0], $0xffff  }
0x259: {  	v11 =	vor.u32 $0x8, v9  }
0x25a: {  	v12 =	vor.u32 $0x4080, v8;
	_ =	sdelay $0x3  }
0x25b: {  	[tilespmem:v11+s25+$0x0] =	vst.idx.msk $0xffff, v10  }
0x25c: {  	v10 =	vld.idx.msk [tilespmem:v12+s4+$0x0], $0xffff  }
0x25d: {  	v11 =	vor.u32 $0x9, v9  }
0x25e: {  	v12 =	vor.u32 $0x4100, v8;
	_ =	sdelay $0x3  }
0x25f: {  	[tilespmem:v11+s25+$0x0] =	vst.idx.msk $0xffff, v10  }
0x260: {  	v10 =	vld.idx.msk [tilespmem:v12+s4+$0x0], $0xffff  }
0x261: {  	v11 =	vor.u32 $0xA, v9  }
0x262: {  	v12 =	vor.u32 $0x4180, v8;
	_ =	sdelay $0x3  }
0x263: {  	[tilespmem:v11+s25+$0x0] =	vst.idx.msk $0xffff, v10  }
0x264: {  	v10 =	vld.idx.msk [tilespmem:v12+s4+$0x0], $0xffff  }
0x265: {  	v11 =	vor.u32 $0xB, v9  }
0x266: {  	v12 =	vor.u32 $0x4200, v8;
	_ =	sdelay $0x3  }
0x267: {  	[tilespmem:v11+s25+$0x0] =	vst.idx.msk $0xffff, v10  }
0x268: {  	v10 =	vld.idx.msk [tilespmem:v12+s4+$0x0], $0xffff  }
0x269: {  	v11 =	vor.u32 $0xC, v9  }
0x26a: {  	v12 =	vor.u32 $0x4280, v8;
	_ =	sdelay $0x3  }
0x26b: {  	[tilespmem:v11+s25+$0x0] =	vst.idx.msk $0xffff, v10  }
0x26c: {  	v10 =	vld.idx.msk [tilespmem:v12+s4+$0x0], $0xffff  }
0x26d: {  	v11 =	vor.u32 $0xD, v9  }
0x26e: {  	v12 =	vor.u32 $0x4300, v8;
	_ =	sdelay $0x3  }
0x26f: {  	[tilespmem:v11+s25+$0x0] =	vst.idx.msk $0xffff, v10  }
0x270: {  	v10 =	vld.idx.msk [tilespmem:v12+s4+$0x0], $0xffff  }
0x271: {  	v11 =	vor.u32 $0xE, v9  }
0x272: {  	v12 =	vor.u32 $0x4380, v8;
	_ =	sdelay $0x3  }
0x273: {  	[tilespmem:v11+s25+$0x0] =	vst.idx.msk $0xffff, v10  }
0x274: {  	v10 =	vld.idx.msk [tilespmem:v12+s4+$0x0], $0xffff  }
0x275: {  	v11 =	vor.u32 $0xF, v9  }
0x276: {  	v12 =	vor.u32 $0x8000, v8;
	_ =	sdelay $0x3  }
0x277: {  	[tilespmem:v11+s25+$0x0] =	vst.idx.msk $0xffff, v10  }
0x278: {  	v10 =	vld.idx.msk [tilespmem:v12+s4+$0x0], $0xffff  }
0x279: {  	v11 =	vor.u32 $0x10, v9  }
0x27a: {  	v12 =	vor.u32 $0x8080, v8;
	_ =	sdelay $0x3  }
0x27b: {  	[tilespmem:v11+s25+$0x0] =	vst.idx.msk $0xffff, v10  }
0x27c: {  	v10 =	vld.idx.msk [tilespmem:v12+s4+$0x0], $0xffff  }
0x27d: {  	v11 =	vor.u32 $0x11, v9  }
0x27e: {  	v12 =	vor.u32 $0x8100, v8;
	_ =	sdelay $0x3  }
0x27f: {  	[tilespmem:v11+s25+$0x0] =	vst.idx.msk $0xffff, v10  }
0x280: {  	v10 =	vld.idx.msk [tilespmem:v12+s4+$0x0], $0xffff  }
0x281: {  	v11 =	vor.u32 $0x12, v9  }
0x282: {  	v12 =	vor.u32 $0x8180, v8;
	_ =	sdelay $0x3  }
0x283: {  	[tilespmem:v11+s25+$0x0] =	vst.idx.msk $0xffff, v10  }
0x284: {  	v10 =	vld.idx.msk [tilespmem:v12+s4+$0x0], $0xffff  }
0x285: {  	v11 =	vor.u32 $0x13, v9  }
0x286: {  	v12 =	vor.u32 $0x8200, v8;
	_ =	sdelay $0x3  }
0x287: {  	[tilespmem:v11+s25+$0x0] =	vst.idx.msk $0xffff, v10  }
0x288: {  	v10 =	vld.idx.msk [tilespmem:v12+s4+$0x0], $0xffff  }
0x289: {  	v11 =	vor.u32 $0x14, v9  }
0x28a: {  	v12 =	vor.u32 $0x8280, v8;
	_ =	sdelay $0x3  }
0x28b: {  	[tilespmem:v11+s25+$0x0] =	vst.idx.msk $0xffff, v10  }
0x28c: {  	v10 =	vld.idx.msk [tilespmem:v12+s4+$0x0], $0xffff  }
0x28d: {  	v11 =	vor.u32 $0x15, v9  }
0x28e: {  	v12 =	vor.u32 $0x8300, v8;
	_ =	sdelay $0x3  }
0x28f: {  	[tilespmem:v11+s25+$0x0] =	vst.idx.msk $0xffff, v10  }
0x290: {  	v10 =	vld.idx.msk [tilespmem:v12+s4+$0x0], $0xffff  }
0x291: {  	v11 =	vor.u32 $0x16, v9  }
0x292: {  	v12 =	vor.u32 $0x8380, v8;
	_ =	sdelay $0x3  }
0x293: {  	[tilespmem:v11+s25+$0x0] =	vst.idx.msk $0xffff, v10  }
0x294: {  	v10 =	vld.idx.msk [tilespmem:v12+s4+$0x0], $0xffff  }
0x295: {  	v11 =	vor.u32 $0x17, v9  }
0x296: {  	v12 =	vor.u32 $0xC000, v8;
	_ =	sdelay $0x3  }
0x297: {  	[tilespmem:v11+s25+$0x0] =	vst.idx.msk $0xffff, v10  }
0x298: {  	v10 =	vld.idx.msk [tilespmem:v12+s4+$0x0], $0xffff  }
0x299: {  	v11 =	vor.u32 $0x18, v9  }
0x29a: {  	v12 =	vor.u32 $0xC080, v8;
	_ =	sdelay $0x3  }
0x29b: {  	[tilespmem:v11+s25+$0x0] =	vst.idx.msk $0xffff, v10  }
0x29c: {  	v10 =	vld.idx.msk [tilespmem:v12+s4+$0x0], $0xffff  }
0x29d: {  	v11 =	vor.u32 $0x19, v9  }
0x29e: {  	v12 =	vor.u32 $0xC100, v8;
	_ =	sdelay $0x3  }
0x29f: {  	[tilespmem:v11+s25+$0x0] =	vst.idx.msk $0xffff, v10  }
0x2a0: {  	v10 =	vld.idx.msk [tilespmem:v12+s4+$0x0], $0xffff  }
0x2a1: {  	v11 =	vor.u32 $0x1A, v9  }
0x2a2: {  	v12 =	vor.u32 $0xC180, v8;
	_ =	sdelay $0x3  }
0x2a3: {  	[tilespmem:v11+s25+$0x0] =	vst.idx.msk $0xffff, v10  }
0x2a4: {  	v10 =	vld.idx.msk [tilespmem:v12+s4+$0x0], $0xffff  }
0x2a5: {  	v11 =	vor.u32 $0x1B, v9  }
0x2a6: {  	v12 =	vor.u32 $0xC200, v8;
	_ =	sdelay $0x3  }
0x2a7: {  	[tilespmem:v11+s25+$0x0] =	vst.idx.msk $0xffff, v10  }
0x2a8: {  	v10 =	vld.idx.msk [tilespmem:v12+s4+$0x0], $0xffff  }
0x2a9: {  	v11 =	vor.u32 $0x1C, v9  }
0x2aa: {  	v12 =	vor.u32 $0xC280, v8;
	_ =	sdelay $0x3  }
0x2ab: {  	[tilespmem:v11+s25+$0x0] =	vst.idx.msk $0xffff, v10  }
0x2ac: {  	v10 =	vld.idx.msk [tilespmem:v12+s4+$0x0], $0xffff  }
0x2ad: {  	v11 =	vor.u32 $0x1D, v9  }
0x2ae: {  	v12 =	vor.u32 $0xC300, v8;
	_ =	sdelay $0x3  }
0x2af: {  	[tilespmem:v11+s25+$0x0] =	vst.idx.msk $0xffff, v10  }
0x2b0: {  	v10 =	vld.idx.msk [tilespmem:v12+s4+$0x0], $0xffff  }
0x2b1: {  	v11 =	vor.u32 $0x1E, v9  }
0x2b2: {  	v8 =	vor.u32 $0xC380, v8;
	_ =	sdelay $0x3  }
0x2b3: {  	[tilespmem:v11+s25+$0x0] =	vst.idx.msk $0xffff, v10  }
0x2b4: {  	v8 =	vld.idx.msk [tilespmem:v8+s4+$0x0], $0xffff  }
0x2b5: {  	v9 =	vor.u32 $0x1F, v9  }
.Ltmp16:
0x2b6: {  	(pc) =	sbr.rel @p1 .LBB2_18-.Ltmp16, $3  }
0x2b7: {  	_ =	sdelay $0x1  }
0x2b8: {  	s16 =	sadd.s32 $0x10, s16;
	s21 =	sadd.s32 $0x10, s21  }
0x2b9: {  	s29 =	sadd.s32 $0x80, s29;
	s5 =	sadd.s32 $0x800, s5;
	s7 =	sadd.s32 $0x10, s7;
	[tilespmem:v9+s25+$0x0] =	vst.idx.msk $0xffff, v8  }
.LBB2_19:
0x2ba: {  	p1 =	sne.s32 s14, $0x1  }
.Ltmp17:
0x2bb: {  	_ = 	snop;
	(pc) =	sbr.rel @!p1 .LBB2_21-.Ltmp17, $4  }
0x2bc: {  	_ = 	snop  }
0x2bd: {  	[hbm4b:s15+s26] =	stream.indirect.scatter [tilespmem:s6], [sflag:$0x2], $0x80, s3, s26, $0xb8;
	[tilespmem:$0x1DB00] =	vst v63  }
0x2be: {  	_ =	swait.ge [sflag:s28], $0x800  }
0x2bf: {  	s2 =	sadd.s32 $0xFFFFFFFF, s14;
	[sflag:s28] =	ssyncset.done $0x0  }
.LBB2_20:
0x2c0: {  	p1 =	sne.s32 s2, $0x1;
	s2 =	sadd.s32 $0xFFFFFFFF, s2;
	[sflag:s28] =	ssyncadd.s32 $0xFFFFF800  }
.Ltmp18:
0x2c1: {  	(pc) =	sbr.rel @p1 .LBB2_20-.Ltmp18, $3  }
0x2c2: {  	_ =	sdelay $0x1  }
0x2c3: {  	_ =	swait.ge [sflag:s28], $0x800  }
0x2c4: {  	[sflag:s28] =	ssyncset.done $0x0  }
.Ltmp19:
0x2c5: {  	_ = 	snop;
	(pc) =	sbr.rel .LBB2_21-.Ltmp19, $1  }
0x2c6: {  	_ =	sdelay $0x3  }
.LBB2_24:
0x2c7: {  	_ =	sfence.sel $0x180000  }
0x2c8: {  	[bflag:$0x0] =	sbarrier.arrive $0xFFFF  }
0x2c9: {  	_ =	strace $0x90000047  }
0x2ca: {  	s0 =	stileid.u32;
	[bflag:$0x2] =	sbarrier.arrive $0xFFFF  }
0x2cb: {  	p0 =	sne.s32 s0, $0x0;
	s0 =	rddreg [dreg:$0x4]  }
0x2cc: {  	s0 =	sadd.s32 @!p0 $0x100000, s0  }
0x2cd: {  	[sflag:s0] =	ssyncadd.tile.s32 @!p0 $0x1;
	_ =	shalt  }
.Lfunc_end2:
_tile_overlayer_lowered:
.L_overlay_start_2:
0x2ce: {  	(tag) =	ssettag $0x2  }
0x2cf: {  	s0 =	rddreg [dreg:$0x0];
	s2 =	stileid.u32  }
0x2d0: {  	s1 =	rddreg [dreg:$0x1];
	p0 =	sne.s32 s2, $0x0  }
0x2d1: {  	s3 =	rddreg [dreg:$0x2];
	[bflag:$0x3] =	sbarrier.arrive $0xFFFF;
	s2 =	simm.s32 @!p0 $0x1C03  }
0x2d2: {  	[timem:s3], [sflag:s2] =	dma.local @!p0 [hbm:s0], s1  }
0x2d3: {  	s0 =	simm.s32 @!p0 $0x3  }
0x2d4: {  	_ =	swait.ge @!p0 [sflag:s0], s1  }
0x2d5: {  	s1 =	ssub.s32 @!p0 $0x0, s1;
	[sflag:s0] =	ssyncset.done @!p0 $0x0  }
0x2d6: {  	[sflag:s0] =	ssyncadd.s32 @!p0 s1  }
0x2d7: {  	[bflag:$0x3] =	sbarrier.arrive $0xFFFF  }
0x2d8: {  	_ =	shalt  }

</sc_bundles>
